<compile_context>
chip_gen: v7x
topology: tpu7x:2x2x1
jax: 0.10.2.dev20260603
libtpu: 0.0.44.dev20260713+nightly
codegen_flags: <defaults>
</compile_context>

<pallas_src>
import jax
import jax.numpy as jnp
from jax import lax
from jax.experimental import pallas as pl
from jax.experimental.pallas import tpu as pltpu
from jax.experimental.pallas import tpu_sc as plsc

_f32 = jnp.float32
_i32 = jnp.int32

N = 10000
NP = 10240
E = 160000
KE = 128
NB = 80
EP = 16 * NB * KE
IN_CH, HID, OUT_CH = 256, 512, 256
RPT = NP // 16
ZR = 32
HB = NB // 2
BR = 1024
E32 = EP // 32
NV = E32 // 16

_mesh = plsc.VectorSubcoreMesh(core_axis_name="c", subcore_axis_name="s")



def _deg_body(dst_hbm, out_hbm, dstv, acc, tmp, total, shall):
    core = lax.axis_index("c")
    sub = lax.axis_index("s")
    wid = sub * 2 + core
    pltpu.sync_copy(dst_hbm.at[wid], dstv)
    zeros = jnp.zeros((16,), _f32)

    @pl.loop(0, NP // 16)
    def _(i):
        acc[pl.ds(i * 16, 16)] = zeros

    ones = jnp.ones((16,), _f32)

    @pl.loop(0, NV)
    def _(i):
        idx = dstv[pl.ds(i * 16, 16)]
        plsc.addupdate_scatter(acc, [idx], ones)

    pltpu.sync_copy(acc, shall.at[sub])
    plsc.subcore_barrier()

    @pl.loop(0, RPT // 16)
    def _(i):
        total[pl.ds(i * 16, 16)] = zeros

    for t in range(16):
        pltpu.sync_copy(shall.at[t].at[pl.ds(sub * RPT, RPT)], tmp)

        @pl.loop(0, RPT // 16)
        def _(i):
            sl = pl.ds(i * 16, 16)
            total[sl] = total[sl] + tmp[sl]

    pltpu.sync_copy(total, out_hbm.at[core].at[pl.ds(sub * RPT, RPT)])


_deg_kernel = pl.kernel(
    _deg_body,
    out_type=jax.ShapeDtypeStruct((2, NP), _f32),
    mesh=_mesh,
    compiler_params=pltpu.CompilerParams(needs_layout_passes=False),
    scratch_types=[
        pltpu.VMEM((E32,), _i32),
        pltpu.VMEM((NP,), _f32),
        pltpu.VMEM((RPT,), _f32),
        pltpu.VMEM((RPT,), _f32),
        pltpu.VMEM_SHARED((16, NP), _f32),
    ],
)


def _make_agg(n_chunks):
    cpc = n_chunks // 2

    def body(g_hbm, src_hbm, dst_hbm, out_hbm, srcv, dstv, gbuf0, gbuf1, zbuf,
             shacc, sem0, sem1):
        core = lax.axis_index("c")
        sub = lax.axis_index("s")
        my_src = src_hbm.at[sub]
        my_dst = dst_hbm.at[sub]
        zeros = jnp.zeros((16,), _f32)

        @pl.loop(0, ZR)
        def _(i):
            @pl.loop(0, 8)
            def _(k):
                zbuf[i, pl.ds(k * 16, 16)] = zeros

        def gwait(b, buf, sem):
            pltpu.make_async_copy(gc.at[srcv.at[b]], buf, sem).wait()

        def scat(b, buf):
            pltpu.sync_copy(buf, shacc.at[dstv.at[b]], add=True)

        for lc in range(cpc):
            c = core * cpc + lc
            gc = g_hbm.at[c]
            oc = out_hbm.at[c]

            pltpu.sync_copy(my_src.at[pl.ds(0, HB)], srcv)
            pltpu.sync_copy(my_dst.at[pl.ds(0, HB)], dstv)
            pltpu.async_copy(gc.at[srcv.at[0]], gbuf0, sem0)

            @pl.loop(0, RPT // ZR)
            def _(j):
                pltpu.sync_copy(zbuf, shacc.at[pl.ds(sub * RPT + j * ZR, ZR)])

            plsc.subcore_barrier()

            for h in range(2):
                if h:
                    pltpu.sync_copy(my_src.at[pl.ds(HB, HB)], srcv)
                    pltpu.sync_copy(my_dst.at[pl.ds(HB, HB)], dstv)
                    pltpu.async_copy(gc.at[srcv.at[0]], gbuf0, sem0)

                @pl.loop(0, HB // 2 - 1)
                def _(i):
                    b = i * 2
                    pltpu.async_copy(gc.at[srcv.at[b + 1]], gbuf1, sem1)
                    gwait(b, gbuf0, sem0)
                    scat(b, gbuf0)
                    pltpu.async_copy(gc.at[srcv.at[b + 2]], gbuf0, sem0)
                    gwait(b + 1, gbuf1, sem1)
                    scat(b + 1, gbuf1)

                pltpu.async_copy(gc.at[srcv.at[HB - 1]], gbuf1, sem1)
                gwait(HB - 2, gbuf0, sem0)
                scat(HB - 2, gbuf0)
                gwait(HB - 1, gbuf1, sem1)
                scat(HB - 1, gbuf1)

            plsc.subcore_barrier()

            @pl.loop(0, RPT // ZR)
            def _(j):
                off = sub * RPT + j * ZR
                pltpu.sync_copy(shacc.at[pl.ds(off, ZR)], oc.at[pl.ds(off, ZR)])

    kern = pl.kernel(
        body,
        out_type=jax.ShapeDtypeStruct((n_chunks, NP, 128), _f32),
        mesh=_mesh,
        scratch_types=[
            pltpu.VMEM((HB, KE), _i32),
            pltpu.VMEM((HB, KE), _i32),
            pltpu.VMEM((KE, 128), _f32),
            pltpu.VMEM((KE, 128), _f32),
            pltpu.VMEM((ZR, 128), _f32),
            pltpu.VMEM_SHARED((NP, 128), _f32),
            pltpu.SemaphoreType.DMA,
            pltpu.SemaphoreType.DMA,
        ],
    )
    return kern


_agg4 = _make_agg(4)
_agg2 = _make_agg(2)



def _dis_block(degp_ref, r):
    rows = lax.broadcasted_iota(_i32, (BR, 1), 0) + r * BR
    deg = (degp_ref[0, :] + degp_ref[1, :]).reshape(BR, 1)
    return jnp.where(rows < N, lax.rsqrt(deg + 1.0), 0.0)


def _m1_body(x_ref, w_ref, degp_ref, o_ref):
    dis = _dis_block(degp_ref, pl.program_id(0))
    h = jnp.dot(x_ref[...], w_ref[...], preferred_element_type=_f32)
    o_ref[0] = h * dis


_m1 = pl.pallas_call(
    _m1_body,
    grid=(NP // BR, HID // 128),
    in_specs=[
        pl.BlockSpec((BR, IN_CH), lambda r, c: (r, 0)),
        pl.BlockSpec((IN_CH, 128), lambda r, c: (0, c)),
        pl.BlockSpec((2, BR), lambda r, c: (0, r)),
    ],
    out_specs=pl.BlockSpec((1, BR, 128), lambda r, c: (c, r, 0)),
    out_shape=jax.ShapeDtypeStruct((HID // 128, NP, 128), _f32),
)


def _m2_body(p_ref, g_ref, degp_ref, b_ref, w_ref, o_ref):
    dis = _dis_block(degp_ref, pl.program_id(0))
    acc = jnp.zeros((BR, 128), _f32)
    for cc in range(HID // 128):
        t = (p_ref[cc] + g_ref[cc]) * dis + b_ref[0, cc * 128:(cc + 1) * 128][None, :]
        t = jnp.maximum(t, 0.0)
        acc = acc + jnp.dot(t, w_ref[cc * 128:(cc + 1) * 128, :],
                            preferred_element_type=_f32)
    o_ref[0] = acc * dis


_m2 = pl.pallas_call(
    _m2_body,
    grid=(NP // BR, OUT_CH // 128),
    in_specs=[
        pl.BlockSpec((HID // 128, BR, 128), lambda r, c: (0, r, 0)),
        pl.BlockSpec((HID // 128, BR, 128), lambda r, c: (0, r, 0)),
        pl.BlockSpec((2, BR), lambda r, c: (0, r)),
        pl.BlockSpec((1, HID), lambda r, c: (0, 0)),
        pl.BlockSpec((HID, 128), lambda r, c: (0, c)),
    ],
    out_specs=pl.BlockSpec((1, BR, 128), lambda r, c: (c, r, 0)),
    out_shape=jax.ShapeDtypeStruct((OUT_CH // 128, NP, 128), _f32),
)


def _m3_body(p_ref, g_ref, degp_ref, b_ref, o_ref):
    dis = _dis_block(degp_ref, pl.program_id(0))
    t = (p_ref[0] + g_ref[0]) * dis + b_ref[0, :][None, :]
    o_ref[...] = jnp.maximum(t, 0.0)


_m3 = pl.pallas_call(
    _m3_body,
    grid=(NP // BR, OUT_CH // 128),
    in_specs=[
        pl.BlockSpec((1, BR, 128), lambda r, c: (c, r, 0)),
        pl.BlockSpec((1, BR, 128), lambda r, c: (c, r, 0)),
        pl.BlockSpec((2, BR), lambda r, c: (0, r)),
        pl.BlockSpec((1, 128), lambda r, c: (0, c)),
    ],
    out_specs=pl.BlockSpec((BR, 128), lambda r, c: (r, c)),
    out_shape=jax.ShapeDtypeStruct((NP, OUT_CH), _f32),
)



def kernel(x, edge_index, W1, b1, W2, b2):
    src = edge_index[0].astype(_i32)
    dst = edge_index[1].astype(_i32)
    pad = N + (jnp.arange(EP - E, dtype=_i32) % (NP - N))
    srcp = jnp.concatenate([src, pad]).reshape(16, NB, KE)
    dst_flat = jnp.concatenate([dst, pad])
    dstp = dst_flat.reshape(16, NB, KE)
    dst32 = dst_flat.reshape(32, E32)
    xp = jnp.concatenate([x.astype(_f32), jnp.zeros((NP - N, IN_CH), _f32)])

    degp = _deg_kernel(dst32)
    g1 = _m1(xp, W1, degp)
    p1 = _agg4(g1, srcp, dstp)
    g2 = _m2(p1, g1, degp, b1.reshape(1, HID), W2)
    p2 = _agg2(g2, srcp, dstp)
    outp = _m3(p2, g2, degp, b2.reshape(1, OUT_CH))
    return outp[:N]

# --- scband reference (transcript-rebuilt; emitter-appended) ---
"""Pipeline reference for scband-graceencoder-49538152792176 (READ-ONLY COPY).

The authoritative reference and input builder live on the scoring server;
editing this copy changes nothing except your own understanding.
"""

import jax, jax.numpy as jnp
import numpy as np

N_NODES = 10000
N_EDGES = 160000
IN_CH = 256
OUT_CH = 256
HID = 2 * OUT_CH


def setup_inputs(seed: int = 0) -> dict:
    key = jax.random.key(seed)
    k1, k2, k3, k4, k5, k6 = jax.random.split(key, 6)
    x = jax.random.normal(k1, (N_NODES, IN_CH), dtype=jnp.float32)
    edge_index = jax.random.randint(k2, (2, N_EDGES), 0, N_NODES, dtype=jnp.int64)
    W1 = jax.random.normal(k3, (IN_CH, HID), dtype=jnp.float32) * 0.05
    b1 = jnp.zeros((HID,), dtype=jnp.float32)
    W2 = jax.random.normal(k4, (HID, OUT_CH), dtype=jnp.float32) * 0.05
    b2 = jnp.zeros((OUT_CH,), dtype=jnp.float32)
    return {"x": x, "edge_index": edge_index, "W1": W1, "b1": b1, "W2": W2, "b2": b2}


def gcn_conv(x, src, dst, W, b, n_nodes):
    # Faithful PyG GCNConv: linear transform, add self-loops, symmetric normalization,
    # scatter-add aggregation by destination node, then bias.
    h = x @ W
    loop = jnp.arange(n_nodes, dtype=src.dtype)
    src_f = jnp.concatenate([src, loop])
    dst_f = jnp.concatenate([dst, loop])
    deg = jnp.zeros((n_nodes,), dtype=h.dtype).at[dst_f].add(1.0)
    deg_inv_sqrt = jnp.where(deg > 0, deg ** -0.5, 0.0)
    norm = deg_inv_sqrt[src_f] * deg_inv_sqrt[dst_f]
    msg = h[src_f] * norm[:, None]
    out = jnp.zeros((n_nodes, h.shape[1]), dtype=h.dtype).at[dst_f].add(msg)
    return out + b


def reference(x, edge_index, W1, b1, W2, b2):
    src = edge_index[0]
    dst = edge_index[1]
    n = x.shape[0]
    h = jax.nn.relu(gcn_conv(x, src, dst, W1, b1, n))
    h = jax.nn.relu(gcn_conv(h, src, dst, W2, b2, n))
    return h

if __name__ == "__main__":
    import jax
    _d = setup_inputs()
    print(jax.jit(kernel)(*tuple(_d.values())))

</pallas_src>

<mosaic_0001>
#map = affine_map<(d0, d1) -> (0, 0, 0)>
module attributes {stable_mosaic.version = 14 : i64} {
  func.func @body(%arg0: i32, %arg1: i32, %arg2: memref<2x10240x128xf32, #tpu.memory_space<hbm>>, %arg3: memref<16x80x128xi32, #tpu.memory_space<hbm>>, %arg4: memref<16x80x128xi32, #tpu.memory_space<hbm>>, %arg5: memref<2x10240x128xf32, #tpu.memory_space<hbm>>, %arg6: memref<40x128xi32, #tpu.memory_space<vmem>>, %arg7: memref<40x128xi32, #tpu.memory_space<vmem>>, %arg8: memref<128x128xf32, #tpu.memory_space<vmem>>, %arg9: memref<128x128xf32, #tpu.memory_space<vmem>>, %arg10: memref<32x128xf32, #tpu.memory_space<vmem>>, %arg11: memref<10240x128xf32, #tpu.memory_space<vmem_shared>>, %arg12: memref<!tpu.dma_semaphore, #tpu.memory_space<semaphore_mem>>, %arg13: memref<!tpu.dma_semaphore, #tpu.memory_space<semaphore_mem>>) attributes {dimension_semantics = [#tpu.dimension_semantics<core_parallel>, #tpu.dimension_semantics<subcore_parallel>], iteration_bounds = array<i64: 2, 16>, scalar_prefetch = 0 : i64, scratch_operands = 8 : i64, tpu.core_type = #tpu.core_type<sc_vector_subcore>, window_params = [{transform_indices = #map}, {transform_indices = #map}, {transform_indices = #map}, {transform_indices = #map}]} {
    %broadcast_in_dim3A = arith.constant 0.000000e+00 : f32
    %broadcast_in_dim3A_0 = vector.broadcast %broadcast_in_dim3A : f32 to vector<16xf32>
    %scan3A = arith.constant 0 : i32
    %scan3A_1 = arith.constant 32 : i32
    %scan3A_2 = arith.addi %scan3A, %scan3A_1 : i32
    %scan3A_3 = arith.constant 1 : i32
    scf.for %scan3A_117 = %scan3A to %scan3A_2 step %scan3A_3  : i32 {
      %mul3A_118 = arith.constant 1 : i32
      %mul3A_119 = arith.muli %scan3A_117, %mul3A_118 : i32
      %add3A_120 = arith.constant 0 : i32
      %add3A_121 = arith.addi %add3A_120, %mul3A_119 : i32
      %scan3A_122 = arith.constant 0 : i32
      %scan3A_123 = arith.constant 8 : i32
      %scan3A_124 = arith.addi %scan3A_122, %scan3A_123 : i32
      %scan3A_125 = arith.constant 1 : i32
      scf.for %scan3A_127 = %scan3A_122 to %scan3A_124 step %scan3A_125  : i32 {
        %mul3A_128 = arith.constant 1 : i32
        %mul3A_129 = arith.muli %scan3A_127, %mul3A_128 : i32
        %add3A_130 = arith.constant 0 : i32
        %add3A_131 = arith.addi %add3A_130, %mul3A_129 : i32
        %mul3A_132 = arith.constant 16 : i32
        %mul3A_133 = arith.muli %add3A_131, %mul3A_132 : i32
        %swap3A = arith.index_cast %add3A_121 : i32 to index
        %swap3A_134 = arith.index_cast %mul3A_133 : i32 to index
        %swap3A_135 = tpu.vector_load %arg10[%swap3A, %swap3A_134] {strides = array<i32>} : memref<32x128xf32, #tpu.memory_space<vmem>>, vector<1x16xf32>,
        %swap3A_136 = vector.shape_cast %swap3A_135 : vector<1x16xf32> to vector<16xf32>
        %swap3A_137 = vector.shape_cast %broadcast_in_dim3A_0 : vector<16xf32> to vector<1x16xf32>
        tpu.vector_store %arg10[%swap3A, %swap3A_134], %swap3A_137 {strides = array<i32>} : memref<32x128xf32, #tpu.memory_space<vmem>>, vector<1x16xf32>,
      }
      %scan3A_126 = arith.constant 8 : i32
    }
    %scan3A_4 = arith.constant 32 : i32
    %mul3A = arith.constant 1 : i32
    %mul3A_5 = arith.muli %arg0, %mul3A : i32
    %add3A = arith.constant 0 : i32
    %add3A_6 = arith.addi %mul3A_5, %add3A : i32
    "tpu.region"() ({
      %run_scoped3A_117 = tpu.sem_alloc : memref<!tpu.dma_semaphore, #tpu.memory_space<semaphore_mem>>
      %dma_start3A_118 = arith.constant 0 : i32
      %dma_start3A_119 = arith.constant 0 : i32
      %dma_start3A_120 = tpu.memref_slice %arg3[%arg1, %dma_start3A_118, %dma_start3A_119] : memref<16x80x128xi32, #tpu.memory_space<hbm>> -> memref<1x80x128xi32, #tpu.memory_space<hbm>>
      %dma_start3A_121 = tpu.memref_squeeze %dma_start3A_120 : memref<1x80x128xi32, #tpu.memory_space<hbm>> -> memref<80x128xi32, #tpu.memory_space<hbm>>
      %dma_start3A_122 = arith.constant 0 : i32
      %dma_start3A_123 = arith.constant 0 : i32
      %dma_start3A_124 = tpu.memref_slice %dma_start3A_121[%dma_start3A_122, %dma_start3A_123] : memref<80x128xi32, #tpu.memory_space<hbm>> -> memref<40x128xi32, #tpu.memory_space<hbm>>
      %dma_start3A_125 = arith.constant 0 : i32
      %dma_start3A_126 = arith.constant 0 : i32
      %dma_start3A_127 = tpu.memref_slice %arg3[%arg1, %dma_start3A_125, %dma_start3A_126] : memref<16x80x128xi32, #tpu.memory_space<hbm>> -> memref<1x80x128xi32, #tpu.memory_space<hbm>>
      %dma_start3A_128 = tpu.memref_squeeze %dma_start3A_127 : memref<1x80x128xi32, #tpu.memory_space<hbm>> -> memref<80x128xi32, #tpu.memory_space<hbm>>
      %dma_start3A_129 = arith.constant 0 : i32
      %dma_start3A_130 = arith.constant 0 : i32
      %dma_start3A_131 = tpu.memref_slice %dma_start3A_128[%dma_start3A_129, %dma_start3A_130] : memref<80x128xi32, #tpu.memory_space<hbm>> -> memref<40x128xi32, #tpu.memory_space<hbm>>
      tpu.enqueue_dma source(%dma_start3A_131 : memref<40x128xi32, #tpu.memory_space<hbm>>) target(%arg6 : memref<40x128xi32, #tpu.memory_space<vmem>>) target_semaphore(%run_scoped3A_117 : memref<!tpu.dma_semaphore, #tpu.memory_space<semaphore_mem>>)
      %dma_wait3A_132 = arith.constant 0 : i32
      %dma_wait3A_133 = arith.constant 0 : i32
      %dma_wait3A_134 = tpu.memref_slice %arg3[%arg1, %dma_wait3A_132, %dma_wait3A_133] : memref<16x80x128xi32, #tpu.memory_space<hbm>> -> memref<1x80x128xi32, #tpu.memory_space<hbm>>
      %dma_wait3A_135 = tpu.memref_squeeze %dma_wait3A_134 : memref<1x80x128xi32, #tpu.memory_space<hbm>> -> memref<80x128xi32, #tpu.memory_space<hbm>>
      %dma_wait3A_136 = arith.constant 0 : i32
      %dma_wait3A_137 = arith.constant 0 : i32
      %dma_wait3A_138 = tpu.memref_slice %dma_wait3A_135[%dma_wait3A_136, %dma_wait3A_137] : memref<80x128xi32, #tpu.memory_space<hbm>> -> memref<40x128xi32, #tpu.memory_space<hbm>>
      %dma_wait3A_139 = arith.constant 0 : i32
      %dma_wait3A_140 = arith.constant 0 : i32
      %dma_wait3A_141 = tpu.memref_slice %arg3[%arg1, %dma_wait3A_139, %dma_wait3A_140] : memref<16x80x128xi32, #tpu.memory_space<hbm>> -> memref<1x80x128xi32, #tpu.memory_space<hbm>>
      %dma_wait3A_142 = tpu.memref_squeeze %dma_wait3A_141 : memref<1x80x128xi32, #tpu.memory_space<hbm>> -> memref<80x128xi32, #tpu.memory_space<hbm>>
      %dma_wait3A_143 = arith.constant 0 : i32
      %dma_wait3A_144 = arith.constant 0 : i32
      %dma_wait3A_145 = tpu.memref_slice %dma_wait3A_142[%dma_wait3A_143, %dma_wait3A_144] : memref<80x128xi32, #tpu.memory_space<hbm>> -> memref<40x128xi32, #tpu.memory_space<hbm>>
      tpu.wait_dma2 semaphore(%run_scoped3A_117 : memref<!tpu.dma_semaphore, #tpu.memory_space<semaphore_mem>>) src(%dma_wait3A_145 : memref<40x128xi32, #tpu.memory_space<hbm>>) dst(%arg6 : memref<40x128xi32, #tpu.memory_space<vmem>>)
      tpu.yield
    }) : () -> ()
    "tpu.region"() ({
      %run_scoped3A_117 = tpu.sem_alloc : memref<!tpu.dma_semaphore, #tpu.memory_space<semaphore_mem>>
      %dma_start3A_118 = arith.constant 0 : i32
      %dma_start3A_119 = arith.constant 0 : i32
      %dma_start3A_120 = tpu.memref_slice %arg4[%arg1, %dma_start3A_118, %dma_start3A_119] : memref<16x80x128xi32, #tpu.memory_space<hbm>> -> memref<1x80x128xi32, #tpu.memory_space<hbm>>
      %dma_start3A_121 = tpu.memref_squeeze %dma_start3A_120 : memref<1x80x128xi32, #tpu.memory_space<hbm>> -> memref<80x128xi32, #tpu.memory_space<hbm>>
      %dma_start3A_122 = arith.constant 0 : i32
      %dma_start3A_123 = arith.constant 0 : i32
      %dma_start3A_124 = tpu.memref_slice %dma_start3A_121[%dma_start3A_122, %dma_start3A_123] : memref<80x128xi32, #tpu.memory_space<hbm>> -> memref<40x128xi32, #tpu.memory_space<hbm>>
      %dma_start3A_125 = arith.constant 0 : i32
      %dma_start3A_126 = arith.constant 0 : i32
      %dma_start3A_127 = tpu.memref_slice %arg4[%arg1, %dma_start3A_125, %dma_start3A_126] : memref<16x80x128xi32, #tpu.memory_space<hbm>> -> memref<1x80x128xi32, #tpu.memory_space<hbm>>
      %dma_start3A_128 = tpu.memref_squeeze %dma_start3A_127 : memref<1x80x128xi32, #tpu.memory_space<hbm>> -> memref<80x128xi32, #tpu.memory_space<hbm>>
      %dma_start3A_129 = arith.constant 0 : i32
      %dma_start3A_130 = arith.constant 0 : i32
      %dma_start3A_131 = tpu.memref_slice %dma_start3A_128[%dma_start3A_129, %dma_start3A_130] : memref<80x128xi32, #tpu.memory_space<hbm>> -> memref<40x128xi32, #tpu.memory_space<hbm>>
      tpu.enqueue_dma source(%dma_start3A_131 : memref<40x128xi32, #tpu.memory_space<hbm>>) target(%arg7 : memref<40x128xi32, #tpu.memory_space<vmem>>) target_semaphore(%run_scoped3A_117 : memref<!tpu.dma_semaphore, #tpu.memory_space<semaphore_mem>>)
      %dma_wait3A_132 = arith.constant 0 : i32
      %dma_wait3A_133 = arith.constant 0 : i32
      %dma_wait3A_134 = tpu.memref_slice %arg4[%arg1, %dma_wait3A_132, %dma_wait3A_133] : memref<16x80x128xi32, #tpu.memory_space<hbm>> -> memref<1x80x128xi32, #tpu.memory_space<hbm>>
      %dma_wait3A_135 = tpu.memref_squeeze %dma_wait3A_134 : memref<1x80x128xi32, #tpu.memory_space<hbm>> -> memref<80x128xi32, #tpu.memory_space<hbm>>
      %dma_wait3A_136 = arith.constant 0 : i32
      %dma_wait3A_137 = arith.constant 0 : i32
      %dma_wait3A_138 = tpu.memref_slice %dma_wait3A_135[%dma_wait3A_136, %dma_wait3A_137] : memref<80x128xi32, #tpu.memory_space<hbm>> -> memref<40x128xi32, #tpu.memory_space<hbm>>
      %dma_wait3A_139 = arith.constant 0 : i32
      %dma_wait3A_140 = arith.constant 0 : i32
      %dma_wait3A_141 = tpu.memref_slice %arg4[%arg1, %dma_wait3A_139, %dma_wait3A_140] : memref<16x80x128xi32, #tpu.memory_space<hbm>> -> memref<1x80x128xi32, #tpu.memory_space<hbm>>
      %dma_wait3A_142 = tpu.memref_squeeze %dma_wait3A_141 : memref<1x80x128xi32, #tpu.memory_space<hbm>> -> memref<80x128xi32, #tpu.memory_space<hbm>>
      %dma_wait3A_143 = arith.constant 0 : i32
      %dma_wait3A_144 = arith.constant 0 : i32
      %dma_wait3A_145 = tpu.memref_slice %dma_wait3A_142[%dma_wait3A_143, %dma_wait3A_144] : memref<80x128xi32, #tpu.memory_space<hbm>> -> memref<40x128xi32, #tpu.memory_space<hbm>>
      tpu.wait_dma2 semaphore(%run_scoped3A_117 : memref<!tpu.dma_semaphore, #tpu.memory_space<semaphore_mem>>) src(%dma_wait3A_145 : memref<40x128xi32, #tpu.memory_space<hbm>>) dst(%arg7 : memref<40x128xi32, #tpu.memory_space<vmem>>)
      tpu.yield
    }) : () -> ()
    %dma_start3A = arith.constant 0 : i32
    %dma_start3A_7 = arith.constant 0 : i32
    %dma_start3A_8 = tpu.memref_slice %arg6[%dma_start3A, %dma_start3A_7] : memref<40x128xi32, #tpu.memory_space<vmem>> -> memref<1x128xi32, #tpu.memory_space<vmem>>
    %dma_start3A_9 = tpu.memref_squeeze %dma_start3A_8 : memref<1x128xi32, #tpu.memory_space<vmem>> -> memref<128xi32, #tpu.memory_space<vmem>>
    %dma_start3A_10 = arith.constant 0 : i32
    %dma_start3A_11 = arith.constant 0 : i32
    %dma_start3A_12 = tpu.memref_slice %arg2[%add3A_6, %dma_start3A_10, %dma_start3A_11] : memref<2x10240x128xf32, #tpu.memory_space<hbm>> -> memref<1x10240x128xf32, #tpu.memory_space<hbm>>
    %dma_start3A_13 = tpu.memref_squeeze %dma_start3A_12 : memref<1x10240x128xf32, #tpu.memory_space<hbm>> -> memref<10240x128xf32, #tpu.memory_space<hbm>>
    %dma_start3A_14 = arith.constant 0 : i32
    %dma_start3A_15 = arith.constant 0 : i32
    %dma_start3A_16 = tpu.memref_slice %dma_start3A_13[%dma_start3A_14, %dma_start3A_15] : memref<10240x128xf32, #tpu.memory_space<hbm>> -> memref<10240x128xf32, #tpu.memory_space<hbm>>
    tpu.enqueue_indirect_dma source(%dma_start3A_16 : memref<10240x128xf32, #tpu.memory_space<hbm>>) target(%arg8 : memref<128x128xf32, #tpu.memory_space<vmem>>) offsets(%dma_start3A_9 : memref<128xi32, #tpu.memory_space<vmem>>) semaphore(%arg12 : memref<!tpu.dma_semaphore, #tpu.memory_space<semaphore_mem>>)
    %scan3A_17 = arith.constant 0 : i32
    %scan3A_18 = arith.constant 20 : i32
    %scan3A_19 = arith.addi %scan3A_17, %scan3A_18 : i32
    %scan3A_20 = arith.constant 1 : i32
    scf.for %scan3A_117 = %scan3A_17 to %scan3A_19 step %scan3A_20  : i32 {
      %mul3A_118 = arith.constant 1 : i32
      %mul3A_119 = arith.muli %scan3A_117, %mul3A_118 : i32
      %add3A_120 = arith.constant 0 : i32
      %add3A_121 = arith.addi %add3A_120, %mul3A_119 : i32
      %mul3A_122 = arith.constant 640 : i32
      %mul3A_123 = arith.muli %arg1, %mul3A_122 : i32
      %mul3A_124 = arith.constant 32 : i32
      %mul3A_125 = arith.muli %add3A_121, %mul3A_124 : i32
      %add3A_126 = arith.addi %mul3A_123, %mul3A_125 : i32
      "tpu.region"() ({
        %run_scoped3A_127 = tpu.sem_alloc : memref<!tpu.dma_semaphore, #tpu.memory_space<semaphore_mem>>
        %dma_start3A_128 = arith.constant 0 : i32
        %dma_start3A_129 = tpu.memref_slice %arg11[%add3A_126, %dma_start3A_128] : memref<10240x128xf32, #tpu.memory_space<vmem_shared>> -> memref<32x128xf32, #tpu.memory_space<vmem_shared>>
        %dma_start3A_130 = arith.constant 0 : i32
        %dma_start3A_131 = tpu.memref_slice %arg11[%add3A_126, %dma_start3A_130] : memref<10240x128xf32, #tpu.memory_space<vmem_shared>> -> memref<32x128xf32, #tpu.memory_space<vmem_shared>>
        tpu.enqueue_dma source(%arg10 : memref<32x128xf32, #tpu.memory_space<vmem>>) target(%dma_start3A_131 : memref<32x128xf32, #tpu.memory_space<vmem_shared>>) target_semaphore(%run_scoped3A_127 : memref<!tpu.dma_semaphore, #tpu.memory_space<semaphore_mem>>)
        %dma_wait3A_132 = arith.constant 0 : i32
        %dma_wait3A_133 = tpu.memref_slice %arg11[%add3A_126, %dma_wait3A_132] : memref<10240x128xf32, #tpu.memory_space<vmem_shared>> -> memref<32x128xf32, #tpu.memory_space<vmem_shared>>
        %dma_wait3A_134 = arith.constant 0 : i32
        %dma_wait3A_135 = tpu.memref_slice %arg11[%add3A_126, %dma_wait3A_134] : memref<10240x128xf32, #tpu.memory_space<vmem_shared>> -> memref<32x128xf32, #tpu.memory_space<vmem_shared>>
        tpu.wait_dma2 semaphore(%run_scoped3A_127 : memref<!tpu.dma_semaphore, #tpu.memory_space<semaphore_mem>>) src(%arg10 : memref<32x128xf32, #tpu.memory_space<vmem>>) dst(%dma_wait3A_135 : memref<32x128xf32, #tpu.memory_space<vmem_shared>>)
        tpu.yield
      }) : () -> ()
    }
    %scan3A_21 = arith.constant 20 : i32
    %barrier3A = arith.constant 0 : index
    tpu.barrier barrier_id(%barrier3A)
    %scan3A_22 = arith.constant 0 : i32
    %scan3A_23 = arith.constant 19 : i32
    %scan3A_24 = arith.addi %scan3A_22, %scan3A_23 : i32
    %scan3A_25 = arith.constant 1 : i32
    scf.for %scan3A_117 = %scan3A_22 to %scan3A_24 step %scan3A_25  : i32 {
      %mul3A_118 = arith.constant 1 : i32
      %mul3A_119 = arith.muli %scan3A_117, %mul3A_118 : i32
      %add3A_120 = arith.constant 0 : i32
      %add3A_121 = arith.addi %add3A_120, %mul3A_119 : i32
      %mul3A_122 = arith.constant 2 : i32
      %mul3A_123 = arith.muli %add3A_121, %mul3A_122 : i32
      %add3A_124 = arith.constant 1 : i32
      %add3A_125 = arith.addi %mul3A_123, %add3A_124 : i32
      %dma_start3A_126 = arith.constant 0 : i32
      %dma_start3A_127 = tpu.memref_slice %arg6[%add3A_125, %dma_start3A_126] : memref<40x128xi32, #tpu.memory_space<vmem>> -> memref<1x128xi32, #tpu.memory_space<vmem>>
      %dma_start3A_128 = tpu.memref_squeeze %dma_start3A_127 : memref<1x128xi32, #tpu.memory_space<vmem>> -> memref<128xi32, #tpu.memory_space<vmem>>
      %dma_start3A_129 = arith.constant 0 : i32
      %dma_start3A_130 = arith.constant 0 : i32
      %dma_start3A_131 = tpu.memref_slice %arg2[%add3A_6, %dma_start3A_129, %dma_start3A_130] : memref<2x10240x128xf32, #tpu.memory_space<hbm>> -> memref<1x10240x128xf32, #tpu.memory_space<hbm>>
      %dma_start3A_132 = tpu.memref_squeeze %dma_start3A_131 : memref<1x10240x128xf32, #tpu.memory_space<hbm>> -> memref<10240x128xf32, #tpu.memory_space<hbm>>
      %dma_start3A_133 = arith.constant 0 : i32
      %dma_start3A_134 = arith.constant 0 : i32
      %dma_start3A_135 = tpu.memref_slice %dma_start3A_132[%dma_start3A_133, %dma_start3A_134] : memref<10240x128xf32, #tpu.memory_space<hbm>> -> memref<10240x128xf32, #tpu.memory_space<hbm>>
      tpu.enqueue_indirect_dma source(%dma_start3A_135 : memref<10240x128xf32, #tpu.memory_space<hbm>>) target(%arg9 : memref<128x128xf32, #tpu.memory_space<vmem>>) offsets(%dma_start3A_128 : memref<128xi32, #tpu.memory_space<vmem>>) semaphore(%arg13 : memref<!tpu.dma_semaphore, #tpu.memory_space<semaphore_mem>>)
      %dma_wait3A_136 = arith.constant 0 : i32
      %dma_wait3A_137 = tpu.memref_slice %arg6[%mul3A_123, %dma_wait3A_136] : memref<40x128xi32, #tpu.memory_space<vmem>> -> memref<1x128xi32, #tpu.memory_space<vmem>>
      %dma_wait3A_138 = tpu.memref_squeeze %dma_wait3A_137 : memref<1x128xi32, #tpu.memory_space<vmem>> -> memref<128xi32, #tpu.memory_space<vmem>>
      %dma_wait3A_139 = arith.constant 0 : i32
      %dma_wait3A_140 = arith.constant 0 : i32
      %dma_wait3A_141 = tpu.memref_slice %arg2[%add3A_6, %dma_wait3A_139, %dma_wait3A_140] : memref<2x10240x128xf32, #tpu.memory_space<hbm>> -> memref<1x10240x128xf32, #tpu.memory_space<hbm>>
      %dma_wait3A_142 = tpu.memref_squeeze %dma_wait3A_141 : memref<1x10240x128xf32, #tpu.memory_space<hbm>> -> memref<10240x128xf32, #tpu.memory_space<hbm>>
      %dma_wait3A_143 = arith.constant 0 : i32
      %dma_wait3A_144 = arith.constant 0 : i32
      %dma_wait3A_145 = tpu.memref_slice %dma_wait3A_142[%dma_wait3A_143, %dma_wait3A_144] : memref<10240x128xf32, #tpu.memory_space<hbm>> -> memref<10240x128xf32, #tpu.memory_space<hbm>>
      tpu.wait_indirect_dma semaphore(%arg12 : memref<!tpu.dma_semaphore, #tpu.memory_space<semaphore_mem>>) src(%dma_wait3A_145 : memref<10240x128xf32, #tpu.memory_space<hbm>>) dst(%arg8 : memref<128x128xf32, #tpu.memory_space<vmem>>)
      "tpu.region"() ({
        %run_scoped3A_172 = tpu.sem_alloc : memref<!tpu.dma_semaphore, #tpu.memory_space<semaphore_mem>>
        %dma_start3A_173 = arith.constant 0 : i32
        %dma_start3A_174 = tpu.memref_slice %arg7[%mul3A_123, %dma_start3A_173] : memref<40x128xi32, #tpu.memory_space<vmem>> -> memref<1x128xi32, #tpu.memory_space<vmem>>
        %dma_start3A_175 = tpu.memref_squeeze %dma_start3A_174 : memref<1x128xi32, #tpu.memory_space<vmem>> -> memref<128xi32, #tpu.memory_space<vmem>>
        %dma_start3A_176 = arith.constant 0 : i32
        %dma_start3A_177 = arith.constant 0 : i32
        %dma_start3A_178 = tpu.memref_slice %arg11[%dma_start3A_176, %dma_start3A_177] : memref<10240x128xf32, #tpu.memory_space<vmem_shared>> -> memref<10240x128xf32, #tpu.memory_space<vmem_shared>>
        tpu.enqueue_indirect_dma source(%arg8 : memref<128x128xf32, #tpu.memory_space<vmem>>) target(%dma_start3A_178 : memref<10240x128xf32, #tpu.memory_space<vmem_shared>>) offsets(%dma_start3A_175 : memref<128xi32, #tpu.memory_space<vmem>>) semaphore(%run_scoped3A_172 : memref<!tpu.dma_semaphore, #tpu.memory_space<semaphore_mem>>) {add = true}
        %dma_wait3A_179 = arith.constant 0 : i32
        %dma_wait3A_180 = tpu.memref_slice %arg7[%mul3A_123, %dma_wait3A_179] : memref<40x128xi32, #tpu.memory_space<vmem>> -> memref<1x128xi32, #tpu.memory_space<vmem>>
        %dma_wait3A_181 = tpu.memref_squeeze %dma_wait3A_180 : memref<1x128xi32, #tpu.memory_space<vmem>> -> memref<128xi32, #tpu.memory_space<vmem>>
        %dma_wait3A_182 = arith.constant 0 : i32
        %dma_wait3A_183 = arith.constant 0 : i32
        %dma_wait3A_184 = tpu.memref_slice %arg11[%dma_wait3A_182, %dma_wait3A_183] : memref<10240x128xf32, #tpu.memory_space<vmem_shared>> -> memref<10240x128xf32, #tpu.memory_space<vmem_shared>>
        tpu.wait_indirect_dma semaphore(%run_scoped3A_172 : memref<!tpu.dma_semaphore, #tpu.memory_space<semaphore_mem>>) src(%arg8 : memref<128x128xf32, #tpu.memory_space<vmem>>) dst(%dma_wait3A_184 : memref<10240x128xf32, #tpu.memory_space<vmem_shared>>)
        tpu.yield
      }) : () -> ()
      %add3A_146 = arith.constant 2 : i32
      %add3A_147 = arith.addi %mul3A_123, %add3A_146 : i32
      %dma_start3A_148 = arith.constant 0 : i32
      %dma_start3A_149 = tpu.memref_slice %arg6[%add3A_147, %dma_start3A_148] : memref<40x128xi32, #tpu.memory_space<vmem>> -> memref<1x128xi32, #tpu.memory_space<vmem>>
      %dma_start3A_150 = tpu.memref_squeeze %dma_start3A_149 : memref<1x128xi32, #tpu.memory_space<vmem>> -> memref<128xi32, #tpu.memory_space<vmem>>
      %dma_start3A_151 = arith.constant 0 : i32
      %dma_start3A_152 = arith.constant 0 : i32
      %dma_start3A_153 = tpu.memref_slice %arg2[%add3A_6, %dma_start3A_151, %dma_start3A_152] : memref<2x10240x128xf32, #tpu.memory_space<hbm>> -> memref<1x10240x128xf32, #tpu.memory_space<hbm>>
      %dma_start3A_154 = tpu.memref_squeeze %dma_start3A_153 : memref<1x10240x128xf32, #tpu.memory_space<hbm>> -> memref<10240x128xf32, #tpu.memory_space<hbm>>
      %dma_start3A_155 = arith.constant 0 : i32
      %dma_start3A_156 = arith.constant 0 : i32
      %dma_start3A_157 = tpu.memref_slice %dma_start3A_154[%dma_start3A_155, %dma_start3A_156] : memref<10240x128xf32, #tpu.memory_space<hbm>> -> memref<10240x128xf32, #tpu.memory_space<hbm>>
      tpu.enqueue_indirect_dma source(%dma_start3A_157 : memref<10240x128xf32, #tpu.memory_space<hbm>>) target(%arg8 : memref<128x128xf32, #tpu.memory_space<vmem>>) offsets(%dma_start3A_150 : memref<128xi32, #tpu.memory_space<vmem>>) semaphore(%arg12 : memref<!tpu.dma_semaphore, #tpu.memory_space<semaphore_mem>>)
      %add3A_158 = arith.constant 1 : i32
      %add3A_159 = arith.addi %mul3A_123, %add3A_158 : i32
      %dma_wait3A_160 = arith.constant 0 : i32
      %dma_wait3A_161 = tpu.memref_slice %arg6[%add3A_159, %dma_wait3A_160] : memref<40x128xi32, #tpu.memory_space<vmem>> -> memref<1x128xi32, #tpu.memory_space<vmem>>
      %dma_wait3A_162 = tpu.memref_squeeze %dma_wait3A_161 : memref<1x128xi32, #tpu.memory_space<vmem>> -> memref<128xi32, #tpu.memory_space<vmem>>
      %dma_wait3A_163 = arith.constant 0 : i32
      %dma_wait3A_164 = arith.constant 0 : i32
      %dma_wait3A_165 = tpu.memref_slice %arg2[%add3A_6, %dma_wait3A_163, %dma_wait3A_164] : memref<2x10240x128xf32, #tpu.memory_space<hbm>> -> memref<1x10240x128xf32, #tpu.memory_space<hbm>>
      %dma_wait3A_166 = tpu.memref_squeeze %dma_wait3A_165 : memref<1x10240x128xf32, #tpu.memory_space<hbm>> -> memref<10240x128xf32, #tpu.memory_space<hbm>>
      %dma_wait3A_167 = arith.constant 0 : i32
      %dma_wait3A_168 = arith.constant 0 : i32
      %dma_wait3A_169 = tpu.memref_slice %dma_wait3A_166[%dma_wait3A_167, %dma_wait3A_168] : memref<10240x128xf32, #tpu.memory_space<hbm>> -> memref<10240x128xf32, #tpu.memory_space<hbm>>
      tpu.wait_indirect_dma semaphore(%arg13 : memref<!tpu.dma_semaphore, #tpu.memory_space<semaphore_mem>>) src(%dma_wait3A_169 : memref<10240x128xf32, #tpu.memory_space<hbm>>) dst(%arg9 : memref<128x128xf32, #tpu.memory_space<vmem>>)
      %add3A_170 = arith.constant 1 : i32
      %add3A_171 = arith.addi %mul3A_123, %add3A_170 : i32
      "tpu.region"() ({
        %run_scoped3A_172 = tpu.sem_alloc : memref<!tpu.dma_semaphore, #tpu.memory_space<semaphore_mem>>
        %dma_start3A_173 = arith.constant 0 : i32
        %dma_start3A_174 = tpu.memref_slice %arg7[%add3A_171, %dma_start3A_173] : memref<40x128xi32, #tpu.memory_space<vmem>> -> memref<1x128xi32, #tpu.memory_space<vmem>>
        %dma_start3A_175 = tpu.memref_squeeze %dma_start3A_174 : memref<1x128xi32, #tpu.memory_space<vmem>> -> memref<128xi32, #tpu.memory_space<vmem>>
        %dma_start3A_176 = arith.constant 0 : i32
        %dma_start3A_177 = arith.constant 0 : i32
        %dma_start3A_178 = tpu.memref_slice %arg11[%dma_start3A_176, %dma_start3A_177] : memref<10240x128xf32, #tpu.memory_space<vmem_shared>> -> memref<10240x128xf32, #tpu.memory_space<vmem_shared>>
        tpu.enqueue_indirect_dma source(%arg9 : memref<128x128xf32, #tpu.memory_space<vmem>>) target(%dma_start3A_178 : memref<10240x128xf32, #tpu.memory_space<vmem_shared>>) offsets(%dma_start3A_175 : memref<128xi32, #tpu.memory_space<vmem>>) semaphore(%run_scoped3A_172 : memref<!tpu.dma_semaphore, #tpu.memory_space<semaphore_mem>>) {add = true}
        %dma_wait3A_179 = arith.constant 0 : i32
        %dma_wait3A_180 = tpu.memref_slice %arg7[%add3A_171, %dma_wait3A_179] : memref<40x128xi32, #tpu.memory_space<vmem>> -> memref<1x128xi32, #tpu.memory_space<vmem>>
        %dma_wait3A_181 = tpu.memref_squeeze %dma_wait3A_180 : memref<1x128xi32, #tpu.memory_space<vmem>> -> memref<128xi32, #tpu.memory_space<vmem>>
        %dma_wait3A_182 = arith.constant 0 : i32
        %dma_wait3A_183 = arith.constant 0 : i32
        %dma_wait3A_184 = tpu.memref_slice %arg11[%dma_wait3A_182, %dma_wait3A_183] : memref<10240x128xf32, #tpu.memory_space<vmem_shared>> -> memref<10240x128xf32, #tpu.memory_space<vmem_shared>>
        tpu.wait_indirect_dma semaphore(%run_scoped3A_172 : memref<!tpu.dma_semaphore, #tpu.memory_space<semaphore_mem>>) src(%arg9 : memref<128x128xf32, #tpu.memory_space<vmem>>) dst(%dma_wait3A_184 : memref<10240x128xf32, #tpu.memory_space<vmem_shared>>)
        tpu.yield
      }) : () -> ()
    }
    %scan3A_26 = arith.constant 19 : i32
    %dma_start3A_27 = arith.constant 39 : i32
    %dma_start3A_28 = arith.constant 0 : i32
    %dma_start3A_29 = tpu.memref_slice %arg6[%dma_start3A_27, %dma_start3A_28] : memref<40x128xi32, #tpu.memory_space<vmem>> -> memref<1x128xi32, #tpu.memory_space<vmem>>
    %dma_start3A_30 = tpu.memref_squeeze %dma_start3A_29 : memref<1x128xi32, #tpu.memory_space<vmem>> -> memref<128xi32, #tpu.memory_space<vmem>>
    %dma_start3A_31 = arith.constant 0 : i32
    %dma_start3A_32 = arith.constant 0 : i32
    %dma_start3A_33 = tpu.memref_slice %arg2[%add3A_6, %dma_start3A_31, %dma_start3A_32] : memref<2x10240x128xf32, #tpu.memory_space<hbm>> -> memref<1x10240x128xf32, #tpu.memory_space<hbm>>
    %dma_start3A_34 = tpu.memref_squeeze %dma_start3A_33 : memref<1x10240x128xf32, #tpu.memory_space<hbm>> -> memref<10240x128xf32, #tpu.memory_space<hbm>>
    %dma_start3A_35 = arith.constant 0 : i32
    %dma_start3A_36 = arith.constant 0 : i32
    %dma_start3A_37 = tpu.memref_slice %dma_start3A_34[%dma_start3A_35, %dma_start3A_36] : memref<10240x128xf32, #tpu.memory_space<hbm>> -> memref<10240x128xf32, #tpu.memory_space<hbm>>
    tpu.enqueue_indirect_dma source(%dma_start3A_37 : memref<10240x128xf32, #tpu.memory_space<hbm>>) target(%arg9 : memref<128x128xf32, #tpu.memory_space<vmem>>) offsets(%dma_start3A_30 : memref<128xi32, #tpu.memory_space<vmem>>) semaphore(%arg13 : memref<!tpu.dma_semaphore, #tpu.memory_space<semaphore_mem>>)
    %dma_wait3A = arith.constant 38 : i32
    %dma_wait3A_38 = arith.constant 0 : i32
    %dma_wait3A_39 = tpu.memref_slice %arg6[%dma_wait3A, %dma_wait3A_38] : memref<40x128xi32, #tpu.memory_space<vmem>> -> memref<1x128xi32, #tpu.memory_space<vmem>>
    %dma_wait3A_40 = tpu.memref_squeeze %dma_wait3A_39 : memref<1x128xi32, #tpu.memory_space<vmem>> -> memref<128xi32, #tpu.memory_space<vmem>>
    %dma_wait3A_41 = arith.constant 0 : i32
    %dma_wait3A_42 = arith.constant 0 : i32
    %dma_wait3A_43 = tpu.memref_slice %arg2[%add3A_6, %dma_wait3A_41, %dma_wait3A_42] : memref<2x10240x128xf32, #tpu.memory_space<hbm>> -> memref<1x10240x128xf32, #tpu.memory_space<hbm>>
    %dma_wait3A_44 = tpu.memref_squeeze %dma_wait3A_43 : memref<1x10240x128xf32, #tpu.memory_space<hbm>> -> memref<10240x128xf32, #tpu.memory_space<hbm>>
    %dma_wait3A_45 = arith.constant 0 : i32
    %dma_wait3A_46 = arith.constant 0 : i32
    %dma_wait3A_47 = tpu.memref_slice %dma_wait3A_44[%dma_wait3A_45, %dma_wait3A_46] : memref<10240x128xf32, #tpu.memory_space<hbm>> -> memref<10240x128xf32, #tpu.memory_space<hbm>>
    tpu.wait_indirect_dma semaphore(%arg12 : memref<!tpu.dma_semaphore, #tpu.memory_space<semaphore_mem>>) src(%dma_wait3A_47 : memref<10240x128xf32, #tpu.memory_space<hbm>>) dst(%arg8 : memref<128x128xf32, #tpu.memory_space<vmem>>)
    %run_scoped3A = arith.constant 38 : i32
    "tpu.region"() ({
      %run_scoped3A_117 = tpu.sem_alloc : memref<!tpu.dma_semaphore, #tpu.memory_space<semaphore_mem>>
      %dma_start3A_118 = arith.constant 0 : i32
      %dma_start3A_119 = tpu.memref_slice %arg7[%run_scoped3A, %dma_start3A_118] : memref<40x128xi32, #tpu.memory_space<vmem>> -> memref<1x128xi32, #tpu.memory_space<vmem>>
      %dma_start3A_120 = tpu.memref_squeeze %dma_start3A_119 : memref<1x128xi32, #tpu.memory_space<vmem>> -> memref<128xi32, #tpu.memory_space<vmem>>
      %dma_start3A_121 = arith.constant 0 : i32
      %dma_start3A_122 = arith.constant 0 : i32
      %dma_start3A_123 = tpu.memref_slice %arg11[%dma_start3A_121, %dma_start3A_122] : memref<10240x128xf32, #tpu.memory_space<vmem_shared>> -> memref<10240x128xf32, #tpu.memory_space<vmem_shared>>
      tpu.enqueue_indirect_dma source(%arg8 : memref<128x128xf32, #tpu.memory_space<vmem>>) target(%dma_start3A_123 : memref<10240x128xf32, #tpu.memory_space<vmem_shared>>) offsets(%dma_start3A_120 : memref<128xi32, #tpu.memory_space<vmem>>) semaphore(%run_scoped3A_117 : memref<!tpu.dma_semaphore, #tpu.memory_space<semaphore_mem>>) {add = true}
      %dma_wait3A_124 = arith.constant 0 : i32
      %dma_wait3A_125 = tpu.memref_slice %arg7[%run_scoped3A, %dma_wait3A_124] : memref<40x128xi32, #tpu.memory_space<vmem>> -> memref<1x128xi32, #tpu.memory_space<vmem>>
      %dma_wait3A_126 = tpu.memref_squeeze %dma_wait3A_125 : memref<1x128xi32, #tpu.memory_space<vmem>> -> memref<128xi32, #tpu.memory_space<vmem>>
      %dma_wait3A_127 = arith.constant 0 : i32
      %dma_wait3A_128 = arith.constant 0 : i32
      %dma_wait3A_129 = tpu.memref_slice %arg11[%dma_wait3A_127, %dma_wait3A_128] : memref<10240x128xf32, #tpu.memory_space<vmem_shared>> -> memref<10240x128xf32, #tpu.memory_space<vmem_shared>>
      tpu.wait_indirect_dma semaphore(%run_scoped3A_117 : memref<!tpu.dma_semaphore, #tpu.memory_space<semaphore_mem>>) src(%arg8 : memref<128x128xf32, #tpu.memory_space<vmem>>) dst(%dma_wait3A_129 : memref<10240x128xf32, #tpu.memory_space<vmem_shared>>)
      tpu.yield
    }) : () -> ()
    %dma_wait3A_48 = arith.constant 39 : i32
    %dma_wait3A_49 = arith.constant 0 : i32
    %dma_wait3A_50 = tpu.memref_slice %arg6[%dma_wait3A_48, %dma_wait3A_49] : memref<40x128xi32, #tpu.memory_space<vmem>> -> memref<1x128xi32, #tpu.memory_space<vmem>>
    %dma_wait3A_51 = tpu.memref_squeeze %dma_wait3A_50 : memref<1x128xi32, #tpu.memory_space<vmem>> -> memref<128xi32, #tpu.memory_space<vmem>>
    %dma_wait3A_52 = arith.constant 0 : i32
    %dma_wait3A_53 = arith.constant 0 : i32
    %dma_wait3A_54 = tpu.memref_slice %arg2[%add3A_6, %dma_wait3A_52, %dma_wait3A_53] : memref<2x10240x128xf32, #tpu.memory_space<hbm>> -> memref<1x10240x128xf32, #tpu.memory_space<hbm>>
    %dma_wait3A_55 = tpu.memref_squeeze %dma_wait3A_54 : memref<1x10240x128xf32, #tpu.memory_space<hbm>> -> memref<10240x128xf32, #tpu.memory_space<hbm>>
    %dma_wait3A_56 = arith.constant 0 : i32
    %dma_wait3A_57 = arith.constant 0 : i32
    %dma_wait3A_58 = tpu.memref_slice %dma_wait3A_55[%dma_wait3A_56, %dma_wait3A_57] : memref<10240x128xf32, #tpu.memory_space<hbm>> -> memref<10240x128xf32, #tpu.memory_space<hbm>>
    tpu.wait_indirect_dma semaphore(%arg13 : memref<!tpu.dma_semaphore, #tpu.memory_space<semaphore_mem>>) src(%dma_wait3A_58 : memref<10240x128xf32, #tpu.memory_space<hbm>>) dst(%arg9 : memref<128x128xf32, #tpu.memory_space<vmem>>)
    %run_scoped3A_59 = arith.constant 39 : i32
    "tpu.region"() ({
      %run_scoped3A_117 = tpu.sem_alloc : memref<!tpu.dma_semaphore, #tpu.memory_space<semaphore_mem>>
      %dma_start3A_118 = arith.constant 0 : i32
      %dma_start3A_119 = tpu.memref_slice %arg7[%run_scoped3A_59, %dma_start3A_118] : memref<40x128xi32, #tpu.memory_space<vmem>> -> memref<1x128xi32, #tpu.memory_space<vmem>>
      %dma_start3A_120 = tpu.memref_squeeze %dma_start3A_119 : memref<1x128xi32, #tpu.memory_space<vmem>> -> memref<128xi32, #tpu.memory_space<vmem>>
      %dma_start3A_121 = arith.constant 0 : i32
      %dma_start3A_122 = arith.constant 0 : i32
      %dma_start3A_123 = tpu.memref_slice %arg11[%dma_start3A_121, %dma_start3A_122] : memref<10240x128xf32, #tpu.memory_space<vmem_shared>> -> memref<10240x128xf32, #tpu.memory_space<vmem_shared>>
      tpu.enqueue_indirect_dma source(%arg9 : memref<128x128xf32, #tpu.memory_space<vmem>>) target(%dma_start3A_123 : memref<10240x128xf32, #tpu.memory_space<vmem_shared>>) offsets(%dma_start3A_120 : memref<128xi32, #tpu.memory_space<vmem>>) semaphore(%run_scoped3A_117 : memref<!tpu.dma_semaphore, #tpu.memory_space<semaphore_mem>>) {add = true}
      %dma_wait3A_124 = arith.constant 0 : i32
      %dma_wait3A_125 = tpu.memref_slice %arg7[%run_scoped3A_59, %dma_wait3A_124] : memref<40x128xi32, #tpu.memory_space<vmem>> -> memref<1x128xi32, #tpu.memory_space<vmem>>
      %dma_wait3A_126 = tpu.memref_squeeze %dma_wait3A_125 : memref<1x128xi32, #tpu.memory_space<vmem>> -> memref<128xi32, #tpu.memory_space<vmem>>
      %dma_wait3A_127 = arith.constant 0 : i32
      %dma_wait3A_128 = arith.constant 0 : i32
      %dma_wait3A_129 = tpu.memref_slice %arg11[%dma_wait3A_127, %dma_wait3A_128] : memref<10240x128xf32, #tpu.memory_space<vmem_shared>> -> memref<10240x128xf32, #tpu.memory_space<vmem_shared>>
      tpu.wait_indirect_dma semaphore(%run_scoped3A_117 : memref<!tpu.dma_semaphore, #tpu.memory_space<semaphore_mem>>) src(%arg9 : memref<128x128xf32, #tpu.memory_space<vmem>>) dst(%dma_wait3A_129 : memref<10240x128xf32, #tpu.memory_space<vmem_shared>>)
      tpu.yield
    }) : () -> ()
    "tpu.region"() ({
      %run_scoped3A_117 = tpu.sem_alloc : memref<!tpu.dma_semaphore, #tpu.memory_space<semaphore_mem>>
      %dma_start3A_118 = arith.constant 0 : i32
      %dma_start3A_119 = arith.constant 0 : i32
      %dma_start3A_120 = tpu.memref_slice %arg3[%arg1, %dma_start3A_118, %dma_start3A_119] : memref<16x80x128xi32, #tpu.memory_space<hbm>> -> memref<1x80x128xi32, #tpu.memory_space<hbm>>
      %dma_start3A_121 = tpu.memref_squeeze %dma_start3A_120 : memref<1x80x128xi32, #tpu.memory_space<hbm>> -> memref<80x128xi32, #tpu.memory_space<hbm>>
      %dma_start3A_122 = arith.constant 40 : i32
      %dma_start3A_123 = arith.constant 0 : i32
      %dma_start3A_124 = tpu.memref_slice %dma_start3A_121[%dma_start3A_122, %dma_start3A_123] : memref<80x128xi32, #tpu.memory_space<hbm>> -> memref<40x128xi32, #tpu.memory_space<hbm>>
      %dma_start3A_125 = arith.constant 0 : i32
      %dma_start3A_126 = arith.constant 0 : i32
      %dma_start3A_127 = tpu.memref_slice %arg3[%arg1, %dma_start3A_125, %dma_start3A_126] : memref<16x80x128xi32, #tpu.memory_space<hbm>> -> memref<1x80x128xi32, #tpu.memory_space<hbm>>
      %dma_start3A_128 = tpu.memref_squeeze %dma_start3A_127 : memref<1x80x128xi32, #tpu.memory_space<hbm>> -> memref<80x128xi32, #tpu.memory_space<hbm>>
      %dma_start3A_129 = arith.constant 40 : i32
      %dma_start3A_130 = arith.constant 0 : i32
      %dma_start3A_131 = tpu.memref_slice %dma_start3A_128[%dma_start3A_129, %dma_start3A_130] : memref<80x128xi32, #tpu.memory_space<hbm>> -> memref<40x128xi32, #tpu.memory_space<hbm>>
      tpu.enqueue_dma source(%dma_start3A_131 : memref<40x128xi32, #tpu.memory_space<hbm>>) target(%arg6 : memref<40x128xi32, #tpu.memory_space<vmem>>) target_semaphore(%run_scoped3A_117 : memref<!tpu.dma_semaphore, #tpu.memory_space<semaphore_mem>>)
      %dma_wait3A_132 = arith.constant 0 : i32
      %dma_wait3A_133 = arith.constant 0 : i32
      %dma_wait3A_134 = tpu.memref_slice %arg3[%arg1, %dma_wait3A_132, %dma_wait3A_133] : memref<16x80x128xi32, #tpu.memory_space<hbm>> -> memref<1x80x128xi32, #tpu.memory_space<hbm>>
      %dma_wait3A_135 = tpu.memref_squeeze %dma_wait3A_134 : memref<1x80x128xi32, #tpu.memory_space<hbm>> -> memref<80x128xi32, #tpu.memory_space<hbm>>
      %dma_wait3A_136 = arith.constant 40 : i32
      %dma_wait3A_137 = arith.constant 0 : i32
      %dma_wait3A_138 = tpu.memref_slice %dma_wait3A_135[%dma_wait3A_136, %dma_wait3A_137] : memref<80x128xi32, #tpu.memory_space<hbm>> -> memref<40x128xi32, #tpu.memory_space<hbm>>
      %dma_wait3A_139 = arith.constant 0 : i32
      %dma_wait3A_140 = arith.constant 0 : i32
      %dma_wait3A_141 = tpu.memref_slice %arg3[%arg1, %dma_wait3A_139, %dma_wait3A_140] : memref<16x80x128xi32, #tpu.memory_space<hbm>> -> memref<1x80x128xi32, #tpu.memory_space<hbm>>
      %dma_wait3A_142 = tpu.memref_squeeze %dma_wait3A_141 : memref<1x80x128xi32, #tpu.memory_space<hbm>> -> memref<80x128xi32, #tpu.memory_space<hbm>>
      %dma_wait3A_143 = arith.constant 40 : i32
      %dma_wait3A_144 = arith.constant 0 : i32
      %dma_wait3A_145 = tpu.memref_slice %dma_wait3A_142[%dma_wait3A_143, %dma_wait3A_144] : memref<80x128xi32, #tpu.memory_space<hbm>> -> memref<40x128xi32, #tpu.memory_space<hbm>>
      tpu.wait_dma2 semaphore(%run_scoped3A_117 : memref<!tpu.dma_semaphore, #tpu.memory_space<semaphore_mem>>) src(%dma_wait3A_145 : memref<40x128xi32, #tpu.memory_space<hbm>>) dst(%arg6 : memref<40x128xi32, #tpu.memory_space<vmem>>)
      tpu.yield
    }) : () -> ()
    "tpu.region"() ({
      %run_scoped3A_117 = tpu.sem_alloc : memref<!tpu.dma_semaphore, #tpu.memory_space<semaphore_mem>>
      %dma_start3A_118 = arith.constant 0 : i32
      %dma_start3A_119 = arith.constant 0 : i32
      %dma_start3A_120 = tpu.memref_slice %arg4[%arg1, %dma_start3A_118, %dma_start3A_119] : memref<16x80x128xi32, #tpu.memory_space<hbm>> -> memref<1x80x128xi32, #tpu.memory_space<hbm>>
      %dma_start3A_121 = tpu.memref_squeeze %dma_start3A_120 : memref<1x80x128xi32, #tpu.memory_space<hbm>> -> memref<80x128xi32, #tpu.memory_space<hbm>>
      %dma_start3A_122 = arith.constant 40 : i32
      %dma_start3A_123 = arith.constant 0 : i32
      %dma_start3A_124 = tpu.memref_slice %dma_start3A_121[%dma_start3A_122, %dma_start3A_123] : memref<80x128xi32, #tpu.memory_space<hbm>> -> memref<40x128xi32, #tpu.memory_space<hbm>>
      %dma_start3A_125 = arith.constant 0 : i32
      %dma_start3A_126 = arith.constant 0 : i32
      %dma_start3A_127 = tpu.memref_slice %arg4[%arg1, %dma_start3A_125, %dma_start3A_126] : memref<16x80x128xi32, #tpu.memory_space<hbm>> -> memref<1x80x128xi32, #tpu.memory_space<hbm>>
      %dma_start3A_128 = tpu.memref_squeeze %dma_start3A_127 : memref<1x80x128xi32, #tpu.memory_space<hbm>> -> memref<80x128xi32, #tpu.memory_space<hbm>>
      %dma_start3A_129 = arith.constant 40 : i32
      %dma_start3A_130 = arith.constant 0 : i32
      %dma_start3A_131 = tpu.memref_slice %dma_start3A_128[%dma_start3A_129, %dma_start3A_130] : memref<80x128xi32, #tpu.memory_space<hbm>> -> memref<40x128xi32, #tpu.memory_space<hbm>>
      tpu.enqueue_dma source(%dma_start3A_131 : memref<40x128xi32, #tpu.memory_space<hbm>>) target(%arg7 : memref<40x128xi32, #tpu.memory_space<vmem>>) target_semaphore(%run_scoped3A_117 : memref<!tpu.dma_semaphore, #tpu.memory_space<semaphore_mem>>)
      %dma_wait3A_132 = arith.constant 0 : i32
      %dma_wait3A_133 = arith.constant 0 : i32
      %dma_wait3A_134 = tpu.memref_slice %arg4[%arg1, %dma_wait3A_132, %dma_wait3A_133] : memref<16x80x128xi32, #tpu.memory_space<hbm>> -> memref<1x80x128xi32, #tpu.memory_space<hbm>>
      %dma_wait3A_135 = tpu.memref_squeeze %dma_wait3A_134 : memref<1x80x128xi32, #tpu.memory_space<hbm>> -> memref<80x128xi32, #tpu.memory_space<hbm>>
      %dma_wait3A_136 = arith.constant 40 : i32
      %dma_wait3A_137 = arith.constant 0 : i32
      %dma_wait3A_138 = tpu.memref_slice %dma_wait3A_135[%dma_wait3A_136, %dma_wait3A_137] : memref<80x128xi32, #tpu.memory_space<hbm>> -> memref<40x128xi32, #tpu.memory_space<hbm>>
      %dma_wait3A_139 = arith.constant 0 : i32
      %dma_wait3A_140 = arith.constant 0 : i32
      %dma_wait3A_141 = tpu.memref_slice %arg4[%arg1, %dma_wait3A_139, %dma_wait3A_140] : memref<16x80x128xi32, #tpu.memory_space<hbm>> -> memref<1x80x128xi32, #tpu.memory_space<hbm>>
      %dma_wait3A_142 = tpu.memref_squeeze %dma_wait3A_141 : memref<1x80x128xi32, #tpu.memory_space<hbm>> -> memref<80x128xi32, #tpu.memory_space<hbm>>
      %dma_wait3A_143 = arith.constant 40 : i32
      %dma_wait3A_144 = arith.constant 0 : i32
      %dma_wait3A_145 = tpu.memref_slice %dma_wait3A_142[%dma_wait3A_143, %dma_wait3A_144] : memref<80x128xi32, #tpu.memory_space<hbm>> -> memref<40x128xi32, #tpu.memory_space<hbm>>
      tpu.wait_dma2 semaphore(%run_scoped3A_117 : memref<!tpu.dma_semaphore, #tpu.memory_space<semaphore_mem>>) src(%dma_wait3A_145 : memref<40x128xi32, #tpu.memory_space<hbm>>) dst(%arg7 : memref<40x128xi32, #tpu.memory_space<vmem>>)
      tpu.yield
    }) : () -> ()
    %dma_start3A_60 = arith.constant 0 : i32
    %dma_start3A_61 = arith.constant 0 : i32
    %dma_start3A_62 = tpu.memref_slice %arg6[%dma_start3A_60, %dma_start3A_61] : memref<40x128xi32, #tpu.memory_space<vmem>> -> memref<1x128xi32, #tpu.memory_space<vmem>>
    %dma_start3A_63 = tpu.memref_squeeze %dma_start3A_62 : memref<1x128xi32, #tpu.memory_space<vmem>> -> memref<128xi32, #tpu.memory_space<vmem>>
    %dma_start3A_64 = arith.constant 0 : i32
    %dma_start3A_65 = arith.constant 0 : i32
    %dma_start3A_66 = tpu.memref_slice %arg2[%add3A_6, %dma_start3A_64, %dma_start3A_65] : memref<2x10240x128xf32, #tpu.memory_space<hbm>> -> memref<1x10240x128xf32, #tpu.memory_space<hbm>>
    %dma_start3A_67 = tpu.memref_squeeze %dma_start3A_66 : memref<1x10240x128xf32, #tpu.memory_space<hbm>> -> memref<10240x128xf32, #tpu.memory_space<hbm>>
    %dma_start3A_68 = arith.constant 0 : i32
    %dma_start3A_69 = arith.constant 0 : i32
    %dma_start3A_70 = tpu.memref_slice %dma_start3A_67[%dma_start3A_68, %dma_start3A_69] : memref<10240x128xf32, #tpu.memory_space<hbm>> -> memref<10240x128xf32, #tpu.memory_space<hbm>>
    tpu.enqueue_indirect_dma source(%dma_start3A_70 : memref<10240x128xf32, #tpu.memory_space<hbm>>) target(%arg8 : memref<128x128xf32, #tpu.memory_space<vmem>>) offsets(%dma_start3A_63 : memref<128xi32, #tpu.memory_space<vmem>>) semaphore(%arg12 : memref<!tpu.dma_semaphore, #tpu.memory_space<semaphore_mem>>)
    %scan3A_71 = arith.constant 0 : i32
    %scan3A_72 = arith.constant 19 : i32
    %scan3A_73 = arith.addi %scan3A_71, %scan3A_72 : i32
    %scan3A_74 = arith.constant 1 : i32
    scf.for %scan3A_117 = %scan3A_71 to %scan3A_73 step %scan3A_74  : i32 {
      %mul3A_118 = arith.constant 1 : i32
      %mul3A_119 = arith.muli %scan3A_117, %mul3A_118 : i32
      %add3A_120 = arith.constant 0 : i32
      %add3A_121 = arith.addi %add3A_120, %mul3A_119 : i32
      %mul3A_122 = arith.constant 2 : i32
      %mul3A_123 = arith.muli %add3A_121, %mul3A_122 : i32
      %add3A_124 = arith.constant 1 : i32
      %add3A_125 = arith.addi %mul3A_123, %add3A_124 : i32
      %dma_start3A_126 = arith.constant 0 : i32
      %dma_start3A_127 = tpu.memref_slice %arg6[%add3A_125, %dma_start3A_126] : memref<40x128xi32, #tpu.memory_space<vmem>> -> memref<1x128xi32, #tpu.memory_space<vmem>>
      %dma_start3A_128 = tpu.memref_squeeze %dma_start3A_127 : memref<1x128xi32, #tpu.memory_space<vmem>> -> memref<128xi32, #tpu.memory_space<vmem>>
      %dma_start3A_129 = arith.constant 0 : i32
      %dma_start3A_130 = arith.constant 0 : i32
      %dma_start3A_131 = tpu.memref_slice %arg2[%add3A_6, %dma_start3A_129, %dma_start3A_130] : memref<2x10240x128xf32, #tpu.memory_space<hbm>> -> memref<1x10240x128xf32, #tpu.memory_space<hbm>>
      %dma_start3A_132 = tpu.memref_squeeze %dma_start3A_131 : memref<1x10240x128xf32, #tpu.memory_space<hbm>> -> memref<10240x128xf32, #tpu.memory_space<hbm>>
      %dma_start3A_133 = arith.constant 0 : i32
      %dma_start3A_134 = arith.constant 0 : i32
      %dma_start3A_135 = tpu.memref_slice %dma_start3A_132[%dma_start3A_133, %dma_start3A_134] : memref<10240x128xf32, #tpu.memory_space<hbm>> -> memref<10240x128xf32, #tpu.memory_space<hbm>>
      tpu.enqueue_indirect_dma source(%dma_start3A_135 : memref<10240x128xf32, #tpu.memory_space<hbm>>) target(%arg9 : memref<128x128xf32, #tpu.memory_space<vmem>>) offsets(%dma_start3A_128 : memref<128xi32, #tpu.memory_space<vmem>>) semaphore(%arg13 : memref<!tpu.dma_semaphore, #tpu.memory_space<semaphore_mem>>)
      %dma_wait3A_136 = arith.constant 0 : i32
      %dma_wait3A_137 = tpu.memref_slice %arg6[%mul3A_123, %dma_wait3A_136] : memref<40x128xi32, #tpu.memory_space<vmem>> -> memref<1x128xi32, #tpu.memory_space<vmem>>
      %dma_wait3A_138 = tpu.memref_squeeze %dma_wait3A_137 : memref<1x128xi32, #tpu.memory_space<vmem>> -> memref<128xi32, #tpu.memory_space<vmem>>
      %dma_wait3A_139 = arith.constant 0 : i32
      %dma_wait3A_140 = arith.constant 0 : i32
      %dma_wait3A_141 = tpu.memref_slice %arg2[%add3A_6, %dma_wait3A_139, %dma_wait3A_140] : memref<2x10240x128xf32, #tpu.memory_space<hbm>> -> memref<1x10240x128xf32, #tpu.memory_space<hbm>>
      %dma_wait3A_142 = tpu.memref_squeeze %dma_wait3A_141 : memref<1x10240x128xf32, #tpu.memory_space<hbm>> -> memref<10240x128xf32, #tpu.memory_space<hbm>>
      %dma_wait3A_143 = arith.constant 0 : i32
      %dma_wait3A_144 = arith.constant 0 : i32
      %dma_wait3A_145 = tpu.memref_slice %dma_wait3A_142[%dma_wait3A_143, %dma_wait3A_144] : memref<10240x128xf32, #tpu.memory_space<hbm>> -> memref<10240x128xf32, #tpu.memory_space<hbm>>
      tpu.wait_indirect_dma semaphore(%arg12 : memref<!tpu.dma_semaphore, #tpu.memory_space<semaphore_mem>>) src(%dma_wait3A_145 : memref<10240x128xf32, #tpu.memory_space<hbm>>) dst(%arg8 : memref<128x128xf32, #tpu.memory_space<vmem>>)
      "tpu.region"() ({
        %run_scoped3A_172 = tpu.sem_alloc : memref<!tpu.dma_semaphore, #tpu.memory_space<semaphore_mem>>
        %dma_start3A_173 = arith.constant 0 : i32
        %dma_start3A_174 = tpu.memref_slice %arg7[%mul3A_123, %dma_start3A_173] : memref<40x128xi32, #tpu.memory_space<vmem>> -> memref<1x128xi32, #tpu.memory_space<vmem>>
        %dma_start3A_175 = tpu.memref_squeeze %dma_start3A_174 : memref<1x128xi32, #tpu.memory_space<vmem>> -> memref<128xi32, #tpu.memory_space<vmem>>
        %dma_start3A_176 = arith.constant 0 : i32
        %dma_start3A_177 = arith.constant 0 : i32
        %dma_start3A_178 = tpu.memref_slice %arg11[%dma_start3A_176, %dma_start3A_177] : memref<10240x128xf32, #tpu.memory_space<vmem_shared>> -> memref<10240x128xf32, #tpu.memory_space<vmem_shared>>
        tpu.enqueue_indirect_dma source(%arg8 : memref<128x128xf32, #tpu.memory_space<vmem>>) target(%dma_start3A_178 : memref<10240x128xf32, #tpu.memory_space<vmem_shared>>) offsets(%dma_start3A_175 : memref<128xi32, #tpu.memory_space<vmem>>) semaphore(%run_scoped3A_172 : memref<!tpu.dma_semaphore, #tpu.memory_space<semaphore_mem>>) {add = true}
        %dma_wait3A_179 = arith.constant 0 : i32
        %dma_wait3A_180 = tpu.memref_slice %arg7[%mul3A_123, %dma_wait3A_179] : memref<40x128xi32, #tpu.memory_space<vmem>> -> memref<1x128xi32, #tpu.memory_space<vmem>>
        %dma_wait3A_181 = tpu.memref_squeeze %dma_wait3A_180 : memref<1x128xi32, #tpu.memory_space<vmem>> -> memref<128xi32, #tpu.memory_space<vmem>>
        %dma_wait3A_182 = arith.constant 0 : i32
        %dma_wait3A_183 = arith.constant 0 : i32
        %dma_wait3A_184 = tpu.memref_slice %arg11[%dma_wait3A_182, %dma_wait3A_183] : memref<10240x128xf32, #tpu.memory_space<vmem_shared>> -> memref<10240x128xf32, #tpu.memory_space<vmem_shared>>
        tpu.wait_indirect_dma semaphore(%run_scoped3A_172 : memref<!tpu.dma_semaphore, #tpu.memory_space<semaphore_mem>>) src(%arg8 : memref<128x128xf32, #tpu.memory_space<vmem>>) dst(%dma_wait3A_184 : memref<10240x128xf32, #tpu.memory_space<vmem_shared>>)
        tpu.yield
      }) : () -> ()
      %add3A_146 = arith.constant 2 : i32
      %add3A_147 = arith.addi %mul3A_123, %add3A_146 : i32
      %dma_start3A_148 = arith.constant 0 : i32
      %dma_start3A_149 = tpu.memref_slice %arg6[%add3A_147, %dma_start3A_148] : memref<40x128xi32, #tpu.memory_space<vmem>> -> memref<1x128xi32, #tpu.memory_space<vmem>>
      %dma_start3A_150 = tpu.memref_squeeze %dma_start3A_149 : memref<1x128xi32, #tpu.memory_space<vmem>> -> memref<128xi32, #tpu.memory_space<vmem>>
      %dma_start3A_151 = arith.constant 0 : i32
      %dma_start3A_152 = arith.constant 0 : i32
      %dma_start3A_153 = tpu.memref_slice %arg2[%add3A_6, %dma_start3A_151, %dma_start3A_152] : memref<2x10240x128xf32, #tpu.memory_space<hbm>> -> memref<1x10240x128xf32, #tpu.memory_space<hbm>>
      %dma_start3A_154 = tpu.memref_squeeze %dma_start3A_153 : memref<1x10240x128xf32, #tpu.memory_space<hbm>> -> memref<10240x128xf32, #tpu.memory_space<hbm>>
      %dma_start3A_155 = arith.constant 0 : i32
      %dma_start3A_156 = arith.constant 0 : i32
      %dma_start3A_157 = tpu.memref_slice %dma_start3A_154[%dma_start3A_155, %dma_start3A_156] : memref<10240x128xf32, #tpu.memory_space<hbm>> -> memref<10240x128xf32, #tpu.memory_space<hbm>>
      tpu.enqueue_indirect_dma source(%dma_start3A_157 : memref<10240x128xf32, #tpu.memory_space<hbm>>) target(%arg8 : memref<128x128xf32, #tpu.memory_space<vmem>>) offsets(%dma_start3A_150 : memref<128xi32, #tpu.memory_space<vmem>>) semaphore(%arg12 : memref<!tpu.dma_semaphore, #tpu.memory_space<semaphore_mem>>)
      %add3A_158 = arith.constant 1 : i32
      %add3A_159 = arith.addi %mul3A_123, %add3A_158 : i32
      %dma_wait3A_160 = arith.constant 0 : i32
      %dma_wait3A_161 = tpu.memref_slice %arg6[%add3A_159, %dma_wait3A_160] : memref<40x128xi32, #tpu.memory_space<vmem>> -> memref<1x128xi32, #tpu.memory_space<vmem>>
      %dma_wait3A_162 = tpu.memref_squeeze %dma_wait3A_161 : memref<1x128xi32, #tpu.memory_space<vmem>> -> memref<128xi32, #tpu.memory_space<vmem>>
      %dma_wait3A_163 = arith.constant 0 : i32
      %dma_wait3A_164 = arith.constant 0 : i32
      %dma_wait3A_165 = tpu.memref_slice %arg2[%add3A_6, %dma_wait3A_163, %dma_wait3A_164] : memref<2x10240x128xf32, #tpu.memory_space<hbm>> -> memref<1x10240x128xf32, #tpu.memory_space<hbm>>
      %dma_wait3A_166 = tpu.memref_squeeze %dma_wait3A_165 : memref<1x10240x128xf32, #tpu.memory_space<hbm>> -> memref<10240x128xf32, #tpu.memory_space<hbm>>
      %dma_wait3A_167 = arith.constant 0 : i32
      %dma_wait3A_168 = arith.constant 0 : i32
      %dma_wait3A_169 = tpu.memref_slice %dma_wait3A_166[%dma_wait3A_167, %dma_wait3A_168] : memref<10240x128xf32, #tpu.memory_space<hbm>> -> memref<10240x128xf32, #tpu.memory_space<hbm>>
      tpu.wait_indirect_dma semaphore(%arg13 : memref<!tpu.dma_semaphore, #tpu.memory_space<semaphore_mem>>) src(%dma_wait3A_169 : memref<10240x128xf32, #tpu.memory_space<hbm>>) dst(%arg9 : memref<128x128xf32, #tpu.memory_space<vmem>>)
      %add3A_170 = arith.constant 1 : i32
      %add3A_171 = arith.addi %mul3A_123, %add3A_170 : i32
      "tpu.region"() ({
        %run_scoped3A_172 = tpu.sem_alloc : memref<!tpu.dma_semaphore, #tpu.memory_space<semaphore_mem>>
        %dma_start3A_173 = arith.constant 0 : i32
        %dma_start3A_174 = tpu.memref_slice %arg7[%add3A_171, %dma_start3A_173] : memref<40x128xi32, #tpu.memory_space<vmem>> -> memref<1x128xi32, #tpu.memory_space<vmem>>
        %dma_start3A_175 = tpu.memref_squeeze %dma_start3A_174 : memref<1x128xi32, #tpu.memory_space<vmem>> -> memref<128xi32, #tpu.memory_space<vmem>>
        %dma_start3A_176 = arith.constant 0 : i32
        %dma_start3A_177 = arith.constant 0 : i32
        %dma_start3A_178 = tpu.memref_slice %arg11[%dma_start3A_176, %dma_start3A_177] : memref<10240x128xf32, #tpu.memory_space<vmem_shared>> -> memref<10240x128xf32, #tpu.memory_space<vmem_shared>>
        tpu.enqueue_indirect_dma source(%arg9 : memref<128x128xf32, #tpu.memory_space<vmem>>) target(%dma_start3A_178 : memref<10240x128xf32, #tpu.memory_space<vmem_shared>>) offsets(%dma_start3A_175 : memref<128xi32, #tpu.memory_space<vmem>>) semaphore(%run_scoped3A_172 : memref<!tpu.dma_semaphore, #tpu.memory_space<semaphore_mem>>) {add = true}
        %dma_wait3A_179 = arith.constant 0 : i32
        %dma_wait3A_180 = tpu.memref_slice %arg7[%add3A_171, %dma_wait3A_179] : memref<40x128xi32, #tpu.memory_space<vmem>> -> memref<1x128xi32, #tpu.memory_space<vmem>>
        %dma_wait3A_181 = tpu.memref_squeeze %dma_wait3A_180 : memref<1x128xi32, #tpu.memory_space<vmem>> -> memref<128xi32, #tpu.memory_space<vmem>>
        %dma_wait3A_182 = arith.constant 0 : i32
        %dma_wait3A_183 = arith.constant 0 : i32
        %dma_wait3A_184 = tpu.memref_slice %arg11[%dma_wait3A_182, %dma_wait3A_183] : memref<10240x128xf32, #tpu.memory_space<vmem_shared>> -> memref<10240x128xf32, #tpu.memory_space<vmem_shared>>
        tpu.wait_indirect_dma semaphore(%run_scoped3A_172 : memref<!tpu.dma_semaphore, #tpu.memory_space<semaphore_mem>>) src(%arg9 : memref<128x128xf32, #tpu.memory_space<vmem>>) dst(%dma_wait3A_184 : memref<10240x128xf32, #tpu.memory_space<vmem_shared>>)
        tpu.yield
      }) : () -> ()
    }
    %scan3A_75 = arith.constant 19 : i32
    %dma_start3A_76 = arith.constant 39 : i32
    %dma_start3A_77 = arith.constant 0 : i32
    %dma_start3A_78 = tpu.memref_slice %arg6[%dma_start3A_76, %dma_start3A_77] : memref<40x128xi32, #tpu.memory_space<vmem>> -> memref<1x128xi32, #tpu.memory_space<vmem>>
    %dma_start3A_79 = tpu.memref_squeeze %dma_start3A_78 : memref<1x128xi32, #tpu.memory_space<vmem>> -> memref<128xi32, #tpu.memory_space<vmem>>
    %dma_start3A_80 = arith.constant 0 : i32
    %dma_start3A_81 = arith.constant 0 : i32
    %dma_start3A_82 = tpu.memref_slice %arg2[%add3A_6, %dma_start3A_80, %dma_start3A_81] : memref<2x10240x128xf32, #tpu.memory_space<hbm>> -> memref<1x10240x128xf32, #tpu.memory_space<hbm>>
    %dma_start3A_83 = tpu.memref_squeeze %dma_start3A_82 : memref<1x10240x128xf32, #tpu.memory_space<hbm>> -> memref<10240x128xf32, #tpu.memory_space<hbm>>
    %dma_start3A_84 = arith.constant 0 : i32
    %dma_start3A_85 = arith.constant 0 : i32
    %dma_start3A_86 = tpu.memref_slice %dma_start3A_83[%dma_start3A_84, %dma_start3A_85] : memref<10240x128xf32, #tpu.memory_space<hbm>> -> memref<10240x128xf32, #tpu.memory_space<hbm>>
    tpu.enqueue_indirect_dma source(%dma_start3A_86 : memref<10240x128xf32, #tpu.memory_space<hbm>>) target(%arg9 : memref<128x128xf32, #tpu.memory_space<vmem>>) offsets(%dma_start3A_79 : memref<128xi32, #tpu.memory_space<vmem>>) semaphore(%arg13 : memref<!tpu.dma_semaphore, #tpu.memory_space<semaphore_mem>>)
    %dma_wait3A_87 = arith.constant 38 : i32
    %dma_wait3A_88 = arith.constant 0 : i32
    %dma_wait3A_89 = tpu.memref_slice %arg6[%dma_wait3A_87, %dma_wait3A_88] : memref<40x128xi32, #tpu.memory_space<vmem>> -> memref<1x128xi32, #tpu.memory_space<vmem>>
    %dma_wait3A_90 = tpu.memref_squeeze %dma_wait3A_89 : memref<1x128xi32, #tpu.memory_space<vmem>> -> memref<128xi32, #tpu.memory_space<vmem>>
    %dma_wait3A_91 = arith.constant 0 : i32
    %dma_wait3A_92 = arith.constant 0 : i32
    %dma_wait3A_93 = tpu.memref_slice %arg2[%add3A_6, %dma_wait3A_91, %dma_wait3A_92] : memref<2x10240x128xf32, #tpu.memory_space<hbm>> -> memref<1x10240x128xf32, #tpu.memory_space<hbm>>
    %dma_wait3A_94 = tpu.memref_squeeze %dma_wait3A_93 : memref<1x10240x128xf32, #tpu.memory_space<hbm>> -> memref<10240x128xf32, #tpu.memory_space<hbm>>
    %dma_wait3A_95 = arith.constant 0 : i32
    %dma_wait3A_96 = arith.constant 0 : i32
    %dma_wait3A_97 = tpu.memref_slice %dma_wait3A_94[%dma_wait3A_95, %dma_wait3A_96] : memref<10240x128xf32, #tpu.memory_space<hbm>> -> memref<10240x128xf32, #tpu.memory_space<hbm>>
    tpu.wait_indirect_dma semaphore(%arg12 : memref<!tpu.dma_semaphore, #tpu.memory_space<semaphore_mem>>) src(%dma_wait3A_97 : memref<10240x128xf32, #tpu.memory_space<hbm>>) dst(%arg8 : memref<128x128xf32, #tpu.memory_space<vmem>>)
    %run_scoped3A_98 = arith.constant 38 : i32
    "tpu.region"() ({
      %run_scoped3A_117 = tpu.sem_alloc : memref<!tpu.dma_semaphore, #tpu.memory_space<semaphore_mem>>
      %dma_start3A_118 = arith.constant 0 : i32
      %dma_start3A_119 = tpu.memref_slice %arg7[%run_scoped3A_98, %dma_start3A_118] : memref<40x128xi32, #tpu.memory_space<vmem>> -> memref<1x128xi32, #tpu.memory_space<vmem>>
      %dma_start3A_120 = tpu.memref_squeeze %dma_start3A_119 : memref<1x128xi32, #tpu.memory_space<vmem>> -> memref<128xi32, #tpu.memory_space<vmem>>
      %dma_start3A_121 = arith.constant 0 : i32
      %dma_start3A_122 = arith.constant 0 : i32
      %dma_start3A_123 = tpu.memref_slice %arg11[%dma_start3A_121, %dma_start3A_122] : memref<10240x128xf32, #tpu.memory_space<vmem_shared>> -> memref<10240x128xf32, #tpu.memory_space<vmem_shared>>
      tpu.enqueue_indirect_dma source(%arg8 : memref<128x128xf32, #tpu.memory_space<vmem>>) target(%dma_start3A_123 : memref<10240x128xf32, #tpu.memory_space<vmem_shared>>) offsets(%dma_start3A_120 : memref<128xi32, #tpu.memory_space<vmem>>) semaphore(%run_scoped3A_117 : memref<!tpu.dma_semaphore, #tpu.memory_space<semaphore_mem>>) {add = true}
      %dma_wait3A_124 = arith.constant 0 : i32
      %dma_wait3A_125 = tpu.memref_slice %arg7[%run_scoped3A_98, %dma_wait3A_124] : memref<40x128xi32, #tpu.memory_space<vmem>> -> memref<1x128xi32, #tpu.memory_space<vmem>>
      %dma_wait3A_126 = tpu.memref_squeeze %dma_wait3A_125 : memref<1x128xi32, #tpu.memory_space<vmem>> -> memref<128xi32, #tpu.memory_space<vmem>>
      %dma_wait3A_127 = arith.constant 0 : i32
      %dma_wait3A_128 = arith.constant 0 : i32
      %dma_wait3A_129 = tpu.memref_slice %arg11[%dma_wait3A_127, %dma_wait3A_128] : memref<10240x128xf32, #tpu.memory_space<vmem_shared>> -> memref<10240x128xf32, #tpu.memory_space<vmem_shared>>
      tpu.wait_indirect_dma semaphore(%run_scoped3A_117 : memref<!tpu.dma_semaphore, #tpu.memory_space<semaphore_mem>>) src(%arg8 : memref<128x128xf32, #tpu.memory_space<vmem>>) dst(%dma_wait3A_129 : memref<10240x128xf32, #tpu.memory_space<vmem_shared>>)
      tpu.yield
    }) : () -> ()
    %dma_wait3A_99 = arith.constant 39 : i32
    %dma_wait3A_100 = arith.constant 0 : i32
    %dma_wait3A_101 = tpu.memref_slice %arg6[%dma_wait3A_99, %dma_wait3A_100] : memref<40x128xi32, #tpu.memory_space<vmem>> -> memref<1x128xi32, #tpu.memory_space<vmem>>
    %dma_wait3A_102 = tpu.memref_squeeze %dma_wait3A_101 : memref<1x128xi32, #tpu.memory_space<vmem>> -> memref<128xi32, #tpu.memory_space<vmem>>
    %dma_wait3A_103 = arith.constant 0 : i32
    %dma_wait3A_104 = arith.constant 0 : i32
    %dma_wait3A_105 = tpu.memref_slice %arg2[%add3A_6, %dma_wait3A_103, %dma_wait3A_104] : memref<2x10240x128xf32, #tpu.memory_space<hbm>> -> memref<1x10240x128xf32, #tpu.memory_space<hbm>>
    %dma_wait3A_106 = tpu.memref_squeeze %dma_wait3A_105 : memref<1x10240x128xf32, #tpu.memory_space<hbm>> -> memref<10240x128xf32, #tpu.memory_space<hbm>>
    %dma_wait3A_107 = arith.constant 0 : i32
    %dma_wait3A_108 = arith.constant 0 : i32
    %dma_wait3A_109 = tpu.memref_slice %dma_wait3A_106[%dma_wait3A_107, %dma_wait3A_108] : memref<10240x128xf32, #tpu.memory_space<hbm>> -> memref<10240x128xf32, #tpu.memory_space<hbm>>
    tpu.wait_indirect_dma semaphore(%arg13 : memref<!tpu.dma_semaphore, #tpu.memory_space<semaphore_mem>>) src(%dma_wait3A_109 : memref<10240x128xf32, #tpu.memory_space<hbm>>) dst(%arg9 : memref<128x128xf32, #tpu.memory_space<vmem>>)
    %run_scoped3A_110 = arith.constant 39 : i32
    "tpu.region"() ({
      %run_scoped3A_117 = tpu.sem_alloc : memref<!tpu.dma_semaphore, #tpu.memory_space<semaphore_mem>>
      %dma_start3A_118 = arith.constant 0 : i32
      %dma_start3A_119 = tpu.memref_slice %arg7[%run_scoped3A_110, %dma_start3A_118] : memref<40x128xi32, #tpu.memory_space<vmem>> -> memref<1x128xi32, #tpu.memory_space<vmem>>
      %dma_start3A_120 = tpu.memref_squeeze %dma_start3A_119 : memref<1x128xi32, #tpu.memory_space<vmem>> -> memref<128xi32, #tpu.memory_space<vmem>>
      %dma_start3A_121 = arith.constant 0 : i32
      %dma_start3A_122 = arith.constant 0 : i32
      %dma_start3A_123 = tpu.memref_slice %arg11[%dma_start3A_121, %dma_start3A_122] : memref<10240x128xf32, #tpu.memory_space<vmem_shared>> -> memref<10240x128xf32, #tpu.memory_space<vmem_shared>>
      tpu.enqueue_indirect_dma source(%arg9 : memref<128x128xf32, #tpu.memory_space<vmem>>) target(%dma_start3A_123 : memref<10240x128xf32, #tpu.memory_space<vmem_shared>>) offsets(%dma_start3A_120 : memref<128xi32, #tpu.memory_space<vmem>>) semaphore(%run_scoped3A_117 : memref<!tpu.dma_semaphore, #tpu.memory_space<semaphore_mem>>) {add = true}
      %dma_wait3A_124 = arith.constant 0 : i32
      %dma_wait3A_125 = tpu.memref_slice %arg7[%run_scoped3A_110, %dma_wait3A_124] : memref<40x128xi32, #tpu.memory_space<vmem>> -> memref<1x128xi32, #tpu.memory_space<vmem>>
      %dma_wait3A_126 = tpu.memref_squeeze %dma_wait3A_125 : memref<1x128xi32, #tpu.memory_space<vmem>> -> memref<128xi32, #tpu.memory_space<vmem>>
      %dma_wait3A_127 = arith.constant 0 : i32
      %dma_wait3A_128 = arith.constant 0 : i32
      %dma_wait3A_129 = tpu.memref_slice %arg11[%dma_wait3A_127, %dma_wait3A_128] : memref<10240x128xf32, #tpu.memory_space<vmem_shared>> -> memref<10240x128xf32, #tpu.memory_space<vmem_shared>>
      tpu.wait_indirect_dma semaphore(%run_scoped3A_117 : memref<!tpu.dma_semaphore, #tpu.memory_space<semaphore_mem>>) src(%arg9 : memref<128x128xf32, #tpu.memory_space<vmem>>) dst(%dma_wait3A_129 : memref<10240x128xf32, #tpu.memory_space<vmem_shared>>)
      tpu.yield
    }) : () -> ()
    %barrier3A_111 = arith.constant 0 : index
    tpu.barrier barrier_id(%barrier3A_111)
    %scan3A_112 = arith.constant 0 : i32
    %scan3A_113 = arith.constant 20 : i32
    %scan3A_114 = arith.addi %scan3A_112, %scan3A_113 : i32
    %scan3A_115 = arith.constant 1 : i32
    scf.for %scan3A_117 = %scan3A_112 to %scan3A_114 step %scan3A_115  : i32 {
      %mul3A_118 = arith.constant 1 : i32
      %mul3A_119 = arith.muli %scan3A_117, %mul3A_118 : i32
      %add3A_120 = arith.constant 0 : i32
      %add3A_121 = arith.addi %add3A_120, %mul3A_119 : i32
      %mul3A_122 = arith.constant 640 : i32
      %mul3A_123 = arith.muli %arg1, %mul3A_122 : i32
      %mul3A_124 = arith.constant 32 : i32
      %mul3A_125 = arith.muli %add3A_121, %mul3A_124 : i32
      %add3A_126 = arith.addi %mul3A_123, %mul3A_125 : i32
      "tpu.region"() ({
        %run_scoped3A_127 = tpu.sem_alloc : memref<!tpu.dma_semaphore, #tpu.memory_space<semaphore_mem>>
        %dma_start3A_128 = arith.constant 0 : i32
        %dma_start3A_129 = arith.constant 0 : i32
        %dma_start3A_130 = tpu.memref_slice %arg5[%add3A_6, %dma_start3A_128, %dma_start3A_129] : memref<2x10240x128xf32, #tpu.memory_space<hbm>> -> memref<1x10240x128xf32, #tpu.memory_space<hbm>>
        %dma_start3A_131 = tpu.memref_squeeze %dma_start3A_130 : memref<1x10240x128xf32, #tpu.memory_space<hbm>> -> memref<10240x128xf32, #tpu.memory_space<hbm>>
        %dma_start3A_132 = arith.constant 0 : i32
        %dma_start3A_133 = tpu.memref_slice %dma_start3A_131[%add3A_126, %dma_start3A_132] : memref<10240x128xf32, #tpu.memory_space<hbm>> -> memref<32x128xf32, #tpu.memory_space<hbm>>
        %dma_start3A_134 = arith.constant 0 : i32
        %dma_start3A_135 = tpu.memref_slice %arg11[%add3A_126, %dma_start3A_134] : memref<10240x128xf32, #tpu.memory_space<vmem_shared>> -> memref<32x128xf32, #tpu.memory_space<vmem_shared>>
        tpu.enqueue_dma source(%dma_start3A_135 : memref<32x128xf32, #tpu.memory_space<vmem_shared>>) target(%dma_start3A_133 : memref<32x128xf32, #tpu.memory_space<hbm>>) target_semaphore(%run_scoped3A_127 : memref<!tpu.dma_semaphore, #tpu.memory_space<semaphore_mem>>)
        %dma_wait3A_136 = arith.constant 0 : i32
        %dma_wait3A_137 = arith.constant 0 : i32
        %dma_wait3A_138 = tpu.memref_slice %arg5[%add3A_6, %dma_wait3A_136, %dma_wait3A_137] : memref<2x10240x128xf32, #tpu.memory_space<hbm>> -> memref<1x10240x128xf32, #tpu.memory_space<hbm>>
        %dma_wait3A_139 = tpu.memref_squeeze %dma_wait3A_138 : memref<1x10240x128xf32, #tpu.memory_space<hbm>> -> memref<10240x128xf32, #tpu.memory_space<hbm>>
        %dma_wait3A_140 = arith.constant 0 : i32
        %dma_wait3A_141 = tpu.memref_slice %dma_wait3A_139[%add3A_126, %dma_wait3A_140] : memref<10240x128xf32, #tpu.memory_space<hbm>> -> memref<32x128xf32, #tpu.memory_space<hbm>>
        %dma_wait3A_142 = arith.constant 0 : i32
        %dma_wait3A_143 = tpu.memref_slice %arg11[%add3A_126, %dma_wait3A_142] : memref<10240x128xf32, #tpu.memory_space<vmem_shared>> -> memref<32x128xf32, #tpu.memory_space<vmem_shared>>
        tpu.wait_dma2 semaphore(%run_scoped3A_127 : memref<!tpu.dma_semaphore, #tpu.memory_space<semaphore_mem>>) src(%dma_wait3A_143 : memref<32x128xf32, #tpu.memory_space<vmem_shared>>) dst(%dma_wait3A_141 : memref<32x128xf32, #tpu.memory_space<hbm>>)
        tpu.yield
      }) : () -> ()
    }
    %scan3A_116 = arith.constant 20 : i32
    return
  }
}

#map = affine_map<(d0, d1) -> (0, 0)>
module attributes {stable_mosaic.version = 14 : i64} {
  func.func @_deg_body(%arg0: i32, %arg1: i32, %arg2: memref<32x5120xi32, #tpu.memory_space<hbm>>, %arg3: memref<2x10240xf32, #tpu.memory_space<hbm>>, %arg4: memref<5120xi32, #tpu.memory_space<vmem>>, %arg5: memref<10240xf32, #tpu.memory_space<vmem>>, %arg6: memref<640xf32, #tpu.memory_space<vmem>>, %arg7: memref<640xf32, #tpu.memory_space<vmem>>, %arg8: memref<16x10240xf32, #tpu.memory_space<vmem_shared>>) attributes {dimension_semantics = [#tpu.dimension_semantics<core_parallel>, #tpu.dimension_semantics<subcore_parallel>], iteration_bounds = array<i64: 2, 16>, scalar_prefetch = 0 : i64, scratch_operands = 5 : i64, tpu.core_type = #tpu.core_type<sc_vector_subcore>, window_params = [{transform_indices = #map}, {transform_indices = #map}]} {
    %mul3A = arith.constant 2 : i32
    %mul3A_0 = arith.muli %arg1, %mul3A : i32
    %add3A = arith.addi %mul3A_0, %arg0 : i32
    "tpu.region"() ({
      %run_scoped3A_147 = tpu.sem_alloc : memref<!tpu.dma_semaphore, #tpu.memory_space<semaphore_mem>>
      %dma_start3A = arith.constant 0 : i32
      %dma_start3A_148 = tpu.memref_slice %arg2[%add3A, %dma_start3A] : memref<32x5120xi32, #tpu.memory_space<hbm>> -> memref<1x5120xi32, #tpu.memory_space<hbm>>
      %dma_start3A_149 = tpu.memref_squeeze %dma_start3A_148 : memref<1x5120xi32, #tpu.memory_space<hbm>> -> memref<5120xi32, #tpu.memory_space<hbm>>
      %dma_start3A_150 = arith.constant 0 : i32
      %dma_start3A_151 = tpu.memref_slice %arg2[%add3A, %dma_start3A_150] : memref<32x5120xi32, #tpu.memory_space<hbm>> -> memref<1x5120xi32, #tpu.memory_space<hbm>>
      %dma_start3A_152 = tpu.memref_squeeze %dma_start3A_151 : memref<1x5120xi32, #tpu.memory_space<hbm>> -> memref<5120xi32, #tpu.memory_space<hbm>>
      tpu.enqueue_dma source(%dma_start3A_152 : memref<5120xi32, #tpu.memory_space<hbm>>) target(%arg4 : memref<5120xi32, #tpu.memory_space<vmem>>) target_semaphore(%run_scoped3A_147 : memref<!tpu.dma_semaphore, #tpu.memory_space<semaphore_mem>>)
      %dma_wait3A = arith.constant 0 : i32
      %dma_wait3A_153 = tpu.memref_slice %arg2[%add3A, %dma_wait3A] : memref<32x5120xi32, #tpu.memory_space<hbm>> -> memref<1x5120xi32, #tpu.memory_space<hbm>>
      %dma_wait3A_154 = tpu.memref_squeeze %dma_wait3A_153 : memref<1x5120xi32, #tpu.memory_space<hbm>> -> memref<5120xi32, #tpu.memory_space<hbm>>
      %dma_wait3A_155 = arith.constant 0 : i32
      %dma_wait3A_156 = tpu.memref_slice %arg2[%add3A, %dma_wait3A_155] : memref<32x5120xi32, #tpu.memory_space<hbm>> -> memref<1x5120xi32, #tpu.memory_space<hbm>>
      %dma_wait3A_157 = tpu.memref_squeeze %dma_wait3A_156 : memref<1x5120xi32, #tpu.memory_space<hbm>> -> memref<5120xi32, #tpu.memory_space<hbm>>
      tpu.wait_dma2 semaphore(%run_scoped3A_147 : memref<!tpu.dma_semaphore, #tpu.memory_space<semaphore_mem>>) src(%dma_wait3A_157 : memref<5120xi32, #tpu.memory_space<hbm>>) dst(%arg4 : memref<5120xi32, #tpu.memory_space<vmem>>)
      tpu.yield
    }) : () -> ()
    %broadcast_in_dim3A = arith.constant 0.000000e+00 : f32
    %broadcast_in_dim3A_1 = vector.broadcast %broadcast_in_dim3A : f32 to vector<16xf32>
    %scan3A = arith.constant 0 : i32
    %scan3A_2 = arith.constant 640 : i32
    %scan3A_3 = arith.addi %scan3A, %scan3A_2 : i32
    %scan3A_4 = arith.constant 1 : i32
    scf.for %scan3A_147 = %scan3A to %scan3A_3 step %scan3A_4  : i32 {
      %mul3A_148 = arith.constant 1 : i32
      %mul3A_149 = arith.muli %scan3A_147, %mul3A_148 : i32
      %add3A_150 = arith.constant 0 : i32
      %add3A_151 = arith.addi %add3A_150, %mul3A_149 : i32
      %mul3A_152 = arith.constant 16 : i32
      %mul3A_153 = arith.muli %add3A_151, %mul3A_152 : i32
      %swap3A = arith.index_cast %mul3A_153 : i32 to index
      %swap3A_154 = tpu.vector_load %arg5[%swap3A] {strides = array<i32>} : memref<10240xf32, #tpu.memory_space<vmem>>, vector<16xf32>,
      tpu.vector_store %arg5[%swap3A], %broadcast_in_dim3A_1 {strides = array<i32>} : memref<10240xf32, #tpu.memory_space<vmem>>, vector<16xf32>,
    }
    %scan3A_5 = arith.constant 640 : i32
    %broadcast_in_dim3A_6 = arith.constant 1.000000e+00 : f32
    %broadcast_in_dim3A_7 = vector.broadcast %broadcast_in_dim3A_6 : f32 to vector<16xf32>
    %scan3A_8 = arith.constant 0 : i32
    %scan3A_9 = arith.constant 320 : i32
    %scan3A_10 = arith.addi %scan3A_8, %scan3A_9 : i32
    %scan3A_11 = arith.constant 1 : i32
    scf.for %scan3A_147 = %scan3A_8 to %scan3A_10 step %scan3A_11  : i32 {
      %mul3A_148 = arith.constant 1 : i32
      %mul3A_149 = arith.muli %scan3A_147, %mul3A_148 : i32
      %add3A_150 = arith.constant 0 : i32
      %add3A_151 = arith.addi %add3A_150, %mul3A_149 : i32
      %mul3A_152 = arith.constant 16 : i32
      %mul3A_153 = arith.muli %add3A_151, %mul3A_152 : i32
      %get3A = arith.index_cast %mul3A_153 : i32 to index
      %get3A_154 = tpu.vector_load %arg4[%get3A] {strides = array<i32>} : memref<5120xi32, #tpu.memory_space<vmem>>, vector<16xi32>,
      tpu.vector_store_idx %arg5[%get3A_154], %broadcast_in_dim3A_7 {add = true} : memref<10240xf32, #tpu.memory_space<vmem>>[vector<16xi32>], vector<16xf32>,
    }
    %scan3A_12 = arith.constant 320 : i32
    "tpu.region"() ({
      %run_scoped3A_147 = tpu.sem_alloc : memref<!tpu.dma_semaphore, #tpu.memory_space<semaphore_mem>>
      %dma_start3A = arith.constant 0 : i32
      %dma_start3A_148 = tpu.memref_slice %arg8[%arg1, %dma_start3A] : memref<16x10240xf32, #tpu.memory_space<vmem_shared>> -> memref<1x10240xf32, #tpu.memory_space<vmem_shared>>
      %dma_start3A_149 = tpu.memref_squeeze %dma_start3A_148 : memref<1x10240xf32, #tpu.memory_space<vmem_shared>> -> memref<10240xf32, #tpu.memory_space<vmem_shared>>
      %dma_start3A_150 = arith.constant 0 : i32
      %dma_start3A_151 = tpu.memref_slice %arg8[%arg1, %dma_start3A_150] : memref<16x10240xf32, #tpu.memory_space<vmem_shared>> -> memref<1x10240xf32, #tpu.memory_space<vmem_shared>>
      %dma_start3A_152 = tpu.memref_squeeze %dma_start3A_151 : memref<1x10240xf32, #tpu.memory_space<vmem_shared>> -> memref<10240xf32, #tpu.memory_space<vmem_shared>>
      tpu.enqueue_dma source(%arg5 : memref<10240xf32, #tpu.memory_space<vmem>>) target(%dma_start3A_152 : memref<10240xf32, #tpu.memory_space<vmem_shared>>) target_semaphore(%run_scoped3A_147 : memref<!tpu.dma_semaphore, #tpu.memory_space<semaphore_mem>>)
      %dma_wait3A = arith.constant 0 : i32
      %dma_wait3A_153 = tpu.memref_slice %arg8[%arg1, %dma_wait3A] : memref<16x10240xf32, #tpu.memory_space<vmem_shared>> -> memref<1x10240xf32, #tpu.memory_space<vmem_shared>>
      %dma_wait3A_154 = tpu.memref_squeeze %dma_wait3A_153 : memref<1x10240xf32, #tpu.memory_space<vmem_shared>> -> memref<10240xf32, #tpu.memory_space<vmem_shared>>
      %dma_wait3A_155 = arith.constant 0 : i32
      %dma_wait3A_156 = tpu.memref_slice %arg8[%arg1, %dma_wait3A_155] : memref<16x10240xf32, #tpu.memory_space<vmem_shared>> -> memref<1x10240xf32, #tpu.memory_space<vmem_shared>>
      %dma_wait3A_157 = tpu.memref_squeeze %dma_wait3A_156 : memref<1x10240xf32, #tpu.memory_space<vmem_shared>> -> memref<10240xf32, #tpu.memory_space<vmem_shared>>
      tpu.wait_dma2 semaphore(%run_scoped3A_147 : memref<!tpu.dma_semaphore, #tpu.memory_space<semaphore_mem>>) src(%arg5 : memref<10240xf32, #tpu.memory_space<vmem>>) dst(%dma_wait3A_157 : memref<10240xf32, #tpu.memory_space<vmem_shared>>)
      tpu.yield
    }) : () -> ()
    %barrier3A = arith.constant 0 : index
    tpu.barrier barrier_id(%barrier3A)
    %scan3A_13 = arith.constant 0 : i32
    %scan3A_14 = arith.constant 40 : i32
    %scan3A_15 = arith.addi %scan3A_13, %scan3A_14 : i32
    %scan3A_16 = arith.constant 1 : i32
    scf.for %scan3A_147 = %scan3A_13 to %scan3A_15 step %scan3A_16  : i32 {
      %mul3A_148 = arith.constant 1 : i32
      %mul3A_149 = arith.muli %scan3A_147, %mul3A_148 : i32
      %add3A_150 = arith.constant 0 : i32
      %add3A_151 = arith.addi %add3A_150, %mul3A_149 : i32
      %mul3A_152 = arith.constant 16 : i32
      %mul3A_153 = arith.muli %add3A_151, %mul3A_152 : i32
      %swap3A = arith.index_cast %mul3A_153 : i32 to index
      %swap3A_154 = tpu.vector_load %arg7[%swap3A] {strides = array<i32>} : memref<640xf32, #tpu.memory_space<vmem>>, vector<16xf32>,
      tpu.vector_store %arg7[%swap3A], %broadcast_in_dim3A_1 {strides = array<i32>} : memref<640xf32, #tpu.memory_space<vmem>>, vector<16xf32>,
    }
    %scan3A_17 = arith.constant 40 : i32
    %mul3A_18 = arith.constant 640 : i32
    %mul3A_19 = arith.muli %arg1, %mul3A_18 : i32
    %run_scoped3A = arith.constant 0 : i32
    "tpu.region"() ({
      %run_scoped3A_147 = tpu.sem_alloc : memref<!tpu.dma_semaphore, #tpu.memory_space<semaphore_mem>>
      %dma_start3A = arith.constant 0 : i32
      %dma_start3A_148 = tpu.memref_slice %arg8[%run_scoped3A, %dma_start3A] : memref<16x10240xf32, #tpu.memory_space<vmem_shared>> -> memref<1x10240xf32, #tpu.memory_space<vmem_shared>>
      %dma_start3A_149 = tpu.memref_squeeze %dma_start3A_148 : memref<1x10240xf32, #tpu.memory_space<vmem_shared>> -> memref<10240xf32, #tpu.memory_space<vmem_shared>>
      %dma_start3A_150 = tpu.memref_slice %dma_start3A_149[%mul3A_19] : memref<10240xf32, #tpu.memory_space<vmem_shared>> -> memref<640xf32, #tpu.memory_space<vmem_shared>>
      %dma_start3A_151 = arith.constant 0 : i32
      %dma_start3A_152 = tpu.memref_slice %arg8[%run_scoped3A, %dma_start3A_151] : memref<16x10240xf32, #tpu.memory_space<vmem_shared>> -> memref<1x10240xf32, #tpu.memory_space<vmem_shared>>
      %dma_start3A_153 = tpu.memref_squeeze %dma_start3A_152 : memref<1x10240xf32, #tpu.memory_space<vmem_shared>> -> memref<10240xf32, #tpu.memory_space<vmem_shared>>
      %dma_start3A_154 = tpu.memref_slice %dma_start3A_153[%mul3A_19] : memref<10240xf32, #tpu.memory_space<vmem_shared>> -> memref<640xf32, #tpu.memory_space<vmem_shared>>
      tpu.enqueue_dma source(%dma_start3A_154 : memref<640xf32, #tpu.memory_space<vmem_shared>>) target(%arg6 : memref<640xf32, #tpu.memory_space<vmem>>) target_semaphore(%run_scoped3A_147 : memref<!tpu.dma_semaphore, #tpu.memory_space<semaphore_mem>>)
      %dma_wait3A = arith.constant 0 : i32
      %dma_wait3A_155 = tpu.memref_slice %arg8[%run_scoped3A, %dma_wait3A] : memref<16x10240xf32, #tpu.memory_space<vmem_shared>> -> memref<1x10240xf32, #tpu.memory_space<vmem_shared>>
      %dma_wait3A_156 = tpu.memref_squeeze %dma_wait3A_155 : memref<1x10240xf32, #tpu.memory_space<vmem_shared>> -> memref<10240xf32, #tpu.memory_space<vmem_shared>>
      %dma_wait3A_157 = tpu.memref_slice %dma_wait3A_156[%mul3A_19] : memref<10240xf32, #tpu.memory_space<vmem_shared>> -> memref<640xf32, #tpu.memory_space<vmem_shared>>
      %dma_wait3A_158 = arith.constant 0 : i32
      %dma_wait3A_159 = tpu.memref_slice %arg8[%run_scoped3A, %dma_wait3A_158] : memref<16x10240xf32, #tpu.memory_space<vmem_shared>> -> memref<1x10240xf32, #tpu.memory_space<vmem_shared>>
      %dma_wait3A_160 = tpu.memref_squeeze %dma_wait3A_159 : memref<1x10240xf32, #tpu.memory_space<vmem_shared>> -> memref<10240xf32, #tpu.memory_space<vmem_shared>>
      %dma_wait3A_161 = tpu.memref_slice %dma_wait3A_160[%mul3A_19] : memref<10240xf32, #tpu.memory_space<vmem_shared>> -> memref<640xf32, #tpu.memory_space<vmem_shared>>
      tpu.wait_dma2 semaphore(%run_scoped3A_147 : memref<!tpu.dma_semaphore, #tpu.memory_space<semaphore_mem>>) src(%dma_wait3A_161 : memref<640xf32, #tpu.memory_space<vmem_shared>>) dst(%arg6 : memref<640xf32, #tpu.memory_space<vmem>>)
      tpu.yield
    }) : () -> ()
    %scan3A_20 = arith.constant 0 : i32
    %scan3A_21 = arith.constant 40 : i32
    %scan3A_22 = arith.addi %scan3A_20, %scan3A_21 : i32
    %scan3A_23 = arith.constant 1 : i32
    scf.for %scan3A_147 = %scan3A_20 to %scan3A_22 step %scan3A_23  : i32 {
      %mul3A_148 = arith.constant 1 : i32
      %mul3A_149 = arith.muli %scan3A_147, %mul3A_148 : i32
      %add3A_150 = arith.constant 0 : i32
      %add3A_151 = arith.addi %add3A_150, %mul3A_149 : i32
      %mul3A_152 = arith.constant 16 : i32
      %mul3A_153 = arith.muli %add3A_151, %mul3A_152 : i32
      %get3A = arith.index_cast %mul3A_153 : i32 to index
      %get3A_154 = tpu.vector_load %arg7[%get3A] {strides = array<i32>} : memref<640xf32, #tpu.memory_space<vmem>>, vector<16xf32>,
      %get3A_155 = arith.index_cast %mul3A_153 : i32 to index
      %get3A_156 = tpu.vector_load %arg6[%get3A_155] {strides = array<i32>} : memref<640xf32, #tpu.memory_space<vmem>>, vector<16xf32>,
      %add3A_157 = arith.addf %get3A_154, %get3A_156 : vector<16xf32>
      %swap3A = arith.index_cast %mul3A_153 : i32 to index
      %swap3A_158 = tpu.vector_load %arg7[%swap3A] {strides = array<i32>} : memref<640xf32, #tpu.memory_space<vmem>>, vector<16xf32>,
      tpu.vector_store %arg7[%swap3A], %add3A_157 {strides = array<i32>} : memref<640xf32, #tpu.memory_space<vmem>>, vector<16xf32>,
    }
    %scan3A_24 = arith.constant 40 : i32
    %mul3A_25 = arith.constant 640 : i32
    %mul3A_26 = arith.muli %arg1, %mul3A_25 : i32
    %run_scoped3A_27 = arith.constant 1 : i32
    "tpu.region"() ({
      %run_scoped3A_147 = tpu.sem_alloc : memref<!tpu.dma_semaphore, #tpu.memory_space<semaphore_mem>>
      %dma_start3A = arith.constant 0 : i32
      %dma_start3A_148 = tpu.memref_slice %arg8[%run_scoped3A_27, %dma_start3A] : memref<16x10240xf32, #tpu.memory_space<vmem_shared>> -> memref<1x10240xf32, #tpu.memory_space<vmem_shared>>
      %dma_start3A_149 = tpu.memref_squeeze %dma_start3A_148 : memref<1x10240xf32, #tpu.memory_space<vmem_shared>> -> memref<10240xf32, #tpu.memory_space<vmem_shared>>
      %dma_start3A_150 = tpu.memref_slice %dma_start3A_149[%mul3A_26] : memref<10240xf32, #tpu.memory_space<vmem_shared>> -> memref<640xf32, #tpu.memory_space<vmem_shared>>
      %dma_start3A_151 = arith.constant 0 : i32
      %dma_start3A_152 = tpu.memref_slice %arg8[%run_scoped3A_27, %dma_start3A_151] : memref<16x10240xf32, #tpu.memory_space<vmem_shared>> -> memref<1x10240xf32, #tpu.memory_space<vmem_shared>>
      %dma_start3A_153 = tpu.memref_squeeze %dma_start3A_152 : memref<1x10240xf32, #tpu.memory_space<vmem_shared>> -> memref<10240xf32, #tpu.memory_space<vmem_shared>>
      %dma_start3A_154 = tpu.memref_slice %dma_start3A_153[%mul3A_26] : memref<10240xf32, #tpu.memory_space<vmem_shared>> -> memref<640xf32, #tpu.memory_space<vmem_shared>>
      tpu.enqueue_dma source(%dma_start3A_154 : memref<640xf32, #tpu.memory_space<vmem_shared>>) target(%arg6 : memref<640xf32, #tpu.memory_space<vmem>>) target_semaphore(%run_scoped3A_147 : memref<!tpu.dma_semaphore, #tpu.memory_space<semaphore_mem>>)
      %dma_wait3A = arith.constant 0 : i32
      %dma_wait3A_155 = tpu.memref_slice %arg8[%run_scoped3A_27, %dma_wait3A] : memref<16x10240xf32, #tpu.memory_space<vmem_shared>> -> memref<1x10240xf32, #tpu.memory_space<vmem_shared>>
      %dma_wait3A_156 = tpu.memref_squeeze %dma_wait3A_155 : memref<1x10240xf32, #tpu.memory_space<vmem_shared>> -> memref<10240xf32, #tpu.memory_space<vmem_shared>>
      %dma_wait3A_157 = tpu.memref_slice %dma_wait3A_156[%mul3A_26] : memref<10240xf32, #tpu.memory_space<vmem_shared>> -> memref<640xf32, #tpu.memory_space<vmem_shared>>
      %dma_wait3A_158 = arith.constant 0 : i32
      %dma_wait3A_159 = tpu.memref_slice %arg8[%run_scoped3A_27, %dma_wait3A_158] : memref<16x10240xf32, #tpu.memory_space<vmem_shared>> -> memref<1x10240xf32, #tpu.memory_space<vmem_shared>>
      %dma_wait3A_160 = tpu.memref_squeeze %dma_wait3A_159 : memref<1x10240xf32, #tpu.memory_space<vmem_shared>> -> memref<10240xf32, #tpu.memory_space<vmem_shared>>
      %dma_wait3A_161 = tpu.memref_slice %dma_wait3A_160[%mul3A_26] : memref<10240xf32, #tpu.memory_space<vmem_shared>> -> memref<640xf32, #tpu.memory_space<vmem_shared>>
      tpu.wait_dma2 semaphore(%run_scoped3A_147 : memref<!tpu.dma_semaphore, #tpu.memory_space<semaphore_mem>>) src(%dma_wait3A_161 : memref<640xf32, #tpu.memory_space<vmem_shared>>) dst(%arg6 : memref<640xf32, #tpu.memory_space<vmem>>)
      tpu.yield
    }) : () -> ()
    %scan3A_28 = arith.constant 0 : i32
    %scan3A_29 = arith.constant 40 : i32
    %scan3A_30 = arith.addi %scan3A_28, %scan3A_29 : i32
    %scan3A_31 = arith.constant 1 : i32
    scf.for %scan3A_147 = %scan3A_28 to %scan3A_30 step %scan3A_31  : i32 {
      %mul3A_148 = arith.constant 1 : i32
      %mul3A_149 = arith.muli %scan3A_147, %mul3A_148 : i32
      %add3A_150 = arith.constant 0 : i32
      %add3A_151 = arith.addi %add3A_150, %mul3A_149 : i32
      %mul3A_152 = arith.constant 16 : i32
      %mul3A_153 = arith.muli %add3A_151, %mul3A_152 : i32
      %get3A = arith.index_cast %mul3A_153 : i32 to index
      %get3A_154 = tpu.vector_load %arg7[%get3A] {strides = array<i32>} : memref<640xf32, #tpu.memory_space<vmem>>, vector<16xf32>,
      %get3A_155 = arith.index_cast %mul3A_153 : i32 to index
      %get3A_156 = tpu.vector_load %arg6[%get3A_155] {strides = array<i32>} : memref<640xf32, #tpu.memory_space<vmem>>, vector<16xf32>,
      %add3A_157 = arith.addf %get3A_154, %get3A_156 : vector<16xf32>
      %swap3A = arith.index_cast %mul3A_153 : i32 to index
      %swap3A_158 = tpu.vector_load %arg7[%swap3A] {strides = array<i32>} : memref<640xf32, #tpu.memory_space<vmem>>, vector<16xf32>,
      tpu.vector_store %arg7[%swap3A], %add3A_157 {strides = array<i32>} : memref<640xf32, #tpu.memory_space<vmem>>, vector<16xf32>,
    }
    %scan3A_32 = arith.constant 40 : i32
    %mul3A_33 = arith.constant 640 : i32
    %mul3A_34 = arith.muli %arg1, %mul3A_33 : i32
    %run_scoped3A_35 = arith.constant 2 : i32
    "tpu.region"() ({
      %run_scoped3A_147 = tpu.sem_alloc : memref<!tpu.dma_semaphore, #tpu.memory_space<semaphore_mem>>
      %dma_start3A = arith.constant 0 : i32
      %dma_start3A_148 = tpu.memref_slice %arg8[%run_scoped3A_35, %dma_start3A] : memref<16x10240xf32, #tpu.memory_space<vmem_shared>> -> memref<1x10240xf32, #tpu.memory_space<vmem_shared>>
      %dma_start3A_149 = tpu.memref_squeeze %dma_start3A_148 : memref<1x10240xf32, #tpu.memory_space<vmem_shared>> -> memref<10240xf32, #tpu.memory_space<vmem_shared>>
      %dma_start3A_150 = tpu.memref_slice %dma_start3A_149[%mul3A_34] : memref<10240xf32, #tpu.memory_space<vmem_shared>> -> memref<640xf32, #tpu.memory_space<vmem_shared>>
      %dma_start3A_151 = arith.constant 0 : i32
      %dma_start3A_152 = tpu.memref_slice %arg8[%run_scoped3A_35, %dma_start3A_151] : memref<16x10240xf32, #tpu.memory_space<vmem_shared>> -> memref<1x10240xf32, #tpu.memory_space<vmem_shared>>
      %dma_start3A_153 = tpu.memref_squeeze %dma_start3A_152 : memref<1x10240xf32, #tpu.memory_space<vmem_shared>> -> memref<10240xf32, #tpu.memory_space<vmem_shared>>
      %dma_start3A_154 = tpu.memref_slice %dma_start3A_153[%mul3A_34] : memref<10240xf32, #tpu.memory_space<vmem_shared>> -> memref<640xf32, #tpu.memory_space<vmem_shared>>
      tpu.enqueue_dma source(%dma_start3A_154 : memref<640xf32, #tpu.memory_space<vmem_shared>>) target(%arg6 : memref<640xf32, #tpu.memory_space<vmem>>) target_semaphore(%run_scoped3A_147 : memref<!tpu.dma_semaphore, #tpu.memory_space<semaphore_mem>>)
      %dma_wait3A = arith.constant 0 : i32
      %dma_wait3A_155 = tpu.memref_slice %arg8[%run_scoped3A_35, %dma_wait3A] : memref<16x10240xf32, #tpu.memory_space<vmem_shared>> -> memref<1x10240xf32, #tpu.memory_space<vmem_shared>>
      %dma_wait3A_156 = tpu.memref_squeeze %dma_wait3A_155 : memref<1x10240xf32, #tpu.memory_space<vmem_shared>> -> memref<10240xf32, #tpu.memory_space<vmem_shared>>
      %dma_wait3A_157 = tpu.memref_slice %dma_wait3A_156[%mul3A_34] : memref<10240xf32, #tpu.memory_space<vmem_shared>> -> memref<640xf32, #tpu.memory_space<vmem_shared>>
      %dma_wait3A_158 = arith.constant 0 : i32
      %dma_wait3A_159 = tpu.memref_slice %arg8[%run_scoped3A_35, %dma_wait3A_158] : memref<16x10240xf32, #tpu.memory_space<vmem_shared>> -> memref<1x10240xf32, #tpu.memory_space<vmem_shared>>
      %dma_wait3A_160 = tpu.memref_squeeze %dma_wait3A_159 : memref<1x10240xf32, #tpu.memory_space<vmem_shared>> -> memref<10240xf32, #tpu.memory_space<vmem_shared>>
      %dma_wait3A_161 = tpu.memref_slice %dma_wait3A_160[%mul3A_34] : memref<10240xf32, #tpu.memory_space<vmem_shared>> -> memref<640xf32, #tpu.memory_space<vmem_shared>>
      tpu.wait_dma2 semaphore(%run_scoped3A_147 : memref<!tpu.dma_semaphore, #tpu.memory_space<semaphore_mem>>) src(%dma_wait3A_161 : memref<640xf32, #tpu.memory_space<vmem_shared>>) dst(%arg6 : memref<640xf32, #tpu.memory_space<vmem>>)
      tpu.yield
    }) : () -> ()
    %scan3A_36 = arith.constant 0 : i32
    %scan3A_37 = arith.constant 40 : i32
    %scan3A_38 = arith.addi %scan3A_36, %scan3A_37 : i32
    %scan3A_39 = arith.constant 1 : i32
    scf.for %scan3A_147 = %scan3A_36 to %scan3A_38 step %scan3A_39  : i32 {
      %mul3A_148 = arith.constant 1 : i32
      %mul3A_149 = arith.muli %scan3A_147, %mul3A_148 : i32
      %add3A_150 = arith.constant 0 : i32
      %add3A_151 = arith.addi %add3A_150, %mul3A_149 : i32
      %mul3A_152 = arith.constant 16 : i32
      %mul3A_153 = arith.muli %add3A_151, %mul3A_152 : i32
      %get3A = arith.index_cast %mul3A_153 : i32 to index
      %get3A_154 = tpu.vector_load %arg7[%get3A] {strides = array<i32>} : memref<640xf32, #tpu.memory_space<vmem>>, vector<16xf32>,
      %get3A_155 = arith.index_cast %mul3A_153 : i32 to index
      %get3A_156 = tpu.vector_load %arg6[%get3A_155] {strides = array<i32>} : memref<640xf32, #tpu.memory_space<vmem>>, vector<16xf32>,
      %add3A_157 = arith.addf %get3A_154, %get3A_156 : vector<16xf32>
      %swap3A = arith.index_cast %mul3A_153 : i32 to index
      %swap3A_158 = tpu.vector_load %arg7[%swap3A] {strides = array<i32>} : memref<640xf32, #tpu.memory_space<vmem>>, vector<16xf32>,
      tpu.vector_store %arg7[%swap3A], %add3A_157 {strides = array<i32>} : memref<640xf32, #tpu.memory_space<vmem>>, vector<16xf32>,
    }
    %scan3A_40 = arith.constant 40 : i32
    %mul3A_41 = arith.constant 640 : i32
    %mul3A_42 = arith.muli %arg1, %mul3A_41 : i32
    %run_scoped3A_43 = arith.constant 3 : i32
    "tpu.region"() ({
      %run_scoped3A_147 = tpu.sem_alloc : memref<!tpu.dma_semaphore, #tpu.memory_space<semaphore_mem>>
      %dma_start3A = arith.constant 0 : i32
      %dma_start3A_148 = tpu.memref_slice %arg8[%run_scoped3A_43, %dma_start3A] : memref<16x10240xf32, #tpu.memory_space<vmem_shared>> -> memref<1x10240xf32, #tpu.memory_space<vmem_shared>>
      %dma_start3A_149 = tpu.memref_squeeze %dma_start3A_148 : memref<1x10240xf32, #tpu.memory_space<vmem_shared>> -> memref<10240xf32, #tpu.memory_space<vmem_shared>>
      %dma_start3A_150 = tpu.memref_slice %dma_start3A_149[%mul3A_42] : memref<10240xf32, #tpu.memory_space<vmem_shared>> -> memref<640xf32, #tpu.memory_space<vmem_shared>>
      %dma_start3A_151 = arith.constant 0 : i32
      %dma_start3A_152 = tpu.memref_slice %arg8[%run_scoped3A_43, %dma_start3A_151] : memref<16x10240xf32, #tpu.memory_space<vmem_shared>> -> memref<1x10240xf32, #tpu.memory_space<vmem_shared>>
      %dma_start3A_153 = tpu.memref_squeeze %dma_start3A_152 : memref<1x10240xf32, #tpu.memory_space<vmem_shared>> -> memref<10240xf32, #tpu.memory_space<vmem_shared>>
      %dma_start3A_154 = tpu.memref_slice %dma_start3A_153[%mul3A_42] : memref<10240xf32, #tpu.memory_space<vmem_shared>> -> memref<640xf32, #tpu.memory_space<vmem_shared>>
      tpu.enqueue_dma source(%dma_start3A_154 : memref<640xf32, #tpu.memory_space<vmem_shared>>) target(%arg6 : memref<640xf32, #tpu.memory_space<vmem>>) target_semaphore(%run_scoped3A_147 : memref<!tpu.dma_semaphore, #tpu.memory_space<semaphore_mem>>)
      %dma_wait3A = arith.constant 0 : i32
      %dma_wait3A_155 = tpu.memref_slice %arg8[%run_scoped3A_43, %dma_wait3A] : memref<16x10240xf32, #tpu.memory_space<vmem_shared>> -> memref<1x10240xf32, #tpu.memory_space<vmem_shared>>
      %dma_wait3A_156 = tpu.memref_squeeze %dma_wait3A_155 : memref<1x10240xf32, #tpu.memory_space<vmem_shared>> -> memref<10240xf32, #tpu.memory_space<vmem_shared>>
      %dma_wait3A_157 = tpu.memref_slice %dma_wait3A_156[%mul3A_42] : memref<10240xf32, #tpu.memory_space<vmem_shared>> -> memref<640xf32, #tpu.memory_space<vmem_shared>>
      %dma_wait3A_158 = arith.constant 0 : i32
      %dma_wait3A_159 = tpu.memref_slice %arg8[%run_scoped3A_43, %dma_wait3A_158] : memref<16x10240xf32, #tpu.memory_space<vmem_shared>> -> memref<1x10240xf32, #tpu.memory_space<vmem_shared>>
      %dma_wait3A_160 = tpu.memref_squeeze %dma_wait3A_159 : memref<1x10240xf32, #tpu.memory_space<vmem_shared>> -> memref<10240xf32, #tpu.memory_space<vmem_shared>>
      %dma_wait3A_161 = tpu.memref_slice %dma_wait3A_160[%mul3A_42] : memref<10240xf32, #tpu.memory_space<vmem_shared>> -> memref<640xf32, #tpu.memory_space<vmem_shared>>
      tpu.wait_dma2 semaphore(%run_scoped3A_147 : memref<!tpu.dma_semaphore, #tpu.memory_space<semaphore_mem>>) src(%dma_wait3A_161 : memref<640xf32, #tpu.memory_space<vmem_shared>>) dst(%arg6 : memref<640xf32, #tpu.memory_space<vmem>>)
      tpu.yield
    }) : () -> ()
    %scan3A_44 = arith.constant 0 : i32
    %scan3A_45 = arith.constant 40 : i32
    %scan3A_46 = arith.addi %scan3A_44, %scan3A_45 : i32
    %scan3A_47 = arith.constant 1 : i32
    scf.for %scan3A_147 = %scan3A_44 to %scan3A_46 step %scan3A_47  : i32 {
      %mul3A_148 = arith.constant 1 : i32
      %mul3A_149 = arith.muli %scan3A_147, %mul3A_148 : i32
      %add3A_150 = arith.constant 0 : i32
      %add3A_151 = arith.addi %add3A_150, %mul3A_149 : i32
      %mul3A_152 = arith.constant 16 : i32
      %mul3A_153 = arith.muli %add3A_151, %mul3A_152 : i32
      %get3A = arith.index_cast %mul3A_153 : i32 to index
      %get3A_154 = tpu.vector_load %arg7[%get3A] {strides = array<i32>} : memref<640xf32, #tpu.memory_space<vmem>>, vector<16xf32>,
      %get3A_155 = arith.index_cast %mul3A_153 : i32 to index
      %get3A_156 = tpu.vector_load %arg6[%get3A_155] {strides = array<i32>} : memref<640xf32, #tpu.memory_space<vmem>>, vector<16xf32>,
      %add3A_157 = arith.addf %get3A_154, %get3A_156 : vector<16xf32>
      %swap3A = arith.index_cast %mul3A_153 : i32 to index
      %swap3A_158 = tpu.vector_load %arg7[%swap3A] {strides = array<i32>} : memref<640xf32, #tpu.memory_space<vmem>>, vector<16xf32>,
      tpu.vector_store %arg7[%swap3A], %add3A_157 {strides = array<i32>} : memref<640xf32, #tpu.memory_space<vmem>>, vector<16xf32>,
    }
    %scan3A_48 = arith.constant 40 : i32
    %mul3A_49 = arith.constant 640 : i32
    %mul3A_50 = arith.muli %arg1, %mul3A_49 : i32
    %run_scoped3A_51 = arith.constant 4 : i32
    "tpu.region"() ({
      %run_scoped3A_147 = tpu.sem_alloc : memref<!tpu.dma_semaphore, #tpu.memory_space<semaphore_mem>>
      %dma_start3A = arith.constant 0 : i32
      %dma_start3A_148 = tpu.memref_slice %arg8[%run_scoped3A_51, %dma_start3A] : memref<16x10240xf32, #tpu.memory_space<vmem_shared>> -> memref<1x10240xf32, #tpu.memory_space<vmem_shared>>
      %dma_start3A_149 = tpu.memref_squeeze %dma_start3A_148 : memref<1x10240xf32, #tpu.memory_space<vmem_shared>> -> memref<10240xf32, #tpu.memory_space<vmem_shared>>
      %dma_start3A_150 = tpu.memref_slice %dma_start3A_149[%mul3A_50] : memref<10240xf32, #tpu.memory_space<vmem_shared>> -> memref<640xf32, #tpu.memory_space<vmem_shared>>
      %dma_start3A_151 = arith.constant 0 : i32
      %dma_start3A_152 = tpu.memref_slice %arg8[%run_scoped3A_51, %dma_start3A_151] : memref<16x10240xf32, #tpu.memory_space<vmem_shared>> -> memref<1x10240xf32, #tpu.memory_space<vmem_shared>>
      %dma_start3A_153 = tpu.memref_squeeze %dma_start3A_152 : memref<1x10240xf32, #tpu.memory_space<vmem_shared>> -> memref<10240xf32, #tpu.memory_space<vmem_shared>>
      %dma_start3A_154 = tpu.memref_slice %dma_start3A_153[%mul3A_50] : memref<10240xf32, #tpu.memory_space<vmem_shared>> -> memref<640xf32, #tpu.memory_space<vmem_shared>>
      tpu.enqueue_dma source(%dma_start3A_154 : memref<640xf32, #tpu.memory_space<vmem_shared>>) target(%arg6 : memref<640xf32, #tpu.memory_space<vmem>>) target_semaphore(%run_scoped3A_147 : memref<!tpu.dma_semaphore, #tpu.memory_space<semaphore_mem>>)
      %dma_wait3A = arith.constant 0 : i32
      %dma_wait3A_155 = tpu.memref_slice %arg8[%run_scoped3A_51, %dma_wait3A] : memref<16x10240xf32, #tpu.memory_space<vmem_shared>> -> memref<1x10240xf32, #tpu.memory_space<vmem_shared>>
      %dma_wait3A_156 = tpu.memref_squeeze %dma_wait3A_155 : memref<1x10240xf32, #tpu.memory_space<vmem_shared>> -> memref<10240xf32, #tpu.memory_space<vmem_shared>>
      %dma_wait3A_157 = tpu.memref_slice %dma_wait3A_156[%mul3A_50] : memref<10240xf32, #tpu.memory_space<vmem_shared>> -> memref<640xf32, #tpu.memory_space<vmem_shared>>
      %dma_wait3A_158 = arith.constant 0 : i32
      %dma_wait3A_159 = tpu.memref_slice %arg8[%run_scoped3A_51, %dma_wait3A_158] : memref<16x10240xf32, #tpu.memory_space<vmem_shared>> -> memref<1x10240xf32, #tpu.memory_space<vmem_shared>>
      %dma_wait3A_160 = tpu.memref_squeeze %dma_wait3A_159 : memref<1x10240xf32, #tpu.memory_space<vmem_shared>> -> memref<10240xf32, #tpu.memory_space<vmem_shared>>
      %dma_wait3A_161 = tpu.memref_slice %dma_wait3A_160[%mul3A_50] : memref<10240xf32, #tpu.memory_space<vmem_shared>> -> memref<640xf32, #tpu.memory_space<vmem_shared>>
      tpu.wait_dma2 semaphore(%run_scoped3A_147 : memref<!tpu.dma_semaphore, #tpu.memory_space<semaphore_mem>>) src(%dma_wait3A_161 : memref<640xf32, #tpu.memory_space<vmem_shared>>) dst(%arg6 : memref<640xf32, #tpu.memory_space<vmem>>)
      tpu.yield
    }) : () -> ()
    %scan3A_52 = arith.constant 0 : i32
    %scan3A_53 = arith.constant 40 : i32
    %scan3A_54 = arith.addi %scan3A_52, %scan3A_53 : i32
    %scan3A_55 = arith.constant 1 : i32
    scf.for %scan3A_147 = %scan3A_52 to %scan3A_54 step %scan3A_55  : i32 {
      %mul3A_148 = arith.constant 1 : i32
      %mul3A_149 = arith.muli %scan3A_147, %mul3A_148 : i32
      %add3A_150 = arith.constant 0 : i32
      %add3A_151 = arith.addi %add3A_150, %mul3A_149 : i32
      %mul3A_152 = arith.constant 16 : i32
      %mul3A_153 = arith.muli %add3A_151, %mul3A_152 : i32
      %get3A = arith.index_cast %mul3A_153 : i32 to index
      %get3A_154 = tpu.vector_load %arg7[%get3A] {strides = array<i32>} : memref<640xf32, #tpu.memory_space<vmem>>, vector<16xf32>,
      %get3A_155 = arith.index_cast %mul3A_153 : i32 to index
      %get3A_156 = tpu.vector_load %arg6[%get3A_155] {strides = array<i32>} : memref<640xf32, #tpu.memory_space<vmem>>, vector<16xf32>,
      %add3A_157 = arith.addf %get3A_154, %get3A_156 : vector<16xf32>
      %swap3A = arith.index_cast %mul3A_153 : i32 to index
      %swap3A_158 = tpu.vector_load %arg7[%swap3A] {strides = array<i32>} : memref<640xf32, #tpu.memory_space<vmem>>, vector<16xf32>,
      tpu.vector_store %arg7[%swap3A], %add3A_157 {strides = array<i32>} : memref<640xf32, #tpu.memory_space<vmem>>, vector<16xf32>,
    }
    %scan3A_56 = arith.constant 40 : i32
    %mul3A_57 = arith.constant 640 : i32
    %mul3A_58 = arith.muli %arg1, %mul3A_57 : i32
    %run_scoped3A_59 = arith.constant 5 : i32
    "tpu.region"() ({
      %run_scoped3A_147 = tpu.sem_alloc : memref<!tpu.dma_semaphore, #tpu.memory_space<semaphore_mem>>
      %dma_start3A = arith.constant 0 : i32
      %dma_start3A_148 = tpu.memref_slice %arg8[%run_scoped3A_59, %dma_start3A] : memref<16x10240xf32, #tpu.memory_space<vmem_shared>> -> memref<1x10240xf32, #tpu.memory_space<vmem_shared>>
      %dma_start3A_149 = tpu.memref_squeeze %dma_start3A_148 : memref<1x10240xf32, #tpu.memory_space<vmem_shared>> -> memref<10240xf32, #tpu.memory_space<vmem_shared>>
      %dma_start3A_150 = tpu.memref_slice %dma_start3A_149[%mul3A_58] : memref<10240xf32, #tpu.memory_space<vmem_shared>> -> memref<640xf32, #tpu.memory_space<vmem_shared>>
      %dma_start3A_151 = arith.constant 0 : i32
      %dma_start3A_152 = tpu.memref_slice %arg8[%run_scoped3A_59, %dma_start3A_151] : memref<16x10240xf32, #tpu.memory_space<vmem_shared>> -> memref<1x10240xf32, #tpu.memory_space<vmem_shared>>
      %dma_start3A_153 = tpu.memref_squeeze %dma_start3A_152 : memref<1x10240xf32, #tpu.memory_space<vmem_shared>> -> memref<10240xf32, #tpu.memory_space<vmem_shared>>
      %dma_start3A_154 = tpu.memref_slice %dma_start3A_153[%mul3A_58] : memref<10240xf32, #tpu.memory_space<vmem_shared>> -> memref<640xf32, #tpu.memory_space<vmem_shared>>
      tpu.enqueue_dma source(%dma_start3A_154 : memref<640xf32, #tpu.memory_space<vmem_shared>>) target(%arg6 : memref<640xf32, #tpu.memory_space<vmem>>) target_semaphore(%run_scoped3A_147 : memref<!tpu.dma_semaphore, #tpu.memory_space<semaphore_mem>>)
      %dma_wait3A = arith.constant 0 : i32
      %dma_wait3A_155 = tpu.memref_slice %arg8[%run_scoped3A_59, %dma_wait3A] : memref<16x10240xf32, #tpu.memory_space<vmem_shared>> -> memref<1x10240xf32, #tpu.memory_space<vmem_shared>>
      %dma_wait3A_156 = tpu.memref_squeeze %dma_wait3A_155 : memref<1x10240xf32, #tpu.memory_space<vmem_shared>> -> memref<10240xf32, #tpu.memory_space<vmem_shared>>
      %dma_wait3A_157 = tpu.memref_slice %dma_wait3A_156[%mul3A_58] : memref<10240xf32, #tpu.memory_space<vmem_shared>> -> memref<640xf32, #tpu.memory_space<vmem_shared>>
      %dma_wait3A_158 = arith.constant 0 : i32
      %dma_wait3A_159 = tpu.memref_slice %arg8[%run_scoped3A_59, %dma_wait3A_158] : memref<16x10240xf32, #tpu.memory_space<vmem_shared>> -> memref<1x10240xf32, #tpu.memory_space<vmem_shared>>
      %dma_wait3A_160 = tpu.memref_squeeze %dma_wait3A_159 : memref<1x10240xf32, #tpu.memory_space<vmem_shared>> -> memref<10240xf32, #tpu.memory_space<vmem_shared>>
      %dma_wait3A_161 = tpu.memref_slice %dma_wait3A_160[%mul3A_58] : memref<10240xf32, #tpu.memory_space<vmem_shared>> -> memref<640xf32, #tpu.memory_space<vmem_shared>>
      tpu.wait_dma2 semaphore(%run_scoped3A_147 : memref<!tpu.dma_semaphore, #tpu.memory_space<semaphore_mem>>) src(%dma_wait3A_161 : memref<640xf32, #tpu.memory_space<vmem_shared>>) dst(%arg6 : memref<640xf32, #tpu.memory_space<vmem>>)
      tpu.yield
    }) : () -> ()
    %scan3A_60 = arith.constant 0 : i32
    %scan3A_61 = arith.constant 40 : i32
    %scan3A_62 = arith.addi %scan3A_60, %scan3A_61 : i32
    %scan3A_63 = arith.constant 1 : i32
    scf.for %scan3A_147 = %scan3A_60 to %scan3A_62 step %scan3A_63  : i32 {
      %mul3A_148 = arith.constant 1 : i32
      %mul3A_149 = arith.muli %scan3A_147, %mul3A_148 : i32
      %add3A_150 = arith.constant 0 : i32
      %add3A_151 = arith.addi %add3A_150, %mul3A_149 : i32
      %mul3A_152 = arith.constant 16 : i32
      %mul3A_153 = arith.muli %add3A_151, %mul3A_152 : i32
      %get3A = arith.index_cast %mul3A_153 : i32 to index
      %get3A_154 = tpu.vector_load %arg7[%get3A] {strides = array<i32>} : memref<640xf32, #tpu.memory_space<vmem>>, vector<16xf32>,
      %get3A_155 = arith.index_cast %mul3A_153 : i32 to index
      %get3A_156 = tpu.vector_load %arg6[%get3A_155] {strides = array<i32>} : memref<640xf32, #tpu.memory_space<vmem>>, vector<16xf32>,
      %add3A_157 = arith.addf %get3A_154, %get3A_156 : vector<16xf32>
      %swap3A = arith.index_cast %mul3A_153 : i32 to index
      %swap3A_158 = tpu.vector_load %arg7[%swap3A] {strides = array<i32>} : memref<640xf32, #tpu.memory_space<vmem>>, vector<16xf32>,
      tpu.vector_store %arg7[%swap3A], %add3A_157 {strides = array<i32>} : memref<640xf32, #tpu.memory_space<vmem>>, vector<16xf32>,
    }
    %scan3A_64 = arith.constant 40 : i32
    %mul3A_65 = arith.constant 640 : i32
    %mul3A_66 = arith.muli %arg1, %mul3A_65 : i32
    %run_scoped3A_67 = arith.constant 6 : i32
    "tpu.region"() ({
      %run_scoped3A_147 = tpu.sem_alloc : memref<!tpu.dma_semaphore, #tpu.memory_space<semaphore_mem>>
      %dma_start3A = arith.constant 0 : i32
      %dma_start3A_148 = tpu.memref_slice %arg8[%run_scoped3A_67, %dma_start3A] : memref<16x10240xf32, #tpu.memory_space<vmem_shared>> -> memref<1x10240xf32, #tpu.memory_space<vmem_shared>>
      %dma_start3A_149 = tpu.memref_squeeze %dma_start3A_148 : memref<1x10240xf32, #tpu.memory_space<vmem_shared>> -> memref<10240xf32, #tpu.memory_space<vmem_shared>>
      %dma_start3A_150 = tpu.memref_slice %dma_start3A_149[%mul3A_66] : memref<10240xf32, #tpu.memory_space<vmem_shared>> -> memref<640xf32, #tpu.memory_space<vmem_shared>>
      %dma_start3A_151 = arith.constant 0 : i32
      %dma_start3A_152 = tpu.memref_slice %arg8[%run_scoped3A_67, %dma_start3A_151] : memref<16x10240xf32, #tpu.memory_space<vmem_shared>> -> memref<1x10240xf32, #tpu.memory_space<vmem_shared>>
      %dma_start3A_153 = tpu.memref_squeeze %dma_start3A_152 : memref<1x10240xf32, #tpu.memory_space<vmem_shared>> -> memref<10240xf32, #tpu.memory_space<vmem_shared>>
      %dma_start3A_154 = tpu.memref_slice %dma_start3A_153[%mul3A_66] : memref<10240xf32, #tpu.memory_space<vmem_shared>> -> memref<640xf32, #tpu.memory_space<vmem_shared>>
      tpu.enqueue_dma source(%dma_start3A_154 : memref<640xf32, #tpu.memory_space<vmem_shared>>) target(%arg6 : memref<640xf32, #tpu.memory_space<vmem>>) target_semaphore(%run_scoped3A_147 : memref<!tpu.dma_semaphore, #tpu.memory_space<semaphore_mem>>)
      %dma_wait3A = arith.constant 0 : i32
      %dma_wait3A_155 = tpu.memref_slice %arg8[%run_scoped3A_67, %dma_wait3A] : memref<16x10240xf32, #tpu.memory_space<vmem_shared>> -> memref<1x10240xf32, #tpu.memory_space<vmem_shared>>
      %dma_wait3A_156 = tpu.memref_squeeze %dma_wait3A_155 : memref<1x10240xf32, #tpu.memory_space<vmem_shared>> -> memref<10240xf32, #tpu.memory_space<vmem_shared>>
      %dma_wait3A_157 = tpu.memref_slice %dma_wait3A_156[%mul3A_66] : memref<10240xf32, #tpu.memory_space<vmem_shared>> -> memref<640xf32, #tpu.memory_space<vmem_shared>>
      %dma_wait3A_158 = arith.constant 0 : i32
      %dma_wait3A_159 = tpu.memref_slice %arg8[%run_scoped3A_67, %dma_wait3A_158] : memref<16x10240xf32, #tpu.memory_space<vmem_shared>> -> memref<1x10240xf32, #tpu.memory_space<vmem_shared>>
      %dma_wait3A_160 = tpu.memref_squeeze %dma_wait3A_159 : memref<1x10240xf32, #tpu.memory_space<vmem_shared>> -> memref<10240xf32, #tpu.memory_space<vmem_shared>>
      %dma_wait3A_161 = tpu.memref_slice %dma_wait3A_160[%mul3A_66] : memref<10240xf32, #tpu.memory_space<vmem_shared>> -> memref<640xf32, #tpu.memory_space<vmem_shared>>
      tpu.wait_dma2 semaphore(%run_scoped3A_147 : memref<!tpu.dma_semaphore, #tpu.memory_space<semaphore_mem>>) src(%dma_wait3A_161 : memref<640xf32, #tpu.memory_space<vmem_shared>>) dst(%arg6 : memref<640xf32, #tpu.memory_space<vmem>>)
      tpu.yield
    }) : () -> ()
    %scan3A_68 = arith.constant 0 : i32
    %scan3A_69 = arith.constant 40 : i32
    %scan3A_70 = arith.addi %scan3A_68, %scan3A_69 : i32
    %scan3A_71 = arith.constant 1 : i32
    scf.for %scan3A_147 = %scan3A_68 to %scan3A_70 step %scan3A_71  : i32 {
      %mul3A_148 = arith.constant 1 : i32
      %mul3A_149 = arith.muli %scan3A_147, %mul3A_148 : i32
      %add3A_150 = arith.constant 0 : i32
      %add3A_151 = arith.addi %add3A_150, %mul3A_149 : i32
      %mul3A_152 = arith.constant 16 : i32
      %mul3A_153 = arith.muli %add3A_151, %mul3A_152 : i32
      %get3A = arith.index_cast %mul3A_153 : i32 to index
      %get3A_154 = tpu.vector_load %arg7[%get3A] {strides = array<i32>} : memref<640xf32, #tpu.memory_space<vmem>>, vector<16xf32>,
      %get3A_155 = arith.index_cast %mul3A_153 : i32 to index
      %get3A_156 = tpu.vector_load %arg6[%get3A_155] {strides = array<i32>} : memref<640xf32, #tpu.memory_space<vmem>>, vector<16xf32>,
      %add3A_157 = arith.addf %get3A_154, %get3A_156 : vector<16xf32>
      %swap3A = arith.index_cast %mul3A_153 : i32 to index
      %swap3A_158 = tpu.vector_load %arg7[%swap3A] {strides = array<i32>} : memref<640xf32, #tpu.memory_space<vmem>>, vector<16xf32>,
      tpu.vector_store %arg7[%swap3A], %add3A_157 {strides = array<i32>} : memref<640xf32, #tpu.memory_space<vmem>>, vector<16xf32>,
    }
    %scan3A_72 = arith.constant 40 : i32
    %mul3A_73 = arith.constant 640 : i32
    %mul3A_74 = arith.muli %arg1, %mul3A_73 : i32
    %run_scoped3A_75 = arith.constant 7 : i32
    "tpu.region"() ({
      %run_scoped3A_147 = tpu.sem_alloc : memref<!tpu.dma_semaphore, #tpu.memory_space<semaphore_mem>>
      %dma_start3A = arith.constant 0 : i32
      %dma_start3A_148 = tpu.memref_slice %arg8[%run_scoped3A_75, %dma_start3A] : memref<16x10240xf32, #tpu.memory_space<vmem_shared>> -> memref<1x10240xf32, #tpu.memory_space<vmem_shared>>
      %dma_start3A_149 = tpu.memref_squeeze %dma_start3A_148 : memref<1x10240xf32, #tpu.memory_space<vmem_shared>> -> memref<10240xf32, #tpu.memory_space<vmem_shared>>
      %dma_start3A_150 = tpu.memref_slice %dma_start3A_149[%mul3A_74] : memref<10240xf32, #tpu.memory_space<vmem_shared>> -> memref<640xf32, #tpu.memory_space<vmem_shared>>
      %dma_start3A_151 = arith.constant 0 : i32
      %dma_start3A_152 = tpu.memref_slice %arg8[%run_scoped3A_75, %dma_start3A_151] : memref<16x10240xf32, #tpu.memory_space<vmem_shared>> -> memref<1x10240xf32, #tpu.memory_space<vmem_shared>>
      %dma_start3A_153 = tpu.memref_squeeze %dma_start3A_152 : memref<1x10240xf32, #tpu.memory_space<vmem_shared>> -> memref<10240xf32, #tpu.memory_space<vmem_shared>>
      %dma_start3A_154 = tpu.memref_slice %dma_start3A_153[%mul3A_74] : memref<10240xf32, #tpu.memory_space<vmem_shared>> -> memref<640xf32, #tpu.memory_space<vmem_shared>>
      tpu.enqueue_dma source(%dma_start3A_154 : memref<640xf32, #tpu.memory_space<vmem_shared>>) target(%arg6 : memref<640xf32, #tpu.memory_space<vmem>>) target_semaphore(%run_scoped3A_147 : memref<!tpu.dma_semaphore, #tpu.memory_space<semaphore_mem>>)
      %dma_wait3A = arith.constant 0 : i32
      %dma_wait3A_155 = tpu.memref_slice %arg8[%run_scoped3A_75, %dma_wait3A] : memref<16x10240xf32, #tpu.memory_space<vmem_shared>> -> memref<1x10240xf32, #tpu.memory_space<vmem_shared>>
      %dma_wait3A_156 = tpu.memref_squeeze %dma_wait3A_155 : memref<1x10240xf32, #tpu.memory_space<vmem_shared>> -> memref<10240xf32, #tpu.memory_space<vmem_shared>>
      %dma_wait3A_157 = tpu.memref_slice %dma_wait3A_156[%mul3A_74] : memref<10240xf32, #tpu.memory_space<vmem_shared>> -> memref<640xf32, #tpu.memory_space<vmem_shared>>
      %dma_wait3A_158 = arith.constant 0 : i32
      %dma_wait3A_159 = tpu.memref_slice %arg8[%run_scoped3A_75, %dma_wait3A_158] : memref<16x10240xf32, #tpu.memory_space<vmem_shared>> -> memref<1x10240xf32, #tpu.memory_space<vmem_shared>>
      %dma_wait3A_160 = tpu.memref_squeeze %dma_wait3A_159 : memref<1x10240xf32, #tpu.memory_space<vmem_shared>> -> memref<10240xf32, #tpu.memory_space<vmem_shared>>
      %dma_wait3A_161 = tpu.memref_slice %dma_wait3A_160[%mul3A_74] : memref<10240xf32, #tpu.memory_space<vmem_shared>> -> memref<640xf32, #tpu.memory_space<vmem_shared>>
      tpu.wait_dma2 semaphore(%run_scoped3A_147 : memref<!tpu.dma_semaphore, #tpu.memory_space<semaphore_mem>>) src(%dma_wait3A_161 : memref<640xf32, #tpu.memory_space<vmem_shared>>) dst(%arg6 : memref<640xf32, #tpu.memory_space<vmem>>)
      tpu.yield
    }) : () -> ()
    %scan3A_76 = arith.constant 0 : i32
    %scan3A_77 = arith.constant 40 : i32
    %scan3A_78 = arith.addi %scan3A_76, %scan3A_77 : i32
    %scan3A_79 = arith.constant 1 : i32
    scf.for %scan3A_147 = %scan3A_76 to %scan3A_78 step %scan3A_79  : i32 {
      %mul3A_148 = arith.constant 1 : i32
      %mul3A_149 = arith.muli %scan3A_147, %mul3A_148 : i32
      %add3A_150 = arith.constant 0 : i32
      %add3A_151 = arith.addi %add3A_150, %mul3A_149 : i32
      %mul3A_152 = arith.constant 16 : i32
      %mul3A_153 = arith.muli %add3A_151, %mul3A_152 : i32
      %get3A = arith.index_cast %mul3A_153 : i32 to index
      %get3A_154 = tpu.vector_load %arg7[%get3A] {strides = array<i32>} : memref<640xf32, #tpu.memory_space<vmem>>, vector<16xf32>,
      %get3A_155 = arith.index_cast %mul3A_153 : i32 to index
      %get3A_156 = tpu.vector_load %arg6[%get3A_155] {strides = array<i32>} : memref<640xf32, #tpu.memory_space<vmem>>, vector<16xf32>,
      %add3A_157 = arith.addf %get3A_154, %get3A_156 : vector<16xf32>
      %swap3A = arith.index_cast %mul3A_153 : i32 to index
      %swap3A_158 = tpu.vector_load %arg7[%swap3A] {strides = array<i32>} : memref<640xf32, #tpu.memory_space<vmem>>, vector<16xf32>,
      tpu.vector_store %arg7[%swap3A], %add3A_157 {strides = array<i32>} : memref<640xf32, #tpu.memory_space<vmem>>, vector<16xf32>,
    }
    %scan3A_80 = arith.constant 40 : i32
    %mul3A_81 = arith.constant 640 : i32
    %mul3A_82 = arith.muli %arg1, %mul3A_81 : i32
    %run_scoped3A_83 = arith.constant 8 : i32
    "tpu.region"() ({
      %run_scoped3A_147 = tpu.sem_alloc : memref<!tpu.dma_semaphore, #tpu.memory_space<semaphore_mem>>
      %dma_start3A = arith.constant 0 : i32
      %dma_start3A_148 = tpu.memref_slice %arg8[%run_scoped3A_83, %dma_start3A] : memref<16x10240xf32, #tpu.memory_space<vmem_shared>> -> memref<1x10240xf32, #tpu.memory_space<vmem_shared>>
      %dma_start3A_149 = tpu.memref_squeeze %dma_start3A_148 : memref<1x10240xf32, #tpu.memory_space<vmem_shared>> -> memref<10240xf32, #tpu.memory_space<vmem_shared>>
      %dma_start3A_150 = tpu.memref_slice %dma_start3A_149[%mul3A_82] : memref<10240xf32, #tpu.memory_space<vmem_shared>> -> memref<640xf32, #tpu.memory_space<vmem_shared>>
      %dma_start3A_151 = arith.constant 0 : i32
      %dma_start3A_152 = tpu.memref_slice %arg8[%run_scoped3A_83, %dma_start3A_151] : memref<16x10240xf32, #tpu.memory_space<vmem_shared>> -> memref<1x10240xf32, #tpu.memory_space<vmem_shared>>
      %dma_start3A_153 = tpu.memref_squeeze %dma_start3A_152 : memref<1x10240xf32, #tpu.memory_space<vmem_shared>> -> memref<10240xf32, #tpu.memory_space<vmem_shared>>
      %dma_start3A_154 = tpu.memref_slice %dma_start3A_153[%mul3A_82] : memref<10240xf32, #tpu.memory_space<vmem_shared>> -> memref<640xf32, #tpu.memory_space<vmem_shared>>
      tpu.enqueue_dma source(%dma_start3A_154 : memref<640xf32, #tpu.memory_space<vmem_shared>>) target(%arg6 : memref<640xf32, #tpu.memory_space<vmem>>) target_semaphore(%run_scoped3A_147 : memref<!tpu.dma_semaphore, #tpu.memory_space<semaphore_mem>>)
      %dma_wait3A = arith.constant 0 : i32
      %dma_wait3A_155 = tpu.memref_slice %arg8[%run_scoped3A_83, %dma_wait3A] : memref<16x10240xf32, #tpu.memory_space<vmem_shared>> -> memref<1x10240xf32, #tpu.memory_space<vmem_shared>>
      %dma_wait3A_156 = tpu.memref_squeeze %dma_wait3A_155 : memref<1x10240xf32, #tpu.memory_space<vmem_shared>> -> memref<10240xf32, #tpu.memory_space<vmem_shared>>
      %dma_wait3A_157 = tpu.memref_slice %dma_wait3A_156[%mul3A_82] : memref<10240xf32, #tpu.memory_space<vmem_shared>> -> memref<640xf32, #tpu.memory_space<vmem_shared>>
      %dma_wait3A_158 = arith.constant 0 : i32
      %dma_wait3A_159 = tpu.memref_slice %arg8[%run_scoped3A_83, %dma_wait3A_158] : memref<16x10240xf32, #tpu.memory_space<vmem_shared>> -> memref<1x10240xf32, #tpu.memory_space<vmem_shared>>
      %dma_wait3A_160 = tpu.memref_squeeze %dma_wait3A_159 : memref<1x10240xf32, #tpu.memory_space<vmem_shared>> -> memref<10240xf32, #tpu.memory_space<vmem_shared>>
      %dma_wait3A_161 = tpu.memref_slice %dma_wait3A_160[%mul3A_82] : memref<10240xf32, #tpu.memory_space<vmem_shared>> -> memref<640xf32, #tpu.memory_space<vmem_shared>>
      tpu.wait_dma2 semaphore(%run_scoped3A_147 : memref<!tpu.dma_semaphore, #tpu.memory_space<semaphore_mem>>) src(%dma_wait3A_161 : memref<640xf32, #tpu.memory_space<vmem_shared>>) dst(%arg6 : memref<640xf32, #tpu.memory_space<vmem>>)
      tpu.yield
    }) : () -> ()
    %scan3A_84 = arith.constant 0 : i32
    %scan3A_85 = arith.constant 40 : i32
    %scan3A_86 = arith.addi %scan3A_84, %scan3A_85 : i32
    %scan3A_87 = arith.constant 1 : i32
    scf.for %scan3A_147 = %scan3A_84 to %scan3A_86 step %scan3A_87  : i32 {
      %mul3A_148 = arith.constant 1 : i32
      %mul3A_149 = arith.muli %scan3A_147, %mul3A_148 : i32
      %add3A_150 = arith.constant 0 : i32
      %add3A_151 = arith.addi %add3A_150, %mul3A_149 : i32
      %mul3A_152 = arith.constant 16 : i32
      %mul3A_153 = arith.muli %add3A_151, %mul3A_152 : i32
      %get3A = arith.index_cast %mul3A_153 : i32 to index
      %get3A_154 = tpu.vector_load %arg7[%get3A] {strides = array<i32>} : memref<640xf32, #tpu.memory_space<vmem>>, vector<16xf32>,
      %get3A_155 = arith.index_cast %mul3A_153 : i32 to index
      %get3A_156 = tpu.vector_load %arg6[%get3A_155] {strides = array<i32>} : memref<640xf32, #tpu.memory_space<vmem>>, vector<16xf32>,
      %add3A_157 = arith.addf %get3A_154, %get3A_156 : vector<16xf32>
      %swap3A = arith.index_cast %mul3A_153 : i32 to index
      %swap3A_158 = tpu.vector_load %arg7[%swap3A] {strides = array<i32>} : memref<640xf32, #tpu.memory_space<vmem>>, vector<16xf32>,
      tpu.vector_store %arg7[%swap3A], %add3A_157 {strides = array<i32>} : memref<640xf32, #tpu.memory_space<vmem>>, vector<16xf32>,
    }
    %scan3A_88 = arith.constant 40 : i32
    %mul3A_89 = arith.constant 640 : i32
    %mul3A_90 = arith.muli %arg1, %mul3A_89 : i32
    %run_scoped3A_91 = arith.constant 9 : i32
    "tpu.region"() ({
      %run_scoped3A_147 = tpu.sem_alloc : memref<!tpu.dma_semaphore, #tpu.memory_space<semaphore_mem>>
      %dma_start3A = arith.constant 0 : i32
      %dma_start3A_148 = tpu.memref_slice %arg8[%run_scoped3A_91, %dma_start3A] : memref<16x10240xf32, #tpu.memory_space<vmem_shared>> -> memref<1x10240xf32, #tpu.memory_space<vmem_shared>>
      %dma_start3A_149 = tpu.memref_squeeze %dma_start3A_148 : memref<1x10240xf32, #tpu.memory_space<vmem_shared>> -> memref<10240xf32, #tpu.memory_space<vmem_shared>>
      %dma_start3A_150 = tpu.memref_slice %dma_start3A_149[%mul3A_90] : memref<10240xf32, #tpu.memory_space<vmem_shared>> -> memref<640xf32, #tpu.memory_space<vmem_shared>>
      %dma_start3A_151 = arith.constant 0 : i32
      %dma_start3A_152 = tpu.memref_slice %arg8[%run_scoped3A_91, %dma_start3A_151] : memref<16x10240xf32, #tpu.memory_space<vmem_shared>> -> memref<1x10240xf32, #tpu.memory_space<vmem_shared>>
      %dma_start3A_153 = tpu.memref_squeeze %dma_start3A_152 : memref<1x10240xf32, #tpu.memory_space<vmem_shared>> -> memref<10240xf32, #tpu.memory_space<vmem_shared>>
      %dma_start3A_154 = tpu.memref_slice %dma_start3A_153[%mul3A_90] : memref<10240xf32, #tpu.memory_space<vmem_shared>> -> memref<640xf32, #tpu.memory_space<vmem_shared>>
      tpu.enqueue_dma source(%dma_start3A_154 : memref<640xf32, #tpu.memory_space<vmem_shared>>) target(%arg6 : memref<640xf32, #tpu.memory_space<vmem>>) target_semaphore(%run_scoped3A_147 : memref<!tpu.dma_semaphore, #tpu.memory_space<semaphore_mem>>)
      %dma_wait3A = arith.constant 0 : i32
      %dma_wait3A_155 = tpu.memref_slice %arg8[%run_scoped3A_91, %dma_wait3A] : memref<16x10240xf32, #tpu.memory_space<vmem_shared>> -> memref<1x10240xf32, #tpu.memory_space<vmem_shared>>
      %dma_wait3A_156 = tpu.memref_squeeze %dma_wait3A_155 : memref<1x10240xf32, #tpu.memory_space<vmem_shared>> -> memref<10240xf32, #tpu.memory_space<vmem_shared>>
      %dma_wait3A_157 = tpu.memref_slice %dma_wait3A_156[%mul3A_90] : memref<10240xf32, #tpu.memory_space<vmem_shared>> -> memref<640xf32, #tpu.memory_space<vmem_shared>>
      %dma_wait3A_158 = arith.constant 0 : i32
      %dma_wait3A_159 = tpu.memref_slice %arg8[%run_scoped3A_91, %dma_wait3A_158] : memref<16x10240xf32, #tpu.memory_space<vmem_shared>> -> memref<1x10240xf32, #tpu.memory_space<vmem_shared>>
      %dma_wait3A_160 = tpu.memref_squeeze %dma_wait3A_159 : memref<1x10240xf32, #tpu.memory_space<vmem_shared>> -> memref<10240xf32, #tpu.memory_space<vmem_shared>>
      %dma_wait3A_161 = tpu.memref_slice %dma_wait3A_160[%mul3A_90] : memref<10240xf32, #tpu.memory_space<vmem_shared>> -> memref<640xf32, #tpu.memory_space<vmem_shared>>
      tpu.wait_dma2 semaphore(%run_scoped3A_147 : memref<!tpu.dma_semaphore, #tpu.memory_space<semaphore_mem>>) src(%dma_wait3A_161 : memref<640xf32, #tpu.memory_space<vmem_shared>>) dst(%arg6 : memref<640xf32, #tpu.memory_space<vmem>>)
      tpu.yield
    }) : () -> ()
    %scan3A_92 = arith.constant 0 : i32
    %scan3A_93 = arith.constant 40 : i32
    %scan3A_94 = arith.addi %scan3A_92, %scan3A_93 : i32
    %scan3A_95 = arith.constant 1 : i32
    scf.for %scan3A_147 = %scan3A_92 to %scan3A_94 step %scan3A_95  : i32 {
      %mul3A_148 = arith.constant 1 : i32
      %mul3A_149 = arith.muli %scan3A_147, %mul3A_148 : i32
      %add3A_150 = arith.constant 0 : i32
      %add3A_151 = arith.addi %add3A_150, %mul3A_149 : i32
      %mul3A_152 = arith.constant 16 : i32
      %mul3A_153 = arith.muli %add3A_151, %mul3A_152 : i32
      %get3A = arith.index_cast %mul3A_153 : i32 to index
      %get3A_154 = tpu.vector_load %arg7[%get3A] {strides = array<i32>} : memref<640xf32, #tpu.memory_space<vmem>>, vector<16xf32>,
      %get3A_155 = arith.index_cast %mul3A_153 : i32 to index
      %get3A_156 = tpu.vector_load %arg6[%get3A_155] {strides = array<i32>} : memref<640xf32, #tpu.memory_space<vmem>>, vector<16xf32>,
      %add3A_157 = arith.addf %get3A_154, %get3A_156 : vector<16xf32>
      %swap3A = arith.index_cast %mul3A_153 : i32 to index
      %swap3A_158 = tpu.vector_load %arg7[%swap3A] {strides = array<i32>} : memref<640xf32, #tpu.memory_space<vmem>>, vector<16xf32>,
      tpu.vector_store %arg7[%swap3A], %add3A_157 {strides = array<i32>} : memref<640xf32, #tpu.memory_space<vmem>>, vector<16xf32>,
    }
    %scan3A_96 = arith.constant 40 : i32
    %mul3A_97 = arith.constant 640 : i32
    %mul3A_98 = arith.muli %arg1, %mul3A_97 : i32
    %run_scoped3A_99 = arith.constant 10 : i32
    "tpu.region"() ({
      %run_scoped3A_147 = tpu.sem_alloc : memref<!tpu.dma_semaphore, #tpu.memory_space<semaphore_mem>>
      %dma_start3A = arith.constant 0 : i32
      %dma_start3A_148 = tpu.memref_slice %arg8[%run_scoped3A_99, %dma_start3A] : memref<16x10240xf32, #tpu.memory_space<vmem_shared>> -> memref<1x10240xf32, #tpu.memory_space<vmem_shared>>
      %dma_start3A_149 = tpu.memref_squeeze %dma_start3A_148 : memref<1x10240xf32, #tpu.memory_space<vmem_shared>> -> memref<10240xf32, #tpu.memory_space<vmem_shared>>
      %dma_start3A_150 = tpu.memref_slice %dma_start3A_149[%mul3A_98] : memref<10240xf32, #tpu.memory_space<vmem_shared>> -> memref<640xf32, #tpu.memory_space<vmem_shared>>
      %dma_start3A_151 = arith.constant 0 : i32
      %dma_start3A_152 = tpu.memref_slice %arg8[%run_scoped3A_99, %dma_start3A_151] : memref<16x10240xf32, #tpu.memory_space<vmem_shared>> -> memref<1x10240xf32, #tpu.memory_space<vmem_shared>>
      %dma_start3A_153 = tpu.memref_squeeze %dma_start3A_152 : memref<1x10240xf32, #tpu.memory_space<vmem_shared>> -> memref<10240xf32, #tpu.memory_space<vmem_shared>>
      %dma_start3A_154 = tpu.memref_slice %dma_start3A_153[%mul3A_98] : memref<10240xf32, #tpu.memory_space<vmem_shared>> -> memref<640xf32, #tpu.memory_space<vmem_shared>>
      tpu.enqueue_dma source(%dma_start3A_154 : memref<640xf32, #tpu.memory_space<vmem_shared>>) target(%arg6 : memref<640xf32, #tpu.memory_space<vmem>>) target_semaphore(%run_scoped3A_147 : memref<!tpu.dma_semaphore, #tpu.memory_space<semaphore_mem>>)
      %dma_wait3A = arith.constant 0 : i32
      %dma_wait3A_155 = tpu.memref_slice %arg8[%run_scoped3A_99, %dma_wait3A] : memref<16x10240xf32, #tpu.memory_space<vmem_shared>> -> memref<1x10240xf32, #tpu.memory_space<vmem_shared>>
      %dma_wait3A_156 = tpu.memref_squeeze %dma_wait3A_155 : memref<1x10240xf32, #tpu.memory_space<vmem_shared>> -> memref<10240xf32, #tpu.memory_space<vmem_shared>>
      %dma_wait3A_157 = tpu.memref_slice %dma_wait3A_156[%mul3A_98] : memref<10240xf32, #tpu.memory_space<vmem_shared>> -> memref<640xf32, #tpu.memory_space<vmem_shared>>
      %dma_wait3A_158 = arith.constant 0 : i32
      %dma_wait3A_159 = tpu.memref_slice %arg8[%run_scoped3A_99, %dma_wait3A_158] : memref<16x10240xf32, #tpu.memory_space<vmem_shared>> -> memref<1x10240xf32, #tpu.memory_space<vmem_shared>>
      %dma_wait3A_160 = tpu.memref_squeeze %dma_wait3A_159 : memref<1x10240xf32, #tpu.memory_space<vmem_shared>> -> memref<10240xf32, #tpu.memory_space<vmem_shared>>
      %dma_wait3A_161 = tpu.memref_slice %dma_wait3A_160[%mul3A_98] : memref<10240xf32, #tpu.memory_space<vmem_shared>> -> memref<640xf32, #tpu.memory_space<vmem_shared>>
      tpu.wait_dma2 semaphore(%run_scoped3A_147 : memref<!tpu.dma_semaphore, #tpu.memory_space<semaphore_mem>>) src(%dma_wait3A_161 : memref<640xf32, #tpu.memory_space<vmem_shared>>) dst(%arg6 : memref<640xf32, #tpu.memory_space<vmem>>)
      tpu.yield
    }) : () -> ()
    %scan3A_100 = arith.constant 0 : i32
    %scan3A_101 = arith.constant 40 : i32
    %scan3A_102 = arith.addi %scan3A_100, %scan3A_101 : i32
    %scan3A_103 = arith.constant 1 : i32
    scf.for %scan3A_147 = %scan3A_100 to %scan3A_102 step %scan3A_103  : i32 {
      %mul3A_148 = arith.constant 1 : i32
      %mul3A_149 = arith.muli %scan3A_147, %mul3A_148 : i32
      %add3A_150 = arith.constant 0 : i32
      %add3A_151 = arith.addi %add3A_150, %mul3A_149 : i32
      %mul3A_152 = arith.constant 16 : i32
      %mul3A_153 = arith.muli %add3A_151, %mul3A_152 : i32
      %get3A = arith.index_cast %mul3A_153 : i32 to index
      %get3A_154 = tpu.vector_load %arg7[%get3A] {strides = array<i32>} : memref<640xf32, #tpu.memory_space<vmem>>, vector<16xf32>,
      %get3A_155 = arith.index_cast %mul3A_153 : i32 to index
      %get3A_156 = tpu.vector_load %arg6[%get3A_155] {strides = array<i32>} : memref<640xf32, #tpu.memory_space<vmem>>, vector<16xf32>,
      %add3A_157 = arith.addf %get3A_154, %get3A_156 : vector<16xf32>
      %swap3A = arith.index_cast %mul3A_153 : i32 to index
      %swap3A_158 = tpu.vector_load %arg7[%swap3A] {strides = array<i32>} : memref<640xf32, #tpu.memory_space<vmem>>, vector<16xf32>,
      tpu.vector_store %arg7[%swap3A], %add3A_157 {strides = array<i32>} : memref<640xf32, #tpu.memory_space<vmem>>, vector<16xf32>,
    }
    %scan3A_104 = arith.constant 40 : i32
    %mul3A_105 = arith.constant 640 : i32
    %mul3A_106 = arith.muli %arg1, %mul3A_105 : i32
    %run_scoped3A_107 = arith.constant 11 : i32
    "tpu.region"() ({
      %run_scoped3A_147 = tpu.sem_alloc : memref<!tpu.dma_semaphore, #tpu.memory_space<semaphore_mem>>
      %dma_start3A = arith.constant 0 : i32
      %dma_start3A_148 = tpu.memref_slice %arg8[%run_scoped3A_107, %dma_start3A] : memref<16x10240xf32, #tpu.memory_space<vmem_shared>> -> memref<1x10240xf32, #tpu.memory_space<vmem_shared>>
      %dma_start3A_149 = tpu.memref_squeeze %dma_start3A_148 : memref<1x10240xf32, #tpu.memory_space<vmem_shared>> -> memref<10240xf32, #tpu.memory_space<vmem_shared>>
      %dma_start3A_150 = tpu.memref_slice %dma_start3A_149[%mul3A_106] : memref<10240xf32, #tpu.memory_space<vmem_shared>> -> memref<640xf32, #tpu.memory_space<vmem_shared>>
      %dma_start3A_151 = arith.constant 0 : i32
      %dma_start3A_152 = tpu.memref_slice %arg8[%run_scoped3A_107, %dma_start3A_151] : memref<16x10240xf32, #tpu.memory_space<vmem_shared>> -> memref<1x10240xf32, #tpu.memory_space<vmem_shared>>
      %dma_start3A_153 = tpu.memref_squeeze %dma_start3A_152 : memref<1x10240xf32, #tpu.memory_space<vmem_shared>> -> memref<10240xf32, #tpu.memory_space<vmem_shared>>
      %dma_start3A_154 = tpu.memref_slice %dma_start3A_153[%mul3A_106] : memref<10240xf32, #tpu.memory_space<vmem_shared>> -> memref<640xf32, #tpu.memory_space<vmem_shared>>
      tpu.enqueue_dma source(%dma_start3A_154 : memref<640xf32, #tpu.memory_space<vmem_shared>>) target(%arg6 : memref<640xf32, #tpu.memory_space<vmem>>) target_semaphore(%run_scoped3A_147 : memref<!tpu.dma_semaphore, #tpu.memory_space<semaphore_mem>>)
      %dma_wait3A = arith.constant 0 : i32
      %dma_wait3A_155 = tpu.memref_slice %arg8[%run_scoped3A_107, %dma_wait3A] : memref<16x10240xf32, #tpu.memory_space<vmem_shared>> -> memref<1x10240xf32, #tpu.memory_space<vmem_shared>>
      %dma_wait3A_156 = tpu.memref_squeeze %dma_wait3A_155 : memref<1x10240xf32, #tpu.memory_space<vmem_shared>> -> memref<10240xf32, #tpu.memory_space<vmem_shared>>
      %dma_wait3A_157 = tpu.memref_slice %dma_wait3A_156[%mul3A_106] : memref<10240xf32, #tpu.memory_space<vmem_shared>> -> memref<640xf32, #tpu.memory_space<vmem_shared>>
      %dma_wait3A_158 = arith.constant 0 : i32
      %dma_wait3A_159 = tpu.memref_slice %arg8[%run_scoped3A_107, %dma_wait3A_158] : memref<16x10240xf32, #tpu.memory_space<vmem_shared>> -> memref<1x10240xf32, #tpu.memory_space<vmem_shared>>
      %dma_wait3A_160 = tpu.memref_squeeze %dma_wait3A_159 : memref<1x10240xf32, #tpu.memory_space<vmem_shared>> -> memref<10240xf32, #tpu.memory_space<vmem_shared>>
      %dma_wait3A_161 = tpu.memref_slice %dma_wait3A_160[%mul3A_106] : memref<10240xf32, #tpu.memory_space<vmem_shared>> -> memref<640xf32, #tpu.memory_space<vmem_shared>>
      tpu.wait_dma2 semaphore(%run_scoped3A_147 : memref<!tpu.dma_semaphore, #tpu.memory_space<semaphore_mem>>) src(%dma_wait3A_161 : memref<640xf32, #tpu.memory_space<vmem_shared>>) dst(%arg6 : memref<640xf32, #tpu.memory_space<vmem>>)
      tpu.yield
    }) : () -> ()
    %scan3A_108 = arith.constant 0 : i32
    %scan3A_109 = arith.constant 40 : i32
    %scan3A_110 = arith.addi %scan3A_108, %scan3A_109 : i32
    %scan3A_111 = arith.constant 1 : i32
    scf.for %scan3A_147 = %scan3A_108 to %scan3A_110 step %scan3A_111  : i32 {
      %mul3A_148 = arith.constant 1 : i32
      %mul3A_149 = arith.muli %scan3A_147, %mul3A_148 : i32
      %add3A_150 = arith.constant 0 : i32
      %add3A_151 = arith.addi %add3A_150, %mul3A_149 : i32
      %mul3A_152 = arith.constant 16 : i32
      %mul3A_153 = arith.muli %add3A_151, %mul3A_152 : i32
      %get3A = arith.index_cast %mul3A_153 : i32 to index
      %get3A_154 = tpu.vector_load %arg7[%get3A] {strides = array<i32>} : memref<640xf32, #tpu.memory_space<vmem>>, vector<16xf32>,
      %get3A_155 = arith.index_cast %mul3A_153 : i32 to index
      %get3A_156 = tpu.vector_load %arg6[%get3A_155] {strides = array<i32>} : memref<640xf32, #tpu.memory_space<vmem>>, vector<16xf32>,
      %add3A_157 = arith.addf %get3A_154, %get3A_156 : vector<16xf32>
      %swap3A = arith.index_cast %mul3A_153 : i32 to index
      %swap3A_158 = tpu.vector_load %arg7[%swap3A] {strides = array<i32>} : memref<640xf32, #tpu.memory_space<vmem>>, vector<16xf32>,
      tpu.vector_store %arg7[%swap3A], %add3A_157 {strides = array<i32>} : memref<640xf32, #tpu.memory_space<vmem>>, vector<16xf32>,
    }
    %scan3A_112 = arith.constant 40 : i32
    %mul3A_113 = arith.constant 640 : i32
    %mul3A_114 = arith.muli %arg1, %mul3A_113 : i32
    %run_scoped3A_115 = arith.constant 12 : i32
    "tpu.region"() ({
      %run_scoped3A_147 = tpu.sem_alloc : memref<!tpu.dma_semaphore, #tpu.memory_space<semaphore_mem>>
      %dma_start3A = arith.constant 0 : i32
      %dma_start3A_148 = tpu.memref_slice %arg8[%run_scoped3A_115, %dma_start3A] : memref<16x10240xf32, #tpu.memory_space<vmem_shared>> -> memref<1x10240xf32, #tpu.memory_space<vmem_shared>>
      %dma_start3A_149 = tpu.memref_squeeze %dma_start3A_148 : memref<1x10240xf32, #tpu.memory_space<vmem_shared>> -> memref<10240xf32, #tpu.memory_space<vmem_shared>>
      %dma_start3A_150 = tpu.memref_slice %dma_start3A_149[%mul3A_114] : memref<10240xf32, #tpu.memory_space<vmem_shared>> -> memref<640xf32, #tpu.memory_space<vmem_shared>>
      %dma_start3A_151 = arith.constant 0 : i32
      %dma_start3A_152 = tpu.memref_slice %arg8[%run_scoped3A_115, %dma_start3A_151] : memref<16x10240xf32, #tpu.memory_space<vmem_shared>> -> memref<1x10240xf32, #tpu.memory_space<vmem_shared>>
      %dma_start3A_153 = tpu.memref_squeeze %dma_start3A_152 : memref<1x10240xf32, #tpu.memory_space<vmem_shared>> -> memref<10240xf32, #tpu.memory_space<vmem_shared>>
      %dma_start3A_154 = tpu.memref_slice %dma_start3A_153[%mul3A_114] : memref<10240xf32, #tpu.memory_space<vmem_shared>> -> memref<640xf32, #tpu.memory_space<vmem_shared>>
      tpu.enqueue_dma source(%dma_start3A_154 : memref<640xf32, #tpu.memory_space<vmem_shared>>) target(%arg6 : memref<640xf32, #tpu.memory_space<vmem>>) target_semaphore(%run_scoped3A_147 : memref<!tpu.dma_semaphore, #tpu.memory_space<semaphore_mem>>)
      %dma_wait3A = arith.constant 0 : i32
      %dma_wait3A_155 = tpu.memref_slice %arg8[%run_scoped3A_115, %dma_wait3A] : memref<16x10240xf32, #tpu.memory_space<vmem_shared>> -> memref<1x10240xf32, #tpu.memory_space<vmem_shared>>
      %dma_wait3A_156 = tpu.memref_squeeze %dma_wait3A_155 : memref<1x10240xf32, #tpu.memory_space<vmem_shared>> -> memref<10240xf32, #tpu.memory_space<vmem_shared>>
      %dma_wait3A_157 = tpu.memref_slice %dma_wait3A_156[%mul3A_114] : memref<10240xf32, #tpu.memory_space<vmem_shared>> -> memref<640xf32, #tpu.memory_space<vmem_shared>>
      %dma_wait3A_158 = arith.constant 0 : i32
      %dma_wait3A_159 = tpu.memref_slice %arg8[%run_scoped3A_115, %dma_wait3A_158] : memref<16x10240xf32, #tpu.memory_space<vmem_shared>> -> memref<1x10240xf32, #tpu.memory_space<vmem_shared>>
      %dma_wait3A_160 = tpu.memref_squeeze %dma_wait3A_159 : memref<1x10240xf32, #tpu.memory_space<vmem_shared>> -> memref<10240xf32, #tpu.memory_space<vmem_shared>>
      %dma_wait3A_161 = tpu.memref_slice %dma_wait3A_160[%mul3A_114] : memref<10240xf32, #tpu.memory_space<vmem_shared>> -> memref<640xf32, #tpu.memory_space<vmem_shared>>
      tpu.wait_dma2 semaphore(%run_scoped3A_147 : memref<!tpu.dma_semaphore, #tpu.memory_space<semaphore_mem>>) src(%dma_wait3A_161 : memref<640xf32, #tpu.memory_space<vmem_shared>>) dst(%arg6 : memref<640xf32, #tpu.memory_space<vmem>>)
      tpu.yield
    }) : () -> ()
    %scan3A_116 = arith.constant 0 : i32
    %scan3A_117 = arith.constant 40 : i32
    %scan3A_118 = arith.addi %scan3A_116, %scan3A_117 : i32
    %scan3A_119 = arith.constant 1 : i32
    scf.for %scan3A_147 = %scan3A_116 to %scan3A_118 step %scan3A_119  : i32 {
      %mul3A_148 = arith.constant 1 : i32
      %mul3A_149 = arith.muli %scan3A_147, %mul3A_148 : i32
      %add3A_150 = arith.constant 0 : i32
      %add3A_151 = arith.addi %add3A_150, %mul3A_149 : i32
      %mul3A_152 = arith.constant 16 : i32
      %mul3A_153 = arith.muli %add3A_151, %mul3A_152 : i32
      %get3A = arith.index_cast %mul3A_153 : i32 to index
      %get3A_154 = tpu.vector_load %arg7[%get3A] {strides = array<i32>} : memref<640xf32, #tpu.memory_space<vmem>>, vector<16xf32>,
      %get3A_155 = arith.index_cast %mul3A_153 : i32 to index
      %get3A_156 = tpu.vector_load %arg6[%get3A_155] {strides = array<i32>} : memref<640xf32, #tpu.memory_space<vmem>>, vector<16xf32>,
      %add3A_157 = arith.addf %get3A_154, %get3A_156 : vector<16xf32>
      %swap3A = arith.index_cast %mul3A_153 : i32 to index
      %swap3A_158 = tpu.vector_load %arg7[%swap3A] {strides = array<i32>} : memref<640xf32, #tpu.memory_space<vmem>>, vector<16xf32>,
      tpu.vector_store %arg7[%swap3A], %add3A_157 {strides = array<i32>} : memref<640xf32, #tpu.memory_space<vmem>>, vector<16xf32>,
    }
    %scan3A_120 = arith.constant 40 : i32
    %mul3A_121 = arith.constant 640 : i32
    %mul3A_122 = arith.muli %arg1, %mul3A_121 : i32
    %run_scoped3A_123 = arith.constant 13 : i32
    "tpu.region"() ({
      %run_scoped3A_147 = tpu.sem_alloc : memref<!tpu.dma_semaphore, #tpu.memory_space<semaphore_mem>>
      %dma_start3A = arith.constant 0 : i32
      %dma_start3A_148 = tpu.memref_slice %arg8[%run_scoped3A_123, %dma_start3A] : memref<16x10240xf32, #tpu.memory_space<vmem_shared>> -> memref<1x10240xf32, #tpu.memory_space<vmem_shared>>
      %dma_start3A_149 = tpu.memref_squeeze %dma_start3A_148 : memref<1x10240xf32, #tpu.memory_space<vmem_shared>> -> memref<10240xf32, #tpu.memory_space<vmem_shared>>
      %dma_start3A_150 = tpu.memref_slice %dma_start3A_149[%mul3A_122] : memref<10240xf32, #tpu.memory_space<vmem_shared>> -> memref<640xf32, #tpu.memory_space<vmem_shared>>
      %dma_start3A_151 = arith.constant 0 : i32
      %dma_start3A_152 = tpu.memref_slice %arg8[%run_scoped3A_123, %dma_start3A_151] : memref<16x10240xf32, #tpu.memory_space<vmem_shared>> -> memref<1x10240xf32, #tpu.memory_space<vmem_shared>>
      %dma_start3A_153 = tpu.memref_squeeze %dma_start3A_152 : memref<1x10240xf32, #tpu.memory_space<vmem_shared>> -> memref<10240xf32, #tpu.memory_space<vmem_shared>>
      %dma_start3A_154 = tpu.memref_slice %dma_start3A_153[%mul3A_122] : memref<10240xf32, #tpu.memory_space<vmem_shared>> -> memref<640xf32, #tpu.memory_space<vmem_shared>>
      tpu.enqueue_dma source(%dma_start3A_154 : memref<640xf32, #tpu.memory_space<vmem_shared>>) target(%arg6 : memref<640xf32, #tpu.memory_space<vmem>>) target_semaphore(%run_scoped3A_147 : memref<!tpu.dma_semaphore, #tpu.memory_space<semaphore_mem>>)
      %dma_wait3A = arith.constant 0 : i32
      %dma_wait3A_155 = tpu.memref_slice %arg8[%run_scoped3A_123, %dma_wait3A] : memref<16x10240xf32, #tpu.memory_space<vmem_shared>> -> memref<1x10240xf32, #tpu.memory_space<vmem_shared>>
      %dma_wait3A_156 = tpu.memref_squeeze %dma_wait3A_155 : memref<1x10240xf32, #tpu.memory_space<vmem_shared>> -> memref<10240xf32, #tpu.memory_space<vmem_shared>>
      %dma_wait3A_157 = tpu.memref_slice %dma_wait3A_156[%mul3A_122] : memref<10240xf32, #tpu.memory_space<vmem_shared>> -> memref<640xf32, #tpu.memory_space<vmem_shared>>
      %dma_wait3A_158 = arith.constant 0 : i32
      %dma_wait3A_159 = tpu.memref_slice %arg8[%run_scoped3A_123, %dma_wait3A_158] : memref<16x10240xf32, #tpu.memory_space<vmem_shared>> -> memref<1x10240xf32, #tpu.memory_space<vmem_shared>>
      %dma_wait3A_160 = tpu.memref_squeeze %dma_wait3A_159 : memref<1x10240xf32, #tpu.memory_space<vmem_shared>> -> memref<10240xf32, #tpu.memory_space<vmem_shared>>
      %dma_wait3A_161 = tpu.memref_slice %dma_wait3A_160[%mul3A_122] : memref<10240xf32, #tpu.memory_space<vmem_shared>> -> memref<640xf32, #tpu.memory_space<vmem_shared>>
      tpu.wait_dma2 semaphore(%run_scoped3A_147 : memref<!tpu.dma_semaphore, #tpu.memory_space<semaphore_mem>>) src(%dma_wait3A_161 : memref<640xf32, #tpu.memory_space<vmem_shared>>) dst(%arg6 : memref<640xf32, #tpu.memory_space<vmem>>)
      tpu.yield
    }) : () -> ()
    %scan3A_124 = arith.constant 0 : i32
    %scan3A_125 = arith.constant 40 : i32
    %scan3A_126 = arith.addi %scan3A_124, %scan3A_125 : i32
    %scan3A_127 = arith.constant 1 : i32
    scf.for %scan3A_147 = %scan3A_124 to %scan3A_126 step %scan3A_127  : i32 {
      %mul3A_148 = arith.constant 1 : i32
      %mul3A_149 = arith.muli %scan3A_147, %mul3A_148 : i32
      %add3A_150 = arith.constant 0 : i32
      %add3A_151 = arith.addi %add3A_150, %mul3A_149 : i32
      %mul3A_152 = arith.constant 16 : i32
      %mul3A_153 = arith.muli %add3A_151, %mul3A_152 : i32
      %get3A = arith.index_cast %mul3A_153 : i32 to index
      %get3A_154 = tpu.vector_load %arg7[%get3A] {strides = array<i32>} : memref<640xf32, #tpu.memory_space<vmem>>, vector<16xf32>,
      %get3A_155 = arith.index_cast %mul3A_153 : i32 to index
      %get3A_156 = tpu.vector_load %arg6[%get3A_155] {strides = array<i32>} : memref<640xf32, #tpu.memory_space<vmem>>, vector<16xf32>,
      %add3A_157 = arith.addf %get3A_154, %get3A_156 : vector<16xf32>
      %swap3A = arith.index_cast %mul3A_153 : i32 to index
      %swap3A_158 = tpu.vector_load %arg7[%swap3A] {strides = array<i32>} : memref<640xf32, #tpu.memory_space<vmem>>, vector<16xf32>,
      tpu.vector_store %arg7[%swap3A], %add3A_157 {strides = array<i32>} : memref<640xf32, #tpu.memory_space<vmem>>, vector<16xf32>,
    }
    %scan3A_128 = arith.constant 40 : i32
    %mul3A_129 = arith.constant 640 : i32
    %mul3A_130 = arith.muli %arg1, %mul3A_129 : i32
    %run_scoped3A_131 = arith.constant 14 : i32
    "tpu.region"() ({
      %run_scoped3A_147 = tpu.sem_alloc : memref<!tpu.dma_semaphore, #tpu.memory_space<semaphore_mem>>
      %dma_start3A = arith.constant 0 : i32
      %dma_start3A_148 = tpu.memref_slice %arg8[%run_scoped3A_131, %dma_start3A] : memref<16x10240xf32, #tpu.memory_space<vmem_shared>> -> memref<1x10240xf32, #tpu.memory_space<vmem_shared>>
      %dma_start3A_149 = tpu.memref_squeeze %dma_start3A_148 : memref<1x10240xf32, #tpu.memory_space<vmem_shared>> -> memref<10240xf32, #tpu.memory_space<vmem_shared>>
      %dma_start3A_150 = tpu.memref_slice %dma_start3A_149[%mul3A_130] : memref<10240xf32, #tpu.memory_space<vmem_shared>> -> memref<640xf32, #tpu.memory_space<vmem_shared>>
      %dma_start3A_151 = arith.constant 0 : i32
      %dma_start3A_152 = tpu.memref_slice %arg8[%run_scoped3A_131, %dma_start3A_151] : memref<16x10240xf32, #tpu.memory_space<vmem_shared>> -> memref<1x10240xf32, #tpu.memory_space<vmem_shared>>
      %dma_start3A_153 = tpu.memref_squeeze %dma_start3A_152 : memref<1x10240xf32, #tpu.memory_space<vmem_shared>> -> memref<10240xf32, #tpu.memory_space<vmem_shared>>
      %dma_start3A_154 = tpu.memref_slice %dma_start3A_153[%mul3A_130] : memref<10240xf32, #tpu.memory_space<vmem_shared>> -> memref<640xf32, #tpu.memory_space<vmem_shared>>
      tpu.enqueue_dma source(%dma_start3A_154 : memref<640xf32, #tpu.memory_space<vmem_shared>>) target(%arg6 : memref<640xf32, #tpu.memory_space<vmem>>) target_semaphore(%run_scoped3A_147 : memref<!tpu.dma_semaphore, #tpu.memory_space<semaphore_mem>>)
      %dma_wait3A = arith.constant 0 : i32
      %dma_wait3A_155 = tpu.memref_slice %arg8[%run_scoped3A_131, %dma_wait3A] : memref<16x10240xf32, #tpu.memory_space<vmem_shared>> -> memref<1x10240xf32, #tpu.memory_space<vmem_shared>>
      %dma_wait3A_156 = tpu.memref_squeeze %dma_wait3A_155 : memref<1x10240xf32, #tpu.memory_space<vmem_shared>> -> memref<10240xf32, #tpu.memory_space<vmem_shared>>
      %dma_wait3A_157 = tpu.memref_slice %dma_wait3A_156[%mul3A_130] : memref<10240xf32, #tpu.memory_space<vmem_shared>> -> memref<640xf32, #tpu.memory_space<vmem_shared>>
      %dma_wait3A_158 = arith.constant 0 : i32
      %dma_wait3A_159 = tpu.memref_slice %arg8[%run_scoped3A_131, %dma_wait3A_158] : memref<16x10240xf32, #tpu.memory_space<vmem_shared>> -> memref<1x10240xf32, #tpu.memory_space<vmem_shared>>
      %dma_wait3A_160 = tpu.memref_squeeze %dma_wait3A_159 : memref<1x10240xf32, #tpu.memory_space<vmem_shared>> -> memref<10240xf32, #tpu.memory_space<vmem_shared>>
      %dma_wait3A_161 = tpu.memref_slice %dma_wait3A_160[%mul3A_130] : memref<10240xf32, #tpu.memory_space<vmem_shared>> -> memref<640xf32, #tpu.memory_space<vmem_shared>>
      tpu.wait_dma2 semaphore(%run_scoped3A_147 : memref<!tpu.dma_semaphore, #tpu.memory_space<semaphore_mem>>) src(%dma_wait3A_161 : memref<640xf32, #tpu.memory_space<vmem_shared>>) dst(%arg6 : memref<640xf32, #tpu.memory_space<vmem>>)
      tpu.yield
    }) : () -> ()
    %scan3A_132 = arith.constant 0 : i32
    %scan3A_133 = arith.constant 40 : i32
    %scan3A_134 = arith.addi %scan3A_132, %scan3A_133 : i32
    %scan3A_135 = arith.constant 1 : i32
    scf.for %scan3A_147 = %scan3A_132 to %scan3A_134 step %scan3A_135  : i32 {
      %mul3A_148 = arith.constant 1 : i32
      %mul3A_149 = arith.muli %scan3A_147, %mul3A_148 : i32
      %add3A_150 = arith.constant 0 : i32
      %add3A_151 = arith.addi %add3A_150, %mul3A_149 : i32
      %mul3A_152 = arith.constant 16 : i32
      %mul3A_153 = arith.muli %add3A_151, %mul3A_152 : i32
      %get3A = arith.index_cast %mul3A_153 : i32 to index
      %get3A_154 = tpu.vector_load %arg7[%get3A] {strides = array<i32>} : memref<640xf32, #tpu.memory_space<vmem>>, vector<16xf32>,
      %get3A_155 = arith.index_cast %mul3A_153 : i32 to index
      %get3A_156 = tpu.vector_load %arg6[%get3A_155] {strides = array<i32>} : memref<640xf32, #tpu.memory_space<vmem>>, vector<16xf32>,
      %add3A_157 = arith.addf %get3A_154, %get3A_156 : vector<16xf32>
      %swap3A = arith.index_cast %mul3A_153 : i32 to index
      %swap3A_158 = tpu.vector_load %arg7[%swap3A] {strides = array<i32>} : memref<640xf32, #tpu.memory_space<vmem>>, vector<16xf32>,
      tpu.vector_store %arg7[%swap3A], %add3A_157 {strides = array<i32>} : memref<640xf32, #tpu.memory_space<vmem>>, vector<16xf32>,
    }
    %scan3A_136 = arith.constant 40 : i32
    %mul3A_137 = arith.constant 640 : i32
    %mul3A_138 = arith.muli %arg1, %mul3A_137 : i32
    %run_scoped3A_139 = arith.constant 15 : i32
    "tpu.region"() ({
      %run_scoped3A_147 = tpu.sem_alloc : memref<!tpu.dma_semaphore, #tpu.memory_space<semaphore_mem>>
      %dma_start3A = arith.constant 0 : i32
      %dma_start3A_148 = tpu.memref_slice %arg8[%run_scoped3A_139, %dma_start3A] : memref<16x10240xf32, #tpu.memory_space<vmem_shared>> -> memref<1x10240xf32, #tpu.memory_space<vmem_shared>>
      %dma_start3A_149 = tpu.memref_squeeze %dma_start3A_148 : memref<1x10240xf32, #tpu.memory_space<vmem_shared>> -> memref<10240xf32, #tpu.memory_space<vmem_shared>>
      %dma_start3A_150 = tpu.memref_slice %dma_start3A_149[%mul3A_138] : memref<10240xf32, #tpu.memory_space<vmem_shared>> -> memref<640xf32, #tpu.memory_space<vmem_shared>>
      %dma_start3A_151 = arith.constant 0 : i32
      %dma_start3A_152 = tpu.memref_slice %arg8[%run_scoped3A_139, %dma_start3A_151] : memref<16x10240xf32, #tpu.memory_space<vmem_shared>> -> memref<1x10240xf32, #tpu.memory_space<vmem_shared>>
      %dma_start3A_153 = tpu.memref_squeeze %dma_start3A_152 : memref<1x10240xf32, #tpu.memory_space<vmem_shared>> -> memref<10240xf32, #tpu.memory_space<vmem_shared>>
      %dma_start3A_154 = tpu.memref_slice %dma_start3A_153[%mul3A_138] : memref<10240xf32, #tpu.memory_space<vmem_shared>> -> memref<640xf32, #tpu.memory_space<vmem_shared>>
      tpu.enqueue_dma source(%dma_start3A_154 : memref<640xf32, #tpu.memory_space<vmem_shared>>) target(%arg6 : memref<640xf32, #tpu.memory_space<vmem>>) target_semaphore(%run_scoped3A_147 : memref<!tpu.dma_semaphore, #tpu.memory_space<semaphore_mem>>)
      %dma_wait3A = arith.constant 0 : i32
      %dma_wait3A_155 = tpu.memref_slice %arg8[%run_scoped3A_139, %dma_wait3A] : memref<16x10240xf32, #tpu.memory_space<vmem_shared>> -> memref<1x10240xf32, #tpu.memory_space<vmem_shared>>
      %dma_wait3A_156 = tpu.memref_squeeze %dma_wait3A_155 : memref<1x10240xf32, #tpu.memory_space<vmem_shared>> -> memref<10240xf32, #tpu.memory_space<vmem_shared>>
      %dma_wait3A_157 = tpu.memref_slice %dma_wait3A_156[%mul3A_138] : memref<10240xf32, #tpu.memory_space<vmem_shared>> -> memref<640xf32, #tpu.memory_space<vmem_shared>>
      %dma_wait3A_158 = arith.constant 0 : i32
      %dma_wait3A_159 = tpu.memref_slice %arg8[%run_scoped3A_139, %dma_wait3A_158] : memref<16x10240xf32, #tpu.memory_space<vmem_shared>> -> memref<1x10240xf32, #tpu.memory_space<vmem_shared>>
      %dma_wait3A_160 = tpu.memref_squeeze %dma_wait3A_159 : memref<1x10240xf32, #tpu.memory_space<vmem_shared>> -> memref<10240xf32, #tpu.memory_space<vmem_shared>>
      %dma_wait3A_161 = tpu.memref_slice %dma_wait3A_160[%mul3A_138] : memref<10240xf32, #tpu.memory_space<vmem_shared>> -> memref<640xf32, #tpu.memory_space<vmem_shared>>
      tpu.wait_dma2 semaphore(%run_scoped3A_147 : memref<!tpu.dma_semaphore, #tpu.memory_space<semaphore_mem>>) src(%dma_wait3A_161 : memref<640xf32, #tpu.memory_space<vmem_shared>>) dst(%arg6 : memref<640xf32, #tpu.memory_space<vmem>>)
      tpu.yield
    }) : () -> ()
    %scan3A_140 = arith.constant 0 : i32
    %scan3A_141 = arith.constant 40 : i32
    %scan3A_142 = arith.addi %scan3A_140, %scan3A_141 : i32
    %scan3A_143 = arith.constant 1 : i32
    scf.for %scan3A_147 = %scan3A_140 to %scan3A_142 step %scan3A_143  : i32 {
      %mul3A_148 = arith.constant 1 : i32
      %mul3A_149 = arith.muli %scan3A_147, %mul3A_148 : i32
      %add3A_150 = arith.constant 0 : i32
      %add3A_151 = arith.addi %add3A_150, %mul3A_149 : i32
      %mul3A_152 = arith.constant 16 : i32
      %mul3A_153 = arith.muli %add3A_151, %mul3A_152 : i32
      %get3A = arith.index_cast %mul3A_153 : i32 to index
      %get3A_154 = tpu.vector_load %arg7[%get3A] {strides = array<i32>} : memref<640xf32, #tpu.memory_space<vmem>>, vector<16xf32>,
      %get3A_155 = arith.index_cast %mul3A_153 : i32 to index
      %get3A_156 = tpu.vector_load %arg6[%get3A_155] {strides = array<i32>} : memref<640xf32, #tpu.memory_space<vmem>>, vector<16xf32>,
      %add3A_157 = arith.addf %get3A_154, %get3A_156 : vector<16xf32>
      %swap3A = arith.index_cast %mul3A_153 : i32 to index
      %swap3A_158 = tpu.vector_load %arg7[%swap3A] {strides = array<i32>} : memref<640xf32, #tpu.memory_space<vmem>>, vector<16xf32>,
      tpu.vector_store %arg7[%swap3A], %add3A_157 {strides = array<i32>} : memref<640xf32, #tpu.memory_space<vmem>>, vector<16xf32>,
    }
    %scan3A_144 = arith.constant 40 : i32
    %mul3A_145 = arith.constant 640 : i32
    %mul3A_146 = arith.muli %arg1, %mul3A_145 : i32
    "tpu.region"() ({
      %run_scoped3A_147 = tpu.sem_alloc : memref<!tpu.dma_semaphore, #tpu.memory_space<semaphore_mem>>
      %dma_start3A = arith.constant 0 : i32
      %dma_start3A_148 = tpu.memref_slice %arg3[%arg0, %dma_start3A] : memref<2x10240xf32, #tpu.memory_space<hbm>> -> memref<1x10240xf32, #tpu.memory_space<hbm>>
      %dma_start3A_149 = tpu.memref_squeeze %dma_start3A_148 : memref<1x10240xf32, #tpu.memory_space<hbm>> -> memref<10240xf32, #tpu.memory_space<hbm>>
      %dma_start3A_150 = tpu.memref_slice %dma_start3A_149[%mul3A_146] : memref<10240xf32, #tpu.memory_space<hbm>> -> memref<640xf32, #tpu.memory_space<hbm>>
      %dma_start3A_151 = arith.constant 0 : i32
      %dma_start3A_152 = tpu.memref_slice %arg3[%arg0, %dma_start3A_151] : memref<2x10240xf32, #tpu.memory_space<hbm>> -> memref<1x10240xf32, #tpu.memory_space<hbm>>
      %dma_start3A_153 = tpu.memref_squeeze %dma_start3A_152 : memref<1x10240xf32, #tpu.memory_space<hbm>> -> memref<10240xf32, #tpu.memory_space<hbm>>
      %dma_start3A_154 = tpu.memref_slice %dma_start3A_153[%mul3A_146] : memref<10240xf32, #tpu.memory_space<hbm>> -> memref<640xf32, #tpu.memory_space<hbm>>
      tpu.enqueue_dma source(%arg7 : memref<640xf32, #tpu.memory_space<vmem>>) target(%dma_start3A_154 : memref<640xf32, #tpu.memory_space<hbm>>) target_semaphore(%run_scoped3A_147 : memref<!tpu.dma_semaphore, #tpu.memory_space<semaphore_mem>>)
      %dma_wait3A = arith.constant 0 : i32
      %dma_wait3A_155 = tpu.memref_slice %arg3[%arg0, %dma_wait3A] : memref<2x10240xf32, #tpu.memory_space<hbm>> -> memref<1x10240xf32, #tpu.memory_space<hbm>>
      %dma_wait3A_156 = tpu.memref_squeeze %dma_wait3A_155 : memref<1x10240xf32, #tpu.memory_space<hbm>> -> memref<10240xf32, #tpu.memory_space<hbm>>
      %dma_wait3A_157 = tpu.memref_slice %dma_wait3A_156[%mul3A_146] : memref<10240xf32, #tpu.memory_space<hbm>> -> memref<640xf32, #tpu.memory_space<hbm>>
      %dma_wait3A_158 = arith.constant 0 : i32
      %dma_wait3A_159 = tpu.memref_slice %arg3[%arg0, %dma_wait3A_158] : memref<2x10240xf32, #tpu.memory_space<hbm>> -> memref<1x10240xf32, #tpu.memory_space<hbm>>
      %dma_wait3A_160 = tpu.memref_squeeze %dma_wait3A_159 : memref<1x10240xf32, #tpu.memory_space<hbm>> -> memref<10240xf32, #tpu.memory_space<hbm>>
      %dma_wait3A_161 = tpu.memref_slice %dma_wait3A_160[%mul3A_146] : memref<10240xf32, #tpu.memory_space<hbm>> -> memref<640xf32, #tpu.memory_space<hbm>>
      tpu.wait_dma2 semaphore(%run_scoped3A_147 : memref<!tpu.dma_semaphore, #tpu.memory_space<semaphore_mem>>) src(%arg7 : memref<640xf32, #tpu.memory_space<vmem>>) dst(%dma_wait3A_161 : memref<640xf32, #tpu.memory_space<hbm>>)
      tpu.yield
    }) : () -> ()
    return
  }
}

#map = affine_map<(d0, d1) -> (0, 0, 0)>
module attributes {stable_mosaic.version = 14 : i64} {
  func.func @body(%arg0: i32, %arg1: i32, %arg2: memref<4x10240x128xf32, #tpu.memory_space<hbm>>, %arg3: memref<16x80x128xi32, #tpu.memory_space<hbm>>, %arg4: memref<16x80x128xi32, #tpu.memory_space<hbm>>, %arg5: memref<4x10240x128xf32, #tpu.memory_space<hbm>>, %arg6: memref<40x128xi32, #tpu.memory_space<vmem>>, %arg7: memref<40x128xi32, #tpu.memory_space<vmem>>, %arg8: memref<128x128xf32, #tpu.memory_space<vmem>>, %arg9: memref<128x128xf32, #tpu.memory_space<vmem>>, %arg10: memref<32x128xf32, #tpu.memory_space<vmem>>, %arg11: memref<10240x128xf32, #tpu.memory_space<vmem_shared>>, %arg12: memref<!tpu.dma_semaphore, #tpu.memory_space<semaphore_mem>>, %arg13: memref<!tpu.dma_semaphore, #tpu.memory_space<semaphore_mem>>) attributes {dimension_semantics = [#tpu.dimension_semantics<core_parallel>, #tpu.dimension_semantics<subcore_parallel>], iteration_bounds = array<i64: 2, 16>, scalar_prefetch = 0 : i64, scratch_operands = 8 : i64, tpu.core_type = #tpu.core_type<sc_vector_subcore>, window_params = [{transform_indices = #map}, {transform_indices = #map}, {transform_indices = #map}, {transform_indices = #map}]} {
    %broadcast_in_dim3A = arith.constant 0.000000e+00 : f32
    %broadcast_in_dim3A_0 = vector.broadcast %broadcast_in_dim3A : f32 to vector<16xf32>
    %scan3A = arith.constant 0 : i32
    %scan3A_1 = arith.constant 32 : i32
    %scan3A_2 = arith.addi %scan3A, %scan3A_1 : i32
    %scan3A_3 = arith.constant 1 : i32
    scf.for %scan3A_235 = %scan3A to %scan3A_2 step %scan3A_3  : i32 {
      %mul3A_236 = arith.constant 1 : i32
      %mul3A_237 = arith.muli %scan3A_235, %mul3A_236 : i32
      %add3A_238 = arith.constant 0 : i32
      %add3A_239 = arith.addi %add3A_238, %mul3A_237 : i32
      %scan3A_240 = arith.constant 0 : i32
      %scan3A_241 = arith.constant 8 : i32
      %scan3A_242 = arith.addi %scan3A_240, %scan3A_241 : i32
      %scan3A_243 = arith.constant 1 : i32
      scf.for %scan3A_245 = %scan3A_240 to %scan3A_242 step %scan3A_243  : i32 {
        %mul3A_246 = arith.constant 1 : i32
        %mul3A_247 = arith.muli %scan3A_245, %mul3A_246 : i32
        %add3A_248 = arith.constant 0 : i32
        %add3A_249 = arith.addi %add3A_248, %mul3A_247 : i32
        %mul3A_250 = arith.constant 16 : i32
        %mul3A_251 = arith.muli %add3A_249, %mul3A_250 : i32
        %swap3A = arith.index_cast %add3A_239 : i32 to index
        %swap3A_252 = arith.index_cast %mul3A_251 : i32 to index
        %swap3A_253 = tpu.vector_load %arg10[%swap3A, %swap3A_252] {strides = array<i32>} : memref<32x128xf32, #tpu.memory_space<vmem>>, vector<1x16xf32>,
        %swap3A_254 = vector.shape_cast %swap3A_253 : vector<1x16xf32> to vector<16xf32>
        %swap3A_255 = vector.shape_cast %broadcast_in_dim3A_0 : vector<16xf32> to vector<1x16xf32>
        tpu.vector_store %arg10[%swap3A, %swap3A_252], %swap3A_255 {strides = array<i32>} : memref<32x128xf32, #tpu.memory_space<vmem>>, vector<1x16xf32>,
      }
      %scan3A_244 = arith.constant 8 : i32
    }
    %scan3A_4 = arith.constant 32 : i32
    %mul3A = arith.constant 2 : i32
    %mul3A_5 = arith.muli %arg0, %mul3A : i32
    %add3A = arith.constant 0 : i32
    %add3A_6 = arith.addi %mul3A_5, %add3A : i32
    "tpu.region"() ({
      %run_scoped3A_235 = tpu.sem_alloc : memref<!tpu.dma_semaphore, #tpu.memory_space<semaphore_mem>>
      %dma_start3A_236 = arith.constant 0 : i32
      %dma_start3A_237 = arith.constant 0 : i32
      %dma_start3A_238 = tpu.memref_slice %arg3[%arg1, %dma_start3A_236, %dma_start3A_237] : memref<16x80x128xi32, #tpu.memory_space<hbm>> -> memref<1x80x128xi32, #tpu.memory_space<hbm>>
      %dma_start3A_239 = tpu.memref_squeeze %dma_start3A_238 : memref<1x80x128xi32, #tpu.memory_space<hbm>> -> memref<80x128xi32, #tpu.memory_space<hbm>>
      %dma_start3A_240 = arith.constant 0 : i32
      %dma_start3A_241 = arith.constant 0 : i32
      %dma_start3A_242 = tpu.memref_slice %dma_start3A_239[%dma_start3A_240, %dma_start3A_241] : memref<80x128xi32, #tpu.memory_space<hbm>> -> memref<40x128xi32, #tpu.memory_space<hbm>>
      %dma_start3A_243 = arith.constant 0 : i32
      %dma_start3A_244 = arith.constant 0 : i32
      %dma_start3A_245 = tpu.memref_slice %arg3[%arg1, %dma_start3A_243, %dma_start3A_244] : memref<16x80x128xi32, #tpu.memory_space<hbm>> -> memref<1x80x128xi32, #tpu.memory_space<hbm>>
      %dma_start3A_246 = tpu.memref_squeeze %dma_start3A_245 : memref<1x80x128xi32, #tpu.memory_space<hbm>> -> memref<80x128xi32, #tpu.memory_space<hbm>>
      %dma_start3A_247 = arith.constant 0 : i32
      %dma_start3A_248 = arith.constant 0 : i32
      %dma_start3A_249 = tpu.memref_slice %dma_start3A_246[%dma_start3A_247, %dma_start3A_248] : memref<80x128xi32, #tpu.memory_space<hbm>> -> memref<40x128xi32, #tpu.memory_space<hbm>>
      tpu.enqueue_dma source(%dma_start3A_249 : memref<40x128xi32, #tpu.memory_space<hbm>>) target(%arg6 : memref<40x128xi32, #tpu.memory_space<vmem>>) target_semaphore(%run_scoped3A_235 : memref<!tpu.dma_semaphore, #tpu.memory_space<semaphore_mem>>)
      %dma_wait3A_250 = arith.constant 0 : i32
      %dma_wait3A_251 = arith.constant 0 : i32
      %dma_wait3A_252 = tpu.memref_slice %arg3[%arg1, %dma_wait3A_250, %dma_wait3A_251] : memref<16x80x128xi32, #tpu.memory_space<hbm>> -> memref<1x80x128xi32, #tpu.memory_space<hbm>>
      %dma_wait3A_253 = tpu.memref_squeeze %dma_wait3A_252 : memref<1x80x128xi32, #tpu.memory_space<hbm>> -> memref<80x128xi32, #tpu.memory_space<hbm>>
      %dma_wait3A_254 = arith.constant 0 : i32
      %dma_wait3A_255 = arith.constant 0 : i32
      %dma_wait3A_256 = tpu.memref_slice %dma_wait3A_253[%dma_wait3A_254, %dma_wait3A_255] : memref<80x128xi32, #tpu.memory_space<hbm>> -> memref<40x128xi32, #tpu.memory_space<hbm>>
      %dma_wait3A_257 = arith.constant 0 : i32
      %dma_wait3A_258 = arith.constant 0 : i32
      %dma_wait3A_259 = tpu.memref_slice %arg3[%arg1, %dma_wait3A_257, %dma_wait3A_258] : memref<16x80x128xi32, #tpu.memory_space<hbm>> -> memref<1x80x128xi32, #tpu.memory_space<hbm>>
      %dma_wait3A_260 = tpu.memref_squeeze %dma_wait3A_259 : memref<1x80x128xi32, #tpu.memory_space<hbm>> -> memref<80x128xi32, #tpu.memory_space<hbm>>
      %dma_wait3A_261 = arith.constant 0 : i32
      %dma_wait3A_262 = arith.constant 0 : i32
      %dma_wait3A_263 = tpu.memref_slice %dma_wait3A_260[%dma_wait3A_261, %dma_wait3A_262] : memref<80x128xi32, #tpu.memory_space<hbm>> -> memref<40x128xi32, #tpu.memory_space<hbm>>
      tpu.wait_dma2 semaphore(%run_scoped3A_235 : memref<!tpu.dma_semaphore, #tpu.memory_space<semaphore_mem>>) src(%dma_wait3A_263 : memref<40x128xi32, #tpu.memory_space<hbm>>) dst(%arg6 : memref<40x128xi32, #tpu.memory_space<vmem>>)
      tpu.yield
    }) : () -> ()
    "tpu.region"() ({
      %run_scoped3A_235 = tpu.sem_alloc : memref<!tpu.dma_semaphore, #tpu.memory_space<semaphore_mem>>
      %dma_start3A_236 = arith.constant 0 : i32
      %dma_start3A_237 = arith.constant 0 : i32
      %dma_start3A_238 = tpu.memref_slice %arg4[%arg1, %dma_start3A_236, %dma_start3A_237] : memref<16x80x128xi32, #tpu.memory_space<hbm>> -> memref<1x80x128xi32, #tpu.memory_space<hbm>>
      %dma_start3A_239 = tpu.memref_squeeze %dma_start3A_238 : memref<1x80x128xi32, #tpu.memory_space<hbm>> -> memref<80x128xi32, #tpu.memory_space<hbm>>
      %dma_start3A_240 = arith.constant 0 : i32
      %dma_start3A_241 = arith.constant 0 : i32
      %dma_start3A_242 = tpu.memref_slice %dma_start3A_239[%dma_start3A_240, %dma_start3A_241] : memref<80x128xi32, #tpu.memory_space<hbm>> -> memref<40x128xi32, #tpu.memory_space<hbm>>
      %dma_start3A_243 = arith.constant 0 : i32
      %dma_start3A_244 = arith.constant 0 : i32
      %dma_start3A_245 = tpu.memref_slice %arg4[%arg1, %dma_start3A_243, %dma_start3A_244] : memref<16x80x128xi32, #tpu.memory_space<hbm>> -> memref<1x80x128xi32, #tpu.memory_space<hbm>>
      %dma_start3A_246 = tpu.memref_squeeze %dma_start3A_245 : memref<1x80x128xi32, #tpu.memory_space<hbm>> -> memref<80x128xi32, #tpu.memory_space<hbm>>
      %dma_start3A_247 = arith.constant 0 : i32
      %dma_start3A_248 = arith.constant 0 : i32
      %dma_start3A_249 = tpu.memref_slice %dma_start3A_246[%dma_start3A_247, %dma_start3A_248] : memref<80x128xi32, #tpu.memory_space<hbm>> -> memref<40x128xi32, #tpu.memory_space<hbm>>
      tpu.enqueue_dma source(%dma_start3A_249 : memref<40x128xi32, #tpu.memory_space<hbm>>) target(%arg7 : memref<40x128xi32, #tpu.memory_space<vmem>>) target_semaphore(%run_scoped3A_235 : memref<!tpu.dma_semaphore, #tpu.memory_space<semaphore_mem>>)
      %dma_wait3A_250 = arith.constant 0 : i32
      %dma_wait3A_251 = arith.constant 0 : i32
      %dma_wait3A_252 = tpu.memref_slice %arg4[%arg1, %dma_wait3A_250, %dma_wait3A_251] : memref<16x80x128xi32, #tpu.memory_space<hbm>> -> memref<1x80x128xi32, #tpu.memory_space<hbm>>
      %dma_wait3A_253 = tpu.memref_squeeze %dma_wait3A_252 : memref<1x80x128xi32, #tpu.memory_space<hbm>> -> memref<80x128xi32, #tpu.memory_space<hbm>>
      %dma_wait3A_254 = arith.constant 0 : i32
      %dma_wait3A_255 = arith.constant 0 : i32
      %dma_wait3A_256 = tpu.memref_slice %dma_wait3A_253[%dma_wait3A_254, %dma_wait3A_255] : memref<80x128xi32, #tpu.memory_space<hbm>> -> memref<40x128xi32, #tpu.memory_space<hbm>>
      %dma_wait3A_257 = arith.constant 0 : i32
      %dma_wait3A_258 = arith.constant 0 : i32
      %dma_wait3A_259 = tpu.memref_slice %arg4[%arg1, %dma_wait3A_257, %dma_wait3A_258] : memref<16x80x128xi32, #tpu.memory_space<hbm>> -> memref<1x80x128xi32, #tpu.memory_space<hbm>>
      %dma_wait3A_260 = tpu.memref_squeeze %dma_wait3A_259 : memref<1x80x128xi32, #tpu.memory_space<hbm>> -> memref<80x128xi32, #tpu.memory_space<hbm>>
      %dma_wait3A_261 = arith.constant 0 : i32
      %dma_wait3A_262 = arith.constant 0 : i32
      %dma_wait3A_263 = tpu.memref_slice %dma_wait3A_260[%dma_wait3A_261, %dma_wait3A_262] : memref<80x128xi32, #tpu.memory_space<hbm>> -> memref<40x128xi32, #tpu.memory_space<hbm>>
      tpu.wait_dma2 semaphore(%run_scoped3A_235 : memref<!tpu.dma_semaphore, #tpu.memory_space<semaphore_mem>>) src(%dma_wait3A_263 : memref<40x128xi32, #tpu.memory_space<hbm>>) dst(%arg7 : memref<40x128xi32, #tpu.memory_space<vmem>>)
      tpu.yield
    }) : () -> ()
    %dma_start3A = arith.constant 0 : i32
    %dma_start3A_7 = arith.constant 0 : i32
    %dma_start3A_8 = tpu.memref_slice %arg6[%dma_start3A, %dma_start3A_7] : memref<40x128xi32, #tpu.memory_space<vmem>> -> memref<1x128xi32, #tpu.memory_space<vmem>>
    %dma_start3A_9 = tpu.memref_squeeze %dma_start3A_8 : memref<1x128xi32, #tpu.memory_space<vmem>> -> memref<128xi32, #tpu.memory_space<vmem>>
    %dma_start3A_10 = arith.constant 0 : i32
    %dma_start3A_11 = arith.constant 0 : i32
    %dma_start3A_12 = tpu.memref_slice %arg2[%add3A_6, %dma_start3A_10, %dma_start3A_11] : memref<4x10240x128xf32, #tpu.memory_space<hbm>> -> memref<1x10240x128xf32, #tpu.memory_space<hbm>>
    %dma_start3A_13 = tpu.memref_squeeze %dma_start3A_12 : memref<1x10240x128xf32, #tpu.memory_space<hbm>> -> memref<10240x128xf32, #tpu.memory_space<hbm>>
    %dma_start3A_14 = arith.constant 0 : i32
    %dma_start3A_15 = arith.constant 0 : i32
    %dma_start3A_16 = tpu.memref_slice %dma_start3A_13[%dma_start3A_14, %dma_start3A_15] : memref<10240x128xf32, #tpu.memory_space<hbm>> -> memref<10240x128xf32, #tpu.memory_space<hbm>>
    tpu.enqueue_indirect_dma source(%dma_start3A_16 : memref<10240x128xf32, #tpu.memory_space<hbm>>) target(%arg8 : memref<128x128xf32, #tpu.memory_space<vmem>>) offsets(%dma_start3A_9 : memref<128xi32, #tpu.memory_space<vmem>>) semaphore(%arg12 : memref<!tpu.dma_semaphore, #tpu.memory_space<semaphore_mem>>)
    %scan3A_17 = arith.constant 0 : i32
    %scan3A_18 = arith.constant 20 : i32
    %scan3A_19 = arith.addi %scan3A_17, %scan3A_18 : i32
    %scan3A_20 = arith.constant 1 : i32
    scf.for %scan3A_235 = %scan3A_17 to %scan3A_19 step %scan3A_20  : i32 {
      %mul3A_236 = arith.constant 1 : i32
      %mul3A_237 = arith.muli %scan3A_235, %mul3A_236 : i32
      %add3A_238 = arith.constant 0 : i32
      %add3A_239 = arith.addi %add3A_238, %mul3A_237 : i32
      %mul3A_240 = arith.constant 640 : i32
      %mul3A_241 = arith.muli %arg1, %mul3A_240 : i32
      %mul3A_242 = arith.constant 32 : i32
      %mul3A_243 = arith.muli %add3A_239, %mul3A_242 : i32
      %add3A_244 = arith.addi %mul3A_241, %mul3A_243 : i32
      "tpu.region"() ({
        %run_scoped3A_245 = tpu.sem_alloc : memref<!tpu.dma_semaphore, #tpu.memory_space<semaphore_mem>>
        %dma_start3A_246 = arith.constant 0 : i32
        %dma_start3A_247 = tpu.memref_slice %arg11[%add3A_244, %dma_start3A_246] : memref<10240x128xf32, #tpu.memory_space<vmem_shared>> -> memref<32x128xf32, #tpu.memory_space<vmem_shared>>
        %dma_start3A_248 = arith.constant 0 : i32
        %dma_start3A_249 = tpu.memref_slice %arg11[%add3A_244, %dma_start3A_248] : memref<10240x128xf32, #tpu.memory_space<vmem_shared>> -> memref<32x128xf32, #tpu.memory_space<vmem_shared>>
        tpu.enqueue_dma source(%arg10 : memref<32x128xf32, #tpu.memory_space<vmem>>) target(%dma_start3A_249 : memref<32x128xf32, #tpu.memory_space<vmem_shared>>) target_semaphore(%run_scoped3A_245 : memref<!tpu.dma_semaphore, #tpu.memory_space<semaphore_mem>>)
        %dma_wait3A_250 = arith.constant 0 : i32
        %dma_wait3A_251 = tpu.memref_slice %arg11[%add3A_244, %dma_wait3A_250] : memref<10240x128xf32, #tpu.memory_space<vmem_shared>> -> memref<32x128xf32, #tpu.memory_space<vmem_shared>>
        %dma_wait3A_252 = arith.constant 0 : i32
        %dma_wait3A_253 = tpu.memref_slice %arg11[%add3A_244, %dma_wait3A_252] : memref<10240x128xf32, #tpu.memory_space<vmem_shared>> -> memref<32x128xf32, #tpu.memory_space<vmem_shared>>
        tpu.wait_dma2 semaphore(%run_scoped3A_245 : memref<!tpu.dma_semaphore, #tpu.memory_space<semaphore_mem>>) src(%arg10 : memref<32x128xf32, #tpu.memory_space<vmem>>) dst(%dma_wait3A_253 : memref<32x128xf32, #tpu.memory_space<vmem_shared>>)
        tpu.yield
      }) : () -> ()
    }
    %scan3A_21 = arith.constant 20 : i32
    %barrier3A = arith.constant 0 : index
    tpu.barrier barrier_id(%barrier3A)
    %scan3A_22 = arith.constant 0 : i32
    %scan3A_23 = arith.constant 19 : i32
    %scan3A_24 = arith.addi %scan3A_22, %scan3A_23 : i32
    %scan3A_25 = arith.constant 1 : i32
    scf.for %scan3A_235 = %scan3A_22 to %scan3A_24 step %scan3A_25  : i32 {
      %mul3A_236 = arith.constant 1 : i32
      %mul3A_237 = arith.muli %scan3A_235, %mul3A_236 : i32
      %add3A_238 = arith.constant 0 : i32
      %add3A_239 = arith.addi %add3A_238, %mul3A_237 : i32
      %mul3A_240 = arith.constant 2 : i32
      %mul3A_241 = arith.muli %add3A_239, %mul3A_240 : i32
      %add3A_242 = arith.constant 1 : i32
      %add3A_243 = arith.addi %mul3A_241, %add3A_242 : i32
      %dma_start3A_244 = arith.constant 0 : i32
      %dma_start3A_245 = tpu.memref_slice %arg6[%add3A_243, %dma_start3A_244] : memref<40x128xi32, #tpu.memory_space<vmem>> -> memref<1x128xi32, #tpu.memory_space<vmem>>
      %dma_start3A_246 = tpu.memref_squeeze %dma_start3A_245 : memref<1x128xi32, #tpu.memory_space<vmem>> -> memref<128xi32, #tpu.memory_space<vmem>>
      %dma_start3A_247 = arith.constant 0 : i32
      %dma_start3A_248 = arith.constant 0 : i32
      %dma_start3A_249 = tpu.memref_slice %arg2[%add3A_6, %dma_start3A_247, %dma_start3A_248] : memref<4x10240x128xf32, #tpu.memory_space<hbm>> -> memref<1x10240x128xf32, #tpu.memory_space<hbm>>
      %dma_start3A_250 = tpu.memref_squeeze %dma_start3A_249 : memref<1x10240x128xf32, #tpu.memory_space<hbm>> -> memref<10240x128xf32, #tpu.memory_space<hbm>>
      %dma_start3A_251 = arith.constant 0 : i32
      %dma_start3A_252 = arith.constant 0 : i32
      %dma_start3A_253 = tpu.memref_slice %dma_start3A_250[%dma_start3A_251, %dma_start3A_252] : memref<10240x128xf32, #tpu.memory_space<hbm>> -> memref<10240x128xf32, #tpu.memory_space<hbm>>
      tpu.enqueue_indirect_dma source(%dma_start3A_253 : memref<10240x128xf32, #tpu.memory_space<hbm>>) target(%arg9 : memref<128x128xf32, #tpu.memory_space<vmem>>) offsets(%dma_start3A_246 : memref<128xi32, #tpu.memory_space<vmem>>) semaphore(%arg13 : memref<!tpu.dma_semaphore, #tpu.memory_space<semaphore_mem>>)
      %dma_wait3A_254 = arith.constant 0 : i32
      %dma_wait3A_255 = tpu.memref_slice %arg6[%mul3A_241, %dma_wait3A_254] : memref<40x128xi32, #tpu.memory_space<vmem>> -> memref<1x128xi32, #tpu.memory_space<vmem>>
      %dma_wait3A_256 = tpu.memref_squeeze %dma_wait3A_255 : memref<1x128xi32, #tpu.memory_space<vmem>> -> memref<128xi32, #tpu.memory_space<vmem>>
      %dma_wait3A_257 = arith.constant 0 : i32
      %dma_wait3A_258 = arith.constant 0 : i32
      %dma_wait3A_259 = tpu.memref_slice %arg2[%add3A_6, %dma_wait3A_257, %dma_wait3A_258] : memref<4x10240x128xf32, #tpu.memory_space<hbm>> -> memref<1x10240x128xf32, #tpu.memory_space<hbm>>
      %dma_wait3A_260 = tpu.memref_squeeze %dma_wait3A_259 : memref<1x10240x128xf32, #tpu.memory_space<hbm>> -> memref<10240x128xf32, #tpu.memory_space<hbm>>
      %dma_wait3A_261 = arith.constant 0 : i32
      %dma_wait3A_262 = arith.constant 0 : i32
      %dma_wait3A_263 = tpu.memref_slice %dma_wait3A_260[%dma_wait3A_261, %dma_wait3A_262] : memref<10240x128xf32, #tpu.memory_space<hbm>> -> memref<10240x128xf32, #tpu.memory_space<hbm>>
      tpu.wait_indirect_dma semaphore(%arg12 : memref<!tpu.dma_semaphore, #tpu.memory_space<semaphore_mem>>) src(%dma_wait3A_263 : memref<10240x128xf32, #tpu.memory_space<hbm>>) dst(%arg8 : memref<128x128xf32, #tpu.memory_space<vmem>>)
      "tpu.region"() ({
        %run_scoped3A_290 = tpu.sem_alloc : memref<!tpu.dma_semaphore, #tpu.memory_space<semaphore_mem>>
        %dma_start3A_291 = arith.constant 0 : i32
        %dma_start3A_292 = tpu.memref_slice %arg7[%mul3A_241, %dma_start3A_291] : memref<40x128xi32, #tpu.memory_space<vmem>> -> memref<1x128xi32, #tpu.memory_space<vmem>>
        %dma_start3A_293 = tpu.memref_squeeze %dma_start3A_292 : memref<1x128xi32, #tpu.memory_space<vmem>> -> memref<128xi32, #tpu.memory_space<vmem>>
        %dma_start3A_294 = arith.constant 0 : i32
        %dma_start3A_295 = arith.constant 0 : i32
        %dma_start3A_296 = tpu.memref_slice %arg11[%dma_start3A_294, %dma_start3A_295] : memref<10240x128xf32, #tpu.memory_space<vmem_shared>> -> memref<10240x128xf32, #tpu.memory_space<vmem_shared>>
        tpu.enqueue_indirect_dma source(%arg8 : memref<128x128xf32, #tpu.memory_space<vmem>>) target(%dma_start3A_296 : memref<10240x128xf32, #tpu.memory_space<vmem_shared>>) offsets(%dma_start3A_293 : memref<128xi32, #tpu.memory_space<vmem>>) semaphore(%run_scoped3A_290 : memref<!tpu.dma_semaphore, #tpu.memory_space<semaphore_mem>>) {add = true}
        %dma_wait3A_297 = arith.constant 0 : i32
        %dma_wait3A_298 = tpu.memref_slice %arg7[%mul3A_241, %dma_wait3A_297] : memref<40x128xi32, #tpu.memory_space<vmem>> -> memref<1x128xi32, #tpu.memory_space<vmem>>
        %dma_wait3A_299 = tpu.memref_squeeze %dma_wait3A_298 : memref<1x128xi32, #tpu.memory_space<vmem>> -> memref<128xi32, #tpu.memory_space<vmem>>
        %dma_wait3A_300 = arith.constant 0 : i32
        %dma_wait3A_301 = arith.constant 0 : i32
        %dma_wait3A_302 = tpu.memref_slice %arg11[%dma_wait3A_300, %dma_wait3A_301] : memref<10240x128xf32, #tpu.memory_space<vmem_shared>> -> memref<10240x128xf32, #tpu.memory_space<vmem_shared>>
        tpu.wait_indirect_dma semaphore(%run_scoped3A_290 : memref<!tpu.dma_semaphore, #tpu.memory_space<semaphore_mem>>) src(%arg8 : memref<128x128xf32, #tpu.memory_space<vmem>>) dst(%dma_wait3A_302 : memref<10240x128xf32, #tpu.memory_space<vmem_shared>>)
        tpu.yield
      }) : () -> ()
      %add3A_264 = arith.constant 2 : i32
      %add3A_265 = arith.addi %mul3A_241, %add3A_264 : i32
      %dma_start3A_266 = arith.constant 0 : i32
      %dma_start3A_267 = tpu.memref_slice %arg6[%add3A_265, %dma_start3A_266] : memref<40x128xi32, #tpu.memory_space<vmem>> -> memref<1x128xi32, #tpu.memory_space<vmem>>
      %dma_start3A_268 = tpu.memref_squeeze %dma_start3A_267 : memref<1x128xi32, #tpu.memory_space<vmem>> -> memref<128xi32, #tpu.memory_space<vmem>>
      %dma_start3A_269 = arith.constant 0 : i32
      %dma_start3A_270 = arith.constant 0 : i32
      %dma_start3A_271 = tpu.memref_slice %arg2[%add3A_6, %dma_start3A_269, %dma_start3A_270] : memref<4x10240x128xf32, #tpu.memory_space<hbm>> -> memref<1x10240x128xf32, #tpu.memory_space<hbm>>
      %dma_start3A_272 = tpu.memref_squeeze %dma_start3A_271 : memref<1x10240x128xf32, #tpu.memory_space<hbm>> -> memref<10240x128xf32, #tpu.memory_space<hbm>>
      %dma_start3A_273 = arith.constant 0 : i32
      %dma_start3A_274 = arith.constant 0 : i32
      %dma_start3A_275 = tpu.memref_slice %dma_start3A_272[%dma_start3A_273, %dma_start3A_274] : memref<10240x128xf32, #tpu.memory_space<hbm>> -> memref<10240x128xf32, #tpu.memory_space<hbm>>
      tpu.enqueue_indirect_dma source(%dma_start3A_275 : memref<10240x128xf32, #tpu.memory_space<hbm>>) target(%arg8 : memref<128x128xf32, #tpu.memory_space<vmem>>) offsets(%dma_start3A_268 : memref<128xi32, #tpu.memory_space<vmem>>) semaphore(%arg12 : memref<!tpu.dma_semaphore, #tpu.memory_space<semaphore_mem>>)
      %add3A_276 = arith.constant 1 : i32
      %add3A_277 = arith.addi %mul3A_241, %add3A_276 : i32
      %dma_wait3A_278 = arith.constant 0 : i32
      %dma_wait3A_279 = tpu.memref_slice %arg6[%add3A_277, %dma_wait3A_278] : memref<40x128xi32, #tpu.memory_space<vmem>> -> memref<1x128xi32, #tpu.memory_space<vmem>>
      %dma_wait3A_280 = tpu.memref_squeeze %dma_wait3A_279 : memref<1x128xi32, #tpu.memory_space<vmem>> -> memref<128xi32, #tpu.memory_space<vmem>>
      %dma_wait3A_281 = arith.constant 0 : i32
      %dma_wait3A_282 = arith.constant 0 : i32
      %dma_wait3A_283 = tpu.memref_slice %arg2[%add3A_6, %dma_wait3A_281, %dma_wait3A_282] : memref<4x10240x128xf32, #tpu.memory_space<hbm>> -> memref<1x10240x128xf32, #tpu.memory_space<hbm>>
      %dma_wait3A_284 = tpu.memref_squeeze %dma_wait3A_283 : memref<1x10240x128xf32, #tpu.memory_space<hbm>> -> memref<10240x128xf32, #tpu.memory_space<hbm>>
      %dma_wait3A_285 = arith.constant 0 : i32
      %dma_wait3A_286 = arith.constant 0 : i32
      %dma_wait3A_287 = tpu.memref_slice %dma_wait3A_284[%dma_wait3A_285, %dma_wait3A_286] : memref<10240x128xf32, #tpu.memory_space<hbm>> -> memref<10240x128xf32, #tpu.memory_space<hbm>>
      tpu.wait_indirect_dma semaphore(%arg13 : memref<!tpu.dma_semaphore, #tpu.memory_space<semaphore_mem>>) src(%dma_wait3A_287 : memref<10240x128xf32, #tpu.memory_space<hbm>>) dst(%arg9 : memref<128x128xf32, #tpu.memory_space<vmem>>)
      %add3A_288 = arith.constant 1 : i32
      %add3A_289 = arith.addi %mul3A_241, %add3A_288 : i32
      "tpu.region"() ({
        %run_scoped3A_290 = tpu.sem_alloc : memref<!tpu.dma_semaphore, #tpu.memory_space<semaphore_mem>>
        %dma_start3A_291 = arith.constant 0 : i32
        %dma_start3A_292 = tpu.memref_slice %arg7[%add3A_289, %dma_start3A_291] : memref<40x128xi32, #tpu.memory_space<vmem>> -> memref<1x128xi32, #tpu.memory_space<vmem>>
        %dma_start3A_293 = tpu.memref_squeeze %dma_start3A_292 : memref<1x128xi32, #tpu.memory_space<vmem>> -> memref<128xi32, #tpu.memory_space<vmem>>
        %dma_start3A_294 = arith.constant 0 : i32
        %dma_start3A_295 = arith.constant 0 : i32
        %dma_start3A_296 = tpu.memref_slice %arg11[%dma_start3A_294, %dma_start3A_295] : memref<10240x128xf32, #tpu.memory_space<vmem_shared>> -> memref<10240x128xf32, #tpu.memory_space<vmem_shared>>
        tpu.enqueue_indirect_dma source(%arg9 : memref<128x128xf32, #tpu.memory_space<vmem>>) target(%dma_start3A_296 : memref<10240x128xf32, #tpu.memory_space<vmem_shared>>) offsets(%dma_start3A_293 : memref<128xi32, #tpu.memory_space<vmem>>) semaphore(%run_scoped3A_290 : memref<!tpu.dma_semaphore, #tpu.memory_space<semaphore_mem>>) {add = true}
        %dma_wait3A_297 = arith.constant 0 : i32
        %dma_wait3A_298 = tpu.memref_slice %arg7[%add3A_289, %dma_wait3A_297] : memref<40x128xi32, #tpu.memory_space<vmem>> -> memref<1x128xi32, #tpu.memory_space<vmem>>
        %dma_wait3A_299 = tpu.memref_squeeze %dma_wait3A_298 : memref<1x128xi32, #tpu.memory_space<vmem>> -> memref<128xi32, #tpu.memory_space<vmem>>
        %dma_wait3A_300 = arith.constant 0 : i32
        %dma_wait3A_301 = arith.constant 0 : i32
        %dma_wait3A_302 = tpu.memref_slice %arg11[%dma_wait3A_300, %dma_wait3A_301] : memref<10240x128xf32, #tpu.memory_space<vmem_shared>> -> memref<10240x128xf32, #tpu.memory_space<vmem_shared>>
        tpu.wait_indirect_dma semaphore(%run_scoped3A_290 : memref<!tpu.dma_semaphore, #tpu.memory_space<semaphore_mem>>) src(%arg9 : memref<128x128xf32, #tpu.memory_space<vmem>>) dst(%dma_wait3A_302 : memref<10240x128xf32, #tpu.memory_space<vmem_shared>>)
        tpu.yield
      }) : () -> ()
    }
    %scan3A_26 = arith.constant 19 : i32
    %dma_start3A_27 = arith.constant 39 : i32
    %dma_start3A_28 = arith.constant 0 : i32
    %dma_start3A_29 = tpu.memref_slice %arg6[%dma_start3A_27, %dma_start3A_28] : memref<40x128xi32, #tpu.memory_space<vmem>> -> memref<1x128xi32, #tpu.memory_space<vmem>>
    %dma_start3A_30 = tpu.memref_squeeze %dma_start3A_29 : memref<1x128xi32, #tpu.memory_space<vmem>> -> memref<128xi32, #tpu.memory_space<vmem>>
    %dma_start3A_31 = arith.constant 0 : i32
    %dma_start3A_32 = arith.constant 0 : i32
    %dma_start3A_33 = tpu.memref_slice %arg2[%add3A_6, %dma_start3A_31, %dma_start3A_32] : memref<4x10240x128xf32, #tpu.memory_space<hbm>> -> memref<1x10240x128xf32, #tpu.memory_space<hbm>>
    %dma_start3A_34 = tpu.memref_squeeze %dma_start3A_33 : memref<1x10240x128xf32, #tpu.memory_space<hbm>> -> memref<10240x128xf32, #tpu.memory_space<hbm>>
    %dma_start3A_35 = arith.constant 0 : i32
    %dma_start3A_36 = arith.constant 0 : i32
    %dma_start3A_37 = tpu.memref_slice %dma_start3A_34[%dma_start3A_35, %dma_start3A_36] : memref<10240x128xf32, #tpu.memory_space<hbm>> -> memref<10240x128xf32, #tpu.memory_space<hbm>>
    tpu.enqueue_indirect_dma source(%dma_start3A_37 : memref<10240x128xf32, #tpu.memory_space<hbm>>) target(%arg9 : memref<128x128xf32, #tpu.memory_space<vmem>>) offsets(%dma_start3A_30 : memref<128xi32, #tpu.memory_space<vmem>>) semaphore(%arg13 : memref<!tpu.dma_semaphore, #tpu.memory_space<semaphore_mem>>)
    %dma_wait3A = arith.constant 38 : i32
    %dma_wait3A_38 = arith.constant 0 : i32
    %dma_wait3A_39 = tpu.memref_slice %arg6[%dma_wait3A, %dma_wait3A_38] : memref<40x128xi32, #tpu.memory_space<vmem>> -> memref<1x128xi32, #tpu.memory_space<vmem>>
    %dma_wait3A_40 = tpu.memref_squeeze %dma_wait3A_39 : memref<1x128xi32, #tpu.memory_space<vmem>> -> memref<128xi32, #tpu.memory_space<vmem>>
    %dma_wait3A_41 = arith.constant 0 : i32
    %dma_wait3A_42 = arith.constant 0 : i32
    %dma_wait3A_43 = tpu.memref_slice %arg2[%add3A_6, %dma_wait3A_41, %dma_wait3A_42] : memref<4x10240x128xf32, #tpu.memory_space<hbm>> -> memref<1x10240x128xf32, #tpu.memory_space<hbm>>
    %dma_wait3A_44 = tpu.memref_squeeze %dma_wait3A_43 : memref<1x10240x128xf32, #tpu.memory_space<hbm>> -> memref<10240x128xf32, #tpu.memory_space<hbm>>
    %dma_wait3A_45 = arith.constant 0 : i32
    %dma_wait3A_46 = arith.constant 0 : i32
    %dma_wait3A_47 = tpu.memref_slice %dma_wait3A_44[%dma_wait3A_45, %dma_wait3A_46] : memref<10240x128xf32, #tpu.memory_space<hbm>> -> memref<10240x128xf32, #tpu.memory_space<hbm>>
    tpu.wait_indirect_dma semaphore(%arg12 : memref<!tpu.dma_semaphore, #tpu.memory_space<semaphore_mem>>) src(%dma_wait3A_47 : memref<10240x128xf32, #tpu.memory_space<hbm>>) dst(%arg8 : memref<128x128xf32, #tpu.memory_space<vmem>>)
    %run_scoped3A = arith.constant 38 : i32
    "tpu.region"() ({
      %run_scoped3A_235 = tpu.sem_alloc : memref<!tpu.dma_semaphore, #tpu.memory_space<semaphore_mem>>
      %dma_start3A_236 = arith.constant 0 : i32
      %dma_start3A_237 = tpu.memref_slice %arg7[%run_scoped3A, %dma_start3A_236] : memref<40x128xi32, #tpu.memory_space<vmem>> -> memref<1x128xi32, #tpu.memory_space<vmem>>
      %dma_start3A_238 = tpu.memref_squeeze %dma_start3A_237 : memref<1x128xi32, #tpu.memory_space<vmem>> -> memref<128xi32, #tpu.memory_space<vmem>>
      %dma_start3A_239 = arith.constant 0 : i32
      %dma_start3A_240 = arith.constant 0 : i32
      %dma_start3A_241 = tpu.memref_slice %arg11[%dma_start3A_239, %dma_start3A_240] : memref<10240x128xf32, #tpu.memory_space<vmem_shared>> -> memref<10240x128xf32, #tpu.memory_space<vmem_shared>>
      tpu.enqueue_indirect_dma source(%arg8 : memref<128x128xf32, #tpu.memory_space<vmem>>) target(%dma_start3A_241 : memref<10240x128xf32, #tpu.memory_space<vmem_shared>>) offsets(%dma_start3A_238 : memref<128xi32, #tpu.memory_space<vmem>>) semaphore(%run_scoped3A_235 : memref<!tpu.dma_semaphore, #tpu.memory_space<semaphore_mem>>) {add = true}
      %dma_wait3A_242 = arith.constant 0 : i32
      %dma_wait3A_243 = tpu.memref_slice %arg7[%run_scoped3A, %dma_wait3A_242] : memref<40x128xi32, #tpu.memory_space<vmem>> -> memref<1x128xi32, #tpu.memory_space<vmem>>
      %dma_wait3A_244 = tpu.memref_squeeze %dma_wait3A_243 : memref<1x128xi32, #tpu.memory_space<vmem>> -> memref<128xi32, #tpu.memory_space<vmem>>
      %dma_wait3A_245 = arith.constant 0 : i32
      %dma_wait3A_246 = arith.constant 0 : i32
      %dma_wait3A_247 = tpu.memref_slice %arg11[%dma_wait3A_245, %dma_wait3A_246] : memref<10240x128xf32, #tpu.memory_space<vmem_shared>> -> memref<10240x128xf32, #tpu.memory_space<vmem_shared>>
      tpu.wait_indirect_dma semaphore(%run_scoped3A_235 : memref<!tpu.dma_semaphore, #tpu.memory_space<semaphore_mem>>) src(%arg8 : memref<128x128xf32, #tpu.memory_space<vmem>>) dst(%dma_wait3A_247 : memref<10240x128xf32, #tpu.memory_space<vmem_shared>>)
      tpu.yield
    }) : () -> ()
    %dma_wait3A_48 = arith.constant 39 : i32
    %dma_wait3A_49 = arith.constant 0 : i32
    %dma_wait3A_50 = tpu.memref_slice %arg6[%dma_wait3A_48, %dma_wait3A_49] : memref<40x128xi32, #tpu.memory_space<vmem>> -> memref<1x128xi32, #tpu.memory_space<vmem>>
    %dma_wait3A_51 = tpu.memref_squeeze %dma_wait3A_50 : memref<1x128xi32, #tpu.memory_space<vmem>> -> memref<128xi32, #tpu.memory_space<vmem>>
    %dma_wait3A_52 = arith.constant 0 : i32
    %dma_wait3A_53 = arith.constant 0 : i32
    %dma_wait3A_54 = tpu.memref_slice %arg2[%add3A_6, %dma_wait3A_52, %dma_wait3A_53] : memref<4x10240x128xf32, #tpu.memory_space<hbm>> -> memref<1x10240x128xf32, #tpu.memory_space<hbm>>
    %dma_wait3A_55 = tpu.memref_squeeze %dma_wait3A_54 : memref<1x10240x128xf32, #tpu.memory_space<hbm>> -> memref<10240x128xf32, #tpu.memory_space<hbm>>
    %dma_wait3A_56 = arith.constant 0 : i32
    %dma_wait3A_57 = arith.constant 0 : i32
    %dma_wait3A_58 = tpu.memref_slice %dma_wait3A_55[%dma_wait3A_56, %dma_wait3A_57] : memref<10240x128xf32, #tpu.memory_space<hbm>> -> memref<10240x128xf32, #tpu.memory_space<hbm>>
    tpu.wait_indirect_dma semaphore(%arg13 : memref<!tpu.dma_semaphore, #tpu.memory_space<semaphore_mem>>) src(%dma_wait3A_58 : memref<10240x128xf32, #tpu.memory_space<hbm>>) dst(%arg9 : memref<128x128xf32, #tpu.memory_space<vmem>>)
    %run_scoped3A_59 = arith.constant 39 : i32
    "tpu.region"() ({
      %run_scoped3A_235 = tpu.sem_alloc : memref<!tpu.dma_semaphore, #tpu.memory_space<semaphore_mem>>
      %dma_start3A_236 = arith.constant 0 : i32
      %dma_start3A_237 = tpu.memref_slice %arg7[%run_scoped3A_59, %dma_start3A_236] : memref<40x128xi32, #tpu.memory_space<vmem>> -> memref<1x128xi32, #tpu.memory_space<vmem>>
      %dma_start3A_238 = tpu.memref_squeeze %dma_start3A_237 : memref<1x128xi32, #tpu.memory_space<vmem>> -> memref<128xi32, #tpu.memory_space<vmem>>
      %dma_start3A_239 = arith.constant 0 : i32
      %dma_start3A_240 = arith.constant 0 : i32
      %dma_start3A_241 = tpu.memref_slice %arg11[%dma_start3A_239, %dma_start3A_240] : memref<10240x128xf32, #tpu.memory_space<vmem_shared>> -> memref<10240x128xf32, #tpu.memory_space<vmem_shared>>
      tpu.enqueue_indirect_dma source(%arg9 : memref<128x128xf32, #tpu.memory_space<vmem>>) target(%dma_start3A_241 : memref<10240x128xf32, #tpu.memory_space<vmem_shared>>) offsets(%dma_start3A_238 : memref<128xi32, #tpu.memory_space<vmem>>) semaphore(%run_scoped3A_235 : memref<!tpu.dma_semaphore, #tpu.memory_space<semaphore_mem>>) {add = true}
      %dma_wait3A_242 = arith.constant 0 : i32
      %dma_wait3A_243 = tpu.memref_slice %arg7[%run_scoped3A_59, %dma_wait3A_242] : memref<40x128xi32, #tpu.memory_space<vmem>> -> memref<1x128xi32, #tpu.memory_space<vmem>>
      %dma_wait3A_244 = tpu.memref_squeeze %dma_wait3A_243 : memref<1x128xi32, #tpu.memory_space<vmem>> -> memref<128xi32, #tpu.memory_space<vmem>>
      %dma_wait3A_245 = arith.constant 0 : i32
      %dma_wait3A_246 = arith.constant 0 : i32
      %dma_wait3A_247 = tpu.memref_slice %arg11[%dma_wait3A_245, %dma_wait3A_246] : memref<10240x128xf32, #tpu.memory_space<vmem_shared>> -> memref<10240x128xf32, #tpu.memory_space<vmem_shared>>
      tpu.wait_indirect_dma semaphore(%run_scoped3A_235 : memref<!tpu.dma_semaphore, #tpu.memory_space<semaphore_mem>>) src(%arg9 : memref<128x128xf32, #tpu.memory_space<vmem>>) dst(%dma_wait3A_247 : memref<10240x128xf32, #tpu.memory_space<vmem_shared>>)
      tpu.yield
    }) : () -> ()
    "tpu.region"() ({
      %run_scoped3A_235 = tpu.sem_alloc : memref<!tpu.dma_semaphore, #tpu.memory_space<semaphore_mem>>
      %dma_start3A_236 = arith.constant 0 : i32
      %dma_start3A_237 = arith.constant 0 : i32
      %dma_start3A_238 = tpu.memref_slice %arg3[%arg1, %dma_start3A_236, %dma_start3A_237] : memref<16x80x128xi32, #tpu.memory_space<hbm>> -> memref<1x80x128xi32, #tpu.memory_space<hbm>>
      %dma_start3A_239 = tpu.memref_squeeze %dma_start3A_238 : memref<1x80x128xi32, #tpu.memory_space<hbm>> -> memref<80x128xi32, #tpu.memory_space<hbm>>
      %dma_start3A_240 = arith.constant 40 : i32
      %dma_start3A_241 = arith.constant 0 : i32
      %dma_start3A_242 = tpu.memref_slice %dma_start3A_239[%dma_start3A_240, %dma_start3A_241] : memref<80x128xi32, #tpu.memory_space<hbm>> -> memref<40x128xi32, #tpu.memory_space<hbm>>
      %dma_start3A_243 = arith.constant 0 : i32
      %dma_start3A_244 = arith.constant 0 : i32
      %dma_start3A_245 = tpu.memref_slice %arg3[%arg1, %dma_start3A_243, %dma_start3A_244] : memref<16x80x128xi32, #tpu.memory_space<hbm>> -> memref<1x80x128xi32, #tpu.memory_space<hbm>>
      %dma_start3A_246 = tpu.memref_squeeze %dma_start3A_245 : memref<1x80x128xi32, #tpu.memory_space<hbm>> -> memref<80x128xi32, #tpu.memory_space<hbm>>
      %dma_start3A_247 = arith.constant 40 : i32
      %dma_start3A_248 = arith.constant 0 : i32
      %dma_start3A_249 = tpu.memref_slice %dma_start3A_246[%dma_start3A_247, %dma_start3A_248] : memref<80x128xi32, #tpu.memory_space<hbm>> -> memref<40x128xi32, #tpu.memory_space<hbm>>
      tpu.enqueue_dma source(%dma_start3A_249 : memref<40x128xi32, #tpu.memory_space<hbm>>) target(%arg6 : memref<40x128xi32, #tpu.memory_space<vmem>>) target_semaphore(%run_scoped3A_235 : memref<!tpu.dma_semaphore, #tpu.memory_space<semaphore_mem>>)
      %dma_wait3A_250 = arith.constant 0 : i32
      %dma_wait3A_251 = arith.constant 0 : i32
      %dma_wait3A_252 = tpu.memref_slice %arg3[%arg1, %dma_wait3A_250, %dma_wait3A_251] : memref<16x80x128xi32, #tpu.memory_space<hbm>> -> memref<1x80x128xi32, #tpu.memory_space<hbm>>
      %dma_wait3A_253 = tpu.memref_squeeze %dma_wait3A_252 : memref<1x80x128xi32, #tpu.memory_space<hbm>> -> memref<80x128xi32, #tpu.memory_space<hbm>>
      %dma_wait3A_254 = arith.constant 40 : i32
      %dma_wait3A_255 = arith.constant 0 : i32
      %dma_wait3A_256 = tpu.memref_slice %dma_wait3A_253[%dma_wait3A_254, %dma_wait3A_255] : memref<80x128xi32, #tpu.memory_space<hbm>> -> memref<40x128xi32, #tpu.memory_space<hbm>>
      %dma_wait3A_257 = arith.constant 0 : i32
      %dma_wait3A_258 = arith.constant 0 : i32
      %dma_wait3A_259 = tpu.memref_slice %arg3[%arg1, %dma_wait3A_257, %dma_wait3A_258] : memref<16x80x128xi32, #tpu.memory_space<hbm>> -> memref<1x80x128xi32, #tpu.memory_space<hbm>>
      %dma_wait3A_260 = tpu.memref_squeeze %dma_wait3A_259 : memref<1x80x128xi32, #tpu.memory_space<hbm>> -> memref<80x128xi32, #tpu.memory_space<hbm>>
      %dma_wait3A_261 = arith.constant 40 : i32
      %dma_wait3A_262 = arith.constant 0 : i32
      %dma_wait3A_263 = tpu.memref_slice %dma_wait3A_260[%dma_wait3A_261, %dma_wait3A_262] : memref<80x128xi32, #tpu.memory_space<hbm>> -> memref<40x128xi32, #tpu.memory_space<hbm>>
      tpu.wait_dma2 semaphore(%run_scoped3A_235 : memref<!tpu.dma_semaphore, #tpu.memory_space<semaphore_mem>>) src(%dma_wait3A_263 : memref<40x128xi32, #tpu.memory_space<hbm>>) dst(%arg6 : memref<40x128xi32, #tpu.memory_space<vmem>>)
      tpu.yield
    }) : () -> ()
    "tpu.region"() ({
      %run_scoped3A_235 = tpu.sem_alloc : memref<!tpu.dma_semaphore, #tpu.memory_space<semaphore_mem>>
      %dma_start3A_236 = arith.constant 0 : i32
      %dma_start3A_237 = arith.constant 0 : i32
      %dma_start3A_238 = tpu.memref_slice %arg4[%arg1, %dma_start3A_236, %dma_start3A_237] : memref<16x80x128xi32, #tpu.memory_space<hbm>> -> memref<1x80x128xi32, #tpu.memory_space<hbm>>
      %dma_start3A_239 = tpu.memref_squeeze %dma_start3A_238 : memref<1x80x128xi32, #tpu.memory_space<hbm>> -> memref<80x128xi32, #tpu.memory_space<hbm>>
      %dma_start3A_240 = arith.constant 40 : i32
      %dma_start3A_241 = arith.constant 0 : i32
      %dma_start3A_242 = tpu.memref_slice %dma_start3A_239[%dma_start3A_240, %dma_start3A_241] : memref<80x128xi32, #tpu.memory_space<hbm>> -> memref<40x128xi32, #tpu.memory_space<hbm>>
      %dma_start3A_243 = arith.constant 0 : i32
      %dma_start3A_244 = arith.constant 0 : i32
      %dma_start3A_245 = tpu.memref_slice %arg4[%arg1, %dma_start3A_243, %dma_start3A_244] : memref<16x80x128xi32, #tpu.memory_space<hbm>> -> memref<1x80x128xi32, #tpu.memory_space<hbm>>
      %dma_start3A_246 = tpu.memref_squeeze %dma_start3A_245 : memref<1x80x128xi32, #tpu.memory_space<hbm>> -> memref<80x128xi32, #tpu.memory_space<hbm>>
      %dma_start3A_247 = arith.constant 40 : i32
      %dma_start3A_248 = arith.constant 0 : i32
      %dma_start3A_249 = tpu.memref_slice %dma_start3A_246[%dma_start3A_247, %dma_start3A_248] : memref<80x128xi32, #tpu.memory_space<hbm>> -> memref<40x128xi32, #tpu.memory_space<hbm>>
      tpu.enqueue_dma source(%dma_start3A_249 : memref<40x128xi32, #tpu.memory_space<hbm>>) target(%arg7 : memref<40x128xi32, #tpu.memory_space<vmem>>) target_semaphore(%run_scoped3A_235 : memref<!tpu.dma_semaphore, #tpu.memory_space<semaphore_mem>>)
      %dma_wait3A_250 = arith.constant 0 : i32
      %dma_wait3A_251 = arith.constant 0 : i32
      %dma_wait3A_252 = tpu.memref_slice %arg4[%arg1, %dma_wait3A_250, %dma_wait3A_251] : memref<16x80x128xi32, #tpu.memory_space<hbm>> -> memref<1x80x128xi32, #tpu.memory_space<hbm>>
      %dma_wait3A_253 = tpu.memref_squeeze %dma_wait3A_252 : memref<1x80x128xi32, #tpu.memory_space<hbm>> -> memref<80x128xi32, #tpu.memory_space<hbm>>
      %dma_wait3A_254 = arith.constant 40 : i32
      %dma_wait3A_255 = arith.constant 0 : i32
      %dma_wait3A_256 = tpu.memref_slice %dma_wait3A_253[%dma_wait3A_254, %dma_wait3A_255] : memref<80x128xi32, #tpu.memory_space<hbm>> -> memref<40x128xi32, #tpu.memory_space<hbm>>
      %dma_wait3A_257 = arith.constant 0 : i32
      %dma_wait3A_258 = arith.constant 0 : i32
      %dma_wait3A_259 = tpu.memref_slice %arg4[%arg1, %dma_wait3A_257, %dma_wait3A_258] : memref<16x80x128xi32, #tpu.memory_space<hbm>> -> memref<1x80x128xi32, #tpu.memory_space<hbm>>
      %dma_wait3A_260 = tpu.memref_squeeze %dma_wait3A_259 : memref<1x80x128xi32, #tpu.memory_space<hbm>> -> memref<80x128xi32, #tpu.memory_space<hbm>>
      %dma_wait3A_261 = arith.constant 40 : i32
      %dma_wait3A_262 = arith.constant 0 : i32
      %dma_wait3A_263 = tpu.memref_slice %dma_wait3A_260[%dma_wait3A_261, %dma_wait3A_262] : memref<80x128xi32, #tpu.memory_space<hbm>> -> memref<40x128xi32, #tpu.memory_space<hbm>>
      tpu.wait_dma2 semaphore(%run_scoped3A_235 : memref<!tpu.dma_semaphore, #tpu.memory_space<semaphore_mem>>) src(%dma_wait3A_263 : memref<40x128xi32, #tpu.memory_space<hbm>>) dst(%arg7 : memref<40x128xi32, #tpu.memory_space<vmem>>)
      tpu.yield
    }) : () -> ()
    %dma_start3A_60 = arith.constant 0 : i32
    %dma_start3A_61 = arith.constant 0 : i32
    %dma_start3A_62 = tpu.memref_slice %arg6[%dma_start3A_60, %dma_start3A_61] : memref<40x128xi32, #tpu.memory_space<vmem>> -> memref<1x128xi32, #tpu.memory_space<vmem>>
    %dma_start3A_63 = tpu.memref_squeeze %dma_start3A_62 : memref<1x128xi32, #tpu.memory_space<vmem>> -> memref<128xi32, #tpu.memory_space<vmem>>
    %dma_start3A_64 = arith.constant 0 : i32
    %dma_start3A_65 = arith.constant 0 : i32
    %dma_start3A_66 = tpu.memref_slice %arg2[%add3A_6, %dma_start3A_64, %dma_start3A_65] : memref<4x10240x128xf32, #tpu.memory_space<hbm>> -> memref<1x10240x128xf32, #tpu.memory_space<hbm>>
    %dma_start3A_67 = tpu.memref_squeeze %dma_start3A_66 : memref<1x10240x128xf32, #tpu.memory_space<hbm>> -> memref<10240x128xf32, #tpu.memory_space<hbm>>
    %dma_start3A_68 = arith.constant 0 : i32
    %dma_start3A_69 = arith.constant 0 : i32
    %dma_start3A_70 = tpu.memref_slice %dma_start3A_67[%dma_start3A_68, %dma_start3A_69] : memref<10240x128xf32, #tpu.memory_space<hbm>> -> memref<10240x128xf32, #tpu.memory_space<hbm>>
    tpu.enqueue_indirect_dma source(%dma_start3A_70 : memref<10240x128xf32, #tpu.memory_space<hbm>>) target(%arg8 : memref<128x128xf32, #tpu.memory_space<vmem>>) offsets(%dma_start3A_63 : memref<128xi32, #tpu.memory_space<vmem>>) semaphore(%arg12 : memref<!tpu.dma_semaphore, #tpu.memory_space<semaphore_mem>>)
    %scan3A_71 = arith.constant 0 : i32
    %scan3A_72 = arith.constant 19 : i32
    %scan3A_73 = arith.addi %scan3A_71, %scan3A_72 : i32
    %scan3A_74 = arith.constant 1 : i32
    scf.for %scan3A_235 = %scan3A_71 to %scan3A_73 step %scan3A_74  : i32 {
      %mul3A_236 = arith.constant 1 : i32
      %mul3A_237 = arith.muli %scan3A_235, %mul3A_236 : i32
      %add3A_238 = arith.constant 0 : i32
      %add3A_239 = arith.addi %add3A_238, %mul3A_237 : i32
      %mul3A_240 = arith.constant 2 : i32
      %mul3A_241 = arith.muli %add3A_239, %mul3A_240 : i32
      %add3A_242 = arith.constant 1 : i32
      %add3A_243 = arith.addi %mul3A_241, %add3A_242 : i32
      %dma_start3A_244 = arith.constant 0 : i32
      %dma_start3A_245 = tpu.memref_slice %arg6[%add3A_243, %dma_start3A_244] : memref<40x128xi32, #tpu.memory_space<vmem>> -> memref<1x128xi32, #tpu.memory_space<vmem>>
      %dma_start3A_246 = tpu.memref_squeeze %dma_start3A_245 : memref<1x128xi32, #tpu.memory_space<vmem>> -> memref<128xi32, #tpu.memory_space<vmem>>
      %dma_start3A_247 = arith.constant 0 : i32
      %dma_start3A_248 = arith.constant 0 : i32
      %dma_start3A_249 = tpu.memref_slice %arg2[%add3A_6, %dma_start3A_247, %dma_start3A_248] : memref<4x10240x128xf32, #tpu.memory_space<hbm>> -> memref<1x10240x128xf32, #tpu.memory_space<hbm>>
      %dma_start3A_250 = tpu.memref_squeeze %dma_start3A_249 : memref<1x10240x128xf32, #tpu.memory_space<hbm>> -> memref<10240x128xf32, #tpu.memory_space<hbm>>
      %dma_start3A_251 = arith.constant 0 : i32
      %dma_start3A_252 = arith.constant 0 : i32
      %dma_start3A_253 = tpu.memref_slice %dma_start3A_250[%dma_start3A_251, %dma_start3A_252] : memref<10240x128xf32, #tpu.memory_space<hbm>> -> memref<10240x128xf32, #tpu.memory_space<hbm>>
      tpu.enqueue_indirect_dma source(%dma_start3A_253 : memref<10240x128xf32, #tpu.memory_space<hbm>>) target(%arg9 : memref<128x128xf32, #tpu.memory_space<vmem>>) offsets(%dma_start3A_246 : memref<128xi32, #tpu.memory_space<vmem>>) semaphore(%arg13 : memref<!tpu.dma_semaphore, #tpu.memory_space<semaphore_mem>>)
      %dma_wait3A_254 = arith.constant 0 : i32
      %dma_wait3A_255 = tpu.memref_slice %arg6[%mul3A_241, %dma_wait3A_254] : memref<40x128xi32, #tpu.memory_space<vmem>> -> memref<1x128xi32, #tpu.memory_space<vmem>>
      %dma_wait3A_256 = tpu.memref_squeeze %dma_wait3A_255 : memref<1x128xi32, #tpu.memory_space<vmem>> -> memref<128xi32, #tpu.memory_space<vmem>>
      %dma_wait3A_257 = arith.constant 0 : i32
      %dma_wait3A_258 = arith.constant 0 : i32
      %dma_wait3A_259 = tpu.memref_slice %arg2[%add3A_6, %dma_wait3A_257, %dma_wait3A_258] : memref<4x10240x128xf32, #tpu.memory_space<hbm>> -> memref<1x10240x128xf32, #tpu.memory_space<hbm>>
      %dma_wait3A_260 = tpu.memref_squeeze %dma_wait3A_259 : memref<1x10240x128xf32, #tpu.memory_space<hbm>> -> memref<10240x128xf32, #tpu.memory_space<hbm>>
      %dma_wait3A_261 = arith.constant 0 : i32
      %dma_wait3A_262 = arith.constant 0 : i32
      %dma_wait3A_263 = tpu.memref_slice %dma_wait3A_260[%dma_wait3A_261, %dma_wait3A_262] : memref<10240x128xf32, #tpu.memory_space<hbm>> -> memref<10240x128xf32, #tpu.memory_space<hbm>>
      tpu.wait_indirect_dma semaphore(%arg12 : memref<!tpu.dma_semaphore, #tpu.memory_space<semaphore_mem>>) src(%dma_wait3A_263 : memref<10240x128xf32, #tpu.memory_space<hbm>>) dst(%arg8 : memref<128x128xf32, #tpu.memory_space<vmem>>)
      "tpu.region"() ({
        %run_scoped3A_290 = tpu.sem_alloc : memref<!tpu.dma_semaphore, #tpu.memory_space<semaphore_mem>>
        %dma_start3A_291 = arith.constant 0 : i32
        %dma_start3A_292 = tpu.memref_slice %arg7[%mul3A_241, %dma_start3A_291] : memref<40x128xi32, #tpu.memory_space<vmem>> -> memref<1x128xi32, #tpu.memory_space<vmem>>
        %dma_start3A_293 = tpu.memref_squeeze %dma_start3A_292 : memref<1x128xi32, #tpu.memory_space<vmem>> -> memref<128xi32, #tpu.memory_space<vmem>>
        %dma_start3A_294 = arith.constant 0 : i32
        %dma_start3A_295 = arith.constant 0 : i32
        %dma_start3A_296 = tpu.memref_slice %arg11[%dma_start3A_294, %dma_start3A_295] : memref<10240x128xf32, #tpu.memory_space<vmem_shared>> -> memref<10240x128xf32, #tpu.memory_space<vmem_shared>>
        tpu.enqueue_indirect_dma source(%arg8 : memref<128x128xf32, #tpu.memory_space<vmem>>) target(%dma_start3A_296 : memref<10240x128xf32, #tpu.memory_space<vmem_shared>>) offsets(%dma_start3A_293 : memref<128xi32, #tpu.memory_space<vmem>>) semaphore(%run_scoped3A_290 : memref<!tpu.dma_semaphore, #tpu.memory_space<semaphore_mem>>) {add = true}
        %dma_wait3A_297 = arith.constant 0 : i32
        %dma_wait3A_298 = tpu.memref_slice %arg7[%mul3A_241, %dma_wait3A_297] : memref<40x128xi32, #tpu.memory_space<vmem>> -> memref<1x128xi32, #tpu.memory_space<vmem>>
        %dma_wait3A_299 = tpu.memref_squeeze %dma_wait3A_298 : memref<1x128xi32, #tpu.memory_space<vmem>> -> memref<128xi32, #tpu.memory_space<vmem>>
        %dma_wait3A_300 = arith.constant 0 : i32
        %dma_wait3A_301 = arith.constant 0 : i32
        %dma_wait3A_302 = tpu.memref_slice %arg11[%dma_wait3A_300, %dma_wait3A_301] : memref<10240x128xf32, #tpu.memory_space<vmem_shared>> -> memref<10240x128xf32, #tpu.memory_space<vmem_shared>>
        tpu.wait_indirect_dma semaphore(%run_scoped3A_290 : memref<!tpu.dma_semaphore, #tpu.memory_space<semaphore_mem>>) src(%arg8 : memref<128x128xf32, #tpu.memory_space<vmem>>) dst(%dma_wait3A_302 : memref<10240x128xf32, #tpu.memory_space<vmem_shared>>)
        tpu.yield
      }) : () -> ()
      %add3A_264 = arith.constant 2 : i32
      %add3A_265 = arith.addi %mul3A_241, %add3A_264 : i32
      %dma_start3A_266 = arith.constant 0 : i32
      %dma_start3A_267 = tpu.memref_slice %arg6[%add3A_265, %dma_start3A_266] : memref<40x128xi32, #tpu.memory_space<vmem>> -> memref<1x128xi32, #tpu.memory_space<vmem>>
      %dma_start3A_268 = tpu.memref_squeeze %dma_start3A_267 : memref<1x128xi32, #tpu.memory_space<vmem>> -> memref<128xi32, #tpu.memory_space<vmem>>
      %dma_start3A_269 = arith.constant 0 : i32
      %dma_start3A_270 = arith.constant 0 : i32
      %dma_start3A_271 = tpu.memref_slice %arg2[%add3A_6, %dma_start3A_269, %dma_start3A_270] : memref<4x10240x128xf32, #tpu.memory_space<hbm>> -> memref<1x10240x128xf32, #tpu.memory_space<hbm>>
      %dma_start3A_272 = tpu.memref_squeeze %dma_start3A_271 : memref<1x10240x128xf32, #tpu.memory_space<hbm>> -> memref<10240x128xf32, #tpu.memory_space<hbm>>
      %dma_start3A_273 = arith.constant 0 : i32
      %dma_start3A_274 = arith.constant 0 : i32
      %dma_start3A_275 = tpu.memref_slice %dma_start3A_272[%dma_start3A_273, %dma_start3A_274] : memref<10240x128xf32, #tpu.memory_space<hbm>> -> memref<10240x128xf32, #tpu.memory_space<hbm>>
      tpu.enqueue_indirect_dma source(%dma_start3A_275 : memref<10240x128xf32, #tpu.memory_space<hbm>>) target(%arg8 : memref<128x128xf32, #tpu.memory_space<vmem>>) offsets(%dma_start3A_268 : memref<128xi32, #tpu.memory_space<vmem>>) semaphore(%arg12 : memref<!tpu.dma_semaphore, #tpu.memory_space<semaphore_mem>>)
      %add3A_276 = arith.constant 1 : i32
      %add3A_277 = arith.addi %mul3A_241, %add3A_276 : i32
      %dma_wait3A_278 = arith.constant 0 : i32
      %dma_wait3A_279 = tpu.memref_slice %arg6[%add3A_277, %dma_wait3A_278] : memref<40x128xi32, #tpu.memory_space<vmem>> -> memref<1x128xi32, #tpu.memory_space<vmem>>
      %dma_wait3A_280 = tpu.memref_squeeze %dma_wait3A_279 : memref<1x128xi32, #tpu.memory_space<vmem>> -> memref<128xi32, #tpu.memory_space<vmem>>
      %dma_wait3A_281 = arith.constant 0 : i32
      %dma_wait3A_282 = arith.constant 0 : i32
      %dma_wait3A_283 = tpu.memref_slice %arg2[%add3A_6, %dma_wait3A_281, %dma_wait3A_282] : memref<4x10240x128xf32, #tpu.memory_space<hbm>> -> memref<1x10240x128xf32, #tpu.memory_space<hbm>>
      %dma_wait3A_284 = tpu.memref_squeeze %dma_wait3A_283 : memref<1x10240x128xf32, #tpu.memory_space<hbm>> -> memref<10240x128xf32, #tpu.memory_space<hbm>>
      %dma_wait3A_285 = arith.constant 0 : i32
      %dma_wait3A_286 = arith.constant 0 : i32
      %dma_wait3A_287 = tpu.memref_slice %dma_wait3A_284[%dma_wait3A_285, %dma_wait3A_286] : memref<10240x128xf32, #tpu.memory_space<hbm>> -> memref<10240x128xf32, #tpu.memory_space<hbm>>
      tpu.wait_indirect_dma semaphore(%arg13 : memref<!tpu.dma_semaphore, #tpu.memory_space<semaphore_mem>>) src(%dma_wait3A_287 : memref<10240x128xf32, #tpu.memory_space<hbm>>) dst(%arg9 : memref<128x128xf32, #tpu.memory_space<vmem>>)
      %add3A_288 = arith.constant 1 : i32
      %add3A_289 = arith.addi %mul3A_241, %add3A_288 : i32
      "tpu.region"() ({
        %run_scoped3A_290 = tpu.sem_alloc : memref<!tpu.dma_semaphore, #tpu.memory_space<semaphore_mem>>
        %dma_start3A_291 = arith.constant 0 : i32
        %dma_start3A_292 = tpu.memref_slice %arg7[%add3A_289, %dma_start3A_291] : memref<40x128xi32, #tpu.memory_space<vmem>> -> memref<1x128xi32, #tpu.memory_space<vmem>>
        %dma_start3A_293 = tpu.memref_squeeze %dma_start3A_292 : memref<1x128xi32, #tpu.memory_space<vmem>> -> memref<128xi32, #tpu.memory_space<vmem>>
        %dma_start3A_294 = arith.constant 0 : i32
        %dma_start3A_295 = arith.constant 0 : i32
        %dma_start3A_296 = tpu.memref_slice %arg11[%dma_start3A_294, %dma_start3A_295] : memref<10240x128xf32, #tpu.memory_space<vmem_shared>> -> memref<10240x128xf32, #tpu.memory_space<vmem_shared>>
        tpu.enqueue_indirect_dma source(%arg9 : memref<128x128xf32, #tpu.memory_space<vmem>>) target(%dma_start3A_296 : memref<10240x128xf32, #tpu.memory_space<vmem_shared>>) offsets(%dma_start3A_293 : memref<128xi32, #tpu.memory_space<vmem>>) semaphore(%run_scoped3A_290 : memref<!tpu.dma_semaphore, #tpu.memory_space<semaphore_mem>>) {add = true}
        %dma_wait3A_297 = arith.constant 0 : i32
        %dma_wait3A_298 = tpu.memref_slice %arg7[%add3A_289, %dma_wait3A_297] : memref<40x128xi32, #tpu.memory_space<vmem>> -> memref<1x128xi32, #tpu.memory_space<vmem>>
        %dma_wait3A_299 = tpu.memref_squeeze %dma_wait3A_298 : memref<1x128xi32, #tpu.memory_space<vmem>> -> memref<128xi32, #tpu.memory_space<vmem>>
        %dma_wait3A_300 = arith.constant 0 : i32
        %dma_wait3A_301 = arith.constant 0 : i32
        %dma_wait3A_302 = tpu.memref_slice %arg11[%dma_wait3A_300, %dma_wait3A_301] : memref<10240x128xf32, #tpu.memory_space<vmem_shared>> -> memref<10240x128xf32, #tpu.memory_space<vmem_shared>>
        tpu.wait_indirect_dma semaphore(%run_scoped3A_290 : memref<!tpu.dma_semaphore, #tpu.memory_space<semaphore_mem>>) src(%arg9 : memref<128x128xf32, #tpu.memory_space<vmem>>) dst(%dma_wait3A_302 : memref<10240x128xf32, #tpu.memory_space<vmem_shared>>)
        tpu.yield
      }) : () -> ()
    }
    %scan3A_75 = arith.constant 19 : i32
    %dma_start3A_76 = arith.constant 39 : i32
    %dma_start3A_77 = arith.constant 0 : i32
    %dma_start3A_78 = tpu.memref_slice %arg6[%dma_start3A_76, %dma_start3A_77] : memref<40x128xi32, #tpu.memory_space<vmem>> -> memref<1x128xi32, #tpu.memory_space<vmem>>
    %dma_start3A_79 = tpu.memref_squeeze %dma_start3A_78 : memref<1x128xi32, #tpu.memory_space<vmem>> -> memref<128xi32, #tpu.memory_space<vmem>>
    %dma_start3A_80 = arith.constant 0 : i32
    %dma_start3A_81 = arith.constant 0 : i32
    %dma_start3A_82 = tpu.memref_slice %arg2[%add3A_6, %dma_start3A_80, %dma_start3A_81] : memref<4x10240x128xf32, #tpu.memory_space<hbm>> -> memref<1x10240x128xf32, #tpu.memory_space<hbm>>
    %dma_start3A_83 = tpu.memref_squeeze %dma_start3A_82 : memref<1x10240x128xf32, #tpu.memory_space<hbm>> -> memref<10240x128xf32, #tpu.memory_space<hbm>>
    %dma_start3A_84 = arith.constant 0 : i32
    %dma_start3A_85 = arith.constant 0 : i32
    %dma_start3A_86 = tpu.memref_slice %dma_start3A_83[%dma_start3A_84, %dma_start3A_85] : memref<10240x128xf32, #tpu.memory_space<hbm>> -> memref<10240x128xf32, #tpu.memory_space<hbm>>
    tpu.enqueue_indirect_dma source(%dma_start3A_86 : memref<10240x128xf32, #tpu.memory_space<hbm>>) target(%arg9 : memref<128x128xf32, #tpu.memory_space<vmem>>) offsets(%dma_start3A_79 : memref<128xi32, #tpu.memory_space<vmem>>) semaphore(%arg13 : memref<!tpu.dma_semaphore, #tpu.memory_space<semaphore_mem>>)
    %dma_wait3A_87 = arith.constant 38 : i32
    %dma_wait3A_88 = arith.constant 0 : i32
    %dma_wait3A_89 = tpu.memref_slice %arg6[%dma_wait3A_87, %dma_wait3A_88] : memref<40x128xi32, #tpu.memory_space<vmem>> -> memref<1x128xi32, #tpu.memory_space<vmem>>
    %dma_wait3A_90 = tpu.memref_squeeze %dma_wait3A_89 : memref<1x128xi32, #tpu.memory_space<vmem>> -> memref<128xi32, #tpu.memory_space<vmem>>
    %dma_wait3A_91 = arith.constant 0 : i32
    %dma_wait3A_92 = arith.constant 0 : i32
    %dma_wait3A_93 = tpu.memref_slice %arg2[%add3A_6, %dma_wait3A_91, %dma_wait3A_92] : memref<4x10240x128xf32, #tpu.memory_space<hbm>> -> memref<1x10240x128xf32, #tpu.memory_space<hbm>>
    %dma_wait3A_94 = tpu.memref_squeeze %dma_wait3A_93 : memref<1x10240x128xf32, #tpu.memory_space<hbm>> -> memref<10240x128xf32, #tpu.memory_space<hbm>>
    %dma_wait3A_95 = arith.constant 0 : i32
    %dma_wait3A_96 = arith.constant 0 : i32
    %dma_wait3A_97 = tpu.memref_slice %dma_wait3A_94[%dma_wait3A_95, %dma_wait3A_96] : memref<10240x128xf32, #tpu.memory_space<hbm>> -> memref<10240x128xf32, #tpu.memory_space<hbm>>
    tpu.wait_indirect_dma semaphore(%arg12 : memref<!tpu.dma_semaphore, #tpu.memory_space<semaphore_mem>>) src(%dma_wait3A_97 : memref<10240x128xf32, #tpu.memory_space<hbm>>) dst(%arg8 : memref<128x128xf32, #tpu.memory_space<vmem>>)
    %run_scoped3A_98 = arith.constant 38 : i32
    "tpu.region"() ({
      %run_scoped3A_235 = tpu.sem_alloc : memref<!tpu.dma_semaphore, #tpu.memory_space<semaphore_mem>>
      %dma_start3A_236 = arith.constant 0 : i32
      %dma_start3A_237 = tpu.memref_slice %arg7[%run_scoped3A_98, %dma_start3A_236] : memref<40x128xi32, #tpu.memory_space<vmem>> -> memref<1x128xi32, #tpu.memory_space<vmem>>
      %dma_start3A_238 = tpu.memref_squeeze %dma_start3A_237 : memref<1x128xi32, #tpu.memory_space<vmem>> -> memref<128xi32, #tpu.memory_space<vmem>>
      %dma_start3A_239 = arith.constant 0 : i32
      %dma_start3A_240 = arith.constant 0 : i32
      %dma_start3A_241 = tpu.memref_slice %arg11[%dma_start3A_239, %dma_start3A_240] : memref<10240x128xf32, #tpu.memory_space<vmem_shared>> -> memref<10240x128xf32, #tpu.memory_space<vmem_shared>>
      tpu.enqueue_indirect_dma source(%arg8 : memref<128x128xf32, #tpu.memory_space<vmem>>) target(%dma_start3A_241 : memref<10240x128xf32, #tpu.memory_space<vmem_shared>>) offsets(%dma_start3A_238 : memref<128xi32, #tpu.memory_space<vmem>>) semaphore(%run_scoped3A_235 : memref<!tpu.dma_semaphore, #tpu.memory_space<semaphore_mem>>) {add = true}
      %dma_wait3A_242 = arith.constant 0 : i32
      %dma_wait3A_243 = tpu.memref_slice %arg7[%run_scoped3A_98, %dma_wait3A_242] : memref<40x128xi32, #tpu.memory_space<vmem>> -> memref<1x128xi32, #tpu.memory_space<vmem>>
      %dma_wait3A_244 = tpu.memref_squeeze %dma_wait3A_243 : memref<1x128xi32, #tpu.memory_space<vmem>> -> memref<128xi32, #tpu.memory_space<vmem>>
      %dma_wait3A_245 = arith.constant 0 : i32
      %dma_wait3A_246 = arith.constant 0 : i32
      %dma_wait3A_247 = tpu.memref_slice %arg11[%dma_wait3A_245, %dma_wait3A_246] : memref<10240x128xf32, #tpu.memory_space<vmem_shared>> -> memref<10240x128xf32, #tpu.memory_space<vmem_shared>>
      tpu.wait_indirect_dma semaphore(%run_scoped3A_235 : memref<!tpu.dma_semaphore, #tpu.memory_space<semaphore_mem>>) src(%arg8 : memref<128x128xf32, #tpu.memory_space<vmem>>) dst(%dma_wait3A_247 : memref<10240x128xf32, #tpu.memory_space<vmem_shared>>)
      tpu.yield
    }) : () -> ()
    %dma_wait3A_99 = arith.constant 39 : i32
    %dma_wait3A_100 = arith.constant 0 : i32
    %dma_wait3A_101 = tpu.memref_slice %arg6[%dma_wait3A_99, %dma_wait3A_100] : memref<40x128xi32, #tpu.memory_space<vmem>> -> memref<1x128xi32, #tpu.memory_space<vmem>>
    %dma_wait3A_102 = tpu.memref_squeeze %dma_wait3A_101 : memref<1x128xi32, #tpu.memory_space<vmem>> -> memref<128xi32, #tpu.memory_space<vmem>>
    %dma_wait3A_103 = arith.constant 0 : i32
    %dma_wait3A_104 = arith.constant 0 : i32
    %dma_wait3A_105 = tpu.memref_slice %arg2[%add3A_6, %dma_wait3A_103, %dma_wait3A_104] : memref<4x10240x128xf32, #tpu.memory_space<hbm>> -> memref<1x10240x128xf32, #tpu.memory_space<hbm>>
    %dma_wait3A_106 = tpu.memref_squeeze %dma_wait3A_105 : memref<1x10240x128xf32, #tpu.memory_space<hbm>> -> memref<10240x128xf32, #tpu.memory_space<hbm>>
    %dma_wait3A_107 = arith.constant 0 : i32
    %dma_wait3A_108 = arith.constant 0 : i32
    %dma_wait3A_109 = tpu.memref_slice %dma_wait3A_106[%dma_wait3A_107, %dma_wait3A_108] : memref<10240x128xf32, #tpu.memory_space<hbm>> -> memref<10240x128xf32, #tpu.memory_space<hbm>>
    tpu.wait_indirect_dma semaphore(%arg13 : memref<!tpu.dma_semaphore, #tpu.memory_space<semaphore_mem>>) src(%dma_wait3A_109 : memref<10240x128xf32, #tpu.memory_space<hbm>>) dst(%arg9 : memref<128x128xf32, #tpu.memory_space<vmem>>)
    %run_scoped3A_110 = arith.constant 39 : i32
    "tpu.region"() ({
      %run_scoped3A_235 = tpu.sem_alloc : memref<!tpu.dma_semaphore, #tpu.memory_space<semaphore_mem>>
      %dma_start3A_236 = arith.constant 0 : i32
      %dma_start3A_237 = tpu.memref_slice %arg7[%run_scoped3A_110, %dma_start3A_236] : memref<40x128xi32, #tpu.memory_space<vmem>> -> memref<1x128xi32, #tpu.memory_space<vmem>>
      %dma_start3A_238 = tpu.memref_squeeze %dma_start3A_237 : memref<1x128xi32, #tpu.memory_space<vmem>> -> memref<128xi32, #tpu.memory_space<vmem>>
      %dma_start3A_239 = arith.constant 0 : i32
      %dma_start3A_240 = arith.constant 0 : i32
      %dma_start3A_241 = tpu.memref_slice %arg11[%dma_start3A_239, %dma_start3A_240] : memref<10240x128xf32, #tpu.memory_space<vmem_shared>> -> memref<10240x128xf32, #tpu.memory_space<vmem_shared>>
      tpu.enqueue_indirect_dma source(%arg9 : memref<128x128xf32, #tpu.memory_space<vmem>>) target(%dma_start3A_241 : memref<10240x128xf32, #tpu.memory_space<vmem_shared>>) offsets(%dma_start3A_238 : memref<128xi32, #tpu.memory_space<vmem>>) semaphore(%run_scoped3A_235 : memref<!tpu.dma_semaphore, #tpu.memory_space<semaphore_mem>>) {add = true}
      %dma_wait3A_242 = arith.constant 0 : i32
      %dma_wait3A_243 = tpu.memref_slice %arg7[%run_scoped3A_110, %dma_wait3A_242] : memref<40x128xi32, #tpu.memory_space<vmem>> -> memref<1x128xi32, #tpu.memory_space<vmem>>
      %dma_wait3A_244 = tpu.memref_squeeze %dma_wait3A_243 : memref<1x128xi32, #tpu.memory_space<vmem>> -> memref<128xi32, #tpu.memory_space<vmem>>
      %dma_wait3A_245 = arith.constant 0 : i32
      %dma_wait3A_246 = arith.constant 0 : i32
      %dma_wait3A_247 = tpu.memref_slice %arg11[%dma_wait3A_245, %dma_wait3A_246] : memref<10240x128xf32, #tpu.memory_space<vmem_shared>> -> memref<10240x128xf32, #tpu.memory_space<vmem_shared>>
      tpu.wait_indirect_dma semaphore(%run_scoped3A_235 : memref<!tpu.dma_semaphore, #tpu.memory_space<semaphore_mem>>) src(%arg9 : memref<128x128xf32, #tpu.memory_space<vmem>>) dst(%dma_wait3A_247 : memref<10240x128xf32, #tpu.memory_space<vmem_shared>>)
      tpu.yield
    }) : () -> ()
    %barrier3A_111 = arith.constant 0 : index
    tpu.barrier barrier_id(%barrier3A_111)
    %scan3A_112 = arith.constant 0 : i32
    %scan3A_113 = arith.constant 20 : i32
    %scan3A_114 = arith.addi %scan3A_112, %scan3A_113 : i32
    %scan3A_115 = arith.constant 1 : i32
    scf.for %scan3A_235 = %scan3A_112 to %scan3A_114 step %scan3A_115  : i32 {
      %mul3A_236 = arith.constant 1 : i32
      %mul3A_237 = arith.muli %scan3A_235, %mul3A_236 : i32
      %add3A_238 = arith.constant 0 : i32
      %add3A_239 = arith.addi %add3A_238, %mul3A_237 : i32
      %mul3A_240 = arith.constant 640 : i32
      %mul3A_241 = arith.muli %arg1, %mul3A_240 : i32
      %mul3A_242 = arith.constant 32 : i32
      %mul3A_243 = arith.muli %add3A_239, %mul3A_242 : i32
      %add3A_244 = arith.addi %mul3A_241, %mul3A_243 : i32
      "tpu.region"() ({
        %run_scoped3A_245 = tpu.sem_alloc : memref<!tpu.dma_semaphore, #tpu.memory_space<semaphore_mem>>
        %dma_start3A_246 = arith.constant 0 : i32
        %dma_start3A_247 = arith.constant 0 : i32
        %dma_start3A_248 = tpu.memref_slice %arg5[%add3A_6, %dma_start3A_246, %dma_start3A_247] : memref<4x10240x128xf32, #tpu.memory_space<hbm>> -> memref<1x10240x128xf32, #tpu.memory_space<hbm>>
        %dma_start3A_249 = tpu.memref_squeeze %dma_start3A_248 : memref<1x10240x128xf32, #tpu.memory_space<hbm>> -> memref<10240x128xf32, #tpu.memory_space<hbm>>
        %dma_start3A_250 = arith.constant 0 : i32
        %dma_start3A_251 = tpu.memref_slice %dma_start3A_249[%add3A_244, %dma_start3A_250] : memref<10240x128xf32, #tpu.memory_space<hbm>> -> memref<32x128xf32, #tpu.memory_space<hbm>>
        %dma_start3A_252 = arith.constant 0 : i32
        %dma_start3A_253 = tpu.memref_slice %arg11[%add3A_244, %dma_start3A_252] : memref<10240x128xf32, #tpu.memory_space<vmem_shared>> -> memref<32x128xf32, #tpu.memory_space<vmem_shared>>
        tpu.enqueue_dma source(%dma_start3A_253 : memref<32x128xf32, #tpu.memory_space<vmem_shared>>) target(%dma_start3A_251 : memref<32x128xf32, #tpu.memory_space<hbm>>) target_semaphore(%run_scoped3A_245 : memref<!tpu.dma_semaphore, #tpu.memory_space<semaphore_mem>>)
        %dma_wait3A_254 = arith.constant 0 : i32
        %dma_wait3A_255 = arith.constant 0 : i32
        %dma_wait3A_256 = tpu.memref_slice %arg5[%add3A_6, %dma_wait3A_254, %dma_wait3A_255] : memref<4x10240x128xf32, #tpu.memory_space<hbm>> -> memref<1x10240x128xf32, #tpu.memory_space<hbm>>
        %dma_wait3A_257 = tpu.memref_squeeze %dma_wait3A_256 : memref<1x10240x128xf32, #tpu.memory_space<hbm>> -> memref<10240x128xf32, #tpu.memory_space<hbm>>
        %dma_wait3A_258 = arith.constant 0 : i32
        %dma_wait3A_259 = tpu.memref_slice %dma_wait3A_257[%add3A_244, %dma_wait3A_258] : memref<10240x128xf32, #tpu.memory_space<hbm>> -> memref<32x128xf32, #tpu.memory_space<hbm>>
        %dma_wait3A_260 = arith.constant 0 : i32
        %dma_wait3A_261 = tpu.memref_slice %arg11[%add3A_244, %dma_wait3A_260] : memref<10240x128xf32, #tpu.memory_space<vmem_shared>> -> memref<32x128xf32, #tpu.memory_space<vmem_shared>>
        tpu.wait_dma2 semaphore(%run_scoped3A_245 : memref<!tpu.dma_semaphore, #tpu.memory_space<semaphore_mem>>) src(%dma_wait3A_261 : memref<32x128xf32, #tpu.memory_space<vmem_shared>>) dst(%dma_wait3A_259 : memref<32x128xf32, #tpu.memory_space<hbm>>)
        tpu.yield
      }) : () -> ()
    }
    %scan3A_116 = arith.constant 20 : i32
    %mul3A_117 = arith.constant 2 : i32
    %mul3A_118 = arith.muli %arg0, %mul3A_117 : i32
    %add3A_119 = arith.constant 1 : i32
    %add3A_120 = arith.addi %mul3A_118, %add3A_119 : i32
    "tpu.region"() ({
      %run_scoped3A_235 = tpu.sem_alloc : memref<!tpu.dma_semaphore, #tpu.memory_space<semaphore_mem>>
      %dma_start3A_236 = arith.constant 0 : i32
      %dma_start3A_237 = arith.constant 0 : i32
      %dma_start3A_238 = tpu.memref_slice %arg3[%arg1, %dma_start3A_236, %dma_start3A_237] : memref<16x80x128xi32, #tpu.memory_space<hbm>> -> memref<1x80x128xi32, #tpu.memory_space<hbm>>
      %dma_start3A_239 = tpu.memref_squeeze %dma_start3A_238 : memref<1x80x128xi32, #tpu.memory_space<hbm>> -> memref<80x128xi32, #tpu.memory_space<hbm>>
      %dma_start3A_240 = arith.constant 0 : i32
      %dma_start3A_241 = arith.constant 0 : i32
      %dma_start3A_242 = tpu.memref_slice %dma_start3A_239[%dma_start3A_240, %dma_start3A_241] : memref<80x128xi32, #tpu.memory_space<hbm>> -> memref<40x128xi32, #tpu.memory_space<hbm>>
      %dma_start3A_243 = arith.constant 0 : i32
      %dma_start3A_244 = arith.constant 0 : i32
      %dma_start3A_245 = tpu.memref_slice %arg3[%arg1, %dma_start3A_243, %dma_start3A_244] : memref<16x80x128xi32, #tpu.memory_space<hbm>> -> memref<1x80x128xi32, #tpu.memory_space<hbm>>
      %dma_start3A_246 = tpu.memref_squeeze %dma_start3A_245 : memref<1x80x128xi32, #tpu.memory_space<hbm>> -> memref<80x128xi32, #tpu.memory_space<hbm>>
      %dma_start3A_247 = arith.constant 0 : i32
      %dma_start3A_248 = arith.constant 0 : i32
      %dma_start3A_249 = tpu.memref_slice %dma_start3A_246[%dma_start3A_247, %dma_start3A_248] : memref<80x128xi32, #tpu.memory_space<hbm>> -> memref<40x128xi32, #tpu.memory_space<hbm>>
      tpu.enqueue_dma source(%dma_start3A_249 : memref<40x128xi32, #tpu.memory_space<hbm>>) target(%arg6 : memref<40x128xi32, #tpu.memory_space<vmem>>) target_semaphore(%run_scoped3A_235 : memref<!tpu.dma_semaphore, #tpu.memory_space<semaphore_mem>>)
      %dma_wait3A_250 = arith.constant 0 : i32
      %dma_wait3A_251 = arith.constant 0 : i32
      %dma_wait3A_252 = tpu.memref_slice %arg3[%arg1, %dma_wait3A_250, %dma_wait3A_251] : memref<16x80x128xi32, #tpu.memory_space<hbm>> -> memref<1x80x128xi32, #tpu.memory_space<hbm>>
      %dma_wait3A_253 = tpu.memref_squeeze %dma_wait3A_252 : memref<1x80x128xi32, #tpu.memory_space<hbm>> -> memref<80x128xi32, #tpu.memory_space<hbm>>
      %dma_wait3A_254 = arith.constant 0 : i32
      %dma_wait3A_255 = arith.constant 0 : i32
      %dma_wait3A_256 = tpu.memref_slice %dma_wait3A_253[%dma_wait3A_254, %dma_wait3A_255] : memref<80x128xi32, #tpu.memory_space<hbm>> -> memref<40x128xi32, #tpu.memory_space<hbm>>
      %dma_wait3A_257 = arith.constant 0 : i32
      %dma_wait3A_258 = arith.constant 0 : i32
      %dma_wait3A_259 = tpu.memref_slice %arg3[%arg1, %dma_wait3A_257, %dma_wait3A_258] : memref<16x80x128xi32, #tpu.memory_space<hbm>> -> memref<1x80x128xi32, #tpu.memory_space<hbm>>
      %dma_wait3A_260 = tpu.memref_squeeze %dma_wait3A_259 : memref<1x80x128xi32, #tpu.memory_space<hbm>> -> memref<80x128xi32, #tpu.memory_space<hbm>>
      %dma_wait3A_261 = arith.constant 0 : i32
      %dma_wait3A_262 = arith.constant 0 : i32
      %dma_wait3A_263 = tpu.memref_slice %dma_wait3A_260[%dma_wait3A_261, %dma_wait3A_262] : memref<80x128xi32, #tpu.memory_space<hbm>> -> memref<40x128xi32, #tpu.memory_space<hbm>>
      tpu.wait_dma2 semaphore(%run_scoped3A_235 : memref<!tpu.dma_semaphore, #tpu.memory_space<semaphore_mem>>) src(%dma_wait3A_263 : memref<40x128xi32, #tpu.memory_space<hbm>>) dst(%arg6 : memref<40x128xi32, #tpu.memory_space<vmem>>)
      tpu.yield
    }) : () -> ()
    "tpu.region"() ({
      %run_scoped3A_235 = tpu.sem_alloc : memref<!tpu.dma_semaphore, #tpu.memory_space<semaphore_mem>>
      %dma_start3A_236 = arith.constant 0 : i32
      %dma_start3A_237 = arith.constant 0 : i32
      %dma_start3A_238 = tpu.memref_slice %arg4[%arg1, %dma_start3A_236, %dma_start3A_237] : memref<16x80x128xi32, #tpu.memory_space<hbm>> -> memref<1x80x128xi32, #tpu.memory_space<hbm>>
      %dma_start3A_239 = tpu.memref_squeeze %dma_start3A_238 : memref<1x80x128xi32, #tpu.memory_space<hbm>> -> memref<80x128xi32, #tpu.memory_space<hbm>>
      %dma_start3A_240 = arith.constant 0 : i32
      %dma_start3A_241 = arith.constant 0 : i32
      %dma_start3A_242 = tpu.memref_slice %dma_start3A_239[%dma_start3A_240, %dma_start3A_241] : memref<80x128xi32, #tpu.memory_space<hbm>> -> memref<40x128xi32, #tpu.memory_space<hbm>>
      %dma_start3A_243 = arith.constant 0 : i32
      %dma_start3A_244 = arith.constant 0 : i32
      %dma_start3A_245 = tpu.memref_slice %arg4[%arg1, %dma_start3A_243, %dma_start3A_244] : memref<16x80x128xi32, #tpu.memory_space<hbm>> -> memref<1x80x128xi32, #tpu.memory_space<hbm>>
      %dma_start3A_246 = tpu.memref_squeeze %dma_start3A_245 : memref<1x80x128xi32, #tpu.memory_space<hbm>> -> memref<80x128xi32, #tpu.memory_space<hbm>>
      %dma_start3A_247 = arith.constant 0 : i32
      %dma_start3A_248 = arith.constant 0 : i32
      %dma_start3A_249 = tpu.memref_slice %dma_start3A_246[%dma_start3A_247, %dma_start3A_248] : memref<80x128xi32, #tpu.memory_space<hbm>> -> memref<40x128xi32, #tpu.memory_space<hbm>>
      tpu.enqueue_dma source(%dma_start3A_249 : memref<40x128xi32, #tpu.memory_space<hbm>>) target(%arg7 : memref<40x128xi32, #tpu.memory_space<vmem>>) target_semaphore(%run_scoped3A_235 : memref<!tpu.dma_semaphore, #tpu.memory_space<semaphore_mem>>)
      %dma_wait3A_250 = arith.constant 0 : i32
      %dma_wait3A_251 = arith.constant 0 : i32
      %dma_wait3A_252 = tpu.memref_slice %arg4[%arg1, %dma_wait3A_250, %dma_wait3A_251] : memref<16x80x128xi32, #tpu.memory_space<hbm>> -> memref<1x80x128xi32, #tpu.memory_space<hbm>>
      %dma_wait3A_253 = tpu.memref_squeeze %dma_wait3A_252 : memref<1x80x128xi32, #tpu.memory_space<hbm>> -> memref<80x128xi32, #tpu.memory_space<hbm>>
      %dma_wait3A_254 = arith.constant 0 : i32
      %dma_wait3A_255 = arith.constant 0 : i32
      %dma_wait3A_256 = tpu.memref_slice %dma_wait3A_253[%dma_wait3A_254, %dma_wait3A_255] : memref<80x128xi32, #tpu.memory_space<hbm>> -> memref<40x128xi32, #tpu.memory_space<hbm>>
      %dma_wait3A_257 = arith.constant 0 : i32
      %dma_wait3A_258 = arith.constant 0 : i32
      %dma_wait3A_259 = tpu.memref_slice %arg4[%arg1, %dma_wait3A_257, %dma_wait3A_258] : memref<16x80x128xi32, #tpu.memory_space<hbm>> -> memref<1x80x128xi32, #tpu.memory_space<hbm>>
      %dma_wait3A_260 = tpu.memref_squeeze %dma_wait3A_259 : memref<1x80x128xi32, #tpu.memory_space<hbm>> -> memref<80x128xi32, #tpu.memory_space<hbm>>
      %dma_wait3A_261 = arith.constant 0 : i32
      %dma_wait3A_262 = arith.constant 0 : i32
      %dma_wait3A_263 = tpu.memref_slice %dma_wait3A_260[%dma_wait3A_261, %dma_wait3A_262] : memref<80x128xi32, #tpu.memory_space<hbm>> -> memref<40x128xi32, #tpu.memory_space<hbm>>
      tpu.wait_dma2 semaphore(%run_scoped3A_235 : memref<!tpu.dma_semaphore, #tpu.memory_space<semaphore_mem>>) src(%dma_wait3A_263 : memref<40x128xi32, #tpu.memory_space<hbm>>) dst(%arg7 : memref<40x128xi32, #tpu.memory_space<vmem>>)
      tpu.yield
    }) : () -> ()
    %dma_start3A_121 = arith.constant 0 : i32
    %dma_start3A_122 = arith.constant 0 : i32
    %dma_start3A_123 = tpu.memref_slice %arg6[%dma_start3A_121, %dma_start3A_122] : memref<40x128xi32, #tpu.memory_space<vmem>> -> memref<1x128xi32, #tpu.memory_space<vmem>>
    %dma_start3A_124 = tpu.memref_squeeze %dma_start3A_123 : memref<1x128xi32, #tpu.memory_space<vmem>> -> memref<128xi32, #tpu.memory_space<vmem>>
    %dma_start3A_125 = arith.constant 0 : i32
    %dma_start3A_126 = arith.constant 0 : i32
    %dma_start3A_127 = tpu.memref_slice %arg2[%add3A_120, %dma_start3A_125, %dma_start3A_126] : memref<4x10240x128xf32, #tpu.memory_space<hbm>> -> memref<1x10240x128xf32, #tpu.memory_space<hbm>>
    %dma_start3A_128 = tpu.memref_squeeze %dma_start3A_127 : memref<1x10240x128xf32, #tpu.memory_space<hbm>> -> memref<10240x128xf32, #tpu.memory_space<hbm>>
    %dma_start3A_129 = arith.constant 0 : i32
    %dma_start3A_130 = arith.constant 0 : i32
    %dma_start3A_131 = tpu.memref_slice %dma_start3A_128[%dma_start3A_129, %dma_start3A_130] : memref<10240x128xf32, #tpu.memory_space<hbm>> -> memref<10240x128xf32, #tpu.memory_space<hbm>>
    tpu.enqueue_indirect_dma source(%dma_start3A_131 : memref<10240x128xf32, #tpu.memory_space<hbm>>) target(%arg8 : memref<128x128xf32, #tpu.memory_space<vmem>>) offsets(%dma_start3A_124 : memref<128xi32, #tpu.memory_space<vmem>>) semaphore(%arg12 : memref<!tpu.dma_semaphore, #tpu.memory_space<semaphore_mem>>)
    %scan3A_132 = arith.constant 0 : i32
    %scan3A_133 = arith.constant 20 : i32
    %scan3A_134 = arith.addi %scan3A_132, %scan3A_133 : i32
    %scan3A_135 = arith.constant 1 : i32
    scf.for %scan3A_235 = %scan3A_132 to %scan3A_134 step %scan3A_135  : i32 {
      %mul3A_236 = arith.constant 1 : i32
      %mul3A_237 = arith.muli %scan3A_235, %mul3A_236 : i32
      %add3A_238 = arith.constant 0 : i32
      %add3A_239 = arith.addi %add3A_238, %mul3A_237 : i32
      %mul3A_240 = arith.constant 640 : i32
      %mul3A_241 = arith.muli %arg1, %mul3A_240 : i32
      %mul3A_242 = arith.constant 32 : i32
      %mul3A_243 = arith.muli %add3A_239, %mul3A_242 : i32
      %add3A_244 = arith.addi %mul3A_241, %mul3A_243 : i32
      "tpu.region"() ({
        %run_scoped3A_245 = tpu.sem_alloc : memref<!tpu.dma_semaphore, #tpu.memory_space<semaphore_mem>>
        %dma_start3A_246 = arith.constant 0 : i32
        %dma_start3A_247 = tpu.memref_slice %arg11[%add3A_244, %dma_start3A_246] : memref<10240x128xf32, #tpu.memory_space<vmem_shared>> -> memref<32x128xf32, #tpu.memory_space<vmem_shared>>
        %dma_start3A_248 = arith.constant 0 : i32
        %dma_start3A_249 = tpu.memref_slice %arg11[%add3A_244, %dma_start3A_248] : memref<10240x128xf32, #tpu.memory_space<vmem_shared>> -> memref<32x128xf32, #tpu.memory_space<vmem_shared>>
        tpu.enqueue_dma source(%arg10 : memref<32x128xf32, #tpu.memory_space<vmem>>) target(%dma_start3A_249 : memref<32x128xf32, #tpu.memory_space<vmem_shared>>) target_semaphore(%run_scoped3A_245 : memref<!tpu.dma_semaphore, #tpu.memory_space<semaphore_mem>>)
        %dma_wait3A_250 = arith.constant 0 : i32
        %dma_wait3A_251 = tpu.memref_slice %arg11[%add3A_244, %dma_wait3A_250] : memref<10240x128xf32, #tpu.memory_space<vmem_shared>> -> memref<32x128xf32, #tpu.memory_space<vmem_shared>>
        %dma_wait3A_252 = arith.constant 0 : i32
        %dma_wait3A_253 = tpu.memref_slice %arg11[%add3A_244, %dma_wait3A_252] : memref<10240x128xf32, #tpu.memory_space<vmem_shared>> -> memref<32x128xf32, #tpu.memory_space<vmem_shared>>
        tpu.wait_dma2 semaphore(%run_scoped3A_245 : memref<!tpu.dma_semaphore, #tpu.memory_space<semaphore_mem>>) src(%arg10 : memref<32x128xf32, #tpu.memory_space<vmem>>) dst(%dma_wait3A_253 : memref<32x128xf32, #tpu.memory_space<vmem_shared>>)
        tpu.yield
      }) : () -> ()
    }
    %scan3A_136 = arith.constant 20 : i32
    %barrier3A_137 = arith.constant 0 : index
    tpu.barrier barrier_id(%barrier3A_137)
    %scan3A_138 = arith.constant 0 : i32
    %scan3A_139 = arith.constant 19 : i32
    %scan3A_140 = arith.addi %scan3A_138, %scan3A_139 : i32
    %scan3A_141 = arith.constant 1 : i32
    scf.for %scan3A_235 = %scan3A_138 to %scan3A_140 step %scan3A_141  : i32 {
      %mul3A_236 = arith.constant 1 : i32
      %mul3A_237 = arith.muli %scan3A_235, %mul3A_236 : i32
      %add3A_238 = arith.constant 0 : i32
      %add3A_239 = arith.addi %add3A_238, %mul3A_237 : i32
      %mul3A_240 = arith.constant 2 : i32
      %mul3A_241 = arith.muli %add3A_239, %mul3A_240 : i32
      %add3A_242 = arith.constant 1 : i32
      %add3A_243 = arith.addi %mul3A_241, %add3A_242 : i32
      %dma_start3A_244 = arith.constant 0 : i32
      %dma_start3A_245 = tpu.memref_slice %arg6[%add3A_243, %dma_start3A_244] : memref<40x128xi32, #tpu.memory_space<vmem>> -> memref<1x128xi32, #tpu.memory_space<vmem>>
      %dma_start3A_246 = tpu.memref_squeeze %dma_start3A_245 : memref<1x128xi32, #tpu.memory_space<vmem>> -> memref<128xi32, #tpu.memory_space<vmem>>
      %dma_start3A_247 = arith.constant 0 : i32
      %dma_start3A_248 = arith.constant 0 : i32
      %dma_start3A_249 = tpu.memref_slice %arg2[%add3A_120, %dma_start3A_247, %dma_start3A_248] : memref<4x10240x128xf32, #tpu.memory_space<hbm>> -> memref<1x10240x128xf32, #tpu.memory_space<hbm>>
      %dma_start3A_250 = tpu.memref_squeeze %dma_start3A_249 : memref<1x10240x128xf32, #tpu.memory_space<hbm>> -> memref<10240x128xf32, #tpu.memory_space<hbm>>
      %dma_start3A_251 = arith.constant 0 : i32
      %dma_start3A_252 = arith.constant 0 : i32
      %dma_start3A_253 = tpu.memref_slice %dma_start3A_250[%dma_start3A_251, %dma_start3A_252] : memref<10240x128xf32, #tpu.memory_space<hbm>> -> memref<10240x128xf32, #tpu.memory_space<hbm>>
      tpu.enqueue_indirect_dma source(%dma_start3A_253 : memref<10240x128xf32, #tpu.memory_space<hbm>>) target(%arg9 : memref<128x128xf32, #tpu.memory_space<vmem>>) offsets(%dma_start3A_246 : memref<128xi32, #tpu.memory_space<vmem>>) semaphore(%arg13 : memref<!tpu.dma_semaphore, #tpu.memory_space<semaphore_mem>>)
      %dma_wait3A_254 = arith.constant 0 : i32
      %dma_wait3A_255 = tpu.memref_slice %arg6[%mul3A_241, %dma_wait3A_254] : memref<40x128xi32, #tpu.memory_space<vmem>> -> memref<1x128xi32, #tpu.memory_space<vmem>>
      %dma_wait3A_256 = tpu.memref_squeeze %dma_wait3A_255 : memref<1x128xi32, #tpu.memory_space<vmem>> -> memref<128xi32, #tpu.memory_space<vmem>>
      %dma_wait3A_257 = arith.constant 0 : i32
      %dma_wait3A_258 = arith.constant 0 : i32
      %dma_wait3A_259 = tpu.memref_slice %arg2[%add3A_120, %dma_wait3A_257, %dma_wait3A_258] : memref<4x10240x128xf32, #tpu.memory_space<hbm>> -> memref<1x10240x128xf32, #tpu.memory_space<hbm>>
      %dma_wait3A_260 = tpu.memref_squeeze %dma_wait3A_259 : memref<1x10240x128xf32, #tpu.memory_space<hbm>> -> memref<10240x128xf32, #tpu.memory_space<hbm>>
      %dma_wait3A_261 = arith.constant 0 : i32
      %dma_wait3A_262 = arith.constant 0 : i32
      %dma_wait3A_263 = tpu.memref_slice %dma_wait3A_260[%dma_wait3A_261, %dma_wait3A_262] : memref<10240x128xf32, #tpu.memory_space<hbm>> -> memref<10240x128xf32, #tpu.memory_space<hbm>>
      tpu.wait_indirect_dma semaphore(%arg12 : memref<!tpu.dma_semaphore, #tpu.memory_space<semaphore_mem>>) src(%dma_wait3A_263 : memref<10240x128xf32, #tpu.memory_space<hbm>>) dst(%arg8 : memref<128x128xf32, #tpu.memory_space<vmem>>)
      "tpu.region"() ({
        %run_scoped3A_290 = tpu.sem_alloc : memref<!tpu.dma_semaphore, #tpu.memory_space<semaphore_mem>>
        %dma_start3A_291 = arith.constant 0 : i32
        %dma_start3A_292 = tpu.memref_slice %arg7[%mul3A_241, %dma_start3A_291] : memref<40x128xi32, #tpu.memory_space<vmem>> -> memref<1x128xi32, #tpu.memory_space<vmem>>
        %dma_start3A_293 = tpu.memref_squeeze %dma_start3A_292 : memref<1x128xi32, #tpu.memory_space<vmem>> -> memref<128xi32, #tpu.memory_space<vmem>>
        %dma_start3A_294 = arith.constant 0 : i32
        %dma_start3A_295 = arith.constant 0 : i32
        %dma_start3A_296 = tpu.memref_slice %arg11[%dma_start3A_294, %dma_start3A_295] : memref<10240x128xf32, #tpu.memory_space<vmem_shared>> -> memref<10240x128xf32, #tpu.memory_space<vmem_shared>>
        tpu.enqueue_indirect_dma source(%arg8 : memref<128x128xf32, #tpu.memory_space<vmem>>) target(%dma_start3A_296 : memref<10240x128xf32, #tpu.memory_space<vmem_shared>>) offsets(%dma_start3A_293 : memref<128xi32, #tpu.memory_space<vmem>>) semaphore(%run_scoped3A_290 : memref<!tpu.dma_semaphore, #tpu.memory_space<semaphore_mem>>) {add = true}
        %dma_wait3A_297 = arith.constant 0 : i32
        %dma_wait3A_298 = tpu.memref_slice %arg7[%mul3A_241, %dma_wait3A_297] : memref<40x128xi32, #tpu.memory_space<vmem>> -> memref<1x128xi32, #tpu.memory_space<vmem>>
        %dma_wait3A_299 = tpu.memref_squeeze %dma_wait3A_298 : memref<1x128xi32, #tpu.memory_space<vmem>> -> memref<128xi32, #tpu.memory_space<vmem>>
        %dma_wait3A_300 = arith.constant 0 : i32
        %dma_wait3A_301 = arith.constant 0 : i32
        %dma_wait3A_302 = tpu.memref_slice %arg11[%dma_wait3A_300, %dma_wait3A_301] : memref<10240x128xf32, #tpu.memory_space<vmem_shared>> -> memref<10240x128xf32, #tpu.memory_space<vmem_shared>>
        tpu.wait_indirect_dma semaphore(%run_scoped3A_290 : memref<!tpu.dma_semaphore, #tpu.memory_space<semaphore_mem>>) src(%arg8 : memref<128x128xf32, #tpu.memory_space<vmem>>) dst(%dma_wait3A_302 : memref<10240x128xf32, #tpu.memory_space<vmem_shared>>)
        tpu.yield
      }) : () -> ()
      %add3A_264 = arith.constant 2 : i32
      %add3A_265 = arith.addi %mul3A_241, %add3A_264 : i32
      %dma_start3A_266 = arith.constant 0 : i32
      %dma_start3A_267 = tpu.memref_slice %arg6[%add3A_265, %dma_start3A_266] : memref<40x128xi32, #tpu.memory_space<vmem>> -> memref<1x128xi32, #tpu.memory_space<vmem>>
      %dma_start3A_268 = tpu.memref_squeeze %dma_start3A_267 : memref<1x128xi32, #tpu.memory_space<vmem>> -> memref<128xi32, #tpu.memory_space<vmem>>
      %dma_start3A_269 = arith.constant 0 : i32
      %dma_start3A_270 = arith.constant 0 : i32
      %dma_start3A_271 = tpu.memref_slice %arg2[%add3A_120, %dma_start3A_269, %dma_start3A_270] : memref<4x10240x128xf32, #tpu.memory_space<hbm>> -> memref<1x10240x128xf32, #tpu.memory_space<hbm>>
      %dma_start3A_272 = tpu.memref_squeeze %dma_start3A_271 : memref<1x10240x128xf32, #tpu.memory_space<hbm>> -> memref<10240x128xf32, #tpu.memory_space<hbm>>
      %dma_start3A_273 = arith.constant 0 : i32
      %dma_start3A_274 = arith.constant 0 : i32
      %dma_start3A_275 = tpu.memref_slice %dma_start3A_272[%dma_start3A_273, %dma_start3A_274] : memref<10240x128xf32, #tpu.memory_space<hbm>> -> memref<10240x128xf32, #tpu.memory_space<hbm>>
      tpu.enqueue_indirect_dma source(%dma_start3A_275 : memref<10240x128xf32, #tpu.memory_space<hbm>>) target(%arg8 : memref<128x128xf32, #tpu.memory_space<vmem>>) offsets(%dma_start3A_268 : memref<128xi32, #tpu.memory_space<vmem>>) semaphore(%arg12 : memref<!tpu.dma_semaphore, #tpu.memory_space<semaphore_mem>>)
      %add3A_276 = arith.constant 1 : i32
      %add3A_277 = arith.addi %mul3A_241, %add3A_276 : i32
      %dma_wait3A_278 = arith.constant 0 : i32
      %dma_wait3A_279 = tpu.memref_slice %arg6[%add3A_277, %dma_wait3A_278] : memref<40x128xi32, #tpu.memory_space<vmem>> -> memref<1x128xi32, #tpu.memory_space<vmem>>
      %dma_wait3A_280 = tpu.memref_squeeze %dma_wait3A_279 : memref<1x128xi32, #tpu.memory_space<vmem>> -> memref<128xi32, #tpu.memory_space<vmem>>
      %dma_wait3A_281 = arith.constant 0 : i32
      %dma_wait3A_282 = arith.constant 0 : i32
      %dma_wait3A_283 = tpu.memref_slice %arg2[%add3A_120, %dma_wait3A_281, %dma_wait3A_282] : memref<4x10240x128xf32, #tpu.memory_space<hbm>> -> memref<1x10240x128xf32, #tpu.memory_space<hbm>>
      %dma_wait3A_284 = tpu.memref_squeeze %dma_wait3A_283 : memref<1x10240x128xf32, #tpu.memory_space<hbm>> -> memref<10240x128xf32, #tpu.memory_space<hbm>>
      %dma_wait3A_285 = arith.constant 0 : i32
      %dma_wait3A_286 = arith.constant 0 : i32
      %dma_wait3A_287 = tpu.memref_slice %dma_wait3A_284[%dma_wait3A_285, %dma_wait3A_286] : memref<10240x128xf32, #tpu.memory_space<hbm>> -> memref<10240x128xf32, #tpu.memory_space<hbm>>
      tpu.wait_indirect_dma semaphore(%arg13 : memref<!tpu.dma_semaphore, #tpu.memory_space<semaphore_mem>>) src(%dma_wait3A_287 : memref<10240x128xf32, #tpu.memory_space<hbm>>) dst(%arg9 : memref<128x128xf32, #tpu.memory_space<vmem>>)
      %add3A_288 = arith.constant 1 : i32
      %add3A_289 = arith.addi %mul3A_241, %add3A_288 : i32
      "tpu.region"() ({
        %run_scoped3A_290 = tpu.sem_alloc : memref<!tpu.dma_semaphore, #tpu.memory_space<semaphore_mem>>
        %dma_start3A_291 = arith.constant 0 : i32
        %dma_start3A_292 = tpu.memref_slice %arg7[%add3A_289, %dma_start3A_291] : memref<40x128xi32, #tpu.memory_space<vmem>> -> memref<1x128xi32, #tpu.memory_space<vmem>>
        %dma_start3A_293 = tpu.memref_squeeze %dma_start3A_292 : memref<1x128xi32, #tpu.memory_space<vmem>> -> memref<128xi32, #tpu.memory_space<vmem>>
        %dma_start3A_294 = arith.constant 0 : i32
        %dma_start3A_295 = arith.constant 0 : i32
        %dma_start3A_296 = tpu.memref_slice %arg11[%dma_start3A_294, %dma_start3A_295] : memref<10240x128xf32, #tpu.memory_space<vmem_shared>> -> memref<10240x128xf32, #tpu.memory_space<vmem_shared>>
        tpu.enqueue_indirect_dma source(%arg9 : memref<128x128xf32, #tpu.memory_space<vmem>>) target(%dma_start3A_296 : memref<10240x128xf32, #tpu.memory_space<vmem_shared>>) offsets(%dma_start3A_293 : memref<128xi32, #tpu.memory_space<vmem>>) semaphore(%run_scoped3A_290 : memref<!tpu.dma_semaphore, #tpu.memory_space<semaphore_mem>>) {add = true}
        %dma_wait3A_297 = arith.constant 0 : i32
        %dma_wait3A_298 = tpu.memref_slice %arg7[%add3A_289, %dma_wait3A_297] : memref<40x128xi32, #tpu.memory_space<vmem>> -> memref<1x128xi32, #tpu.memory_space<vmem>>
        %dma_wait3A_299 = tpu.memref_squeeze %dma_wait3A_298 : memref<1x128xi32, #tpu.memory_space<vmem>> -> memref<128xi32, #tpu.memory_space<vmem>>
        %dma_wait3A_300 = arith.constant 0 : i32
        %dma_wait3A_301 = arith.constant 0 : i32
        %dma_wait3A_302 = tpu.memref_slice %arg11[%dma_wait3A_300, %dma_wait3A_301] : memref<10240x128xf32, #tpu.memory_space<vmem_shared>> -> memref<10240x128xf32, #tpu.memory_space<vmem_shared>>
        tpu.wait_indirect_dma semaphore(%run_scoped3A_290 : memref<!tpu.dma_semaphore, #tpu.memory_space<semaphore_mem>>) src(%arg9 : memref<128x128xf32, #tpu.memory_space<vmem>>) dst(%dma_wait3A_302 : memref<10240x128xf32, #tpu.memory_space<vmem_shared>>)
        tpu.yield
      }) : () -> ()
    }
    %scan3A_142 = arith.constant 19 : i32
    %dma_start3A_143 = arith.constant 39 : i32
    %dma_start3A_144 = arith.constant 0 : i32
    %dma_start3A_145 = tpu.memref_slice %arg6[%dma_start3A_143, %dma_start3A_144] : memref<40x128xi32, #tpu.memory_space<vmem>> -> memref<1x128xi32, #tpu.memory_space<vmem>>
    %dma_start3A_146 = tpu.memref_squeeze %dma_start3A_145 : memref<1x128xi32, #tpu.memory_space<vmem>> -> memref<128xi32, #tpu.memory_space<vmem>>
    %dma_start3A_147 = arith.constant 0 : i32
    %dma_start3A_148 = arith.constant 0 : i32
    %dma_start3A_149 = tpu.memref_slice %arg2[%add3A_120, %dma_start3A_147, %dma_start3A_148] : memref<4x10240x128xf32, #tpu.memory_space<hbm>> -> memref<1x10240x128xf32, #tpu.memory_space<hbm>>
    %dma_start3A_150 = tpu.memref_squeeze %dma_start3A_149 : memref<1x10240x128xf32, #tpu.memory_space<hbm>> -> memref<10240x128xf32, #tpu.memory_space<hbm>>
    %dma_start3A_151 = arith.constant 0 : i32
    %dma_start3A_152 = arith.constant 0 : i32
    %dma_start3A_153 = tpu.memref_slice %dma_start3A_150[%dma_start3A_151, %dma_start3A_152] : memref<10240x128xf32, #tpu.memory_space<hbm>> -> memref<10240x128xf32, #tpu.memory_space<hbm>>
    tpu.enqueue_indirect_dma source(%dma_start3A_153 : memref<10240x128xf32, #tpu.memory_space<hbm>>) target(%arg9 : memref<128x128xf32, #tpu.memory_space<vmem>>) offsets(%dma_start3A_146 : memref<128xi32, #tpu.memory_space<vmem>>) semaphore(%arg13 : memref<!tpu.dma_semaphore, #tpu.memory_space<semaphore_mem>>)
    %dma_wait3A_154 = arith.constant 38 : i32
    %dma_wait3A_155 = arith.constant 0 : i32
    %dma_wait3A_156 = tpu.memref_slice %arg6[%dma_wait3A_154, %dma_wait3A_155] : memref<40x128xi32, #tpu.memory_space<vmem>> -> memref<1x128xi32, #tpu.memory_space<vmem>>
    %dma_wait3A_157 = tpu.memref_squeeze %dma_wait3A_156 : memref<1x128xi32, #tpu.memory_space<vmem>> -> memref<128xi32, #tpu.memory_space<vmem>>
    %dma_wait3A_158 = arith.constant 0 : i32
    %dma_wait3A_159 = arith.constant 0 : i32
    %dma_wait3A_160 = tpu.memref_slice %arg2[%add3A_120, %dma_wait3A_158, %dma_wait3A_159] : memref<4x10240x128xf32, #tpu.memory_space<hbm>> -> memref<1x10240x128xf32, #tpu.memory_space<hbm>>
    %dma_wait3A_161 = tpu.memref_squeeze %dma_wait3A_160 : memref<1x10240x128xf32, #tpu.memory_space<hbm>> -> memref<10240x128xf32, #tpu.memory_space<hbm>>
    %dma_wait3A_162 = arith.constant 0 : i32
    %dma_wait3A_163 = arith.constant 0 : i32
    %dma_wait3A_164 = tpu.memref_slice %dma_wait3A_161[%dma_wait3A_162, %dma_wait3A_163] : memref<10240x128xf32, #tpu.memory_space<hbm>> -> memref<10240x128xf32, #tpu.memory_space<hbm>>
    tpu.wait_indirect_dma semaphore(%arg12 : memref<!tpu.dma_semaphore, #tpu.memory_space<semaphore_mem>>) src(%dma_wait3A_164 : memref<10240x128xf32, #tpu.memory_space<hbm>>) dst(%arg8 : memref<128x128xf32, #tpu.memory_space<vmem>>)
    %run_scoped3A_165 = arith.constant 38 : i32
    "tpu.region"() ({
      %run_scoped3A_235 = tpu.sem_alloc : memref<!tpu.dma_semaphore, #tpu.memory_space<semaphore_mem>>
      %dma_start3A_236 = arith.constant 0 : i32
      %dma_start3A_237 = tpu.memref_slice %arg7[%run_scoped3A_165, %dma_start3A_236] : memref<40x128xi32, #tpu.memory_space<vmem>> -> memref<1x128xi32, #tpu.memory_space<vmem>>
      %dma_start3A_238 = tpu.memref_squeeze %dma_start3A_237 : memref<1x128xi32, #tpu.memory_space<vmem>> -> memref<128xi32, #tpu.memory_space<vmem>>
      %dma_start3A_239 = arith.constant 0 : i32
      %dma_start3A_240 = arith.constant 0 : i32
      %dma_start3A_241 = tpu.memref_slice %arg11[%dma_start3A_239, %dma_start3A_240] : memref<10240x128xf32, #tpu.memory_space<vmem_shared>> -> memref<10240x128xf32, #tpu.memory_space<vmem_shared>>
      tpu.enqueue_indirect_dma source(%arg8 : memref<128x128xf32, #tpu.memory_space<vmem>>) target(%dma_start3A_241 : memref<10240x128xf32, #tpu.memory_space<vmem_shared>>) offsets(%dma_start3A_238 : memref<128xi32, #tpu.memory_space<vmem>>) semaphore(%run_scoped3A_235 : memref<!tpu.dma_semaphore, #tpu.memory_space<semaphore_mem>>) {add = true}
      %dma_wait3A_242 = arith.constant 0 : i32
      %dma_wait3A_243 = tpu.memref_slice %arg7[%run_scoped3A_165, %dma_wait3A_242] : memref<40x128xi32, #tpu.memory_space<vmem>> -> memref<1x128xi32, #tpu.memory_space<vmem>>
      %dma_wait3A_244 = tpu.memref_squeeze %dma_wait3A_243 : memref<1x128xi32, #tpu.memory_space<vmem>> -> memref<128xi32, #tpu.memory_space<vmem>>
      %dma_wait3A_245 = arith.constant 0 : i32
      %dma_wait3A_246 = arith.constant 0 : i32
      %dma_wait3A_247 = tpu.memref_slice %arg11[%dma_wait3A_245, %dma_wait3A_246] : memref<10240x128xf32, #tpu.memory_space<vmem_shared>> -> memref<10240x128xf32, #tpu.memory_space<vmem_shared>>
      tpu.wait_indirect_dma semaphore(%run_scoped3A_235 : memref<!tpu.dma_semaphore, #tpu.memory_space<semaphore_mem>>) src(%arg8 : memref<128x128xf32, #tpu.memory_space<vmem>>) dst(%dma_wait3A_247 : memref<10240x128xf32, #tpu.memory_space<vmem_shared>>)
      tpu.yield
    }) : () -> ()
    %dma_wait3A_166 = arith.constant 39 : i32
    %dma_wait3A_167 = arith.constant 0 : i32
    %dma_wait3A_168 = tpu.memref_slice %arg6[%dma_wait3A_166, %dma_wait3A_167] : memref<40x128xi32, #tpu.memory_space<vmem>> -> memref<1x128xi32, #tpu.memory_space<vmem>>
    %dma_wait3A_169 = tpu.memref_squeeze %dma_wait3A_168 : memref<1x128xi32, #tpu.memory_space<vmem>> -> memref<128xi32, #tpu.memory_space<vmem>>
    %dma_wait3A_170 = arith.constant 0 : i32
    %dma_wait3A_171 = arith.constant 0 : i32
    %dma_wait3A_172 = tpu.memref_slice %arg2[%add3A_120, %dma_wait3A_170, %dma_wait3A_171] : memref<4x10240x128xf32, #tpu.memory_space<hbm>> -> memref<1x10240x128xf32, #tpu.memory_space<hbm>>
    %dma_wait3A_173 = tpu.memref_squeeze %dma_wait3A_172 : memref<1x10240x128xf32, #tpu.memory_space<hbm>> -> memref<10240x128xf32, #tpu.memory_space<hbm>>
    %dma_wait3A_174 = arith.constant 0 : i32
    %dma_wait3A_175 = arith.constant 0 : i32
    %dma_wait3A_176 = tpu.memref_slice %dma_wait3A_173[%dma_wait3A_174, %dma_wait3A_175] : memref<10240x128xf32, #tpu.memory_space<hbm>> -> memref<10240x128xf32, #tpu.memory_space<hbm>>
    tpu.wait_indirect_dma semaphore(%arg13 : memref<!tpu.dma_semaphore, #tpu.memory_space<semaphore_mem>>) src(%dma_wait3A_176 : memref<10240x128xf32, #tpu.memory_space<hbm>>) dst(%arg9 : memref<128x128xf32, #tpu.memory_space<vmem>>)
    %run_scoped3A_177 = arith.constant 39 : i32
    "tpu.region"() ({
      %run_scoped3A_235 = tpu.sem_alloc : memref<!tpu.dma_semaphore, #tpu.memory_space<semaphore_mem>>
      %dma_start3A_236 = arith.constant 0 : i32
      %dma_start3A_237 = tpu.memref_slice %arg7[%run_scoped3A_177, %dma_start3A_236] : memref<40x128xi32, #tpu.memory_space<vmem>> -> memref<1x128xi32, #tpu.memory_space<vmem>>
      %dma_start3A_238 = tpu.memref_squeeze %dma_start3A_237 : memref<1x128xi32, #tpu.memory_space<vmem>> -> memref<128xi32, #tpu.memory_space<vmem>>
      %dma_start3A_239 = arith.constant 0 : i32
      %dma_start3A_240 = arith.constant 0 : i32
      %dma_start3A_241 = tpu.memref_slice %arg11[%dma_start3A_239, %dma_start3A_240] : memref<10240x128xf32, #tpu.memory_space<vmem_shared>> -> memref<10240x128xf32, #tpu.memory_space<vmem_shared>>
      tpu.enqueue_indirect_dma source(%arg9 : memref<128x128xf32, #tpu.memory_space<vmem>>) target(%dma_start3A_241 : memref<10240x128xf32, #tpu.memory_space<vmem_shared>>) offsets(%dma_start3A_238 : memref<128xi32, #tpu.memory_space<vmem>>) semaphore(%run_scoped3A_235 : memref<!tpu.dma_semaphore, #tpu.memory_space<semaphore_mem>>) {add = true}
      %dma_wait3A_242 = arith.constant 0 : i32
      %dma_wait3A_243 = tpu.memref_slice %arg7[%run_scoped3A_177, %dma_wait3A_242] : memref<40x128xi32, #tpu.memory_space<vmem>> -> memref<1x128xi32, #tpu.memory_space<vmem>>
      %dma_wait3A_244 = tpu.memref_squeeze %dma_wait3A_243 : memref<1x128xi32, #tpu.memory_space<vmem>> -> memref<128xi32, #tpu.memory_space<vmem>>
      %dma_wait3A_245 = arith.constant 0 : i32
      %dma_wait3A_246 = arith.constant 0 : i32
      %dma_wait3A_247 = tpu.memref_slice %arg11[%dma_wait3A_245, %dma_wait3A_246] : memref<10240x128xf32, #tpu.memory_space<vmem_shared>> -> memref<10240x128xf32, #tpu.memory_space<vmem_shared>>
      tpu.wait_indirect_dma semaphore(%run_scoped3A_235 : memref<!tpu.dma_semaphore, #tpu.memory_space<semaphore_mem>>) src(%arg9 : memref<128x128xf32, #tpu.memory_space<vmem>>) dst(%dma_wait3A_247 : memref<10240x128xf32, #tpu.memory_space<vmem_shared>>)
      tpu.yield
    }) : () -> ()
    "tpu.region"() ({
      %run_scoped3A_235 = tpu.sem_alloc : memref<!tpu.dma_semaphore, #tpu.memory_space<semaphore_mem>>
      %dma_start3A_236 = arith.constant 0 : i32
      %dma_start3A_237 = arith.constant 0 : i32
      %dma_start3A_238 = tpu.memref_slice %arg3[%arg1, %dma_start3A_236, %dma_start3A_237] : memref<16x80x128xi32, #tpu.memory_space<hbm>> -> memref<1x80x128xi32, #tpu.memory_space<hbm>>
      %dma_start3A_239 = tpu.memref_squeeze %dma_start3A_238 : memref<1x80x128xi32, #tpu.memory_space<hbm>> -> memref<80x128xi32, #tpu.memory_space<hbm>>
      %dma_start3A_240 = arith.constant 40 : i32
      %dma_start3A_241 = arith.constant 0 : i32
      %dma_start3A_242 = tpu.memref_slice %dma_start3A_239[%dma_start3A_240, %dma_start3A_241] : memref<80x128xi32, #tpu.memory_space<hbm>> -> memref<40x128xi32, #tpu.memory_space<hbm>>
      %dma_start3A_243 = arith.constant 0 : i32
      %dma_start3A_244 = arith.constant 0 : i32
      %dma_start3A_245 = tpu.memref_slice %arg3[%arg1, %dma_start3A_243, %dma_start3A_244] : memref<16x80x128xi32, #tpu.memory_space<hbm>> -> memref<1x80x128xi32, #tpu.memory_space<hbm>>
      %dma_start3A_246 = tpu.memref_squeeze %dma_start3A_245 : memref<1x80x128xi32, #tpu.memory_space<hbm>> -> memref<80x128xi32, #tpu.memory_space<hbm>>
      %dma_start3A_247 = arith.constant 40 : i32
      %dma_start3A_248 = arith.constant 0 : i32
      %dma_start3A_249 = tpu.memref_slice %dma_start3A_246[%dma_start3A_247, %dma_start3A_248] : memref<80x128xi32, #tpu.memory_space<hbm>> -> memref<40x128xi32, #tpu.memory_space<hbm>>
      tpu.enqueue_dma source(%dma_start3A_249 : memref<40x128xi32, #tpu.memory_space<hbm>>) target(%arg6 : memref<40x128xi32, #tpu.memory_space<vmem>>) target_semaphore(%run_scoped3A_235 : memref<!tpu.dma_semaphore, #tpu.memory_space<semaphore_mem>>)
      %dma_wait3A_250 = arith.constant 0 : i32
      %dma_wait3A_251 = arith.constant 0 : i32
      %dma_wait3A_252 = tpu.memref_slice %arg3[%arg1, %dma_wait3A_250, %dma_wait3A_251] : memref<16x80x128xi32, #tpu.memory_space<hbm>> -> memref<1x80x128xi32, #tpu.memory_space<hbm>>
      %dma_wait3A_253 = tpu.memref_squeeze %dma_wait3A_252 : memref<1x80x128xi32, #tpu.memory_space<hbm>> -> memref<80x128xi32, #tpu.memory_space<hbm>>
      %dma_wait3A_254 = arith.constant 40 : i32
      %dma_wait3A_255 = arith.constant 0 : i32
      %dma_wait3A_256 = tpu.memref_slice %dma_wait3A_253[%dma_wait3A_254, %dma_wait3A_255] : memref<80x128xi32, #tpu.memory_space<hbm>> -> memref<40x128xi32, #tpu.memory_space<hbm>>
      %dma_wait3A_257 = arith.constant 0 : i32
      %dma_wait3A_258 = arith.constant 0 : i32
      %dma_wait3A_259 = tpu.memref_slice %arg3[%arg1, %dma_wait3A_257, %dma_wait3A_258] : memref<16x80x128xi32, #tpu.memory_space<hbm>> -> memref<1x80x128xi32, #tpu.memory_space<hbm>>
      %dma_wait3A_260 = tpu.memref_squeeze %dma_wait3A_259 : memref<1x80x128xi32, #tpu.memory_space<hbm>> -> memref<80x128xi32, #tpu.memory_space<hbm>>
      %dma_wait3A_261 = arith.constant 40 : i32
      %dma_wait3A_262 = arith.constant 0 : i32
      %dma_wait3A_263 = tpu.memref_slice %dma_wait3A_260[%dma_wait3A_261, %dma_wait3A_262] : memref<80x128xi32, #tpu.memory_space<hbm>> -> memref<40x128xi32, #tpu.memory_space<hbm>>
      tpu.wait_dma2 semaphore(%run_scoped3A_235 : memref<!tpu.dma_semaphore, #tpu.memory_space<semaphore_mem>>) src(%dma_wait3A_263 : memref<40x128xi32, #tpu.memory_space<hbm>>) dst(%arg6 : memref<40x128xi32, #tpu.memory_space<vmem>>)
      tpu.yield
    }) : () -> ()
    "tpu.region"() ({
      %run_scoped3A_235 = tpu.sem_alloc : memref<!tpu.dma_semaphore, #tpu.memory_space<semaphore_mem>>
      %dma_start3A_236 = arith.constant 0 : i32
      %dma_start3A_237 = arith.constant 0 : i32
      %dma_start3A_238 = tpu.memref_slice %arg4[%arg1, %dma_start3A_236, %dma_start3A_237] : memref<16x80x128xi32, #tpu.memory_space<hbm>> -> memref<1x80x128xi32, #tpu.memory_space<hbm>>
      %dma_start3A_239 = tpu.memref_squeeze %dma_start3A_238 : memref<1x80x128xi32, #tpu.memory_space<hbm>> -> memref<80x128xi32, #tpu.memory_space<hbm>>
      %dma_start3A_240 = arith.constant 40 : i32
      %dma_start3A_241 = arith.constant 0 : i32
      %dma_start3A_242 = tpu.memref_slice %dma_start3A_239[%dma_start3A_240, %dma_start3A_241] : memref<80x128xi32, #tpu.memory_space<hbm>> -> memref<40x128xi32, #tpu.memory_space<hbm>>
      %dma_start3A_243 = arith.constant 0 : i32
      %dma_start3A_244 = arith.constant 0 : i32
      %dma_start3A_245 = tpu.memref_slice %arg4[%arg1, %dma_start3A_243, %dma_start3A_244] : memref<16x80x128xi32, #tpu.memory_space<hbm>> -> memref<1x80x128xi32, #tpu.memory_space<hbm>>
      %dma_start3A_246 = tpu.memref_squeeze %dma_start3A_245 : memref<1x80x128xi32, #tpu.memory_space<hbm>> -> memref<80x128xi32, #tpu.memory_space<hbm>>
      %dma_start3A_247 = arith.constant 40 : i32
      %dma_start3A_248 = arith.constant 0 : i32
      %dma_start3A_249 = tpu.memref_slice %dma_start3A_246[%dma_start3A_247, %dma_start3A_248] : memref<80x128xi32, #tpu.memory_space<hbm>> -> memref<40x128xi32, #tpu.memory_space<hbm>>
      tpu.enqueue_dma source(%dma_start3A_249 : memref<40x128xi32, #tpu.memory_space<hbm>>) target(%arg7 : memref<40x128xi32, #tpu.memory_space<vmem>>) target_semaphore(%run_scoped3A_235 : memref<!tpu.dma_semaphore, #tpu.memory_space<semaphore_mem>>)
      %dma_wait3A_250 = arith.constant 0 : i32
      %dma_wait3A_251 = arith.constant 0 : i32
      %dma_wait3A_252 = tpu.memref_slice %arg4[%arg1, %dma_wait3A_250, %dma_wait3A_251] : memref<16x80x128xi32, #tpu.memory_space<hbm>> -> memref<1x80x128xi32, #tpu.memory_space<hbm>>
      %dma_wait3A_253 = tpu.memref_squeeze %dma_wait3A_252 : memref<1x80x128xi32, #tpu.memory_space<hbm>> -> memref<80x128xi32, #tpu.memory_space<hbm>>
      %dma_wait3A_254 = arith.constant 40 : i32
      %dma_wait3A_255 = arith.constant 0 : i32
      %dma_wait3A_256 = tpu.memref_slice %dma_wait3A_253[%dma_wait3A_254, %dma_wait3A_255] : memref<80x128xi32, #tpu.memory_space<hbm>> -> memref<40x128xi32, #tpu.memory_space<hbm>>
      %dma_wait3A_257 = arith.constant 0 : i32
      %dma_wait3A_258 = arith.constant 0 : i32
      %dma_wait3A_259 = tpu.memref_slice %arg4[%arg1, %dma_wait3A_257, %dma_wait3A_258] : memref<16x80x128xi32, #tpu.memory_space<hbm>> -> memref<1x80x128xi32, #tpu.memory_space<hbm>>
      %dma_wait3A_260 = tpu.memref_squeeze %dma_wait3A_259 : memref<1x80x128xi32, #tpu.memory_space<hbm>> -> memref<80x128xi32, #tpu.memory_space<hbm>>
      %dma_wait3A_261 = arith.constant 40 : i32
      %dma_wait3A_262 = arith.constant 0 : i32
      %dma_wait3A_263 = tpu.memref_slice %dma_wait3A_260[%dma_wait3A_261, %dma_wait3A_262] : memref<80x128xi32, #tpu.memory_space<hbm>> -> memref<40x128xi32, #tpu.memory_space<hbm>>
      tpu.wait_dma2 semaphore(%run_scoped3A_235 : memref<!tpu.dma_semaphore, #tpu.memory_space<semaphore_mem>>) src(%dma_wait3A_263 : memref<40x128xi32, #tpu.memory_space<hbm>>) dst(%arg7 : memref<40x128xi32, #tpu.memory_space<vmem>>)
      tpu.yield
    }) : () -> ()
    %dma_start3A_178 = arith.constant 0 : i32
    %dma_start3A_179 = arith.constant 0 : i32
    %dma_start3A_180 = tpu.memref_slice %arg6[%dma_start3A_178, %dma_start3A_179] : memref<40x128xi32, #tpu.memory_space<vmem>> -> memref<1x128xi32, #tpu.memory_space<vmem>>
    %dma_start3A_181 = tpu.memref_squeeze %dma_start3A_180 : memref<1x128xi32, #tpu.memory_space<vmem>> -> memref<128xi32, #tpu.memory_space<vmem>>
    %dma_start3A_182 = arith.constant 0 : i32
    %dma_start3A_183 = arith.constant 0 : i32
    %dma_start3A_184 = tpu.memref_slice %arg2[%add3A_120, %dma_start3A_182, %dma_start3A_183] : memref<4x10240x128xf32, #tpu.memory_space<hbm>> -> memref<1x10240x128xf32, #tpu.memory_space<hbm>>
    %dma_start3A_185 = tpu.memref_squeeze %dma_start3A_184 : memref<1x10240x128xf32, #tpu.memory_space<hbm>> -> memref<10240x128xf32, #tpu.memory_space<hbm>>
    %dma_start3A_186 = arith.constant 0 : i32
    %dma_start3A_187 = arith.constant 0 : i32
    %dma_start3A_188 = tpu.memref_slice %dma_start3A_185[%dma_start3A_186, %dma_start3A_187] : memref<10240x128xf32, #tpu.memory_space<hbm>> -> memref<10240x128xf32, #tpu.memory_space<hbm>>
    tpu.enqueue_indirect_dma source(%dma_start3A_188 : memref<10240x128xf32, #tpu.memory_space<hbm>>) target(%arg8 : memref<128x128xf32, #tpu.memory_space<vmem>>) offsets(%dma_start3A_181 : memref<128xi32, #tpu.memory_space<vmem>>) semaphore(%arg12 : memref<!tpu.dma_semaphore, #tpu.memory_space<semaphore_mem>>)
    %scan3A_189 = arith.constant 0 : i32
    %scan3A_190 = arith.constant 19 : i32
    %scan3A_191 = arith.addi %scan3A_189, %scan3A_190 : i32
    %scan3A_192 = arith.constant 1 : i32
    scf.for %scan3A_235 = %scan3A_189 to %scan3A_191 step %scan3A_192  : i32 {
      %mul3A_236 = arith.constant 1 : i32
      %mul3A_237 = arith.muli %scan3A_235, %mul3A_236 : i32
      %add3A_238 = arith.constant 0 : i32
      %add3A_239 = arith.addi %add3A_238, %mul3A_237 : i32
      %mul3A_240 = arith.constant 2 : i32
      %mul3A_241 = arith.muli %add3A_239, %mul3A_240 : i32
      %add3A_242 = arith.constant 1 : i32
      %add3A_243 = arith.addi %mul3A_241, %add3A_242 : i32
      %dma_start3A_244 = arith.constant 0 : i32
      %dma_start3A_245 = tpu.memref_slice %arg6[%add3A_243, %dma_start3A_244] : memref<40x128xi32, #tpu.memory_space<vmem>> -> memref<1x128xi32, #tpu.memory_space<vmem>>
      %dma_start3A_246 = tpu.memref_squeeze %dma_start3A_245 : memref<1x128xi32, #tpu.memory_space<vmem>> -> memref<128xi32, #tpu.memory_space<vmem>>
      %dma_start3A_247 = arith.constant 0 : i32
      %dma_start3A_248 = arith.constant 0 : i32
      %dma_start3A_249 = tpu.memref_slice %arg2[%add3A_120, %dma_start3A_247, %dma_start3A_248] : memref<4x10240x128xf32, #tpu.memory_space<hbm>> -> memref<1x10240x128xf32, #tpu.memory_space<hbm>>
      %dma_start3A_250 = tpu.memref_squeeze %dma_start3A_249 : memref<1x10240x128xf32, #tpu.memory_space<hbm>> -> memref<10240x128xf32, #tpu.memory_space<hbm>>
      %dma_start3A_251 = arith.constant 0 : i32
      %dma_start3A_252 = arith.constant 0 : i32
      %dma_start3A_253 = tpu.memref_slice %dma_start3A_250[%dma_start3A_251, %dma_start3A_252] : memref<10240x128xf32, #tpu.memory_space<hbm>> -> memref<10240x128xf32, #tpu.memory_space<hbm>>
      tpu.enqueue_indirect_dma source(%dma_start3A_253 : memref<10240x128xf32, #tpu.memory_space<hbm>>) target(%arg9 : memref<128x128xf32, #tpu.memory_space<vmem>>) offsets(%dma_start3A_246 : memref<128xi32, #tpu.memory_space<vmem>>) semaphore(%arg13 : memref<!tpu.dma_semaphore, #tpu.memory_space<semaphore_mem>>)
      %dma_wait3A_254 = arith.constant 0 : i32
      %dma_wait3A_255 = tpu.memref_slice %arg6[%mul3A_241, %dma_wait3A_254] : memref<40x128xi32, #tpu.memory_space<vmem>> -> memref<1x128xi32, #tpu.memory_space<vmem>>
      %dma_wait3A_256 = tpu.memref_squeeze %dma_wait3A_255 : memref<1x128xi32, #tpu.memory_space<vmem>> -> memref<128xi32, #tpu.memory_space<vmem>>
      %dma_wait3A_257 = arith.constant 0 : i32
      %dma_wait3A_258 = arith.constant 0 : i32
      %dma_wait3A_259 = tpu.memref_slice %arg2[%add3A_120, %dma_wait3A_257, %dma_wait3A_258] : memref<4x10240x128xf32, #tpu.memory_space<hbm>> -> memref<1x10240x128xf32, #tpu.memory_space<hbm>>
      %dma_wait3A_260 = tpu.memref_squeeze %dma_wait3A_259 : memref<1x10240x128xf32, #tpu.memory_space<hbm>> -> memref<10240x128xf32, #tpu.memory_space<hbm>>
      %dma_wait3A_261 = arith.constant 0 : i32
      %dma_wait3A_262 = arith.constant 0 : i32
      %dma_wait3A_263 = tpu.memref_slice %dma_wait3A_260[%dma_wait3A_261, %dma_wait3A_262] : memref<10240x128xf32, #tpu.memory_space<hbm>> -> memref<10240x128xf32, #tpu.memory_space<hbm>>
      tpu.wait_indirect_dma semaphore(%arg12 : memref<!tpu.dma_semaphore, #tpu.memory_space<semaphore_mem>>) src(%dma_wait3A_263 : memref<10240x128xf32, #tpu.memory_space<hbm>>) dst(%arg8 : memref<128x128xf32, #tpu.memory_space<vmem>>)
      "tpu.region"() ({
        %run_scoped3A_290 = tpu.sem_alloc : memref<!tpu.dma_semaphore, #tpu.memory_space<semaphore_mem>>
        %dma_start3A_291 = arith.constant 0 : i32
        %dma_start3A_292 = tpu.memref_slice %arg7[%mul3A_241, %dma_start3A_291] : memref<40x128xi32, #tpu.memory_space<vmem>> -> memref<1x128xi32, #tpu.memory_space<vmem>>
        %dma_start3A_293 = tpu.memref_squeeze %dma_start3A_292 : memref<1x128xi32, #tpu.memory_space<vmem>> -> memref<128xi32, #tpu.memory_space<vmem>>
        %dma_start3A_294 = arith.constant 0 : i32
        %dma_start3A_295 = arith.constant 0 : i32
        %dma_start3A_296 = tpu.memref_slice %arg11[%dma_start3A_294, %dma_start3A_295] : memref<10240x128xf32, #tpu.memory_space<vmem_shared>> -> memref<10240x128xf32, #tpu.memory_space<vmem_shared>>
        tpu.enqueue_indirect_dma source(%arg8 : memref<128x128xf32, #tpu.memory_space<vmem>>) target(%dma_start3A_296 : memref<10240x128xf32, #tpu.memory_space<vmem_shared>>) offsets(%dma_start3A_293 : memref<128xi32, #tpu.memory_space<vmem>>) semaphore(%run_scoped3A_290 : memref<!tpu.dma_semaphore, #tpu.memory_space<semaphore_mem>>) {add = true}
        %dma_wait3A_297 = arith.constant 0 : i32
        %dma_wait3A_298 = tpu.memref_slice %arg7[%mul3A_241, %dma_wait3A_297] : memref<40x128xi32, #tpu.memory_space<vmem>> -> memref<1x128xi32, #tpu.memory_space<vmem>>
        %dma_wait3A_299 = tpu.memref_squeeze %dma_wait3A_298 : memref<1x128xi32, #tpu.memory_space<vmem>> -> memref<128xi32, #tpu.memory_space<vmem>>
        %dma_wait3A_300 = arith.constant 0 : i32
        %dma_wait3A_301 = arith.constant 0 : i32
        %dma_wait3A_302 = tpu.memref_slice %arg11[%dma_wait3A_300, %dma_wait3A_301] : memref<10240x128xf32, #tpu.memory_space<vmem_shared>> -> memref<10240x128xf32, #tpu.memory_space<vmem_shared>>
        tpu.wait_indirect_dma semaphore(%run_scoped3A_290 : memref<!tpu.dma_semaphore, #tpu.memory_space<semaphore_mem>>) src(%arg8 : memref<128x128xf32, #tpu.memory_space<vmem>>) dst(%dma_wait3A_302 : memref<10240x128xf32, #tpu.memory_space<vmem_shared>>)
        tpu.yield
      }) : () -> ()
      %add3A_264 = arith.constant 2 : i32
      %add3A_265 = arith.addi %mul3A_241, %add3A_264 : i32
      %dma_start3A_266 = arith.constant 0 : i32
      %dma_start3A_267 = tpu.memref_slice %arg6[%add3A_265, %dma_start3A_266] : memref<40x128xi32, #tpu.memory_space<vmem>> -> memref<1x128xi32, #tpu.memory_space<vmem>>
      %dma_start3A_268 = tpu.memref_squeeze %dma_start3A_267 : memref<1x128xi32, #tpu.memory_space<vmem>> -> memref<128xi32, #tpu.memory_space<vmem>>
      %dma_start3A_269 = arith.constant 0 : i32
      %dma_start3A_270 = arith.constant 0 : i32
      %dma_start3A_271 = tpu.memref_slice %arg2[%add3A_120, %dma_start3A_269, %dma_start3A_270] : memref<4x10240x128xf32, #tpu.memory_space<hbm>> -> memref<1x10240x128xf32, #tpu.memory_space<hbm>>
      %dma_start3A_272 = tpu.memref_squeeze %dma_start3A_271 : memref<1x10240x128xf32, #tpu.memory_space<hbm>> -> memref<10240x128xf32, #tpu.memory_space<hbm>>
      %dma_start3A_273 = arith.constant 0 : i32
      %dma_start3A_274 = arith.constant 0 : i32
      %dma_start3A_275 = tpu.memref_slice %dma_start3A_272[%dma_start3A_273, %dma_start3A_274] : memref<10240x128xf32, #tpu.memory_space<hbm>> -> memref<10240x128xf32, #tpu.memory_space<hbm>>
      tpu.enqueue_indirect_dma source(%dma_start3A_275 : memref<10240x128xf32, #tpu.memory_space<hbm>>) target(%arg8 : memref<128x128xf32, #tpu.memory_space<vmem>>) offsets(%dma_start3A_268 : memref<128xi32, #tpu.memory_space<vmem>>) semaphore(%arg12 : memref<!tpu.dma_semaphore, #tpu.memory_space<semaphore_mem>>)
      %add3A_276 = arith.constant 1 : i32
      %add3A_277 = arith.addi %mul3A_241, %add3A_276 : i32
      %dma_wait3A_278 = arith.constant 0 : i32
      %dma_wait3A_279 = tpu.memref_slice %arg6[%add3A_277, %dma_wait3A_278] : memref<40x128xi32, #tpu.memory_space<vmem>> -> memref<1x128xi32, #tpu.memory_space<vmem>>
      %dma_wait3A_280 = tpu.memref_squeeze %dma_wait3A_279 : memref<1x128xi32, #tpu.memory_space<vmem>> -> memref<128xi32, #tpu.memory_space<vmem>>
      %dma_wait3A_281 = arith.constant 0 : i32
      %dma_wait3A_282 = arith.constant 0 : i32
      %dma_wait3A_283 = tpu.memref_slice %arg2[%add3A_120, %dma_wait3A_281, %dma_wait3A_282] : memref<4x10240x128xf32, #tpu.memory_space<hbm>> -> memref<1x10240x128xf32, #tpu.memory_space<hbm>>
      %dma_wait3A_284 = tpu.memref_squeeze %dma_wait3A_283 : memref<1x10240x128xf32, #tpu.memory_space<hbm>> -> memref<10240x128xf32, #tpu.memory_space<hbm>>
      %dma_wait3A_285 = arith.constant 0 : i32
      %dma_wait3A_286 = arith.constant 0 : i32
      %dma_wait3A_287 = tpu.memref_slice %dma_wait3A_284[%dma_wait3A_285, %dma_wait3A_286] : memref<10240x128xf32, #tpu.memory_space<hbm>> -> memref<10240x128xf32, #tpu.memory_space<hbm>>
      tpu.wait_indirect_dma semaphore(%arg13 : memref<!tpu.dma_semaphore, #tpu.memory_space<semaphore_mem>>) src(%dma_wait3A_287 : memref<10240x128xf32, #tpu.memory_space<hbm>>) dst(%arg9 : memref<128x128xf32, #tpu.memory_space<vmem>>)
      %add3A_288 = arith.constant 1 : i32
      %add3A_289 = arith.addi %mul3A_241, %add3A_288 : i32
      "tpu.region"() ({
        %run_scoped3A_290 = tpu.sem_alloc : memref<!tpu.dma_semaphore, #tpu.memory_space<semaphore_mem>>
        %dma_start3A_291 = arith.constant 0 : i32
        %dma_start3A_292 = tpu.memref_slice %arg7[%add3A_289, %dma_start3A_291] : memref<40x128xi32, #tpu.memory_space<vmem>> -> memref<1x128xi32, #tpu.memory_space<vmem>>
        %dma_start3A_293 = tpu.memref_squeeze %dma_start3A_292 : memref<1x128xi32, #tpu.memory_space<vmem>> -> memref<128xi32, #tpu.memory_space<vmem>>
        %dma_start3A_294 = arith.constant 0 : i32
        %dma_start3A_295 = arith.constant 0 : i32
        %dma_start3A_296 = tpu.memref_slice %arg11[%dma_start3A_294, %dma_start3A_295] : memref<10240x128xf32, #tpu.memory_space<vmem_shared>> -> memref<10240x128xf32, #tpu.memory_space<vmem_shared>>
        tpu.enqueue_indirect_dma source(%arg9 : memref<128x128xf32, #tpu.memory_space<vmem>>) target(%dma_start3A_296 : memref<10240x128xf32, #tpu.memory_space<vmem_shared>>) offsets(%dma_start3A_293 : memref<128xi32, #tpu.memory_space<vmem>>) semaphore(%run_scoped3A_290 : memref<!tpu.dma_semaphore, #tpu.memory_space<semaphore_mem>>) {add = true}
        %dma_wait3A_297 = arith.constant 0 : i32
        %dma_wait3A_298 = tpu.memref_slice %arg7[%add3A_289, %dma_wait3A_297] : memref<40x128xi32, #tpu.memory_space<vmem>> -> memref<1x128xi32, #tpu.memory_space<vmem>>
        %dma_wait3A_299 = tpu.memref_squeeze %dma_wait3A_298 : memref<1x128xi32, #tpu.memory_space<vmem>> -> memref<128xi32, #tpu.memory_space<vmem>>
        %dma_wait3A_300 = arith.constant 0 : i32
        %dma_wait3A_301 = arith.constant 0 : i32
        %dma_wait3A_302 = tpu.memref_slice %arg11[%dma_wait3A_300, %dma_wait3A_301] : memref<10240x128xf32, #tpu.memory_space<vmem_shared>> -> memref<10240x128xf32, #tpu.memory_space<vmem_shared>>
        tpu.wait_indirect_dma semaphore(%run_scoped3A_290 : memref<!tpu.dma_semaphore, #tpu.memory_space<semaphore_mem>>) src(%arg9 : memref<128x128xf32, #tpu.memory_space<vmem>>) dst(%dma_wait3A_302 : memref<10240x128xf32, #tpu.memory_space<vmem_shared>>)
        tpu.yield
      }) : () -> ()
    }
    %scan3A_193 = arith.constant 19 : i32
    %dma_start3A_194 = arith.constant 39 : i32
    %dma_start3A_195 = arith.constant 0 : i32
    %dma_start3A_196 = tpu.memref_slice %arg6[%dma_start3A_194, %dma_start3A_195] : memref<40x128xi32, #tpu.memory_space<vmem>> -> memref<1x128xi32, #tpu.memory_space<vmem>>
    %dma_start3A_197 = tpu.memref_squeeze %dma_start3A_196 : memref<1x128xi32, #tpu.memory_space<vmem>> -> memref<128xi32, #tpu.memory_space<vmem>>
    %dma_start3A_198 = arith.constant 0 : i32
    %dma_start3A_199 = arith.constant 0 : i32
    %dma_start3A_200 = tpu.memref_slice %arg2[%add3A_120, %dma_start3A_198, %dma_start3A_199] : memref<4x10240x128xf32, #tpu.memory_space<hbm>> -> memref<1x10240x128xf32, #tpu.memory_space<hbm>>
    %dma_start3A_201 = tpu.memref_squeeze %dma_start3A_200 : memref<1x10240x128xf32, #tpu.memory_space<hbm>> -> memref<10240x128xf32, #tpu.memory_space<hbm>>
    %dma_start3A_202 = arith.constant 0 : i32
    %dma_start3A_203 = arith.constant 0 : i32
    %dma_start3A_204 = tpu.memref_slice %dma_start3A_201[%dma_start3A_202, %dma_start3A_203] : memref<10240x128xf32, #tpu.memory_space<hbm>> -> memref<10240x128xf32, #tpu.memory_space<hbm>>
    tpu.enqueue_indirect_dma source(%dma_start3A_204 : memref<10240x128xf32, #tpu.memory_space<hbm>>) target(%arg9 : memref<128x128xf32, #tpu.memory_space<vmem>>) offsets(%dma_start3A_197 : memref<128xi32, #tpu.memory_space<vmem>>) semaphore(%arg13 : memref<!tpu.dma_semaphore, #tpu.memory_space<semaphore_mem>>)
    %dma_wait3A_205 = arith.constant 38 : i32
    %dma_wait3A_206 = arith.constant 0 : i32
    %dma_wait3A_207 = tpu.memref_slice %arg6[%dma_wait3A_205, %dma_wait3A_206] : memref<40x128xi32, #tpu.memory_space<vmem>> -> memref<1x128xi32, #tpu.memory_space<vmem>>
    %dma_wait3A_208 = tpu.memref_squeeze %dma_wait3A_207 : memref<1x128xi32, #tpu.memory_space<vmem>> -> memref<128xi32, #tpu.memory_space<vmem>>
    %dma_wait3A_209 = arith.constant 0 : i32
    %dma_wait3A_210 = arith.constant 0 : i32
    %dma_wait3A_211 = tpu.memref_slice %arg2[%add3A_120, %dma_wait3A_209, %dma_wait3A_210] : memref<4x10240x128xf32, #tpu.memory_space<hbm>> -> memref<1x10240x128xf32, #tpu.memory_space<hbm>>
    %dma_wait3A_212 = tpu.memref_squeeze %dma_wait3A_211 : memref<1x10240x128xf32, #tpu.memory_space<hbm>> -> memref<10240x128xf32, #tpu.memory_space<hbm>>
    %dma_wait3A_213 = arith.constant 0 : i32
    %dma_wait3A_214 = arith.constant 0 : i32
    %dma_wait3A_215 = tpu.memref_slice %dma_wait3A_212[%dma_wait3A_213, %dma_wait3A_214] : memref<10240x128xf32, #tpu.memory_space<hbm>> -> memref<10240x128xf32, #tpu.memory_space<hbm>>
    tpu.wait_indirect_dma semaphore(%arg12 : memref<!tpu.dma_semaphore, #tpu.memory_space<semaphore_mem>>) src(%dma_wait3A_215 : memref<10240x128xf32, #tpu.memory_space<hbm>>) dst(%arg8 : memref<128x128xf32, #tpu.memory_space<vmem>>)
    %run_scoped3A_216 = arith.constant 38 : i32
    "tpu.region"() ({
      %run_scoped3A_235 = tpu.sem_alloc : memref<!tpu.dma_semaphore, #tpu.memory_space<semaphore_mem>>
      %dma_start3A_236 = arith.constant 0 : i32
      %dma_start3A_237 = tpu.memref_slice %arg7[%run_scoped3A_216, %dma_start3A_236] : memref<40x128xi32, #tpu.memory_space<vmem>> -> memref<1x128xi32, #tpu.memory_space<vmem>>
      %dma_start3A_238 = tpu.memref_squeeze %dma_start3A_237 : memref<1x128xi32, #tpu.memory_space<vmem>> -> memref<128xi32, #tpu.memory_space<vmem>>
      %dma_start3A_239 = arith.constant 0 : i32
      %dma_start3A_240 = arith.constant 0 : i32
      %dma_start3A_241 = tpu.memref_slice %arg11[%dma_start3A_239, %dma_start3A_240] : memref<10240x128xf32, #tpu.memory_space<vmem_shared>> -> memref<10240x128xf32, #tpu.memory_space<vmem_shared>>
      tpu.enqueue_indirect_dma source(%arg8 : memref<128x128xf32, #tpu.memory_space<vmem>>) target(%dma_start3A_241 : memref<10240x128xf32, #tpu.memory_space<vmem_shared>>) offsets(%dma_start3A_238 : memref<128xi32, #tpu.memory_space<vmem>>) semaphore(%run_scoped3A_235 : memref<!tpu.dma_semaphore, #tpu.memory_space<semaphore_mem>>) {add = true}
      %dma_wait3A_242 = arith.constant 0 : i32
      %dma_wait3A_243 = tpu.memref_slice %arg7[%run_scoped3A_216, %dma_wait3A_242] : memref<40x128xi32, #tpu.memory_space<vmem>> -> memref<1x128xi32, #tpu.memory_space<vmem>>
      %dma_wait3A_244 = tpu.memref_squeeze %dma_wait3A_243 : memref<1x128xi32, #tpu.memory_space<vmem>> -> memref<128xi32, #tpu.memory_space<vmem>>
      %dma_wait3A_245 = arith.constant 0 : i32
      %dma_wait3A_246 = arith.constant 0 : i32
      %dma_wait3A_247 = tpu.memref_slice %arg11[%dma_wait3A_245, %dma_wait3A_246] : memref<10240x128xf32, #tpu.memory_space<vmem_shared>> -> memref<10240x128xf32, #tpu.memory_space<vmem_shared>>
      tpu.wait_indirect_dma semaphore(%run_scoped3A_235 : memref<!tpu.dma_semaphore, #tpu.memory_space<semaphore_mem>>) src(%arg8 : memref<128x128xf32, #tpu.memory_space<vmem>>) dst(%dma_wait3A_247 : memref<10240x128xf32, #tpu.memory_space<vmem_shared>>)
      tpu.yield
    }) : () -> ()
    %dma_wait3A_217 = arith.constant 39 : i32
    %dma_wait3A_218 = arith.constant 0 : i32
    %dma_wait3A_219 = tpu.memref_slice %arg6[%dma_wait3A_217, %dma_wait3A_218] : memref<40x128xi32, #tpu.memory_space<vmem>> -> memref<1x128xi32, #tpu.memory_space<vmem>>
    %dma_wait3A_220 = tpu.memref_squeeze %dma_wait3A_219 : memref<1x128xi32, #tpu.memory_space<vmem>> -> memref<128xi32, #tpu.memory_space<vmem>>
    %dma_wait3A_221 = arith.constant 0 : i32
    %dma_wait3A_222 = arith.constant 0 : i32
    %dma_wait3A_223 = tpu.memref_slice %arg2[%add3A_120, %dma_wait3A_221, %dma_wait3A_222] : memref<4x10240x128xf32, #tpu.memory_space<hbm>> -> memref<1x10240x128xf32, #tpu.memory_space<hbm>>
    %dma_wait3A_224 = tpu.memref_squeeze %dma_wait3A_223 : memref<1x10240x128xf32, #tpu.memory_space<hbm>> -> memref<10240x128xf32, #tpu.memory_space<hbm>>
    %dma_wait3A_225 = arith.constant 0 : i32
    %dma_wait3A_226 = arith.constant 0 : i32
    %dma_wait3A_227 = tpu.memref_slice %dma_wait3A_224[%dma_wait3A_225, %dma_wait3A_226] : memref<10240x128xf32, #tpu.memory_space<hbm>> -> memref<10240x128xf32, #tpu.memory_space<hbm>>
    tpu.wait_indirect_dma semaphore(%arg13 : memref<!tpu.dma_semaphore, #tpu.memory_space<semaphore_mem>>) src(%dma_wait3A_227 : memref<10240x128xf32, #tpu.memory_space<hbm>>) dst(%arg9 : memref<128x128xf32, #tpu.memory_space<vmem>>)
    %run_scoped3A_228 = arith.constant 39 : i32
    "tpu.region"() ({
      %run_scoped3A_235 = tpu.sem_alloc : memref<!tpu.dma_semaphore, #tpu.memory_space<semaphore_mem>>
      %dma_start3A_236 = arith.constant 0 : i32
      %dma_start3A_237 = tpu.memref_slice %arg7[%run_scoped3A_228, %dma_start3A_236] : memref<40x128xi32, #tpu.memory_space<vmem>> -> memref<1x128xi32, #tpu.memory_space<vmem>>
      %dma_start3A_238 = tpu.memref_squeeze %dma_start3A_237 : memref<1x128xi32, #tpu.memory_space<vmem>> -> memref<128xi32, #tpu.memory_space<vmem>>
      %dma_start3A_239 = arith.constant 0 : i32
      %dma_start3A_240 = arith.constant 0 : i32
      %dma_start3A_241 = tpu.memref_slice %arg11[%dma_start3A_239, %dma_start3A_240] : memref<10240x128xf32, #tpu.memory_space<vmem_shared>> -> memref<10240x128xf32, #tpu.memory_space<vmem_shared>>
      tpu.enqueue_indirect_dma source(%arg9 : memref<128x128xf32, #tpu.memory_space<vmem>>) target(%dma_start3A_241 : memref<10240x128xf32, #tpu.memory_space<vmem_shared>>) offsets(%dma_start3A_238 : memref<128xi32, #tpu.memory_space<vmem>>) semaphore(%run_scoped3A_235 : memref<!tpu.dma_semaphore, #tpu.memory_space<semaphore_mem>>) {add = true}
      %dma_wait3A_242 = arith.constant 0 : i32
      %dma_wait3A_243 = tpu.memref_slice %arg7[%run_scoped3A_228, %dma_wait3A_242] : memref<40x128xi32, #tpu.memory_space<vmem>> -> memref<1x128xi32, #tpu.memory_space<vmem>>
      %dma_wait3A_244 = tpu.memref_squeeze %dma_wait3A_243 : memref<1x128xi32, #tpu.memory_space<vmem>> -> memref<128xi32, #tpu.memory_space<vmem>>
      %dma_wait3A_245 = arith.constant 0 : i32
      %dma_wait3A_246 = arith.constant 0 : i32
      %dma_wait3A_247 = tpu.memref_slice %arg11[%dma_wait3A_245, %dma_wait3A_246] : memref<10240x128xf32, #tpu.memory_space<vmem_shared>> -> memref<10240x128xf32, #tpu.memory_space<vmem_shared>>
      tpu.wait_indirect_dma semaphore(%run_scoped3A_235 : memref<!tpu.dma_semaphore, #tpu.memory_space<semaphore_mem>>) src(%arg9 : memref<128x128xf32, #tpu.memory_space<vmem>>) dst(%dma_wait3A_247 : memref<10240x128xf32, #tpu.memory_space<vmem_shared>>)
      tpu.yield
    }) : () -> ()
    %barrier3A_229 = arith.constant 0 : index
    tpu.barrier barrier_id(%barrier3A_229)
    %scan3A_230 = arith.constant 0 : i32
    %scan3A_231 = arith.constant 20 : i32
    %scan3A_232 = arith.addi %scan3A_230, %scan3A_231 : i32
    %scan3A_233 = arith.constant 1 : i32
    scf.for %scan3A_235 = %scan3A_230 to %scan3A_232 step %scan3A_233  : i32 {
      %mul3A_236 = arith.constant 1 : i32
      %mul3A_237 = arith.muli %scan3A_235, %mul3A_236 : i32
      %add3A_238 = arith.constant 0 : i32
      %add3A_239 = arith.addi %add3A_238, %mul3A_237 : i32
      %mul3A_240 = arith.constant 640 : i32
      %mul3A_241 = arith.muli %arg1, %mul3A_240 : i32
      %mul3A_242 = arith.constant 32 : i32
      %mul3A_243 = arith.muli %add3A_239, %mul3A_242 : i32
      %add3A_244 = arith.addi %mul3A_241, %mul3A_243 : i32
      "tpu.region"() ({
        %run_scoped3A_245 = tpu.sem_alloc : memref<!tpu.dma_semaphore, #tpu.memory_space<semaphore_mem>>
        %dma_start3A_246 = arith.constant 0 : i32
        %dma_start3A_247 = arith.constant 0 : i32
        %dma_start3A_248 = tpu.memref_slice %arg5[%add3A_120, %dma_start3A_246, %dma_start3A_247] : memref<4x10240x128xf32, #tpu.memory_space<hbm>> -> memref<1x10240x128xf32, #tpu.memory_space<hbm>>
        %dma_start3A_249 = tpu.memref_squeeze %dma_start3A_248 : memref<1x10240x128xf32, #tpu.memory_space<hbm>> -> memref<10240x128xf32, #tpu.memory_space<hbm>>
        %dma_start3A_250 = arith.constant 0 : i32
        %dma_start3A_251 = tpu.memref_slice %dma_start3A_249[%add3A_244, %dma_start3A_250] : memref<10240x128xf32, #tpu.memory_space<hbm>> -> memref<32x128xf32, #tpu.memory_space<hbm>>
        %dma_start3A_252 = arith.constant 0 : i32
        %dma_start3A_253 = tpu.memref_slice %arg11[%add3A_244, %dma_start3A_252] : memref<10240x128xf32, #tpu.memory_space<vmem_shared>> -> memref<32x128xf32, #tpu.memory_space<vmem_shared>>
        tpu.enqueue_dma source(%dma_start3A_253 : memref<32x128xf32, #tpu.memory_space<vmem_shared>>) target(%dma_start3A_251 : memref<32x128xf32, #tpu.memory_space<hbm>>) target_semaphore(%run_scoped3A_245 : memref<!tpu.dma_semaphore, #tpu.memory_space<semaphore_mem>>)
        %dma_wait3A_254 = arith.constant 0 : i32
        %dma_wait3A_255 = arith.constant 0 : i32
        %dma_wait3A_256 = tpu.memref_slice %arg5[%add3A_120, %dma_wait3A_254, %dma_wait3A_255] : memref<4x10240x128xf32, #tpu.memory_space<hbm>> -> memref<1x10240x128xf32, #tpu.memory_space<hbm>>
        %dma_wait3A_257 = tpu.memref_squeeze %dma_wait3A_256 : memref<1x10240x128xf32, #tpu.memory_space<hbm>> -> memref<10240x128xf32, #tpu.memory_space<hbm>>
        %dma_wait3A_258 = arith.constant 0 : i32
        %dma_wait3A_259 = tpu.memref_slice %dma_wait3A_257[%add3A_244, %dma_wait3A_258] : memref<10240x128xf32, #tpu.memory_space<hbm>> -> memref<32x128xf32, #tpu.memory_space<hbm>>
        %dma_wait3A_260 = arith.constant 0 : i32
        %dma_wait3A_261 = tpu.memref_slice %arg11[%add3A_244, %dma_wait3A_260] : memref<10240x128xf32, #tpu.memory_space<vmem_shared>> -> memref<32x128xf32, #tpu.memory_space<vmem_shared>>
        tpu.wait_dma2 semaphore(%run_scoped3A_245 : memref<!tpu.dma_semaphore, #tpu.memory_space<semaphore_mem>>) src(%dma_wait3A_261 : memref<32x128xf32, #tpu.memory_space<vmem_shared>>) dst(%dma_wait3A_259 : memref<32x128xf32, #tpu.memory_space<hbm>>)
        tpu.yield
      }) : () -> ()
    }
    %scan3A_234 = arith.constant 20 : i32
    return
  }
}

module attributes {stable_mosaic.version = 14 : i64} {
  func.func @_m1_body(%arg0: i32, %arg1: i32, %arg2: memref<1024x256xf32, #tpu.memory_space<vmem>>, %arg3: memref<256x128xf32, #tpu.memory_space<vmem>>, %arg4: memref<2x1024xf32, #tpu.memory_space<vmem>>, %arg5: memref<1x1024x128xf32, #tpu.memory_space<vmem>>) attributes {dimension_semantics = [#tpu.dimension_semantics<arbitrary>, #tpu.dimension_semantics<arbitrary>], iteration_bounds = array<i64: 10, 4>, scalar_prefetch = 0 : i64, scratch_operands = 0 : i64, tpu.core_type = #tpu.core_type<tc>, window_params = [{transform_indices = @transform_0, window_bounds = array<i64: 1024, 256>}, {transform_indices = @transform_1, window_bounds = array<i64: 256, 128>}, {transform_indices = @transform_2, window_bounds = array<i64: 2, 1024>}, {transform_indices = @transform_3, window_bounds = array<i64: 1, 1024, 128>}]} {
    %iota3A = tpu.iota {dimensions = array<i32: 0>} : vector<1024x1xi32>
    %mul3A = arith.constant 1024 : i32
    %mul3A_0 = arith.muli %arg0, %mul3A : i32
    %add3A = vector.broadcast %mul3A_0 : i32 to vector<1024x1xi32>
    %add3A_1 = arith.addi %iota3A, %add3A : vector<1024x1xi32>
    %get3A = arith.constant 0 : index
    %get3A_2 = arith.constant 0 : index
    %get3A_3 = vector.load %arg4[%get3A, %get3A_2] : memref<2x1024xf32, #tpu.memory_space<vmem>>, vector<1x1024xf32>
    %get3A_4 = vector.shape_cast %get3A_3 : vector<1x1024xf32> to vector<1024xf32>
    %get3A_5 = arith.constant 1 : index
    %get3A_6 = arith.constant 0 : index
    %get3A_7 = vector.load %arg4[%get3A_5, %get3A_6] : memref<2x1024xf32, #tpu.memory_space<vmem>>, vector<1x1024xf32>
    %get3A_8 = vector.shape_cast %get3A_7 : vector<1x1024xf32> to vector<1024xf32>
    %add3A_9 = arith.addf %get3A_4, %get3A_8 : vector<1024xf32>
    %reshape3A = vector.shape_cast %add3A_9 : vector<1024xf32> to vector<1024x1xf32>
    %lt3A = arith.constant 10000 : i32
    %lt3A_10 = vector.broadcast %lt3A : i32 to vector<1024x1xi32>
    %lt3A_11 = arith.cmpi slt, %add3A_1, %lt3A_10 : vector<1024x1xi32>
    %add3A_12 = arith.constant 1.000000e+00 : f32
    %add3A_13 = vector.broadcast %add3A_12 : f32 to vector<1024x1xf32>
    %add3A_14 = arith.addf %reshape3A, %add3A_13 : vector<1024x1xf32>
    %rsqrt3A = math.rsqrt %add3A_14 : vector<1024x1xf32>
    %jit3A = arith.constant 0.000000e+00 : f32
    %broadcast_in_dim3A = vector.broadcast %jit3A : f32 to vector<1024x1xf32>
    %select_n3A = arith.select %lt3A_11, %rsqrt3A, %broadcast_in_dim3A : vector<1024x1xi1>, vector<1024x1xf32>
    %get3A_15 = arith.constant 0 : index
    %get3A_16 = arith.constant 0 : index
    %get3A_17 = vector.load %arg2[%get3A_15, %get3A_16] : memref<1024x256xf32, #tpu.memory_space<vmem>>, vector<1024x256xf32>
    %get3A_18 = arith.constant 0 : index
    %get3A_19 = arith.constant 0 : index
    %get3A_20 = vector.load %arg3[%get3A_18, %get3A_19] : memref<256x128xf32, #tpu.memory_space<vmem>>, vector<256x128xf32>
    %dot_general3A = arith.constant dense<0.000000e+00> : vector<1024x128xf32>
    %dot_general3A_21 = tpu.matmul %get3A_17, %get3A_20, %dot_general3A {dimension_numbers = #tpu.dot_dimension_numbers<[1], [0], [0], [1], [0, 0, 1, 1], [], []>, transpose_lhs_hint = false} : vector<1024x256xf32>, vector<256x128xf32>, vector<1024x128xf32> -> vector<1024x128xf32>
    %mul3A_22 = vector.broadcast %select_n3A : vector<1024x1xf32> to vector<1024x128xf32>
    %mul3A_23 = arith.mulf %dot_general3A_21, %mul3A_22 : vector<1024x128xf32>
    %swap3A = arith.constant 0 : index
    %swap3A_24 = arith.constant 0 : index
    %swap3A_25 = arith.constant 0 : index
    %swap3A_26 = vector.load %arg5[%swap3A, %swap3A_24, %swap3A_25] : memref<1x1024x128xf32, #tpu.memory_space<vmem>>, vector<1x1024x128xf32>
    %swap3A_27 = vector.shape_cast %swap3A_26 : vector<1x1024x128xf32> to vector<1024x128xf32>
    %swap3A_28 = vector.shape_cast %mul3A_23 : vector<1024x128xf32> to vector<1x1024x128xf32>
    tpu.vector_store %arg5[%swap3A, %swap3A_24, %swap3A_25], %swap3A_28 {strides = array<i32>} : memref<1x1024x128xf32, #tpu.memory_space<vmem>>, vector<1x1024x128xf32>,
    return
  }
  func.func @transform_0(%arg0: i32, %arg1: i32) -> (i32, i32) {
    %c0_i32 = arith.constant 0 : i32
    %c0_i32_0 = arith.constant 0 : i32
    return %arg0, %c0_i32 : i32, i32
  }
  func.func @transform_1(%arg0: i32, %arg1: i32) -> (i32, i32) {
    %c0_i32 = arith.constant 0 : i32
    %c0_i32_0 = arith.constant 0 : i32
    return %c0_i32, %arg1 : i32, i32
  }
  func.func @transform_2(%arg0: i32, %arg1: i32) -> (i32, i32) {
    %c0_i32 = arith.constant 0 : i32
    %c0_i32_0 = arith.constant 0 : i32
    return %c0_i32, %arg0 : i32, i32
  }
  func.func @transform_3(%arg0: i32, %arg1: i32) -> (i32, i32, i32) {
    %c0_i32 = arith.constant 0 : i32
    %c0_i32_0 = arith.constant 0 : i32
    return %arg1, %arg0, %c0_i32 : i32, i32, i32
  }
}

module attributes {stable_mosaic.version = 14 : i64} {
  func.func @_m2_body(%arg0: i32, %arg1: i32, %arg2: memref<4x1024x128xf32, #tpu.memory_space<vmem>>, %arg3: memref<4x1024x128xf32, #tpu.memory_space<vmem>>, %arg4: memref<2x1024xf32, #tpu.memory_space<vmem>>, %arg5: memref<1x512xf32, #tpu.memory_space<vmem>>, %arg6: memref<512x128xf32, #tpu.memory_space<vmem>>, %arg7: memref<1x1024x128xf32, #tpu.memory_space<vmem>>) attributes {dimension_semantics = [#tpu.dimension_semantics<arbitrary>, #tpu.dimension_semantics<arbitrary>], iteration_bounds = array<i64: 10, 2>, scalar_prefetch = 0 : i64, scratch_operands = 0 : i64, tpu.core_type = #tpu.core_type<tc>, window_params = [{transform_indices = @transform_0, window_bounds = array<i64: 4, 1024, 128>}, {transform_indices = @transform_1, window_bounds = array<i64: 4, 1024, 128>}, {transform_indices = @transform_2, window_bounds = array<i64: 2, 1024>}, {pipeline_mode = #tpu.pipeline_mode<synchronous>, transform_indices = @transform_3, window_bounds = array<i64: 1, 512>}, {transform_indices = @transform_4, window_bounds = array<i64: 512, 128>}, {transform_indices = @transform_5, window_bounds = array<i64: 1, 1024, 128>}]} {
    %iota3A = tpu.iota {dimensions = array<i32: 0>} : vector<1024x1xi32>
    %mul3A = arith.constant 1024 : i32
    %mul3A_0 = arith.muli %arg0, %mul3A : i32
    %add3A = vector.broadcast %mul3A_0 : i32 to vector<1024x1xi32>
    %add3A_1 = arith.addi %iota3A, %add3A : vector<1024x1xi32>
    %get3A = arith.constant 0 : index
    %get3A_2 = arith.constant 0 : index
    %get3A_3 = vector.load %arg4[%get3A, %get3A_2] : memref<2x1024xf32, #tpu.memory_space<vmem>>, vector<1x1024xf32>
    %get3A_4 = vector.shape_cast %get3A_3 : vector<1x1024xf32> to vector<1024xf32>
    %get3A_5 = arith.constant 1 : index
    %get3A_6 = arith.constant 0 : index
    %get3A_7 = vector.load %arg4[%get3A_5, %get3A_6] : memref<2x1024xf32, #tpu.memory_space<vmem>>, vector<1x1024xf32>
    %get3A_8 = vector.shape_cast %get3A_7 : vector<1x1024xf32> to vector<1024xf32>
    %add3A_9 = arith.addf %get3A_4, %get3A_8 : vector<1024xf32>
    %reshape3A = vector.shape_cast %add3A_9 : vector<1024xf32> to vector<1024x1xf32>
    %lt3A = arith.constant 10000 : i32
    %lt3A_10 = vector.broadcast %lt3A : i32 to vector<1024x1xi32>
    %lt3A_11 = arith.cmpi slt, %add3A_1, %lt3A_10 : vector<1024x1xi32>
    %add3A_12 = arith.constant 1.000000e+00 : f32
    %add3A_13 = vector.broadcast %add3A_12 : f32 to vector<1024x1xf32>
    %add3A_14 = arith.addf %reshape3A, %add3A_13 : vector<1024x1xf32>
    %rsqrt3A = math.rsqrt %add3A_14 : vector<1024x1xf32>
    %jit3A = arith.constant 0.000000e+00 : f32
    %broadcast_in_dim3A = vector.broadcast %jit3A : f32 to vector<1024x1xf32>
    %select_n3A = arith.select %lt3A_11, %rsqrt3A, %broadcast_in_dim3A : vector<1024x1xi1>, vector<1024x1xf32>
    %broadcast_in_dim3A_15 = arith.constant 0.000000e+00 : f32
    %broadcast_in_dim3A_16 = vector.broadcast %broadcast_in_dim3A_15 : f32 to vector<1024x128xf32>
    %get3A_17 = arith.constant 0 : index
    %get3A_18 = arith.constant 0 : index
    %get3A_19 = arith.constant 0 : index
    %get3A_20 = vector.load %arg2[%get3A_17, %get3A_18, %get3A_19] : memref<4x1024x128xf32, #tpu.memory_space<vmem>>, vector<1x1024x128xf32>
    %get3A_21 = vector.shape_cast %get3A_20 : vector<1x1024x128xf32> to vector<1024x128xf32>
    %get3A_22 = arith.constant 0 : index
    %get3A_23 = arith.constant 0 : index
    %get3A_24 = arith.constant 0 : index
    %get3A_25 = vector.load %arg3[%get3A_22, %get3A_23, %get3A_24] : memref<4x1024x128xf32, #tpu.memory_space<vmem>>, vector<1x1024x128xf32>
    %get3A_26 = vector.shape_cast %get3A_25 : vector<1x1024x128xf32> to vector<1024x128xf32>
    %add3A_27 = arith.addf %get3A_21, %get3A_26 : vector<1024x128xf32>
    %mul3A_28 = vector.broadcast %select_n3A : vector<1024x1xf32> to vector<1024x128xf32>
    %mul3A_29 = arith.mulf %add3A_27, %mul3A_28 : vector<1024x128xf32>
    %get3A_30 = arith.constant 0 : index
    %get3A_31 = arith.constant 0 : index
    %get3A_32 = vector.load %arg5[%get3A_30, %get3A_31] : memref<1x512xf32, #tpu.memory_space<vmem>>, vector<1x128xf32>
    %get3A_33 = vector.shape_cast %get3A_32 : vector<1x128xf32> to vector<128xf32>
    %broadcast_in_dim3A_34 = vector.shape_cast %get3A_33 : vector<128xf32> to vector<1x128xf32>
    %add3A_35 = vector.broadcast %broadcast_in_dim3A_34 : vector<1x128xf32> to vector<1024x128xf32>
    %add3A_36 = arith.addf %mul3A_29, %add3A_35 : vector<1024x128xf32>
    %max3A = arith.constant 0.000000e+00 : f32
    %max3A_37 = vector.broadcast %max3A : f32 to vector<1024x128xf32>
    %max3A_38 = arith.maximumf %add3A_36, %max3A_37 : vector<1024x128xf32>
    %get3A_39 = arith.constant 0 : index
    %get3A_40 = arith.constant 0 : index
    %get3A_41 = vector.load %arg6[%get3A_39, %get3A_40] : memref<512x128xf32, #tpu.memory_space<vmem>>, vector<128x128xf32>
    %dot_general3A = arith.constant dense<0.000000e+00> : vector<1024x128xf32>
    %dot_general3A_42 = tpu.matmul %max3A_38, %get3A_41, %dot_general3A {dimension_numbers = #tpu.dot_dimension_numbers<[1], [0], [0], [1], [0, 0, 1, 1], [], []>, transpose_lhs_hint = false} : vector<1024x128xf32>, vector<128x128xf32>, vector<1024x128xf32> -> vector<1024x128xf32>
    %add3A_43 = arith.addf %broadcast_in_dim3A_16, %dot_general3A_42 : vector<1024x128xf32>
    %get3A_44 = arith.constant 1 : index
    %get3A_45 = arith.constant 0 : index
    %get3A_46 = arith.constant 0 : index
    %get3A_47 = vector.load %arg2[%get3A_44, %get3A_45, %get3A_46] : memref<4x1024x128xf32, #tpu.memory_space<vmem>>, vector<1x1024x128xf32>
    %get3A_48 = vector.shape_cast %get3A_47 : vector<1x1024x128xf32> to vector<1024x128xf32>
    %get3A_49 = arith.constant 1 : index
    %get3A_50 = arith.constant 0 : index
    %get3A_51 = arith.constant 0 : index
    %get3A_52 = vector.load %arg3[%get3A_49, %get3A_50, %get3A_51] : memref<4x1024x128xf32, #tpu.memory_space<vmem>>, vector<1x1024x128xf32>
    %get3A_53 = vector.shape_cast %get3A_52 : vector<1x1024x128xf32> to vector<1024x128xf32>
    %add3A_54 = arith.addf %get3A_48, %get3A_53 : vector<1024x128xf32>
    %mul3A_55 = vector.broadcast %select_n3A : vector<1024x1xf32> to vector<1024x128xf32>
    %mul3A_56 = arith.mulf %add3A_54, %mul3A_55 : vector<1024x128xf32>
    %get3A_57 = arith.constant 0 : index
    %get3A_58 = arith.constant 128 : index
    %get3A_59 = vector.load %arg5[%get3A_57, %get3A_58] : memref<1x512xf32, #tpu.memory_space<vmem>>, vector<1x128xf32>
    %get3A_60 = vector.shape_cast %get3A_59 : vector<1x128xf32> to vector<128xf32>
    %broadcast_in_dim3A_61 = vector.shape_cast %get3A_60 : vector<128xf32> to vector<1x128xf32>
    %add3A_62 = vector.broadcast %broadcast_in_dim3A_61 : vector<1x128xf32> to vector<1024x128xf32>
    %add3A_63 = arith.addf %mul3A_56, %add3A_62 : vector<1024x128xf32>
    %max3A_64 = arith.constant 0.000000e+00 : f32
    %max3A_65 = vector.broadcast %max3A_64 : f32 to vector<1024x128xf32>
    %max3A_66 = arith.maximumf %add3A_63, %max3A_65 : vector<1024x128xf32>
    %get3A_67 = arith.constant 128 : index
    %get3A_68 = arith.constant 0 : index
    %get3A_69 = vector.load %arg6[%get3A_67, %get3A_68] : memref<512x128xf32, #tpu.memory_space<vmem>>, vector<128x128xf32>
    %dot_general3A_70 = arith.constant dense<0.000000e+00> : vector<1024x128xf32>
    %dot_general3A_71 = tpu.matmul %max3A_66, %get3A_69, %dot_general3A_70 {dimension_numbers = #tpu.dot_dimension_numbers<[1], [0], [0], [1], [0, 0, 1, 1], [], []>, transpose_lhs_hint = false} : vector<1024x128xf32>, vector<128x128xf32>, vector<1024x128xf32> -> vector<1024x128xf32>
    %add3A_72 = arith.addf %add3A_43, %dot_general3A_71 : vector<1024x128xf32>
    %get3A_73 = arith.constant 2 : index
    %get3A_74 = arith.constant 0 : index
    %get3A_75 = arith.constant 0 : index
    %get3A_76 = vector.load %arg2[%get3A_73, %get3A_74, %get3A_75] : memref<4x1024x128xf32, #tpu.memory_space<vmem>>, vector<1x1024x128xf32>
    %get3A_77 = vector.shape_cast %get3A_76 : vector<1x1024x128xf32> to vector<1024x128xf32>
    %get3A_78 = arith.constant 2 : index
    %get3A_79 = arith.constant 0 : index
    %get3A_80 = arith.constant 0 : index
    %get3A_81 = vector.load %arg3[%get3A_78, %get3A_79, %get3A_80] : memref<4x1024x128xf32, #tpu.memory_space<vmem>>, vector<1x1024x128xf32>
    %get3A_82 = vector.shape_cast %get3A_81 : vector<1x1024x128xf32> to vector<1024x128xf32>
    %add3A_83 = arith.addf %get3A_77, %get3A_82 : vector<1024x128xf32>
    %mul3A_84 = vector.broadcast %select_n3A : vector<1024x1xf32> to vector<1024x128xf32>
    %mul3A_85 = arith.mulf %add3A_83, %mul3A_84 : vector<1024x128xf32>
    %get3A_86 = arith.constant 0 : index
    %get3A_87 = arith.constant 256 : index
    %get3A_88 = vector.load %arg5[%get3A_86, %get3A_87] : memref<1x512xf32, #tpu.memory_space<vmem>>, vector<1x128xf32>
    %get3A_89 = vector.shape_cast %get3A_88 : vector<1x128xf32> to vector<128xf32>
    %broadcast_in_dim3A_90 = vector.shape_cast %get3A_89 : vector<128xf32> to vector<1x128xf32>
    %add3A_91 = vector.broadcast %broadcast_in_dim3A_90 : vector<1x128xf32> to vector<1024x128xf32>
    %add3A_92 = arith.addf %mul3A_85, %add3A_91 : vector<1024x128xf32>
    %max3A_93 = arith.constant 0.000000e+00 : f32
    %max3A_94 = vector.broadcast %max3A_93 : f32 to vector<1024x128xf32>
    %max3A_95 = arith.maximumf %add3A_92, %max3A_94 : vector<1024x128xf32>
    %get3A_96 = arith.constant 256 : index
    %get3A_97 = arith.constant 0 : index
    %get3A_98 = vector.load %arg6[%get3A_96, %get3A_97] : memref<512x128xf32, #tpu.memory_space<vmem>>, vector<128x128xf32>
    %dot_general3A_99 = arith.constant dense<0.000000e+00> : vector<1024x128xf32>
    %dot_general3A_100 = tpu.matmul %max3A_95, %get3A_98, %dot_general3A_99 {dimension_numbers = #tpu.dot_dimension_numbers<[1], [0], [0], [1], [0, 0, 1, 1], [], []>, transpose_lhs_hint = false} : vector<1024x128xf32>, vector<128x128xf32>, vector<1024x128xf32> -> vector<1024x128xf32>
    %add3A_101 = arith.addf %add3A_72, %dot_general3A_100 : vector<1024x128xf32>
    %get3A_102 = arith.constant 3 : index
    %get3A_103 = arith.constant 0 : index
    %get3A_104 = arith.constant 0 : index
    %get3A_105 = vector.load %arg2[%get3A_102, %get3A_103, %get3A_104] : memref<4x1024x128xf32, #tpu.memory_space<vmem>>, vector<1x1024x128xf32>
    %get3A_106 = vector.shape_cast %get3A_105 : vector<1x1024x128xf32> to vector<1024x128xf32>
    %get3A_107 = arith.constant 3 : index
    %get3A_108 = arith.constant 0 : index
    %get3A_109 = arith.constant 0 : index
    %get3A_110 = vector.load %arg3[%get3A_107, %get3A_108, %get3A_109] : memref<4x1024x128xf32, #tpu.memory_space<vmem>>, vector<1x1024x128xf32>
    %get3A_111 = vector.shape_cast %get3A_110 : vector<1x1024x128xf32> to vector<1024x128xf32>
    %add3A_112 = arith.addf %get3A_106, %get3A_111 : vector<1024x128xf32>
    %mul3A_113 = vector.broadcast %select_n3A : vector<1024x1xf32> to vector<1024x128xf32>
    %mul3A_114 = arith.mulf %add3A_112, %mul3A_113 : vector<1024x128xf32>
    %get3A_115 = arith.constant 0 : index
    %get3A_116 = arith.constant 384 : index
    %get3A_117 = vector.load %arg5[%get3A_115, %get3A_116] : memref<1x512xf32, #tpu.memory_space<vmem>>, vector<1x128xf32>
    %get3A_118 = vector.shape_cast %get3A_117 : vector<1x128xf32> to vector<128xf32>
    %broadcast_in_dim3A_119 = vector.shape_cast %get3A_118 : vector<128xf32> to vector<1x128xf32>
    %add3A_120 = vector.broadcast %broadcast_in_dim3A_119 : vector<1x128xf32> to vector<1024x128xf32>
    %add3A_121 = arith.addf %mul3A_114, %add3A_120 : vector<1024x128xf32>
    %max3A_122 = arith.constant 0.000000e+00 : f32
    %max3A_123 = vector.broadcast %max3A_122 : f32 to vector<1024x128xf32>
    %max3A_124 = arith.maximumf %add3A_121, %max3A_123 : vector<1024x128xf32>
    %get3A_125 = arith.constant 384 : index
    %get3A_126 = arith.constant 0 : index
    %get3A_127 = vector.load %arg6[%get3A_125, %get3A_126] : memref<512x128xf32, #tpu.memory_space<vmem>>, vector<128x128xf32>
    %dot_general3A_128 = arith.constant dense<0.000000e+00> : vector<1024x128xf32>
    %dot_general3A_129 = tpu.matmul %max3A_124, %get3A_127, %dot_general3A_128 {dimension_numbers = #tpu.dot_dimension_numbers<[1], [0], [0], [1], [0, 0, 1, 1], [], []>, transpose_lhs_hint = false} : vector<1024x128xf32>, vector<128x128xf32>, vector<1024x128xf32> -> vector<1024x128xf32>
    %add3A_130 = arith.addf %add3A_101, %dot_general3A_129 : vector<1024x128xf32>
    %mul3A_131 = vector.broadcast %select_n3A : vector<1024x1xf32> to vector<1024x128xf32>
    %mul3A_132 = arith.mulf %add3A_130, %mul3A_131 : vector<1024x128xf32>
    %swap3A = arith.constant 0 : index
    %swap3A_133 = arith.constant 0 : index
    %swap3A_134 = arith.constant 0 : index
    %swap3A_135 = vector.load %arg7[%swap3A, %swap3A_133, %swap3A_134] : memref<1x1024x128xf32, #tpu.memory_space<vmem>>, vector<1x1024x128xf32>
    %swap3A_136 = vector.shape_cast %swap3A_135 : vector<1x1024x128xf32> to vector<1024x128xf32>
    %swap3A_137 = vector.shape_cast %mul3A_132 : vector<1024x128xf32> to vector<1x1024x128xf32>
    tpu.vector_store %arg7[%swap3A, %swap3A_133, %swap3A_134], %swap3A_137 {strides = array<i32>} : memref<1x1024x128xf32, #tpu.memory_space<vmem>>, vector<1x1024x128xf32>,
    return
  }
  func.func @transform_0(%arg0: i32, %arg1: i32) -> (i32, i32, i32) {
    %c0_i32 = arith.constant 0 : i32
    %c0_i32_0 = arith.constant 0 : i32
    %c0_i32_1 = arith.constant 0 : i32
    return %c0_i32, %arg0, %c0_i32_0 : i32, i32, i32
  }
  func.func @transform_1(%arg0: i32, %arg1: i32) -> (i32, i32, i32) {
    %c0_i32 = arith.constant 0 : i32
    %c0_i32_0 = arith.constant 0 : i32
    %c0_i32_1 = arith.constant 0 : i32
    return %c0_i32, %arg0, %c0_i32_0 : i32, i32, i32
  }
  func.func @transform_2(%arg0: i32, %arg1: i32) -> (i32, i32) {
    %c0_i32 = arith.constant 0 : i32
    %c0_i32_0 = arith.constant 0 : i32
    return %c0_i32, %arg0 : i32, i32
  }
  func.func @transform_3(%arg0: i32, %arg1: i32) -> (i32, i32) {
    %c0_i32 = arith.constant 0 : i32
    %c0_i32_0 = arith.constant 0 : i32
    %c0_i32_1 = arith.constant 0 : i32
    return %c0_i32, %c0_i32_0 : i32, i32
  }
  func.func @transform_4(%arg0: i32, %arg1: i32) -> (i32, i32) {
    %c0_i32 = arith.constant 0 : i32
    %c0_i32_0 = arith.constant 0 : i32
    return %c0_i32, %arg1 : i32, i32
  }
  func.func @transform_5(%arg0: i32, %arg1: i32) -> (i32, i32, i32) {
    %c0_i32 = arith.constant 0 : i32
    %c0_i32_0 = arith.constant 0 : i32
    return %arg1, %arg0, %c0_i32 : i32, i32, i32
  }
}

module attributes {stable_mosaic.version = 14 : i64} {
  func.func @_m3_body(%arg0: i32, %arg1: i32, %arg2: memref<1x1024x128xf32, #tpu.memory_space<vmem>>, %arg3: memref<1x1024x128xf32, #tpu.memory_space<vmem>>, %arg4: memref<2x1024xf32, #tpu.memory_space<vmem>>, %arg5: memref<1x128xf32, #tpu.memory_space<vmem>>, %arg6: memref<1024x128xf32, #tpu.memory_space<vmem>>) attributes {dimension_semantics = [#tpu.dimension_semantics<arbitrary>, #tpu.dimension_semantics<arbitrary>], iteration_bounds = array<i64: 10, 2>, scalar_prefetch = 0 : i64, scratch_operands = 0 : i64, tpu.core_type = #tpu.core_type<tc>, window_params = [{transform_indices = @transform_0, window_bounds = array<i64: 1, 1024, 128>}, {transform_indices = @transform_1, window_bounds = array<i64: 1, 1024, 128>}, {transform_indices = @transform_2, window_bounds = array<i64: 2, 1024>}, {transform_indices = @transform_3, window_bounds = array<i64: 1, 128>}, {transform_indices = @transform_4, window_bounds = array<i64: 1024, 128>}]} {
    %iota3A = tpu.iota {dimensions = array<i32: 0>} : vector<1024x1xi32>
    %mul3A = arith.constant 1024 : i32
    %mul3A_0 = arith.muli %arg0, %mul3A : i32
    %add3A = vector.broadcast %mul3A_0 : i32 to vector<1024x1xi32>
    %add3A_1 = arith.addi %iota3A, %add3A : vector<1024x1xi32>
    %get3A = arith.constant 0 : index
    %get3A_2 = arith.constant 0 : index
    %get3A_3 = vector.load %arg4[%get3A, %get3A_2] : memref<2x1024xf32, #tpu.memory_space<vmem>>, vector<1x1024xf32>
    %get3A_4 = vector.shape_cast %get3A_3 : vector<1x1024xf32> to vector<1024xf32>
    %get3A_5 = arith.constant 1 : index
    %get3A_6 = arith.constant 0 : index
    %get3A_7 = vector.load %arg4[%get3A_5, %get3A_6] : memref<2x1024xf32, #tpu.memory_space<vmem>>, vector<1x1024xf32>
    %get3A_8 = vector.shape_cast %get3A_7 : vector<1x1024xf32> to vector<1024xf32>
    %add3A_9 = arith.addf %get3A_4, %get3A_8 : vector<1024xf32>
    %reshape3A = vector.shape_cast %add3A_9 : vector<1024xf32> to vector<1024x1xf32>
    %lt3A = arith.constant 10000 : i32
    %lt3A_10 = vector.broadcast %lt3A : i32 to vector<1024x1xi32>
    %lt3A_11 = arith.cmpi slt, %add3A_1, %lt3A_10 : vector<1024x1xi32>
    %add3A_12 = arith.constant 1.000000e+00 : f32
    %add3A_13 = vector.broadcast %add3A_12 : f32 to vector<1024x1xf32>
    %add3A_14 = arith.addf %reshape3A, %add3A_13 : vector<1024x1xf32>
    %rsqrt3A = math.rsqrt %add3A_14 : vector<1024x1xf32>
    %jit3A = arith.constant 0.000000e+00 : f32
    %broadcast_in_dim3A = vector.broadcast %jit3A : f32 to vector<1024x1xf32>
    %select_n3A = arith.select %lt3A_11, %rsqrt3A, %broadcast_in_dim3A : vector<1024x1xi1>, vector<1024x1xf32>
    %get3A_15 = arith.constant 0 : index
    %get3A_16 = arith.constant 0 : index
    %get3A_17 = arith.constant 0 : index
    %get3A_18 = vector.load %arg2[%get3A_15, %get3A_16, %get3A_17] : memref<1x1024x128xf32, #tpu.memory_space<vmem>>, vector<1x1024x128xf32>
    %get3A_19 = vector.shape_cast %get3A_18 : vector<1x1024x128xf32> to vector<1024x128xf32>
    %get3A_20 = arith.constant 0 : index
    %get3A_21 = arith.constant 0 : index
    %get3A_22 = arith.constant 0 : index
    %get3A_23 = vector.load %arg3[%get3A_20, %get3A_21, %get3A_22] : memref<1x1024x128xf32, #tpu.memory_space<vmem>>, vector<1x1024x128xf32>
    %get3A_24 = vector.shape_cast %get3A_23 : vector<1x1024x128xf32> to vector<1024x128xf32>
    %add3A_25 = arith.addf %get3A_19, %get3A_24 : vector<1024x128xf32>
    %mul3A_26 = vector.broadcast %select_n3A : vector<1024x1xf32> to vector<1024x128xf32>
    %mul3A_27 = arith.mulf %add3A_25, %mul3A_26 : vector<1024x128xf32>
    %get3A_28 = arith.constant 0 : index
    %get3A_29 = arith.constant 0 : index
    %get3A_30 = vector.load %arg5[%get3A_28, %get3A_29] : memref<1x128xf32, #tpu.memory_space<vmem>>, vector<1x128xf32>
    %get3A_31 = vector.shape_cast %get3A_30 : vector<1x128xf32> to vector<128xf32>
    %broadcast_in_dim3A_32 = vector.shape_cast %get3A_31 : vector<128xf32> to vector<1x128xf32>
    %add3A_33 = vector.broadcast %broadcast_in_dim3A_32 : vector<1x128xf32> to vector<1024x128xf32>
    %add3A_34 = arith.addf %mul3A_27, %add3A_33 : vector<1024x128xf32>
    %max3A = arith.constant 0.000000e+00 : f32
    %max3A_35 = vector.broadcast %max3A : f32 to vector<1024x128xf32>
    %max3A_36 = arith.maximumf %add3A_34, %max3A_35 : vector<1024x128xf32>
    %swap3A = arith.constant 0 : index
    %swap3A_37 = arith.constant 0 : index
    %swap3A_38 = vector.load %arg6[%swap3A, %swap3A_37] : memref<1024x128xf32, #tpu.memory_space<vmem>>, vector<1024x128xf32>
    tpu.vector_store %arg6[%swap3A, %swap3A_37], %max3A_36 {strides = array<i32>} : memref<1024x128xf32, #tpu.memory_space<vmem>>, vector<1024x128xf32>,
    return
  }
  func.func @transform_0(%arg0: i32, %arg1: i32) -> (i32, i32, i32) {
    %c0_i32 = arith.constant 0 : i32
    %c0_i32_0 = arith.constant 0 : i32
    return %arg1, %arg0, %c0_i32 : i32, i32, i32
  }
  func.func @transform_1(%arg0: i32, %arg1: i32) -> (i32, i32, i32) {
    %c0_i32 = arith.constant 0 : i32
    %c0_i32_0 = arith.constant 0 : i32
    return %arg1, %arg0, %c0_i32 : i32, i32, i32
  }
  func.func @transform_2(%arg0: i32, %arg1: i32) -> (i32, i32) {
    %c0_i32 = arith.constant 0 : i32
    %c0_i32_0 = arith.constant 0 : i32
    return %c0_i32, %arg0 : i32, i32
  }
  func.func @transform_3(%arg0: i32, %arg1: i32) -> (i32, i32) {
    %c0_i32 = arith.constant 0 : i32
    %c0_i32_0 = arith.constant 0 : i32
    return %c0_i32, %arg1 : i32, i32
  }
  func.func @transform_4(%arg0: i32, %arg1: i32) -> (i32, i32) {
    %c0_i32 = arith.constant 0 : i32
    return %arg0, %arg1 : i32, i32
  }
}

</mosaic_0001>

<sc_bundles>
// kernel: kernel.11.cloned.1.call-start
scs
__scs_entry_jumppad:
0x0: {  	(pc) =	sbr.rel $0x88, $3  }
0x1: {  	(tag) =	ssettag $0x0;
	lr =	simm.s32 $0x1  }
0x2: {  	[smem:$0x3F9B] =	sst lr;
	_ =	strace $0xD0000000  }
0x3: {  	_ = 	snop  }
0x4: {  	_ = 	snop  }
0x5: {  	_ = 	snop  }
0x6: {  	_ = 	snop  }
0x7: {  	_ = 	snop  }
__scs_overlays_trampoline_lowered:
0x8: {  	[smem:$0x3FAA] =	sst s0  }
0x9: {  	[smem:$0x3FAB] =	sst s1  }
0xa: {  	[smem:$0x3FAC] =	sst s2  }
0xb: {  	[smem:$0x3FAD] =	sst s3  }
0xc: {  	[smem:$0x3FAE] =	sst s4  }
0xd: {  	[smem:$0x3FAF] =	sst s5  }
0xe: {  	[smem:$0x3FB0] =	sst s6  }
0xf: {  	[smem:$0x3FB1] =	sst s7  }
0x10: {  	[smem:$0x3FB2] =	sst s8  }
0x11: {  	[smem:$0x3FB3] =	sst s9;
	s0 =	simm.s32 @!p0 $0x0  }
0x12: {  	s1 =	sld [smem:$0x3F99];
	s0 =	simm.s32 @p0 $0x1  }
0x13: {  	[smem:$0x3FB4] =	sst s0;
	s0 =	simm.s32 @!p1 $0x0  }
0x14: {  	s2 =	sld [smem:$0x3F98];
	s0 =	simm.s32 @p1 $0x1  }
0x15: {  	[smem:$0x3FB5] =	sst s0;
	s0 =	simm.s32 @!p2 $0x0  }
0x16: {  	s3 =	sld [smem:$0x3FDB];
	s0 =	simm.s32 @p2 $0x1  }
0x17: {  	s4 =	simm.s32 $0x1BF5;
	[smem:$0x3FB7] =	sst s0  }
0x18: {  	s0 =	sld [smem:$0x3F9A];
	_ =	swait.ge [sflag:s4], $0x0  }
0x19: {  	s7 =	sld [smem:$0x3F9B]  }
0x1a: {  	s8 =	sadd.s32 $0xFFFFE003, lr  }
0x1b: {  	s9 =	sadd.s32 $0xFFFFFEF7, lr;
	s5 =	simm.s32 $0xFFFFFFFF;
	p2 =	slt.u32 s8, $0xFFFFF086  }
0x1c: {  	p1 =	slt.u32 s9, $0xF7A;
	s5 =	simm.s32 @!p2 $0x0  }
0x1d: {  	s5 =	simm.s32 @p1 $0x1;
	p0 =	seq.s32 s7, s2  }
0x1e: {  	s7 =	smul.u32 @!p0 $0xF7A, s2;
	p2 =	seq.s32 @!p0 s5, $0x0  }
0x1f: {  	s9 =	smul.u32 $0xF7A, s1;
	s8 =	simm.s32 @!p0 $0x1BF5;
	p2 =	por !p2, p0  }
0x20: {  	[sflag:s8] =	ssyncset.s32 @!p0 $0xFFFFF086;
	s6 =	sadd.s32 @!p0 s3, s7;
	s7 =	simm.s32 @!p0 $0x108  }
0x21: {  	s3 =	sadd.s32 s3, s9;
	s6 =	sadd.s32 @!p0 $0x88, s6;
	s7 =	simm.s32 @p2 $0x1082  }
0x22: {  	[simem:s7], [sflag:s8] =	dma.local @!p0 [hbm:s6], $0xF7A  }
0x23: {  	s9 =	sor.u32 $0xD0000000, s2;
	s6 =	simm.s32 $0x108;
	_ =	swait.ge @!p0 [sflag:s8], $0x0  }
0x24: {  	s3 =	sadd.s32 $0x88, s3;
	s6 =	simm.s32 @!p1 $0x1082;
	[sflag:s4] =	ssyncset.s32 $0xFFFFF086  }
0x25: {  	[simem:s6], [sflag:s4] =	dma.local [hbm:s3], $0xF7A  }
0x26: {  	[smem:$0x3F9B] =	sst s1;
	(tag) =	ssettag s2;
	_ =	strace s9  }
0x27: {  	s1 =	sld [smem:$0x3FAB]  }
0x28: {  	s2 =	sld [smem:$0x3FAC]  }
0x29: {  	s4 =	sld [smem:$0x3FAE]  }
0x2a: {  	p0 =	seq.s32 s5, $0x0;
	s5 =	sld [smem:$0x3FAF]  }
0x2b: {  	s6 =	sld [smem:$0x3FB0]  }
0x2c: {  	s7 =	sld [smem:$0x3FB1]  }
0x2d: {  	s3 =	simm.s32 $0x108;
	s8 =	sld [smem:$0x3FB2]  }
0x2e: {  	s3 =	simm.s32 @!p0 $0x1082;
	s9 =	sld [smem:$0x3FB3]  }
0x2f: {  	lr =	sadd.s32 s0, s3;
	s0 =	sld [smem:$0x3FAA]  }
0x30: {  	s3 =	sld [smem:$0x3FAD]  }
0x31: {  	[smem:$0x3FB6] =	sst s10  }
0x32: {  	s10 =	sld [smem:$0x3FB4];
	_ =	sdelay $0x3  }
0x33: {  	p0 =	seq.s32 s10, $0x1;
	s10 =	sld [smem:$0x3FB6];
	_ =	sdelay $0x3  }
0x34: {  	[smem:$0x3FB6] =	sst s10  }
0x35: {  	s10 =	sld [smem:$0x3FB5];
	_ =	sdelay $0x3  }
0x36: {  	p1 =	seq.s32 s10, $0x1;
	s10 =	sld [smem:$0x3FB6];
	_ =	sdelay $0x3  }
0x37: {  	[smem:$0x3FB6] =	sst s10  }
0x38: {  	s10 =	sld [smem:$0x3FB7]  }
0x39: {  	_ = 	snop;
	(pc) =	sbr.ind lr, $3  }
0x3a: {  	_ = 	snop  }
0x3b: {  	_ = 	snop  }
0x3c: {  	p2 =	seq.s32 s10, $0x1;
	s10 =	sld [smem:$0x3FB6]  }
0x3d: {  	_ =	shalt  }
0x3e: {  	_ =	shalt  }
0x3f: {  	_ =	shalt  }
0x40: {  	_ =	shalt  }
0x41: {  	_ =	shalt  }
0x42: {  	_ =	shalt  }
0x43: {  	_ =	shalt  }
0x44: {  	_ =	shalt  }
0x45: {  	_ =	shalt  }
0x46: {  	_ =	shalt  }
0x47: {  	_ =	shalt  }
0x48: {  	_ =	shalt  }
0x49: {  	_ =	shalt  }
0x4a: {  	_ =	shalt  }
0x4b: {  	_ =	shalt  }
0x4c: {  	_ =	shalt  }
0x4d: {  	_ =	shalt  }
0x4e: {  	_ =	shalt  }
0x4f: {  	_ =	shalt  }
0x50: {  	_ =	shalt  }
0x51: {  	_ =	shalt  }
0x52: {  	_ =	shalt  }
0x53: {  	_ =	shalt  }
0x54: {  	_ =	shalt  }
0x55: {  	_ =	shalt  }
0x56: {  	_ =	shalt  }
0x57: {  	_ =	shalt  }
0x58: {  	_ =	shalt  }
0x59: {  	_ =	shalt  }
0x5a: {  	_ =	shalt  }
0x5b: {  	_ =	shalt  }
0x5c: {  	_ =	shalt  }
0x5d: {  	_ =	shalt  }
0x5e: {  	_ =	shalt  }
0x5f: {  	_ =	shalt  }
0x60: {  	_ =	shalt  }
0x61: {  	_ =	shalt  }
0x62: {  	_ =	shalt  }
0x63: {  	_ =	shalt  }
0x64: {  	_ =	shalt  }
0x65: {  	_ =	shalt  }
0x66: {  	_ =	shalt  }
0x67: {  	_ =	shalt  }
0x68: {  	_ =	shalt  }
0x69: {  	_ =	shalt  }
0x6a: {  	_ =	shalt  }
0x6b: {  	_ =	shalt  }
0x6c: {  	_ =	shalt  }
0x6d: {  	_ =	shalt  }
0x6e: {  	_ =	shalt  }
0x6f: {  	_ =	shalt  }
0x70: {  	_ =	shalt  }
0x71: {  	_ =	shalt  }
0x72: {  	_ =	shalt  }
0x73: {  	_ =	shalt  }
0x74: {  	_ =	shalt  }
0x75: {  	_ =	shalt  }
0x76: {  	_ =	shalt  }
0x77: {  	_ =	shalt  }
0x78: {  	_ =	shalt  }
0x79: {  	_ =	shalt  }
0x7a: {  	_ =	shalt  }
0x7b: {  	_ =	shalt  }
0x7c: {  	_ =	shalt  }
0x7d: {  	_ =	shalt  }
0x7e: {  	_ =	shalt  }
0x7f: {  	_ =	shalt  }
0x80: {  	_ =	shalt  }
0x81: {  	_ =	shalt  }
0x82: {  	_ =	shalt  }
0x83: {  	_ =	shalt  }
0x84: {  	_ =	shalt  }
0x85: {  	_ =	shalt  }
0x86: {  	_ =	shalt  }
0x87: {  	_ =	shalt  }
.Lfunc_end0:
.L_simem_size_0:
called_computation.1_lowered:
.L_overlay_start_0:
0x88: {  	s2 =	sld [smem:$0x3FD9]  }
0x89: {  	s3 =	sld [smem:$0x3FFE];
	_ =	sdelay $0x1  }
0x8a: {  	s1 =	srdreg.scid  }
0x8b: {  	s0 =	sand.u32 $0x1, s1  }
0x8c: {  	s17 =	sshll.u32 s0, $0xA;
	s2 =	sadd.s32 s3, s2  }
0x8d: {  	s2 =	sadd.s32 s2, s17  }
0x8e: {  	[smem:$0x3FC2] =	sst s2  }
0x8f: {  	_ = 	snop  }
0x90: {  	s2 =	sld [smem:$0x3FD0];
	(tm) =	ssettm $0x1  }
0x91: {  	s18 =	sld [smem:$0x3FFB];
	_ =	sdelay $0x3  }
0x92: {  	_ =	strace s18  }
0x93: {  	s3 =	sld [smem:$0x3FFC];
	_ =	sdelay $0x3  }
0x94: {  	_ =	strace s3  }
0x95: {  	s3 =	sld [smem:$0x3FFD];
	_ =	sdelay $0x3  }
0x96: {  	_ =	strace s3  }
0x97: {  	_ =	strace $0x8FFFFFFF  }
0x98: {  	s19 =	sld [smem:$0x3FDB];
	_ =	sdelay $0x1  }
0x99: {  	s4 =	simm.s32 $_scs_section_size  }
0x9a: {  	s5 =	simm.s32 $_size__tile_overlayer_lowered;
	s6 =	simm.s32 $_tile_overlayer_lowered  }
0x9b: {  	s22 =	simm.s32 $0x1BFF;
	s21 =	sshll.u32 s6, $0x1;
	s3 =	sadd.s32 s4, s19  }
0x9c: {  	s7 =	simm.s32 $0x0;
	s20 =	sshll.u32 s5, $0x1;
	s5 =	sadd.s32 s21, s3  }
0x9d: {  	[timem:s7], [sflag:s22] =	dma.local [hbm:s5], s20  }
0x9e: {  	_ =	swait.ge [sflag:s22], s20  }
0x9f: {  	s4 =	ssub.s32 $0x0, s20;
	[sflag:s22] =	ssyncset.done $0x0  }
0xa0: {  	[sflag:s22] =	ssyncadd.s32 s4;
	_ =	sdelay $0x1  }
0xa1: {  	s23 =	simm.s32 $0x1B8B  }
0xa2: {  	_ =	swait.ge [sflag:s23], $0x1  }
0xa3: {  	[sflag:s23] =	ssyncset.done $0x0  }
0xa4: {  	s25 =	simm.s32 $0x1B8E;
	s24 =	sld [smem:$0x3FFE];
	[sflag:s23] =	ssyncadd.s32 $0xFFFFFFFF  }
0xa5: {  	s26 =	simm.s32 $execute0_lowered;
	[smem:$0x3FD2] =	sst s25  }
0xa6: {  	s5 =	sshll.u32 s26, $0x1;
	_ =	strace $0x80000049;
	[dreg:$0x1] =	wrdreg $0xFFFFFFFF  }
0xa7: {  	s28 =	simm.s32 $_size_execute0_lowered;
	s3 =	sadd.s32 s3, s5;
	[dreg:$0x0] =	wrdreg $0x0  }
0xa8: {  	s5 =	sshll.u32 s28, $0x1;
	[dreg:$0x2] =	wrdreg s3  }
0xa9: {  	[dreg:$0x3] =	wrdreg s5  }
0xaa: {  	[dreg:$0x4] =	wrdreg $0xC0  }
0xab: {  	_ =	task [dreg:s7], $0x5FFFF  }
0xac: {  	[dreg:$0x1] =	wrdreg $0xFFFFFFFF  }
0xad: {  	[dreg:$0x0] =	wrdreg $0x60  }
0xae: {  	[dreg:$0x2] =	wrdreg s24  }
0xaf: {  	[dreg:$0x3] =	wrdreg s2  }
0xb0: {  	[dreg:$0x4] =	wrdreg $0xB8000  }
0xb1: {  	[dreg:$0x5] =	wrdreg $0x9  }
0xb2: {  	_ =	task.clear_ibuf [dreg:s7], $0x6FFFF;
	_ =	strace $0x90000049  }
0xb3: {  	s29 =	simm.s32 $0x9;
	_ =	strace $0x8000004B  }
0xb4: {  	_ =	swait.ge [sflag:s29], $0x1  }
0xb5: {  	[sflag:s29] =	ssyncadd.s32 $0xFFFFFFFF  }
0xb6: {  	_ =	strace $0x9000004B  }
0xb7: {  	_ =	sfence  }
0xb8: {  	s30 =	sld [smem:$0x0];
	_ =	sdelay $0x2  }
0xb9: {  	s31 =	sshll.u32 s1, $0xD;
	s1 =	sshrl.u32 s1, $0x2  }
0xba: {  	s3 =	sand.u32 $0x4000, s31;
	s1 =	sadd.s32 s1, s30  }
0xbb: {  	s0 =	sor.u32 s3, s0;
	s1 =	sshll.u32 s1, $0x11  }
0xbc: {  	s0 =	sor.u32 s1, s0  }
0xbd: {  	s0 =	sadd.s32 $0x8F2B, s0  }
0xbe: {  	[sflag:s0] =	ssyncadd.remote.s32 $0x1  }
0xbf: {  	_ =	sfence.sel $0xFFFF  }
0xc0: {  	[dreg:$0x0] =	wrdreg $0xFFFFFFFF;
	(pc) =	sbr.abs _section_cstart, $3  }
0xc1: {  	[dreg:$0x1] =	wrdreg $0xFFFFFFFF  }
0xc2: {  	_ =	task.clear_ibuf [dreg:s7], $0x2FFFF;
	_ =	strace $0x9FFFFFFF  }
0xc3: {  	(tm) =	ssettm $0x7FFFFFFF  }
tec
execute0_lowered:
.L_overlay_start_1:
0x0: {  	(tag) =	ssettag $0x1  }
0x1: {  	s0 =	rddreg [dreg:$0x0]  }
0x2: {  	s1 =	rddreg [dreg:$0x1]  }
0x3: {  	s2 =	rddreg [dreg:$0x2];
	s12 =	stileid.u32  }
0x4: {  	s3 =	simm.s32 $0x0;
	s4 =	srdreg.scid;
	s5 =	smul.u32 $0x500, s12  }
0x5: {  	s29 =	simm.s32 $0x1400;
	[smem:$0x7FF] =	sst s3;
	s11 =	smul.u32 $0x50000, s12  }
0x6: {  	s4 =	sand.u32 $0x1, s4;
	s8 =	sadd.s32 $0x6600, s0;
	s15 =	smul.u32 $0x2800, s12  }
0x7: {  	s12 =	simm.s32 $0xA800;
	_ =	strace $0x8000004A;
	s6 =	ssub.s32 $0x2, s4  }
0x8: {  	s7 =	sadd.s32 s5, s0;
	s10 =	sshrl.u32 s6, $0x1;
	s13 =	sadd.s32 s1, s5  }
0x9: {  	s22 =	sshrl.u32 s11, $0x2;
	s10 =	ssub.s32 s6, s10;
	s5 =	sadd.s32 $0x1600, s7  }
0xa: {  	s7 =	sadd.s32 s22, s2;
	[dreg:$0x4] =	wrdreg s13;
	s25 =	smax.u32 s10, $0x1  }
0xb: {  	s9 =	smul.u32 $0x50000, s4;
	s26 =	sadd.s32 $0x2000, s7;
	[dreg:$0x5] =	wrdreg s25  }
0xc: {  	s4 =	smul.u32 $0x280000, s4;
	s31 =	sadd.s32 $0x3000, s7;
	[dreg:$0x6] =	wrdreg s26  }
0xd: {  	s0 =	sadd.s32 $0xA6600, s0;
	s10 =	sadd.s32 $0x5000, s7;
	[dreg:$0x7] =	wrdreg s31  }
0xe: {  	s6 =	sadd.s32 s8, s9;
	s11 =	sadd.s32 $0x6000, s7;
	[dreg:$0x9] =	wrdreg s10  }
0xf: {  	s28 =	sadd.s32 $0x280, s13;
	s13 =	sadd.s32 $0x7000, s7;
	[dreg:$0xa] =	wrdreg s11  }
0x10: {  	s23 =	sshrl.u32 s4, $0x3;
	s14 =	sadd.s32 $0x8000, s7;
	[dreg:$0xb] =	wrdreg s13  }
0x11: {  	s24 =	sadd.s32 s0, s9;
	s16 =	sadd.s32 $0x9000, s7;
	[dreg:$0xc] =	wrdreg s14  }
0x12: {  	s4 =	simm.s32 $0x2800;
	s17 =	sadd.s32 $0xA000, s7;
	[dreg:$0xd] =	wrdreg s16  }
0x13: {  	s1 =	sadd.s32 $0x28000, s23;
	s18 =	sadd.s32 $0xB000, s7;
	[dreg:$0xe] =	wrdreg s17  }
0x14: {  	s19 =	sadd.s32 $0xC000, s7;
	s23 =	sadd.s32 s24, s15;
	[dreg:$0xf] =	wrdreg s18  }
0x15: {  	s20 =	sadd.s32 $0xD000, s7;
	s21 =	sadd.s32 $0xE000, s7;
	[dreg:$0x10] =	wrdreg s19  }
0x16: {  	s22 =	sadd.s32 $0xF000, s7;
	s30 =	sadd.s32 $0x11000, s7;
	[dreg:$0x11] =	wrdreg s20  }
0x17: {  	s9 =	sadd.s32 s8, s1;
	s0 =	sadd.s32 s0, s1;
	[dreg:$0x12] =	wrdreg s21  }
0x18: {  	s25 =	sadd.s32 $0x1000, s7;
	s8 =	sadd.s32 $0x4000, s7;
	[dreg:$0x13] =	wrdreg s22  }
0x19: {  	s26 =	sadd.s32 $0x10000, s7;
	s31 =	sadd.s32 $0x12000, s7;
	s1 =	simm.s32 $0x3  }
0x1a: {  	s13 =	simm.s32 $0x6800;
	s14 =	simm.s32 $0x1;
	[dreg:$0x8] =	wrdreg s8  }
0x1b: {  	s16 =	simm.s32 $0x1380;
	s17 =	simm.s32 $0x2700;
	[dreg:$0x14] =	wrdreg s26  }
0x1c: {  	s18 =	simm.s32 $0x2780;
	s24 =	sadd.s32 s0, s15;
	[dreg:$0x15] =	wrdreg s31  }
0x1d: {  	v0 =	vimm.f32 $0.0e+00;
	s0 =	sadd.s32 $0x13000, s7;
	s8 =	simm.s32 $0x80;
	s15 =	simm.s32 $0x2  }
.LBB2_1:
0x1e: {  	s19 =	simm.s32 $0x0;
	s20 =	simm.s32 $0x200  }
.LBB2_2:
0x1f: {  	p0 =	sne.s32 s20, $0x3E00;
	[tilespmem:s19+$0xA870] =	vst v0  }
0x20: {  	[tilespmem:s19+$0xA800] =	vst v0  }
0x21: {  	[tilespmem:s19+$0xA810] =	vst v0  }
.Ltmp0:
0x22: {  	[tilespmem:s19+$0xA820] =	vst v0;
	(pc) =	sbr.rel @p0 .LBB2_2-.Ltmp0, $4  }
0x23: {  	[tilespmem:s19+$0xA830] =	vst v0  }
0x24: {  	[tilespmem:s19+$0xA840] =	vst v0  }
0x25: {  	[tilespmem:s19+$0xA850] =	vst v0  }
0x26: {  	[tilespmem:s19+$0xA860] =	vst v0;
	s19 =	sshra.s32 s20, $0x2;
	s20 =	sadd.s32 $0x200, s20  }
0x27: {  	[tilespmem:s19+$0xA870] =	vst v0  }
0x28: {  	[tilespmem:s19+$0xA800] =	vst v0  }
0x29: {  	[tilespmem:s19+$0xA810] =	vst v0  }
0x2a: {  	[tilespmem:s19+$0xA820] =	vst v0  }
0x2b: {  	[tilespmem:s19+$0xA830] =	vst v0  }
0x2c: {  	[tilespmem:s19+$0xA840] =	vst v0  }
0x2d: {  	[tilespmem:s19+$0xA850] =	vst v0  }
0x2e: {  	[tilespmem:s19+$0xA860] =	vst v0;
	s11 =	simm.s32 $0x0;
	s10 =	rddreg [dreg:$0x4]  }
0x2f: {  	[tilespmem:s11], [sflag:$0x3] =	stream.linear.gather [hbm4b:s10+s11], $0x1400, $0x38;
	[tilespmem:$0x1F800] =	vst v63  }
0x30: {  	_ =	swait.ge [sflag:s1], $0x1400  }
0x31: {  	[sflag:s1] =	ssyncset.done $0x0  }
0x32: {  	[sflag:s1] =	ssyncadd.s32 $0xFFFFEC00  }
0x33: {  	[tilespmem:s29], [sflag:$0x3] =	stream.linear.gather [hbm4b:s5+s11], $0x1400, $0x38;
	[tilespmem:$0x1F800] =	vst v63  }
0x34: {  	_ =	swait.ge [sflag:s1], $0x1400  }
0x35: {  	[sflag:s1] =	ssyncset.done $0x0  }
0x36: {  	[sflag:s1] =	ssyncadd.s32 $0xFFFFEC00  }
0x37: {  	[tilespmem:s4], [sflag:$0x1] =	stream.indirect.gather [hbm4b:s6+s8], $0x80, s11, s8, $0xb8;
	[tilespmem:$0x1F800] =	vst v63  }
0x38: {  	_ = 	snop  }
0x39: {  	[spmem:s7] =	stream.linear.scatter [tilespmem:s12], [sflag:$0x3], $0x1000, $0x38;
	[tilespmem:$0x1F800] =	vst v63  }
0x3a: {  	_ =	swait.ge [sflag:s1], $0x1000  }
0x3b: {  	[sflag:s1] =	ssyncset.done $0x0  }
0x3c: {  	[sflag:s1] =	ssyncadd.s32 $0xFFFFF000  }
0x3d: {  	[spmem:s25] =	stream.linear.scatter [tilespmem:s12], [sflag:$0x3], $0x1000, $0x38;
	[tilespmem:$0x1F800] =	vst v63  }
0x3e: {  	_ =	swait.ge [sflag:s1], $0x1000  }
0x3f: {  	[sflag:s1] =	ssyncset.done $0x0  }
0x40: {  	s26 =	rddreg [dreg:$0x6];
	[sflag:s1] =	ssyncadd.s32 $0xFFFFF000  }
0x41: {  	[spmem:s26] =	stream.linear.scatter [tilespmem:s12], [sflag:$0x3], $0x1000, $0x38;
	[tilespmem:$0x1F800] =	vst v63  }
0x42: {  	_ =	swait.ge [sflag:s1], $0x1000  }
0x43: {  	[sflag:s1] =	ssyncset.done $0x0  }
0x44: {  	s11 =	rddreg [dreg:$0x7];
	[sflag:s1] =	ssyncadd.s32 $0xFFFFF000  }
0x45: {  	[spmem:s11] =	stream.linear.scatter [tilespmem:s12], [sflag:$0x3], $0x1000, $0x38;
	[tilespmem:$0x1F800] =	vst v63  }
0x46: {  	_ =	swait.ge [sflag:s1], $0x1000  }
0x47: {  	[sflag:s1] =	ssyncset.done $0x0  }
0x48: {  	s19 =	rddreg [dreg:$0x8];
	[sflag:s1] =	ssyncadd.s32 $0xFFFFF000  }
0x49: {  	[spmem:s19] =	stream.linear.scatter [tilespmem:s12], [sflag:$0x3], $0x1000, $0x38;
	[tilespmem:$0x1F800] =	vst v63  }
0x4a: {  	_ =	swait.ge [sflag:s1], $0x1000  }
0x4b: {  	[sflag:s1] =	ssyncset.done $0x0  }
0x4c: {  	s20 =	rddreg [dreg:$0x9];
	[sflag:s1] =	ssyncadd.s32 $0xFFFFF000  }
0x4d: {  	[spmem:s20] =	stream.linear.scatter [tilespmem:s12], [sflag:$0x3], $0x1000, $0x38;
	[tilespmem:$0x1F800] =	vst v63  }
0x4e: {  	_ =	swait.ge [sflag:s1], $0x1000  }
0x4f: {  	[sflag:s1] =	ssyncset.done $0x0  }
0x50: {  	s21 =	rddreg [dreg:$0xa];
	[sflag:s1] =	ssyncadd.s32 $0xFFFFF000  }
0x51: {  	[spmem:s21] =	stream.linear.scatter [tilespmem:s12], [sflag:$0x3], $0x1000, $0x38;
	[tilespmem:$0x1F800] =	vst v63  }
0x52: {  	_ =	swait.ge [sflag:s1], $0x1000  }
0x53: {  	[sflag:s1] =	ssyncset.done $0x0  }
0x54: {  	s22 =	rddreg [dreg:$0xb];
	[sflag:s1] =	ssyncadd.s32 $0xFFFFF000  }
0x55: {  	[spmem:s22] =	stream.linear.scatter [tilespmem:s12], [sflag:$0x3], $0x1000, $0x38;
	[tilespmem:$0x1F800] =	vst v63  }
0x56: {  	_ =	swait.ge [sflag:s1], $0x1000  }
0x57: {  	[sflag:s1] =	ssyncset.done $0x0  }
0x58: {  	s26 =	rddreg [dreg:$0xc];
	[sflag:s1] =	ssyncadd.s32 $0xFFFFF000  }
0x59: {  	[spmem:s26] =	stream.linear.scatter [tilespmem:s12], [sflag:$0x3], $0x1000, $0x38;
	[tilespmem:$0x1F800] =	vst v63  }
0x5a: {  	_ =	swait.ge [sflag:s1], $0x1000  }
0x5b: {  	[sflag:s1] =	ssyncset.done $0x0  }
0x5c: {  	s11 =	rddreg [dreg:$0xd];
	[sflag:s1] =	ssyncadd.s32 $0xFFFFF000  }
0x5d: {  	[spmem:s11] =	stream.linear.scatter [tilespmem:s12], [sflag:$0x3], $0x1000, $0x38;
	[tilespmem:$0x1F800] =	vst v63  }
0x5e: {  	_ =	swait.ge [sflag:s1], $0x1000  }
0x5f: {  	[sflag:s1] =	ssyncset.done $0x0  }
0x60: {  	s19 =	rddreg [dreg:$0xe];
	[sflag:s1] =	ssyncadd.s32 $0xFFFFF000  }
0x61: {  	[spmem:s19] =	stream.linear.scatter [tilespmem:s12], [sflag:$0x3], $0x1000, $0x38;
	[tilespmem:$0x1F800] =	vst v63  }
0x62: {  	_ =	swait.ge [sflag:s1], $0x1000  }
0x63: {  	[sflag:s1] =	ssyncset.done $0x0  }
0x64: {  	s20 =	rddreg [dreg:$0xf];
	[sflag:s1] =	ssyncadd.s32 $0xFFFFF000  }
0x65: {  	[spmem:s20] =	stream.linear.scatter [tilespmem:s12], [sflag:$0x3], $0x1000, $0x38;
	[tilespmem:$0x1F800] =	vst v63  }
0x66: {  	_ =	swait.ge [sflag:s1], $0x1000  }
0x67: {  	[sflag:s1] =	ssyncset.done $0x0  }
0x68: {  	s21 =	rddreg [dreg:$0x10];
	[sflag:s1] =	ssyncadd.s32 $0xFFFFF000  }
0x69: {  	[spmem:s21] =	stream.linear.scatter [tilespmem:s12], [sflag:$0x3], $0x1000, $0x38;
	[tilespmem:$0x1F800] =	vst v63  }
0x6a: {  	_ =	swait.ge [sflag:s1], $0x1000  }
0x6b: {  	[sflag:s1] =	ssyncset.done $0x0  }
0x6c: {  	s22 =	rddreg [dreg:$0x11];
	[sflag:s1] =	ssyncadd.s32 $0xFFFFF000  }
0x6d: {  	[spmem:s22] =	stream.linear.scatter [tilespmem:s12], [sflag:$0x3], $0x1000, $0x38;
	[tilespmem:$0x1F800] =	vst v63  }
0x6e: {  	_ =	swait.ge [sflag:s1], $0x1000  }
0x6f: {  	[sflag:s1] =	ssyncset.done $0x0  }
0x70: {  	s26 =	rddreg [dreg:$0x12];
	[sflag:s1] =	ssyncadd.s32 $0xFFFFF000  }
0x71: {  	[spmem:s26] =	stream.linear.scatter [tilespmem:s12], [sflag:$0x3], $0x1000, $0x38;
	[tilespmem:$0x1F800] =	vst v63  }
0x72: {  	_ =	swait.ge [sflag:s1], $0x1000  }
0x73: {  	[sflag:s1] =	ssyncset.done $0x0  }
0x74: {  	s11 =	rddreg [dreg:$0x13];
	[sflag:s1] =	ssyncadd.s32 $0xFFFFF000  }
0x75: {  	[spmem:s11] =	stream.linear.scatter [tilespmem:s12], [sflag:$0x3], $0x1000, $0x38;
	[tilespmem:$0x1F800] =	vst v63  }
0x76: {  	_ =	swait.ge [sflag:s1], $0x1000  }
0x77: {  	[sflag:s1] =	ssyncset.done $0x0  }
0x78: {  	s19 =	rddreg [dreg:$0x14];
	[sflag:s1] =	ssyncadd.s32 $0xFFFFF000  }
0x79: {  	[spmem:s19] =	stream.linear.scatter [tilespmem:s12], [sflag:$0x3], $0x1000, $0x38;
	[tilespmem:$0x1F800] =	vst v63  }
0x7a: {  	_ =	swait.ge [sflag:s1], $0x1000  }
0x7b: {  	[sflag:s1] =	ssyncset.done $0x0  }
0x7c: {  	[sflag:s1] =	ssyncadd.s32 $0xFFFFF000  }
0x7d: {  	[spmem:s30] =	stream.linear.scatter [tilespmem:s12], [sflag:$0x3], $0x1000, $0x38;
	[tilespmem:$0x1F800] =	vst v63  }
0x7e: {  	_ =	swait.ge [sflag:s1], $0x1000  }
0x7f: {  	[sflag:s1] =	ssyncset.done $0x0  }
0x80: {  	s20 =	rddreg [dreg:$0x15];
	[sflag:s1] =	ssyncadd.s32 $0xFFFFF000  }
0x81: {  	[spmem:s20] =	stream.linear.scatter [tilespmem:s12], [sflag:$0x3], $0x1000, $0x38;
	[tilespmem:$0x1F800] =	vst v63  }
0x82: {  	_ =	swait.ge [sflag:s1], $0x1000  }
0x83: {  	[sflag:s1] =	ssyncset.done $0x0  }
0x84: {  	[sflag:s1] =	ssyncadd.s32 $0xFFFFF000  }
0x85: {  	[spmem:s0] =	stream.linear.scatter [tilespmem:s12], [sflag:$0x3], $0x1000, $0x38;
	[tilespmem:$0x1F800] =	vst v63  }
0x86: {  	_ =	swait.ge [sflag:s1], $0x1000  }
0x87: {  	[sflag:s1] =	ssyncset.done $0x0  }
0x88: {  	[sflag:s1] =	ssyncadd.s32 $0xFFFFF000  }
0x89: {  	s21 =	simm.s32 $0x80;
	[bflag:$0x0] =	sbarrier.arrive $0xFFFF  }
0x8a: {  	[tilespmem:s13], [sflag:$0x2] =	stream.indirect.gather [hbm4b:s6+s8], $0x80, s21, s8, $0xb8;
	[tilespmem:$0x1F800] =	vst v63  }
0x8b: {  	_ =	swait.ge [sflag:s14], $0x4000  }
0x8c: {  	[sflag:s14] =	ssyncset.done $0x0  }
0x8d: {  	s22 =	simm.s32 $0x1400;
	[sflag:s14] =	ssyncadd.s32 $0xFFFFC000  }
0x8e: {  	[spmem:s2] =	stream.indirect.scatter.add.f32 [tilespmem:s4], [sflag:$0x3], $0x80, s22, s8, $0xb8;
	[tilespmem:$0x1F800] =	vst v63  }
0x8f: {  	_ =	swait.ge [sflag:s1], $0x4000  }
0x90: {  	[sflag:s1] =	ssyncset.done $0x0  }
0x91: {  	s26 =	simm.s32 $0x100;
	[sflag:s1] =	ssyncadd.s32 $0xFFFFC000  }
0x92: {  	[tilespmem:s4], [sflag:$0x1] =	stream.indirect.gather [hbm4b:s6+s8], $0x80, s26, s8, $0xb8;
	[tilespmem:$0x1F800] =	vst v63  }
0x93: {  	_ =	swait.ge [sflag:s15], $0x4000  }
0x94: {  	[sflag:s15] =	ssyncset.done $0x0  }
0x95: {  	s31 =	smov.u32 s30;
	s30 =	simm.s32 $0x1480;
	[sflag:s15] =	ssyncadd.s32 $0xFFFFC000  }
0x96: {  	[spmem:s2] =	stream.indirect.scatter.add.f32 [tilespmem:s13], [sflag:$0x3], $0x80, s30, s8, $0xb8;
	[tilespmem:$0x1F800] =	vst v63  }
0x97: {  	_ =	swait.ge [sflag:s1], $0x4000  }
0x98: {  	s11 =	simm.s32 $0x800;
	s19 =	simm.s32 $0x100;
	[sflag:s1] =	ssyncset.done $0x0  }
.LBB2_4:
0x99: {  	s20 =	sadd.s32 $0x80, s19  }
0x9a: {  	[sflag:s1] =	ssyncadd.s32 $0xFFFFC000;
	s21 =	smov.u32 s11;
	s22 =	sadd.s32 $0x400, s11  }
0x9b: {  	[tilespmem:s13], [sflag:$0x2] =	stream.indirect.gather [hbm4b:s6+s8], $0x80, s20, s8, $0xb8;
	[tilespmem:$0x1F800] =	vst v63  }
0x9c: {  	p0 =	sne.s32 s11, $0x4800;
	_ =	swait.ge [sflag:s14], $0x4000  }
0x9d: {  	[sflag:s14] =	ssyncset.done $0x0  }
0x9e: {  	s11 =	sadd.s32 $0x1400, s19;
	[sflag:s14] =	ssyncadd.s32 $0xFFFFC000  }
0x9f: {  	[spmem:s2] =	stream.indirect.scatter.add.f32 [tilespmem:s4], [sflag:$0x3], $0x80, s11, s8, $0xb8;
	[tilespmem:$0x1F800] =	vst v63  }
0xa0: {  	_ =	swait.ge [sflag:s1], $0x4000  }
0xa1: {  	[sflag:s1] =	ssyncset.done $0x0  }
0xa2: {  	s11 =	sadd.s32 $0x100, s19;
	[sflag:s1] =	ssyncadd.s32 $0xFFFFC000  }
0xa3: {  	[tilespmem:s4], [sflag:$0x1] =	stream.indirect.gather [hbm4b:s6+s8], $0x80, s11, s8, $0xb8;
	[tilespmem:$0x1F800] =	vst v63  }
0xa4: {  	_ =	swait.ge [sflag:s15], $0x4000  }
.Ltmp1:
0xa5: {  	[sflag:s15] =	ssyncset.done $0x0;
	(pc) =	sbr.rel @p0 .LBB2_4-.Ltmp1, $4  }
0xa6: {  	s11 =	sadd.s32 $0x1480, s19;
	[sflag:s15] =	ssyncadd.s32 $0xFFFFC000  }
0xa7: {  	[spmem:s2] =	stream.indirect.scatter.add.f32 [tilespmem:s13], [sflag:$0x3], $0x80, s11, s8, $0xb8;
	[tilespmem:$0x1F800] =	vst v63  }
0xa8: {  	_ =	swait.ge [sflag:s1], $0x4000  }
0xa9: {  	s19 =	sshra.s32 s21, $0x2;
	s11 =	smov.u32 s22;
	[sflag:s1] =	ssyncset.done $0x0  }
0xaa: {  	s11 =	sadd.s32 $0x80, s19;
	[sflag:s1] =	ssyncadd.s32 $0xFFFFC000  }
0xab: {  	[tilespmem:s13], [sflag:$0x2] =	stream.indirect.gather [hbm4b:s6+s8], $0x80, s11, s8, $0xb8;
	[tilespmem:$0x1F800] =	vst v63  }
0xac: {  	_ =	swait.ge [sflag:s14], $0x4000  }
0xad: {  	[sflag:s14] =	ssyncset.done $0x0  }
0xae: {  	s22 =	sadd.s32 $0x1400, s19;
	[sflag:s14] =	ssyncadd.s32 $0xFFFFC000  }
0xaf: {  	[spmem:s2] =	stream.indirect.scatter.add.f32 [tilespmem:s4], [sflag:$0x3], $0x80, s22, s8, $0xb8;
	[tilespmem:$0x1F800] =	vst v63  }
0xb0: {  	_ =	swait.ge [sflag:s1], $0x4000  }
0xb1: {  	[sflag:s1] =	ssyncset.done $0x0  }
0xb2: {  	s26 =	sadd.s32 $0x100, s19;
	[sflag:s1] =	ssyncadd.s32 $0xFFFFC000  }
0xb3: {  	[tilespmem:s4], [sflag:$0x1] =	stream.indirect.gather [hbm4b:s6+s8], $0x80, s26, s8, $0xb8;
	[tilespmem:$0x1F800] =	vst v63  }
0xb4: {  	_ =	swait.ge [sflag:s15], $0x4000  }
0xb5: {  	[sflag:s15] =	ssyncset.done $0x0  }
0xb6: {  	s10 =	sadd.s32 $0x1480, s19;
	[sflag:s15] =	ssyncadd.s32 $0xFFFFC000  }
0xb7: {  	[spmem:s2] =	stream.indirect.scatter.add.f32 [tilespmem:s13], [sflag:$0x3], $0x80, s10, s8, $0xb8;
	[tilespmem:$0x1F800] =	vst v63  }
0xb8: {  	_ =	swait.ge [sflag:s1], $0x4000  }
0xb9: {  	[sflag:s1] =	ssyncset.done $0x0  }
0xba: {  	[sflag:s1] =	ssyncadd.s32 $0xFFFFC000  }
0xbb: {  	[tilespmem:s13], [sflag:$0x2] =	stream.indirect.gather [hbm4b:s6+s8], $0x80, s16, s8, $0xb8;
	[tilespmem:$0x1F800] =	vst v63  }
0xbc: {  	_ =	swait.ge [sflag:s14], $0x4000  }
0xbd: {  	[sflag:s14] =	ssyncset.done $0x0  }
0xbe: {  	[sflag:s14] =	ssyncadd.s32 $0xFFFFC000  }
0xbf: {  	[spmem:s2] =	stream.indirect.scatter.add.f32 [tilespmem:s4], [sflag:$0x3], $0x80, s17, s8, $0xb8;
	[tilespmem:$0x1F800] =	vst v63  }
0xc0: {  	_ =	swait.ge [sflag:s1], $0x4000  }
0xc1: {  	[sflag:s1] =	ssyncset.done $0x0  }
0xc2: {  	[sflag:s1] =	ssyncadd.s32 $0xFFFFC000  }
0xc3: {  	_ =	swait.ge [sflag:s15], $0x4000  }
0xc4: {  	[sflag:s15] =	ssyncset.done $0x0  }
0xc5: {  	[sflag:s15] =	ssyncadd.s32 $0xFFFFC000  }
0xc6: {  	[spmem:s2] =	stream.indirect.scatter.add.f32 [tilespmem:s13], [sflag:$0x3], $0x80, s18, s8, $0xb8;
	[tilespmem:$0x1F800] =	vst v63  }
0xc7: {  	_ =	swait.ge [sflag:s1], $0x4000  }
0xc8: {  	[sflag:s1] =	ssyncset.done $0x0  }
0xc9: {  	s19 =	simm.s32 $0x0;
	[sflag:s1] =	ssyncadd.s32 $0xFFFFC000  }
0xca: {  	[tilespmem:s19], [sflag:$0x3] =	stream.linear.gather [hbm4b:s28+s19], $0x1400, $0x38;
	[tilespmem:$0x1F800] =	vst v63  }
0xcb: {  	_ =	swait.ge [sflag:s1], $0x1400  }
0xcc: {  	[sflag:s1] =	ssyncset.done $0x0  }
0xcd: {  	s20 =	sadd.s32 $0x280, s5;
	[sflag:s1] =	ssyncadd.s32 $0xFFFFEC00  }
0xce: {  	[tilespmem:s29], [sflag:$0x3] =	stream.linear.gather [hbm4b:s20+s19], $0x1400, $0x38;
	[tilespmem:$0x1F800] =	vst v63  }
0xcf: {  	_ =	swait.ge [sflag:s1], $0x1400  }
0xd0: {  	[sflag:s1] =	ssyncset.done $0x0  }
0xd1: {  	[sflag:s1] =	ssyncadd.s32 $0xFFFFEC00  }
0xd2: {  	[tilespmem:s4], [sflag:$0x1] =	stream.indirect.gather [hbm4b:s6+s8], $0x80, s19, s8, $0xb8;
	[tilespmem:$0x1F800] =	vst v63  }
0xd3: {  	s21 =	simm.s32 $0x80  }
0xd4: {  	[tilespmem:s13], [sflag:$0x2] =	stream.indirect.gather [hbm4b:s6+s8], $0x80, s21, s8, $0xb8;
	[tilespmem:$0x1F800] =	vst v63  }
0xd5: {  	_ =	swait.ge [sflag:s14], $0x4000  }
0xd6: {  	[sflag:s14] =	ssyncset.done $0x0  }
0xd7: {  	s22 =	simm.s32 $0x1400;
	[sflag:s14] =	ssyncadd.s32 $0xFFFFC000  }
0xd8: {  	[spmem:s2] =	stream.indirect.scatter.add.f32 [tilespmem:s4], [sflag:$0x3], $0x80, s22, s8, $0xb8;
	[tilespmem:$0x1F800] =	vst v63  }
0xd9: {  	_ =	swait.ge [sflag:s1], $0x4000  }
0xda: {  	[sflag:s1] =	ssyncset.done $0x0  }
0xdb: {  	s26 =	simm.s32 $0x100;
	[sflag:s1] =	ssyncadd.s32 $0xFFFFC000  }
0xdc: {  	[tilespmem:s4], [sflag:$0x1] =	stream.indirect.gather [hbm4b:s6+s8], $0x80, s26, s8, $0xb8;
	[tilespmem:$0x1F800] =	vst v63  }
0xdd: {  	_ =	swait.ge [sflag:s15], $0x4000  }
0xde: {  	[sflag:s15] =	ssyncset.done $0x0  }
0xdf: {  	s29 =	simm.s32 $0x1480;
	[sflag:s15] =	ssyncadd.s32 $0xFFFFC000  }
0xe0: {  	[spmem:s2] =	stream.indirect.scatter.add.f32 [tilespmem:s13], [sflag:$0x3], $0x80, s29, s8, $0xb8;
	[tilespmem:$0x1F800] =	vst v63  }
0xe1: {  	s30 =	simm.s32 $0x1400;
	_ =	swait.ge [sflag:s1], $0x4000  }
0xe2: {  	s11 =	simm.s32 $0x800;
	s19 =	simm.s32 $0x100;
	[sflag:s1] =	ssyncset.done $0x0  }
.LBB2_6:
0xe3: {  	s21 =	sadd.s32 $0x80, s19  }
0xe4: {  	[sflag:s1] =	ssyncadd.s32 $0xFFFFC000;
	s22 =	smov.u32 s11;
	s26 =	sadd.s32 $0x400, s11  }
0xe5: {  	[tilespmem:s13], [sflag:$0x2] =	stream.indirect.gather [hbm4b:s6+s8], $0x80, s21, s8, $0xb8;
	[tilespmem:$0x1F800] =	vst v63  }
0xe6: {  	p0 =	sne.s32 s11, $0x4800;
	_ =	swait.ge [sflag:s14], $0x4000  }
0xe7: {  	[sflag:s14] =	ssyncset.done $0x0  }
0xe8: {  	s11 =	sadd.s32 $0x1400, s19;
	[sflag:s14] =	ssyncadd.s32 $0xFFFFC000  }
0xe9: {  	[spmem:s2] =	stream.indirect.scatter.add.f32 [tilespmem:s4], [sflag:$0x3], $0x80, s11, s8, $0xb8;
	[tilespmem:$0x1F800] =	vst v63  }
0xea: {  	_ =	swait.ge [sflag:s1], $0x4000  }
0xeb: {  	[sflag:s1] =	ssyncset.done $0x0  }
0xec: {  	s11 =	sadd.s32 $0x100, s19;
	[sflag:s1] =	ssyncadd.s32 $0xFFFFC000  }
0xed: {  	[tilespmem:s4], [sflag:$0x1] =	stream.indirect.gather [hbm4b:s6+s8], $0x80, s11, s8, $0xb8;
	[tilespmem:$0x1F800] =	vst v63  }
0xee: {  	_ =	swait.ge [sflag:s15], $0x4000  }
.Ltmp2:
0xef: {  	[sflag:s15] =	ssyncset.done $0x0;
	(pc) =	sbr.rel @p0 .LBB2_6-.Ltmp2, $4  }
0xf0: {  	s11 =	sadd.s32 $0x1480, s19;
	[sflag:s15] =	ssyncadd.s32 $0xFFFFC000  }
0xf1: {  	[spmem:s2] =	stream.indirect.scatter.add.f32 [tilespmem:s13], [sflag:$0x3], $0x80, s11, s8, $0xb8;
	[tilespmem:$0x1F800] =	vst v63  }
0xf2: {  	_ =	swait.ge [sflag:s1], $0x4000  }
0xf3: {  	s19 =	sshra.s32 s22, $0x2;
	s11 =	smov.u32 s26;
	[sflag:s1] =	ssyncset.done $0x0  }
0xf4: {  	s11 =	sadd.s32 $0x80, s19;
	[sflag:s1] =	ssyncadd.s32 $0xFFFFC000  }
0xf5: {  	[tilespmem:s13], [sflag:$0x2] =	stream.indirect.gather [hbm4b:s6+s8], $0x80, s11, s8, $0xb8;
	[tilespmem:$0x1F800] =	vst v63  }
0xf6: {  	_ =	swait.ge [sflag:s14], $0x4000  }
0xf7: {  	[sflag:s14] =	ssyncset.done $0x0  }
0xf8: {  	s21 =	sadd.s32 $0x1400, s19;
	[sflag:s14] =	ssyncadd.s32 $0xFFFFC000  }
0xf9: {  	[spmem:s2] =	stream.indirect.scatter.add.f32 [tilespmem:s4], [sflag:$0x3], $0x80, s21, s8, $0xb8;
	[tilespmem:$0x1F800] =	vst v63  }
0xfa: {  	_ =	swait.ge [sflag:s1], $0x4000  }
0xfb: {  	[sflag:s1] =	ssyncset.done $0x0  }
0xfc: {  	s22 =	sadd.s32 $0x100, s19;
	[sflag:s1] =	ssyncadd.s32 $0xFFFFC000  }
0xfd: {  	[tilespmem:s4], [sflag:$0x1] =	stream.indirect.gather [hbm4b:s6+s8], $0x80, s22, s8, $0xb8;
	[tilespmem:$0x1F800] =	vst v63  }
0xfe: {  	_ =	swait.ge [sflag:s15], $0x4000  }
0xff: {  	[sflag:s15] =	ssyncset.done $0x0  }
0x100: {  	s26 =	sadd.s32 $0x1480, s19;
	[sflag:s15] =	ssyncadd.s32 $0xFFFFC000  }
0x101: {  	[spmem:s2] =	stream.indirect.scatter.add.f32 [tilespmem:s13], [sflag:$0x3], $0x80, s26, s8, $0xb8;
	[tilespmem:$0x1F800] =	vst v63  }
0x102: {  	_ =	swait.ge [sflag:s1], $0x4000  }
0x103: {  	[sflag:s1] =	ssyncset.done $0x0  }
0x104: {  	[sflag:s1] =	ssyncadd.s32 $0xFFFFC000  }
0x105: {  	[tilespmem:s13], [sflag:$0x2] =	stream.indirect.gather [hbm4b:s6+s8], $0x80, s16, s8, $0xb8;
	[tilespmem:$0x1F800] =	vst v63  }
0x106: {  	_ =	swait.ge [sflag:s14], $0x4000  }
0x107: {  	[sflag:s14] =	ssyncset.done $0x0  }
0x108: {  	[sflag:s14] =	ssyncadd.s32 $0xFFFFC000  }
0x109: {  	[spmem:s2] =	stream.indirect.scatter.add.f32 [tilespmem:s4], [sflag:$0x3], $0x80, s17, s8, $0xb8;
	[tilespmem:$0x1F800] =	vst v63  }
0x10a: {  	_ =	swait.ge [sflag:s1], $0x4000  }
0x10b: {  	[sflag:s1] =	ssyncset.done $0x0  }
0x10c: {  	[sflag:s1] =	ssyncadd.s32 $0xFFFFC000  }
0x10d: {  	_ =	swait.ge [sflag:s15], $0x4000  }
0x10e: {  	[sflag:s15] =	ssyncset.done $0x0  }
0x10f: {  	[sflag:s15] =	ssyncadd.s32 $0xFFFFC000  }
0x110: {  	[spmem:s2] =	stream.indirect.scatter.add.f32 [tilespmem:s13], [sflag:$0x3], $0x80, s18, s8, $0xb8;
	[tilespmem:$0x1F800] =	vst v63  }
0x111: {  	s10 =	stileid.u32;
	_ =	swait.ge [sflag:s1], $0x4000  }
0x112: {  	s29 =	smov.u32 s28;
	s28 =	sshll.u32 s10, $0x6;
	[sflag:s1] =	ssyncset.done $0x0  }
0x113: {  	s19 =	sor.u32 $0x1C03, s28;
	[sflag:s1] =	ssyncadd.s32 $0xFFFFC000  }
0x114: {  	s21 =	sshrl.u32 s7, $0x3;
	s22 =	sadd.s32 $0x0, s23;
	[bflag:$0x0] =	sbarrier.arrive $0xFFFF  }
0x115: {  	[hbm:s22], [sflag:s19] =	dma.local [spmem:s21], $0x200  }
0x116: {  	s11 =	smov.u32 s25;
	s22 =	simm.s32 $0x200;
	_ =	swait.ge [sflag:s1], $0x200  }
.LBB2_8:
0x117: {  	s26 =	sadd.s32 s22, s23;
	[sflag:s1] =	ssyncset.done $0x0;
	p0 =	sne.s32 s22, $0x2600  }
.Ltmp3:
0x118: {  	s28 =	sshrl.u32 s11, $0x3;
	[sflag:s1] =	ssyncadd.s32 $0xFFFFFE00;
	(pc) =	sbr.rel @p0 .LBB2_8-.Ltmp3, $3  }
0x119: {  	[hbm:s26], [sflag:s19] =	dma.local [spmem:s28], $0x200  }
0x11a: {  	s22 =	sadd.s32 $0x200, s22;
	_ =	sdelay $0x1  }
0x11b: {  	s11 =	sadd.s32 $0x1000, s11;
	_ =	swait.ge [sflag:s1], $0x200  }
0x11c: {  	[sflag:s1] =	ssyncset.done $0x0  }
0x11d: {  	s11 =	simm.s32 $0x0;
	s10 =	rddreg [dreg:$0x4];
	[sflag:s1] =	ssyncadd.s32 $0xFFFFFE00  }
0x11e: {  	[tilespmem:s11], [sflag:$0x3] =	stream.linear.gather [hbm4b:s10+s11], $0x1400, $0x38;
	[tilespmem:$0x1F800] =	vst v63  }
0x11f: {  	_ =	swait.ge [sflag:s1], $0x1400  }
0x120: {  	[sflag:s1] =	ssyncset.done $0x0  }
0x121: {  	[sflag:s1] =	ssyncadd.s32 $0xFFFFEC00  }
0x122: {  	[tilespmem:s30], [sflag:$0x3] =	stream.linear.gather [hbm4b:s5+s11], $0x1400, $0x38;
	[tilespmem:$0x1F800] =	vst v63  }
0x123: {  	_ =	swait.ge [sflag:s1], $0x1400  }
0x124: {  	[sflag:s1] =	ssyncset.done $0x0  }
0x125: {  	[sflag:s1] =	ssyncadd.s32 $0xFFFFEC00  }
0x126: {  	[tilespmem:s4], [sflag:$0x1] =	stream.indirect.gather [hbm4b:s9+s8], $0x80, s11, s8, $0xb8;
	[tilespmem:$0x1F800] =	vst v63  }
0x127: {  	_ = 	snop  }
0x128: {  	[spmem:s7] =	stream.linear.scatter [tilespmem:s12], [sflag:$0x3], $0x1000, $0x38;
	[tilespmem:$0x1F800] =	vst v63  }
0x129: {  	_ =	swait.ge [sflag:s1], $0x1000  }
0x12a: {  	[sflag:s1] =	ssyncset.done $0x0  }
0x12b: {  	[sflag:s1] =	ssyncadd.s32 $0xFFFFF000  }
0x12c: {  	[spmem:s25] =	stream.linear.scatter [tilespmem:s12], [sflag:$0x3], $0x1000, $0x38;
	[tilespmem:$0x1F800] =	vst v63  }
0x12d: {  	_ =	swait.ge [sflag:s1], $0x1000  }
0x12e: {  	[sflag:s1] =	ssyncset.done $0x0  }
0x12f: {  	s22 =	rddreg [dreg:$0x6];
	[sflag:s1] =	ssyncadd.s32 $0xFFFFF000  }
0x130: {  	[spmem:s22] =	stream.linear.scatter [tilespmem:s12], [sflag:$0x3], $0x1000, $0x38;
	[tilespmem:$0x1F800] =	vst v63  }
0x131: {  	_ =	swait.ge [sflag:s1], $0x1000  }
0x132: {  	[sflag:s1] =	ssyncset.done $0x0  }
0x133: {  	s26 =	rddreg [dreg:$0x7];
	[sflag:s1] =	ssyncadd.s32 $0xFFFFF000  }
0x134: {  	[spmem:s26] =	stream.linear.scatter [tilespmem:s12], [sflag:$0x3], $0x1000, $0x38;
	[tilespmem:$0x1F800] =	vst v63  }
0x135: {  	_ =	swait.ge [sflag:s1], $0x1000  }
0x136: {  	[sflag:s1] =	ssyncset.done $0x0  }
0x137: {  	s28 =	rddreg [dreg:$0x8];
	[sflag:s1] =	ssyncadd.s32 $0xFFFFF000  }
0x138: {  	[spmem:s28] =	stream.linear.scatter [tilespmem:s12], [sflag:$0x3], $0x1000, $0x38;
	[tilespmem:$0x1F800] =	vst v63  }
0x139: {  	_ =	swait.ge [sflag:s1], $0x1000  }
0x13a: {  	[sflag:s1] =	ssyncset.done $0x0  }
0x13b: {  	s11 =	rddreg [dreg:$0x9];
	[sflag:s1] =	ssyncadd.s32 $0xFFFFF000  }
0x13c: {  	[spmem:s11] =	stream.linear.scatter [tilespmem:s12], [sflag:$0x3], $0x1000, $0x38;
	[tilespmem:$0x1F800] =	vst v63  }
0x13d: {  	_ =	swait.ge [sflag:s1], $0x1000  }
0x13e: {  	[sflag:s1] =	ssyncset.done $0x0  }
0x13f: {  	s22 =	rddreg [dreg:$0xa];
	[sflag:s1] =	ssyncadd.s32 $0xFFFFF000  }
0x140: {  	[spmem:s22] =	stream.linear.scatter [tilespmem:s12], [sflag:$0x3], $0x1000, $0x38;
	[tilespmem:$0x1F800] =	vst v63  }
0x141: {  	_ =	swait.ge [sflag:s1], $0x1000  }
0x142: {  	[sflag:s1] =	ssyncset.done $0x0  }
0x143: {  	s26 =	rddreg [dreg:$0xb];
	[sflag:s1] =	ssyncadd.s32 $0xFFFFF000  }
0x144: {  	[spmem:s26] =	stream.linear.scatter [tilespmem:s12], [sflag:$0x3], $0x1000, $0x38;
	[tilespmem:$0x1F800] =	vst v63  }
0x145: {  	_ =	swait.ge [sflag:s1], $0x1000  }
0x146: {  	[sflag:s1] =	ssyncset.done $0x0  }
0x147: {  	s28 =	rddreg [dreg:$0xc];
	[sflag:s1] =	ssyncadd.s32 $0xFFFFF000  }
0x148: {  	[spmem:s28] =	stream.linear.scatter [tilespmem:s12], [sflag:$0x3], $0x1000, $0x38;
	[tilespmem:$0x1F800] =	vst v63  }
0x149: {  	_ =	swait.ge [sflag:s1], $0x1000  }
0x14a: {  	[sflag:s1] =	ssyncset.done $0x0  }
0x14b: {  	s11 =	rddreg [dreg:$0xd];
	[sflag:s1] =	ssyncadd.s32 $0xFFFFF000  }
0x14c: {  	[spmem:s11] =	stream.linear.scatter [tilespmem:s12], [sflag:$0x3], $0x1000, $0x38;
	[tilespmem:$0x1F800] =	vst v63  }
0x14d: {  	_ =	swait.ge [sflag:s1], $0x1000  }
0x14e: {  	[sflag:s1] =	ssyncset.done $0x0  }
0x14f: {  	s22 =	rddreg [dreg:$0xe];
	[sflag:s1] =	ssyncadd.s32 $0xFFFFF000  }
0x150: {  	[spmem:s22] =	stream.linear.scatter [tilespmem:s12], [sflag:$0x3], $0x1000, $0x38;
	[tilespmem:$0x1F800] =	vst v63  }
0x151: {  	_ =	swait.ge [sflag:s1], $0x1000  }
0x152: {  	[sflag:s1] =	ssyncset.done $0x0  }
0x153: {  	s26 =	rddreg [dreg:$0xf];
	[sflag:s1] =	ssyncadd.s32 $0xFFFFF000  }
0x154: {  	[spmem:s26] =	stream.linear.scatter [tilespmem:s12], [sflag:$0x3], $0x1000, $0x38;
	[tilespmem:$0x1F800] =	vst v63  }
0x155: {  	_ =	swait.ge [sflag:s1], $0x1000  }
0x156: {  	[sflag:s1] =	ssyncset.done $0x0  }
0x157: {  	s28 =	rddreg [dreg:$0x10];
	[sflag:s1] =	ssyncadd.s32 $0xFFFFF000  }
0x158: {  	[spmem:s28] =	stream.linear.scatter [tilespmem:s12], [sflag:$0x3], $0x1000, $0x38;
	[tilespmem:$0x1F800] =	vst v63  }
0x159: {  	_ =	swait.ge [sflag:s1], $0x1000  }
0x15a: {  	[sflag:s1] =	ssyncset.done $0x0  }
0x15b: {  	s11 =	rddreg [dreg:$0x11];
	[sflag:s1] =	ssyncadd.s32 $0xFFFFF000  }
0x15c: {  	[spmem:s11] =	stream.linear.scatter [tilespmem:s12], [sflag:$0x3], $0x1000, $0x38;
	[tilespmem:$0x1F800] =	vst v63  }
0x15d: {  	_ =	swait.ge [sflag:s1], $0x1000  }
0x15e: {  	[sflag:s1] =	ssyncset.done $0x0  }
0x15f: {  	s22 =	rddreg [dreg:$0x12];
	[sflag:s1] =	ssyncadd.s32 $0xFFFFF000  }
0x160: {  	[spmem:s22] =	stream.linear.scatter [tilespmem:s12], [sflag:$0x3], $0x1000, $0x38;
	[tilespmem:$0x1F800] =	vst v63  }
0x161: {  	_ =	swait.ge [sflag:s1], $0x1000  }
0x162: {  	[sflag:s1] =	ssyncset.done $0x0  }
0x163: {  	s26 =	rddreg [dreg:$0x13];
	[sflag:s1] =	ssyncadd.s32 $0xFFFFF000  }
0x164: {  	[spmem:s26] =	stream.linear.scatter [tilespmem:s12], [sflag:$0x3], $0x1000, $0x38;
	[tilespmem:$0x1F800] =	vst v63  }
0x165: {  	_ =	swait.ge [sflag:s1], $0x1000  }
0x166: {  	[sflag:s1] =	ssyncset.done $0x0  }
0x167: {  	s28 =	rddreg [dreg:$0x14];
	[sflag:s1] =	ssyncadd.s32 $0xFFFFF000  }
0x168: {  	[spmem:s28] =	stream.linear.scatter [tilespmem:s12], [sflag:$0x3], $0x1000, $0x38;
	[tilespmem:$0x1F800] =	vst v63  }
0x169: {  	_ =	swait.ge [sflag:s1], $0x1000  }
0x16a: {  	[sflag:s1] =	ssyncset.done $0x0  }
0x16b: {  	[sflag:s1] =	ssyncadd.s32 $0xFFFFF000  }
0x16c: {  	[spmem:s31] =	stream.linear.scatter [tilespmem:s12], [sflag:$0x3], $0x1000, $0x38;
	[tilespmem:$0x1F800] =	vst v63  }
0x16d: {  	_ =	swait.ge [sflag:s1], $0x1000  }
0x16e: {  	[sflag:s1] =	ssyncset.done $0x0  }
0x16f: {  	s11 =	rddreg [dreg:$0x15];
	[sflag:s1] =	ssyncadd.s32 $0xFFFFF000  }
0x170: {  	[spmem:s11] =	stream.linear.scatter [tilespmem:s12], [sflag:$0x3], $0x1000, $0x38;
	[tilespmem:$0x1F800] =	vst v63  }
0x171: {  	_ =	swait.ge [sflag:s1], $0x1000  }
0x172: {  	[sflag:s1] =	ssyncset.done $0x0  }
0x173: {  	[sflag:s1] =	ssyncadd.s32 $0xFFFFF000  }
0x174: {  	[spmem:s0] =	stream.linear.scatter [tilespmem:s12], [sflag:$0x3], $0x1000, $0x38;
	[tilespmem:$0x1F800] =	vst v63  }
0x175: {  	_ =	swait.ge [sflag:s1], $0x1000  }
0x176: {  	[sflag:s1] =	ssyncset.done $0x0  }
0x177: {  	[sflag:s1] =	ssyncadd.s32 $0xFFFFF000  }
0x178: {  	s22 =	simm.s32 $0x80;
	[bflag:$0x0] =	sbarrier.arrive $0xFFFF  }
0x179: {  	[tilespmem:s13], [sflag:$0x2] =	stream.indirect.gather [hbm4b:s9+s8], $0x80, s22, s8, $0xb8;
	[tilespmem:$0x1F800] =	vst v63  }
0x17a: {  	_ =	swait.ge [sflag:s14], $0x4000  }
0x17b: {  	[sflag:s14] =	ssyncset.done $0x0  }
0x17c: {  	s26 =	simm.s32 $0x1400;
	[sflag:s14] =	ssyncadd.s32 $0xFFFFC000  }
0x17d: {  	[spmem:s2] =	stream.indirect.scatter.add.f32 [tilespmem:s4], [sflag:$0x3], $0x80, s26, s8, $0xb8;
	[tilespmem:$0x1F800] =	vst v63  }
0x17e: {  	_ =	swait.ge [sflag:s1], $0x4000  }
0x17f: {  	[sflag:s1] =	ssyncset.done $0x0  }
0x180: {  	s28 =	simm.s32 $0x100;
	[sflag:s1] =	ssyncadd.s32 $0xFFFFC000  }
0x181: {  	[tilespmem:s4], [sflag:$0x1] =	stream.indirect.gather [hbm4b:s9+s8], $0x80, s28, s8, $0xb8;
	[tilespmem:$0x1F800] =	vst v63  }
0x182: {  	_ =	swait.ge [sflag:s15], $0x4000  }
0x183: {  	[sflag:s15] =	ssyncset.done $0x0  }
0x184: {  	s30 =	smov.u32 s31;
	s31 =	simm.s32 $0x1480;
	[sflag:s15] =	ssyncadd.s32 $0xFFFFC000  }
0x185: {  	[spmem:s2] =	stream.indirect.scatter.add.f32 [tilespmem:s13], [sflag:$0x3], $0x80, s31, s8, $0xb8;
	[tilespmem:$0x1F800] =	vst v63  }
0x186: {  	_ =	swait.ge [sflag:s1], $0x4000  }
0x187: {  	s11 =	simm.s32 $0x800;
	s22 =	simm.s32 $0x100;
	[sflag:s1] =	ssyncset.done $0x0  }
.LBB2_10:
0x188: {  	s26 =	sadd.s32 $0x80, s22  }
0x189: {  	[sflag:s1] =	ssyncadd.s32 $0xFFFFC000;
	s28 =	smov.u32 s11;
	s10 =	sadd.s32 $0x400, s11  }
0x18a: {  	[tilespmem:s13], [sflag:$0x2] =	stream.indirect.gather [hbm4b:s9+s8], $0x80, s26, s8, $0xb8;
	[tilespmem:$0x1F800] =	vst v63  }
0x18b: {  	p0 =	sne.s32 s11, $0x4800;
	_ =	swait.ge [sflag:s14], $0x4000  }
0x18c: {  	[sflag:s14] =	ssyncset.done $0x0  }
0x18d: {  	s11 =	sadd.s32 $0x1400, s22;
	[sflag:s14] =	ssyncadd.s32 $0xFFFFC000  }
0x18e: {  	[spmem:s2] =	stream.indirect.scatter.add.f32 [tilespmem:s4], [sflag:$0x3], $0x80, s11, s8, $0xb8;
	[tilespmem:$0x1F800] =	vst v63  }
0x18f: {  	_ =	swait.ge [sflag:s1], $0x4000  }
0x190: {  	[sflag:s1] =	ssyncset.done $0x0  }
0x191: {  	s11 =	sadd.s32 $0x100, s22;
	[sflag:s1] =	ssyncadd.s32 $0xFFFFC000  }
0x192: {  	[tilespmem:s4], [sflag:$0x1] =	stream.indirect.gather [hbm4b:s9+s8], $0x80, s11, s8, $0xb8;
	[tilespmem:$0x1F800] =	vst v63  }
0x193: {  	_ =	swait.ge [sflag:s15], $0x4000  }
.Ltmp4:
0x194: {  	[sflag:s15] =	ssyncset.done $0x0;
	(pc) =	sbr.rel @p0 .LBB2_10-.Ltmp4, $4  }
0x195: {  	s11 =	sadd.s32 $0x1480, s22;
	[sflag:s15] =	ssyncadd.s32 $0xFFFFC000  }
0x196: {  	[spmem:s2] =	stream.indirect.scatter.add.f32 [tilespmem:s13], [sflag:$0x3], $0x80, s11, s8, $0xb8;
	[tilespmem:$0x1F800] =	vst v63  }
0x197: {  	_ =	swait.ge [sflag:s1], $0x4000  }
0x198: {  	s22 =	sshra.s32 s28, $0x2;
	s11 =	smov.u32 s10;
	[sflag:s1] =	ssyncset.done $0x0  }
0x199: {  	s10 =	sadd.s32 $0x80, s22;
	[sflag:s1] =	ssyncadd.s32 $0xFFFFC000  }
0x19a: {  	[tilespmem:s13], [sflag:$0x2] =	stream.indirect.gather [hbm4b:s9+s8], $0x80, s10, s8, $0xb8;
	[tilespmem:$0x1F800] =	vst v63  }
0x19b: {  	_ =	swait.ge [sflag:s14], $0x4000  }
0x19c: {  	[sflag:s14] =	ssyncset.done $0x0  }
0x19d: {  	s11 =	sadd.s32 $0x1400, s22;
	[sflag:s14] =	ssyncadd.s32 $0xFFFFC000  }
0x19e: {  	[spmem:s2] =	stream.indirect.scatter.add.f32 [tilespmem:s4], [sflag:$0x3], $0x80, s11, s8, $0xb8;
	[tilespmem:$0x1F800] =	vst v63  }
0x19f: {  	_ =	swait.ge [sflag:s1], $0x4000  }
0x1a0: {  	[sflag:s1] =	ssyncset.done $0x0  }
0x1a1: {  	s26 =	sadd.s32 $0x100, s22;
	[sflag:s1] =	ssyncadd.s32 $0xFFFFC000  }
0x1a2: {  	[tilespmem:s4], [sflag:$0x1] =	stream.indirect.gather [hbm4b:s9+s8], $0x80, s26, s8, $0xb8;
	[tilespmem:$0x1F800] =	vst v63  }
0x1a3: {  	_ =	swait.ge [sflag:s15], $0x4000  }
0x1a4: {  	[sflag:s15] =	ssyncset.done $0x0  }
0x1a5: {  	s31 =	sadd.s32 $0x1480, s22;
	[sflag:s15] =	ssyncadd.s32 $0xFFFFC000  }
0x1a6: {  	[spmem:s2] =	stream.indirect.scatter.add.f32 [tilespmem:s13], [sflag:$0x3], $0x80, s31, s8, $0xb8;
	[tilespmem:$0x1F800] =	vst v63  }
0x1a7: {  	_ =	swait.ge [sflag:s1], $0x4000  }
0x1a8: {  	[sflag:s1] =	ssyncset.done $0x0  }
0x1a9: {  	[sflag:s1] =	ssyncadd.s32 $0xFFFFC000  }
0x1aa: {  	[tilespmem:s13], [sflag:$0x2] =	stream.indirect.gather [hbm4b:s9+s8], $0x80, s16, s8, $0xb8;
	[tilespmem:$0x1F800] =	vst v63  }
0x1ab: {  	_ =	swait.ge [sflag:s14], $0x4000  }
0x1ac: {  	[sflag:s14] =	ssyncset.done $0x0  }
0x1ad: {  	[sflag:s14] =	ssyncadd.s32 $0xFFFFC000  }
0x1ae: {  	[spmem:s2] =	stream.indirect.scatter.add.f32 [tilespmem:s4], [sflag:$0x3], $0x80, s17, s8, $0xb8;
	[tilespmem:$0x1F800] =	vst v63  }
0x1af: {  	_ =	swait.ge [sflag:s1], $0x4000  }
0x1b0: {  	[sflag:s1] =	ssyncset.done $0x0  }
0x1b1: {  	[sflag:s1] =	ssyncadd.s32 $0xFFFFC000  }
0x1b2: {  	_ =	swait.ge [sflag:s15], $0x4000  }
0x1b3: {  	[sflag:s15] =	ssyncset.done $0x0  }
0x1b4: {  	[sflag:s15] =	ssyncadd.s32 $0xFFFFC000  }
0x1b5: {  	[spmem:s2] =	stream.indirect.scatter.add.f32 [tilespmem:s13], [sflag:$0x3], $0x80, s18, s8, $0xb8;
	[tilespmem:$0x1F800] =	vst v63  }
0x1b6: {  	_ =	swait.ge [sflag:s1], $0x4000  }
0x1b7: {  	[sflag:s1] =	ssyncset.done $0x0  }
0x1b8: {  	s11 =	simm.s32 $0x0;
	[sflag:s1] =	ssyncadd.s32 $0xFFFFC000  }
0x1b9: {  	[tilespmem:s11], [sflag:$0x3] =	stream.linear.gather [hbm4b:s29+s11], $0x1400, $0x38;
	[tilespmem:$0x1F800] =	vst v63  }
0x1ba: {  	_ =	swait.ge [sflag:s1], $0x1400  }
0x1bb: {  	[sflag:s1] =	ssyncset.done $0x0  }
0x1bc: {  	s28 =	smov.u32 s29;
	s29 =	simm.s32 $0x1400;
	[sflag:s1] =	ssyncadd.s32 $0xFFFFEC00  }
0x1bd: {  	[tilespmem:s29], [sflag:$0x3] =	stream.linear.gather [hbm4b:s20+s11], $0x1400, $0x38;
	[tilespmem:$0x1F800] =	vst v63  }
0x1be: {  	_ =	swait.ge [sflag:s1], $0x1400  }
0x1bf: {  	[sflag:s1] =	ssyncset.done $0x0  }
0x1c0: {  	[sflag:s1] =	ssyncadd.s32 $0xFFFFEC00  }
0x1c1: {  	[tilespmem:s4], [sflag:$0x1] =	stream.indirect.gather [hbm4b:s9+s8], $0x80, s11, s8, $0xb8;
	[tilespmem:$0x1F800] =	vst v63  }
0x1c2: {  	s20 =	simm.s32 $0x80  }
0x1c3: {  	[tilespmem:s13], [sflag:$0x2] =	stream.indirect.gather [hbm4b:s9+s8], $0x80, s20, s8, $0xb8;
	[tilespmem:$0x1F800] =	vst v63  }
0x1c4: {  	_ =	swait.ge [sflag:s14], $0x4000  }
0x1c5: {  	[sflag:s14] =	ssyncset.done $0x0  }
0x1c6: {  	s22 =	simm.s32 $0x1400;
	[sflag:s14] =	ssyncadd.s32 $0xFFFFC000  }
0x1c7: {  	[spmem:s2] =	stream.indirect.scatter.add.f32 [tilespmem:s4], [sflag:$0x3], $0x80, s22, s8, $0xb8;
	[tilespmem:$0x1F800] =	vst v63  }
0x1c8: {  	_ =	swait.ge [sflag:s1], $0x4000  }
0x1c9: {  	[sflag:s1] =	ssyncset.done $0x0  }
0x1ca: {  	s26 =	simm.s32 $0x100;
	[sflag:s1] =	ssyncadd.s32 $0xFFFFC000  }
0x1cb: {  	[tilespmem:s4], [sflag:$0x1] =	stream.indirect.gather [hbm4b:s9+s8], $0x80, s26, s8, $0xb8;
	[tilespmem:$0x1F800] =	vst v63  }
0x1cc: {  	_ =	swait.ge [sflag:s15], $0x4000  }
0x1cd: {  	[sflag:s15] =	ssyncset.done $0x0  }
0x1ce: {  	s31 =	simm.s32 $0x1480;
	[sflag:s15] =	ssyncadd.s32 $0xFFFFC000  }
0x1cf: {  	[spmem:s2] =	stream.indirect.scatter.add.f32 [tilespmem:s13], [sflag:$0x3], $0x80, s31, s8, $0xb8;
	[tilespmem:$0x1F800] =	vst v63  }
0x1d0: {  	_ =	swait.ge [sflag:s1], $0x4000  }
0x1d1: {  	s11 =	simm.s32 $0x800;
	s20 =	simm.s32 $0x100;
	[sflag:s1] =	ssyncset.done $0x0  }
.LBB2_12:
0x1d2: {  	s10 =	sadd.s32 $0x80, s20  }
0x1d3: {  	[sflag:s1] =	ssyncadd.s32 $0xFFFFC000;
	s22 =	smov.u32 s11;
	s26 =	sadd.s32 $0x400, s11  }
0x1d4: {  	[tilespmem:s13], [sflag:$0x2] =	stream.indirect.gather [hbm4b:s9+s8], $0x80, s10, s8, $0xb8;
	[tilespmem:$0x1F800] =	vst v63  }
0x1d5: {  	p0 =	sne.s32 s11, $0x4800;
	_ =	swait.ge [sflag:s14], $0x4000  }
0x1d6: {  	[sflag:s14] =	ssyncset.done $0x0  }
0x1d7: {  	s10 =	sadd.s32 $0x1400, s20;
	[sflag:s14] =	ssyncadd.s32 $0xFFFFC000  }
0x1d8: {  	[spmem:s2] =	stream.indirect.scatter.add.f32 [tilespmem:s4], [sflag:$0x3], $0x80, s10, s8, $0xb8;
	[tilespmem:$0x1F800] =	vst v63  }
0x1d9: {  	_ =	swait.ge [sflag:s1], $0x4000  }
0x1da: {  	[sflag:s1] =	ssyncset.done $0x0  }
0x1db: {  	s10 =	sadd.s32 $0x100, s20;
	[sflag:s1] =	ssyncadd.s32 $0xFFFFC000  }
0x1dc: {  	[tilespmem:s4], [sflag:$0x1] =	stream.indirect.gather [hbm4b:s9+s8], $0x80, s10, s8, $0xb8;
	[tilespmem:$0x1F800] =	vst v63  }
0x1dd: {  	_ =	swait.ge [sflag:s15], $0x4000  }
.Ltmp5:
0x1de: {  	[sflag:s15] =	ssyncset.done $0x0;
	(pc) =	sbr.rel @p0 .LBB2_12-.Ltmp5, $4  }
0x1df: {  	s10 =	sadd.s32 $0x1480, s20;
	[sflag:s15] =	ssyncadd.s32 $0xFFFFC000  }
0x1e0: {  	[spmem:s2] =	stream.indirect.scatter.add.f32 [tilespmem:s13], [sflag:$0x3], $0x80, s10, s8, $0xb8;
	[tilespmem:$0x1F800] =	vst v63  }
0x1e1: {  	_ =	swait.ge [sflag:s1], $0x4000  }
0x1e2: {  	s11 =	smov.u32 s26;
	s20 =	sshra.s32 s22, $0x2;
	[sflag:s1] =	ssyncset.done $0x0  }
0x1e3: {  	s10 =	sadd.s32 $0x80, s20;
	[sflag:s1] =	ssyncadd.s32 $0xFFFFC000  }
0x1e4: {  	[tilespmem:s13], [sflag:$0x2] =	stream.indirect.gather [hbm4b:s9+s8], $0x80, s10, s8, $0xb8;
	[tilespmem:$0x1F800] =	vst v63  }
0x1e5: {  	_ =	swait.ge [sflag:s14], $0x4000  }
0x1e6: {  	[sflag:s14] =	ssyncset.done $0x0  }
0x1e7: {  	s11 =	sadd.s32 $0x1400, s20;
	[sflag:s14] =	ssyncadd.s32 $0xFFFFC000  }
0x1e8: {  	[spmem:s2] =	stream.indirect.scatter.add.f32 [tilespmem:s4], [sflag:$0x3], $0x80, s11, s8, $0xb8;
	[tilespmem:$0x1F800] =	vst v63  }
0x1e9: {  	_ =	swait.ge [sflag:s1], $0x4000  }
0x1ea: {  	[sflag:s1] =	ssyncset.done $0x0  }
0x1eb: {  	s22 =	sadd.s32 $0x100, s20;
	[sflag:s1] =	ssyncadd.s32 $0xFFFFC000  }
0x1ec: {  	[tilespmem:s4], [sflag:$0x1] =	stream.indirect.gather [hbm4b:s9+s8], $0x80, s22, s8, $0xb8;
	[tilespmem:$0x1F800] =	vst v63  }
0x1ed: {  	_ =	swait.ge [sflag:s15], $0x4000  }
0x1ee: {  	[sflag:s15] =	ssyncset.done $0x0  }
0x1ef: {  	s26 =	sadd.s32 $0x1480, s20;
	[sflag:s15] =	ssyncadd.s32 $0xFFFFC000  }
0x1f0: {  	[spmem:s2] =	stream.indirect.scatter.add.f32 [tilespmem:s13], [sflag:$0x3], $0x80, s26, s8, $0xb8;
	[tilespmem:$0x1F800] =	vst v63  }
0x1f1: {  	_ =	swait.ge [sflag:s1], $0x4000  }
0x1f2: {  	[sflag:s1] =	ssyncset.done $0x0  }
0x1f3: {  	[sflag:s1] =	ssyncadd.s32 $0xFFFFC000  }
0x1f4: {  	[tilespmem:s13], [sflag:$0x2] =	stream.indirect.gather [hbm4b:s9+s8], $0x80, s16, s8, $0xb8;
	[tilespmem:$0x1F800] =	vst v63  }
0x1f5: {  	_ =	swait.ge [sflag:s14], $0x4000  }
0x1f6: {  	[sflag:s14] =	ssyncset.done $0x0  }
0x1f7: {  	[sflag:s14] =	ssyncadd.s32 $0xFFFFC000  }
0x1f8: {  	[spmem:s2] =	stream.indirect.scatter.add.f32 [tilespmem:s4], [sflag:$0x3], $0x80, s17, s8, $0xb8;
	[tilespmem:$0x1F800] =	vst v63  }
0x1f9: {  	_ =	swait.ge [sflag:s1], $0x4000  }
0x1fa: {  	[sflag:s1] =	ssyncset.done $0x0  }
0x1fb: {  	[sflag:s1] =	ssyncadd.s32 $0xFFFFC000  }
0x1fc: {  	_ =	swait.ge [sflag:s15], $0x4000  }
0x1fd: {  	[sflag:s15] =	ssyncset.done $0x0  }
0x1fe: {  	[sflag:s15] =	ssyncadd.s32 $0xFFFFC000  }
0x1ff: {  	[spmem:s2] =	stream.indirect.scatter.add.f32 [tilespmem:s13], [sflag:$0x3], $0x80, s18, s8, $0xb8;
	[tilespmem:$0x1F800] =	vst v63  }
0x200: {  	_ =	swait.ge [sflag:s1], $0x4000  }
0x201: {  	[sflag:s1] =	ssyncset.done $0x0  }
0x202: {  	[sflag:s1] =	ssyncadd.s32 $0xFFFFC000  }
0x203: {  	s31 =	sadd.s32 $0x0, s24;
	[bflag:$0x0] =	sbarrier.arrive $0xFFFF  }
0x204: {  	[hbm:s31], [sflag:s19] =	dma.local [spmem:s21], $0x200  }
0x205: {  	_ =	swait.ge [sflag:s1], $0x200  }
0x206: {  	s20 =	simm.s32 $0x200;
	s11 =	sadd.s32 $0x1000, s7;
	[sflag:s1] =	ssyncset.done $0x0  }
.LBB2_14:
0x207: {  	s10 =	sadd.s32 s20, s24  }
0x208: {  	s21 =	sshrl.u32 s11, $0x3;
	[sflag:s1] =	ssyncadd.s32 $0xFFFFFE00;
	p0 =	sne.s32 s20, $0x2600  }
0x209: {  	[hbm:s10], [sflag:s19] =	dma.local [spmem:s21], $0x200  }
.Ltmp6:
0x20a: {  	_ = 	snop;
	(pc) =	sbr.rel @p0 .LBB2_14-.Ltmp6, $4  }
0x20b: {  	_ = 	snop  }
0x20c: {  	s20 =	sadd.s32 $0x200, s20  }
0x20d: {  	_ =	swait.ge [sflag:s1], $0x200  }
0x20e: {  	s11 =	sadd.s32 $0x1000, s11;
	[sflag:s1] =	ssyncset.done $0x0  }
0x20f: {  	s3 =	sadd.s32 $0x1, s3;
	s10 =	rddreg [dreg:$0x5]  }
0x210: {  	p0 =	sne.s32 s3, s10  }
.Ltmp7:
0x211: {  	_ = 	snop;
	(pc) =	sbr.rel @p0 .LBB2_1-.Ltmp7, $2  }
0x212: {  	_ =	sdelay $0x2  }
0x213: {  	[sflag:s1] =	ssyncadd.s32 $0xFFFFFE00  }
0x214: {  	_ =	sfence.sel $0x180000  }
0x215: {  	[bflag:$0x0] =	sbarrier.arrive $0xFFFF  }
0x216: {  	_ =	strace $0x9000004A  }
0x217: {  	s0 =	stileid.u32;
	[bflag:$0x2] =	sbarrier.arrive $0xFFFF  }
0x218: {  	p0 =	sne.s32 s0, $0x0;
	s0 =	rddreg [dreg:$0x3]  }
0x219: {  	s0 =	sadd.s32 @!p0 $0x100000, s0  }
0x21a: {  	[sflag:s0] =	ssyncadd.tile.s32 @!p0 $0x1;
	_ =	shalt  }
.Lfunc_end2:
_tile_overlayer_lowered:
.L_overlay_start_2:
0x21b: {  	(tag) =	ssettag $0x2  }
0x21c: {  	s0 =	rddreg [dreg:$0x0];
	s2 =	stileid.u32  }
0x21d: {  	s1 =	rddreg [dreg:$0x1];
	p0 =	sne.s32 s2, $0x0  }
0x21e: {  	s3 =	rddreg [dreg:$0x2];
	[bflag:$0x3] =	sbarrier.arrive $0xFFFF;
	s2 =	simm.s32 @!p0 $0x1C03  }
0x21f: {  	[timem:s3], [sflag:s2] =	dma.local @!p0 [hbm:s0], s1  }
0x220: {  	s0 =	simm.s32 @!p0 $0x3  }
0x221: {  	_ =	swait.ge @!p0 [sflag:s0], s1  }
0x222: {  	s1 =	ssub.s32 @!p0 $0x0, s1;
	[sflag:s0] =	ssyncset.done @!p0 $0x0  }
0x223: {  	[sflag:s0] =	ssyncadd.s32 @!p0 s1  }
0x224: {  	[bflag:$0x3] =	sbarrier.arrive $0xFFFF  }
0x225: {  	_ =	shalt  }

// kernel: kernel.14.cloned.1.call-start
scs
__scs_entry_jumppad:
0x0: {  	(pc) =	sbr.rel $0x88, $3  }
0x1: {  	(tag) =	ssettag $0x0;
	lr =	simm.s32 $0x1  }
0x2: {  	[smem:$0x3F9B] =	sst lr;
	_ =	strace $0xD0000000  }
0x3: {  	_ = 	snop  }
0x4: {  	_ = 	snop  }
0x5: {  	_ = 	snop  }
0x6: {  	_ = 	snop  }
0x7: {  	_ = 	snop  }
__scs_overlays_trampoline_lowered:
0x8: {  	[smem:$0x3FAA] =	sst s0  }
0x9: {  	[smem:$0x3FAB] =	sst s1  }
0xa: {  	[smem:$0x3FAC] =	sst s2  }
0xb: {  	[smem:$0x3FAD] =	sst s3  }
0xc: {  	[smem:$0x3FAE] =	sst s4  }
0xd: {  	[smem:$0x3FAF] =	sst s5  }
0xe: {  	[smem:$0x3FB0] =	sst s6  }
0xf: {  	[smem:$0x3FB1] =	sst s7  }
0x10: {  	[smem:$0x3FB2] =	sst s8  }
0x11: {  	[smem:$0x3FB3] =	sst s9;
	s0 =	simm.s32 @!p0 $0x0  }
0x12: {  	s1 =	sld [smem:$0x3F99];
	s0 =	simm.s32 @p0 $0x1  }
0x13: {  	[smem:$0x3FB4] =	sst s0;
	s0 =	simm.s32 @!p1 $0x0  }
0x14: {  	s2 =	sld [smem:$0x3F98];
	s0 =	simm.s32 @p1 $0x1  }
0x15: {  	[smem:$0x3FB5] =	sst s0;
	s0 =	simm.s32 @!p2 $0x0  }
0x16: {  	s3 =	sld [smem:$0x3FDB];
	s0 =	simm.s32 @p2 $0x1  }
0x17: {  	s4 =	simm.s32 $0x1BF5;
	[smem:$0x3FB7] =	sst s0  }
0x18: {  	s0 =	sld [smem:$0x3F9A];
	_ =	swait.ge [sflag:s4], $0x0  }
0x19: {  	s7 =	sld [smem:$0x3F9B]  }
0x1a: {  	s8 =	sadd.s32 $0xFFFFE003, lr  }
0x1b: {  	s9 =	sadd.s32 $0xFFFFFEF7, lr;
	s5 =	simm.s32 $0xFFFFFFFF;
	p2 =	slt.u32 s8, $0xFFFFF086  }
0x1c: {  	p1 =	slt.u32 s9, $0xF7A;
	s5 =	simm.s32 @!p2 $0x0  }
0x1d: {  	s5 =	simm.s32 @p1 $0x1;
	p0 =	seq.s32 s7, s2  }
0x1e: {  	s7 =	smul.u32 @!p0 $0xF7A, s2;
	p2 =	seq.s32 @!p0 s5, $0x0  }
0x1f: {  	s9 =	smul.u32 $0xF7A, s1;
	s8 =	simm.s32 @!p0 $0x1BF5;
	p2 =	por !p2, p0  }
0x20: {  	[sflag:s8] =	ssyncset.s32 @!p0 $0xFFFFF086;
	s6 =	sadd.s32 @!p0 s3, s7;
	s7 =	simm.s32 @!p0 $0x108  }
0x21: {  	s3 =	sadd.s32 s3, s9;
	s6 =	sadd.s32 @!p0 $0x88, s6;
	s7 =	simm.s32 @p2 $0x1082  }
0x22: {  	[simem:s7], [sflag:s8] =	dma.local @!p0 [hbm:s6], $0xF7A  }
0x23: {  	s9 =	sor.u32 $0xD0000000, s2;
	s6 =	simm.s32 $0x108;
	_ =	swait.ge @!p0 [sflag:s8], $0x0  }
0x24: {  	s3 =	sadd.s32 $0x88, s3;
	s6 =	simm.s32 @!p1 $0x1082;
	[sflag:s4] =	ssyncset.s32 $0xFFFFF086  }
0x25: {  	[simem:s6], [sflag:s4] =	dma.local [hbm:s3], $0xF7A  }
0x26: {  	[smem:$0x3F9B] =	sst s1;
	(tag) =	ssettag s2;
	_ =	strace s9  }
0x27: {  	s1 =	sld [smem:$0x3FAB]  }
0x28: {  	s2 =	sld [smem:$0x3FAC]  }
0x29: {  	s4 =	sld [smem:$0x3FAE]  }
0x2a: {  	p0 =	seq.s32 s5, $0x0;
	s5 =	sld [smem:$0x3FAF]  }
0x2b: {  	s6 =	sld [smem:$0x3FB0]  }
0x2c: {  	s7 =	sld [smem:$0x3FB1]  }
0x2d: {  	s3 =	simm.s32 $0x108;
	s8 =	sld [smem:$0x3FB2]  }
0x2e: {  	s3 =	simm.s32 @!p0 $0x1082;
	s9 =	sld [smem:$0x3FB3]  }
0x2f: {  	lr =	sadd.s32 s0, s3;
	s0 =	sld [smem:$0x3FAA]  }
0x30: {  	s3 =	sld [smem:$0x3FAD]  }
0x31: {  	[smem:$0x3FB6] =	sst s10  }
0x32: {  	s10 =	sld [smem:$0x3FB4];
	_ =	sdelay $0x3  }
0x33: {  	p0 =	seq.s32 s10, $0x1;
	s10 =	sld [smem:$0x3FB6];
	_ =	sdelay $0x3  }
0x34: {  	[smem:$0x3FB6] =	sst s10  }
0x35: {  	s10 =	sld [smem:$0x3FB5];
	_ =	sdelay $0x3  }
0x36: {  	p1 =	seq.s32 s10, $0x1;
	s10 =	sld [smem:$0x3FB6];
	_ =	sdelay $0x3  }
0x37: {  	[smem:$0x3FB6] =	sst s10  }
0x38: {  	s10 =	sld [smem:$0x3FB7]  }
0x39: {  	_ = 	snop;
	(pc) =	sbr.ind lr, $3  }
0x3a: {  	_ = 	snop  }
0x3b: {  	_ = 	snop  }
0x3c: {  	p2 =	seq.s32 s10, $0x1;
	s10 =	sld [smem:$0x3FB6]  }
0x3d: {  	_ =	shalt  }
0x3e: {  	_ =	shalt  }
0x3f: {  	_ =	shalt  }
0x40: {  	_ =	shalt  }
0x41: {  	_ =	shalt  }
0x42: {  	_ =	shalt  }
0x43: {  	_ =	shalt  }
0x44: {  	_ =	shalt  }
0x45: {  	_ =	shalt  }
0x46: {  	_ =	shalt  }
0x47: {  	_ =	shalt  }
0x48: {  	_ =	shalt  }
0x49: {  	_ =	shalt  }
0x4a: {  	_ =	shalt  }
0x4b: {  	_ =	shalt  }
0x4c: {  	_ =	shalt  }
0x4d: {  	_ =	shalt  }
0x4e: {  	_ =	shalt  }
0x4f: {  	_ =	shalt  }
0x50: {  	_ =	shalt  }
0x51: {  	_ =	shalt  }
0x52: {  	_ =	shalt  }
0x53: {  	_ =	shalt  }
0x54: {  	_ =	shalt  }
0x55: {  	_ =	shalt  }
0x56: {  	_ =	shalt  }
0x57: {  	_ =	shalt  }
0x58: {  	_ =	shalt  }
0x59: {  	_ =	shalt  }
0x5a: {  	_ =	shalt  }
0x5b: {  	_ =	shalt  }
0x5c: {  	_ =	shalt  }
0x5d: {  	_ =	shalt  }
0x5e: {  	_ =	shalt  }
0x5f: {  	_ =	shalt  }
0x60: {  	_ =	shalt  }
0x61: {  	_ =	shalt  }
0x62: {  	_ =	shalt  }
0x63: {  	_ =	shalt  }
0x64: {  	_ =	shalt  }
0x65: {  	_ =	shalt  }
0x66: {  	_ =	shalt  }
0x67: {  	_ =	shalt  }
0x68: {  	_ =	shalt  }
0x69: {  	_ =	shalt  }
0x6a: {  	_ =	shalt  }
0x6b: {  	_ =	shalt  }
0x6c: {  	_ =	shalt  }
0x6d: {  	_ =	shalt  }
0x6e: {  	_ =	shalt  }
0x6f: {  	_ =	shalt  }
0x70: {  	_ =	shalt  }
0x71: {  	_ =	shalt  }
0x72: {  	_ =	shalt  }
0x73: {  	_ =	shalt  }
0x74: {  	_ =	shalt  }
0x75: {  	_ =	shalt  }
0x76: {  	_ =	shalt  }
0x77: {  	_ =	shalt  }
0x78: {  	_ =	shalt  }
0x79: {  	_ =	shalt  }
0x7a: {  	_ =	shalt  }
0x7b: {  	_ =	shalt  }
0x7c: {  	_ =	shalt  }
0x7d: {  	_ =	shalt  }
0x7e: {  	_ =	shalt  }
0x7f: {  	_ =	shalt  }
0x80: {  	_ =	shalt  }
0x81: {  	_ =	shalt  }
0x82: {  	_ =	shalt  }
0x83: {  	_ =	shalt  }
0x84: {  	_ =	shalt  }
0x85: {  	_ =	shalt  }
0x86: {  	_ =	shalt  }
0x87: {  	_ =	shalt  }
.Lfunc_end0:
.L_simem_size_0:
called_computation.2_lowered:
.L_overlay_start_0:
0x88: {  	s2 =	sld [smem:$0x3FD9]  }
0x89: {  	s3 =	sld [smem:$0x3FFE];
	_ =	sdelay $0x1  }
0x8a: {  	s1 =	srdreg.scid  }
0x8b: {  	s0 =	sand.u32 $0x1, s1  }
0x8c: {  	s17 =	sshll.u32 s0, $0xA;
	s2 =	sadd.s32 s3, s2  }
0x8d: {  	s2 =	sadd.s32 s2, s17  }
0x8e: {  	[smem:$0x3FC2] =	sst s2  }
0x8f: {  	_ = 	snop  }
0x90: {  	s2 =	sld [smem:$0x3FD0];
	(tm) =	ssettm $0x1  }
0x91: {  	s18 =	sld [smem:$0x3FFB];
	_ =	sdelay $0x3  }
0x92: {  	_ =	strace s18  }
0x93: {  	s3 =	sld [smem:$0x3FFC];
	_ =	sdelay $0x3  }
0x94: {  	_ =	strace s3  }
0x95: {  	s3 =	sld [smem:$0x3FFD];
	_ =	sdelay $0x3  }
0x96: {  	_ =	strace s3  }
0x97: {  	_ =	strace $0x8FFFFFFF  }
0x98: {  	s19 =	sld [smem:$0x3FDB];
	_ =	sdelay $0x1  }
0x99: {  	s4 =	simm.s32 $_scs_section_size  }
0x9a: {  	s5 =	simm.s32 $_size__tile_overlayer_lowered;
	s6 =	simm.s32 $_tile_overlayer_lowered  }
0x9b: {  	s22 =	simm.s32 $0x1BFF;
	s21 =	sshll.u32 s6, $0x1;
	s3 =	sadd.s32 s4, s19  }
0x9c: {  	s7 =	simm.s32 $0x0;
	s20 =	sshll.u32 s5, $0x1;
	s5 =	sadd.s32 s21, s3  }
0x9d: {  	[timem:s7], [sflag:s22] =	dma.local [hbm:s5], s20  }
0x9e: {  	_ =	swait.ge [sflag:s22], s20  }
0x9f: {  	s4 =	ssub.s32 $0x0, s20;
	[sflag:s22] =	ssyncset.done $0x0  }
0xa0: {  	[sflag:s22] =	ssyncadd.s32 s4;
	_ =	sdelay $0x1  }
0xa1: {  	s23 =	simm.s32 $0x1B8B  }
0xa2: {  	_ =	swait.ge [sflag:s23], $0x1  }
0xa3: {  	[sflag:s23] =	ssyncset.done $0x0  }
0xa4: {  	s25 =	simm.s32 $0x1B8E;
	s24 =	sld [smem:$0x3FFE];
	[sflag:s23] =	ssyncadd.s32 $0xFFFFFFFF  }
0xa5: {  	s26 =	simm.s32 $execute0_lowered;
	[smem:$0x3FD2] =	sst s25  }
0xa6: {  	s5 =	sshll.u32 s26, $0x1;
	_ =	strace $0x8000004C;
	[dreg:$0x1] =	wrdreg $0xFFFFFFFF  }
0xa7: {  	s28 =	simm.s32 $_size_execute0_lowered;
	s3 =	sadd.s32 s3, s5;
	[dreg:$0x0] =	wrdreg $0x0  }
0xa8: {  	s5 =	sshll.u32 s28, $0x1;
	[dreg:$0x2] =	wrdreg s3  }
0xa9: {  	[dreg:$0x3] =	wrdreg s5  }
0xaa: {  	[dreg:$0x4] =	wrdreg $0xC0  }
0xab: {  	_ =	task [dreg:s7], $0x5FFFF  }
0xac: {  	[dreg:$0x1] =	wrdreg $0xFFFFFFFF  }
0xad: {  	[dreg:$0x0] =	wrdreg $0x60  }
0xae: {  	[dreg:$0x2] =	wrdreg s24  }
0xaf: {  	[dreg:$0x3] =	wrdreg s2  }
0xb0: {  	[dreg:$0x4] =	wrdreg $0xB8000  }
0xb1: {  	[dreg:$0x5] =	wrdreg $0x9  }
0xb2: {  	_ =	task.clear_ibuf [dreg:s7], $0x6FFFF;
	_ =	strace $0x9000004C  }
0xb3: {  	s29 =	simm.s32 $0x9;
	_ =	strace $0x8000004E  }
0xb4: {  	_ =	swait.ge [sflag:s29], $0x1  }
0xb5: {  	[sflag:s29] =	ssyncadd.s32 $0xFFFFFFFF  }
0xb6: {  	_ =	strace $0x9000004E  }
0xb7: {  	_ =	sfence  }
0xb8: {  	s30 =	sld [smem:$0x0];
	_ =	sdelay $0x2  }
0xb9: {  	s31 =	sshll.u32 s1, $0xD;
	s1 =	sshrl.u32 s1, $0x2  }
0xba: {  	s3 =	sand.u32 $0x4000, s31;
	s1 =	sadd.s32 s1, s30  }
0xbb: {  	s0 =	sor.u32 s3, s0;
	s1 =	sshll.u32 s1, $0x11  }
0xbc: {  	s0 =	sor.u32 s1, s0  }
0xbd: {  	s0 =	sadd.s32 $0x8F2B, s0  }
0xbe: {  	[sflag:s0] =	ssyncadd.remote.s32 $0x1  }
0xbf: {  	_ =	sfence.sel $0xFFFF  }
0xc0: {  	[dreg:$0x0] =	wrdreg $0xFFFFFFFF;
	(pc) =	sbr.abs _section_cstart, $3  }
0xc1: {  	[dreg:$0x1] =	wrdreg $0xFFFFFFFF  }
0xc2: {  	_ =	task.clear_ibuf [dreg:s7], $0x2FFFF;
	_ =	strace $0x9FFFFFFF  }
0xc3: {  	(tm) =	ssettm $0x7FFFFFFF  }
tec
execute0_lowered:
.L_overlay_start_1:
0x0: {  	(tag) =	ssettag $0x1  }
0x1: {  	s0 =	rddreg [dreg:$0x0]  }
0x2: {  	s1 =	rddreg [dreg:$0x1]  }
0x3: {  	s2 =	rddreg [dreg:$0x2];
	s10 =	stileid.u32  }
0x4: {  	s3 =	simm.s32 $0x0;
	s4 =	srdreg.scid;
	s5 =	smul.u32 $0x500, s10  }
0x5: {  	s31 =	simm.s32 $0x3;
	[smem:$0x7FF] =	sst s3;
	s9 =	smul.u32 $0x50000, s10  }
0x6: {  	s4 =	sand.u32 $0x1, s4;
	s25 =	smul.u32 $0x2800, s10;
	_ =	strace $0x8000004D  }
0x7: {  	s6 =	smul.u32 $0x28000, s4;
	s4 =	ssub.s32 $0x2, s4;
	s7 =	sadd.s32 s5, s0  }
0x8: {  	s8 =	sshrl.u32 s4, $0x1;
	s11 =	sadd.s32 s1, s5;
	s12 =	sshrl.u32 s9, $0x2  }
0x9: {  	s1 =	simm.s32 $0x80;
	s9 =	simm.s32 $0xA800;
	s4 =	ssub.s32 s4, s8  }
0xa: {  	s5 =	sadd.s32 $0x1600, s7;
	[dreg:$0x4] =	wrdreg s11;
	s13 =	sadd.s32 $0x280, s11  }
0xb: {  	s7 =	sadd.s32 s12, s2;
	[dreg:$0x5] =	wrdreg s13;
	s14 =	smax.u32 s4, $0x1  }
0xc: {  	s0 =	sadd.s32 s6, s0;
	s15 =	sadd.s32 $0x2000, s7;
	[dreg:$0x6] =	wrdreg s14  }
0xd: {  	s8 =	simm.s32 $0x2800;
	s16 =	sadd.s32 $0x3000, s7;
	[dreg:$0x7] =	wrdreg s15  }
0xe: {  	s11 =	simm.s32 $0x6800;
	s17 =	sadd.s32 $0x4000, s7;
	[dreg:$0x8] =	wrdreg s16  }
0xf: {  	s12 =	simm.s32 $0x1;
	s19 =	sadd.s32 $0x5000, s7;
	[dreg:$0x9] =	wrdreg s17  }
0x10: {  	s6 =	sadd.s32 $0x6600, s0;
	s20 =	sadd.s32 $0x6000, s7;
	[dreg:$0xa] =	wrdreg s19  }
0x11: {  	s0 =	sadd.s32 $0x56600, s0;
	s21 =	sadd.s32 $0x7000, s7;
	[dreg:$0xb] =	wrdreg s20  }
0x12: {  	s18 =	sadd.s32 $0x1000, s7;
	s22 =	sadd.s32 $0x8000, s7;
	[dreg:$0xc] =	wrdreg s21  }
0x13: {  	s23 =	sadd.s32 $0x9000, s7;
	s24 =	sadd.s32 $0xA000, s7;
	[dreg:$0xd] =	wrdreg s22  }
0x14: {  	s26 =	sadd.s32 $0xB000, s7;
	s28 =	sadd.s32 $0x11000, s7;
	[dreg:$0xe] =	wrdreg s23  }
0x15: {  	s29 =	sadd.s32 $0x12000, s7;
	s30 =	sadd.s32 $0x13000, s7;
	[dreg:$0xf] =	wrdreg s24  }
0x16: {  	s13 =	simm.s32 $0x2;
	s4 =	simm.s32 $0x2700;
	[dreg:$0x10] =	wrdreg s26  }
0x17: {  	s21 =	sadd.s32 $0xC000, s7;
	s22 =	sadd.s32 $0xD000, s7;
	s23 =	sadd.s32 $0xE000, s7  }
0x18: {  	s24 =	sadd.s32 s0, s25;
	s25 =	sadd.s32 $0xF000, s7;
	s26 =	sadd.s32 $0x10000, s7  }
0x19: {  	v0 =	vimm.f32 $0.0e+00;
	s0 =	simm.s32 $0x1400;
	s14 =	simm.s32 $0x1380;
	s15 =	simm.s32 $0x2780  }
.LBB2_1:
0x1a: {  	s16 =	simm.s32 $0x0;
	s17 =	simm.s32 $0x200  }
.LBB2_2:
0x1b: {  	p0 =	sne.s32 s17, $0x3E00;
	[tilespmem:s16+$0xA870] =	vst v0  }
0x1c: {  	[tilespmem:s16+$0xA800] =	vst v0  }
0x1d: {  	[tilespmem:s16+$0xA810] =	vst v0  }
.Ltmp0:
0x1e: {  	[tilespmem:s16+$0xA820] =	vst v0;
	(pc) =	sbr.rel @p0 .LBB2_2-.Ltmp0, $4  }
0x1f: {  	[tilespmem:s16+$0xA830] =	vst v0  }
0x20: {  	[tilespmem:s16+$0xA840] =	vst v0  }
0x21: {  	[tilespmem:s16+$0xA850] =	vst v0  }
0x22: {  	[tilespmem:s16+$0xA860] =	vst v0;
	s16 =	sshra.s32 s17, $0x2;
	s17 =	sadd.s32 $0x200, s17  }
0x23: {  	[tilespmem:s16+$0xA870] =	vst v0  }
0x24: {  	[tilespmem:s16+$0xA800] =	vst v0  }
0x25: {  	[tilespmem:s16+$0xA810] =	vst v0  }
0x26: {  	[tilespmem:s16+$0xA820] =	vst v0  }
0x27: {  	[tilespmem:s16+$0xA830] =	vst v0  }
0x28: {  	[tilespmem:s16+$0xA840] =	vst v0  }
0x29: {  	[tilespmem:s16+$0xA850] =	vst v0  }
0x2a: {  	[tilespmem:s16+$0xA860] =	vst v0;
	s10 =	simm.s32 $0x0;
	s17 =	rddreg [dreg:$0x4]  }
0x2b: {  	[tilespmem:s10], [sflag:$0x3] =	stream.linear.gather [hbm4b:s17+s10], $0x1400, $0x38;
	[tilespmem:$0x1F800] =	vst v63  }
0x2c: {  	_ =	swait.ge [sflag:s31], $0x1400  }
0x2d: {  	[sflag:s31] =	ssyncset.done $0x0  }
0x2e: {  	[sflag:s31] =	ssyncadd.s32 $0xFFFFEC00  }
0x2f: {  	[tilespmem:s0], [sflag:$0x3] =	stream.linear.gather [hbm4b:s5+s10], $0x1400, $0x38;
	[tilespmem:$0x1F800] =	vst v63  }
0x30: {  	_ =	swait.ge [sflag:s31], $0x1400  }
0x31: {  	[sflag:s31] =	ssyncset.done $0x0  }
0x32: {  	[sflag:s31] =	ssyncadd.s32 $0xFFFFEC00  }
0x33: {  	[tilespmem:s8], [sflag:$0x1] =	stream.indirect.gather [hbm4b:s6+s1], $0x80, s10, s1, $0xb8;
	[tilespmem:$0x1F800] =	vst v63  }
0x34: {  	_ = 	snop  }
0x35: {  	[spmem:s7] =	stream.linear.scatter [tilespmem:s9], [sflag:$0x3], $0x1000, $0x38;
	[tilespmem:$0x1F800] =	vst v63  }
0x36: {  	_ =	swait.ge [sflag:s31], $0x1000  }
0x37: {  	[sflag:s31] =	ssyncset.done $0x0  }
0x38: {  	[sflag:s31] =	ssyncadd.s32 $0xFFFFF000  }
0x39: {  	[spmem:s18] =	stream.linear.scatter [tilespmem:s9], [sflag:$0x3], $0x1000, $0x38;
	[tilespmem:$0x1F800] =	vst v63  }
0x3a: {  	_ =	swait.ge [sflag:s31], $0x1000  }
0x3b: {  	[sflag:s31] =	ssyncset.done $0x0  }
0x3c: {  	s19 =	rddreg [dreg:$0x7];
	[sflag:s31] =	ssyncadd.s32 $0xFFFFF000  }
0x3d: {  	[spmem:s19] =	stream.linear.scatter [tilespmem:s9], [sflag:$0x3], $0x1000, $0x38;
	[tilespmem:$0x1F800] =	vst v63  }
0x3e: {  	_ =	swait.ge [sflag:s31], $0x1000  }
0x3f: {  	[sflag:s31] =	ssyncset.done $0x0  }
0x40: {  	s20 =	rddreg [dreg:$0x8];
	[sflag:s31] =	ssyncadd.s32 $0xFFFFF000  }
0x41: {  	[spmem:s20] =	stream.linear.scatter [tilespmem:s9], [sflag:$0x3], $0x1000, $0x38;
	[tilespmem:$0x1F800] =	vst v63  }
0x42: {  	_ =	swait.ge [sflag:s31], $0x1000  }
0x43: {  	[sflag:s31] =	ssyncset.done $0x0  }
0x44: {  	s16 =	rddreg [dreg:$0x9];
	[sflag:s31] =	ssyncadd.s32 $0xFFFFF000  }
0x45: {  	[spmem:s16] =	stream.linear.scatter [tilespmem:s9], [sflag:$0x3], $0x1000, $0x38;
	[tilespmem:$0x1F800] =	vst v63  }
0x46: {  	_ =	swait.ge [sflag:s31], $0x1000  }
0x47: {  	[sflag:s31] =	ssyncset.done $0x0  }
0x48: {  	s17 =	rddreg [dreg:$0xa];
	[sflag:s31] =	ssyncadd.s32 $0xFFFFF000  }
0x49: {  	[spmem:s17] =	stream.linear.scatter [tilespmem:s9], [sflag:$0x3], $0x1000, $0x38;
	[tilespmem:$0x1F800] =	vst v63  }
0x4a: {  	_ =	swait.ge [sflag:s31], $0x1000  }
0x4b: {  	[sflag:s31] =	ssyncset.done $0x0  }
0x4c: {  	s19 =	rddreg [dreg:$0xb];
	[sflag:s31] =	ssyncadd.s32 $0xFFFFF000  }
0x4d: {  	[spmem:s19] =	stream.linear.scatter [tilespmem:s9], [sflag:$0x3], $0x1000, $0x38;
	[tilespmem:$0x1F800] =	vst v63  }
0x4e: {  	_ =	swait.ge [sflag:s31], $0x1000  }
0x4f: {  	[sflag:s31] =	ssyncset.done $0x0  }
0x50: {  	s20 =	rddreg [dreg:$0xc];
	[sflag:s31] =	ssyncadd.s32 $0xFFFFF000  }
0x51: {  	[spmem:s20] =	stream.linear.scatter [tilespmem:s9], [sflag:$0x3], $0x1000, $0x38;
	[tilespmem:$0x1F800] =	vst v63  }
0x52: {  	_ =	swait.ge [sflag:s31], $0x1000  }
0x53: {  	[sflag:s31] =	ssyncset.done $0x0  }
0x54: {  	s16 =	rddreg [dreg:$0xd];
	[sflag:s31] =	ssyncadd.s32 $0xFFFFF000  }
0x55: {  	[spmem:s16] =	stream.linear.scatter [tilespmem:s9], [sflag:$0x3], $0x1000, $0x38;
	[tilespmem:$0x1F800] =	vst v63  }
0x56: {  	_ =	swait.ge [sflag:s31], $0x1000  }
0x57: {  	[sflag:s31] =	ssyncset.done $0x0  }
0x58: {  	s17 =	rddreg [dreg:$0xe];
	[sflag:s31] =	ssyncadd.s32 $0xFFFFF000  }
0x59: {  	[spmem:s17] =	stream.linear.scatter [tilespmem:s9], [sflag:$0x3], $0x1000, $0x38;
	[tilespmem:$0x1F800] =	vst v63  }
0x5a: {  	_ =	swait.ge [sflag:s31], $0x1000  }
0x5b: {  	[sflag:s31] =	ssyncset.done $0x0  }
0x5c: {  	s19 =	rddreg [dreg:$0xf];
	[sflag:s31] =	ssyncadd.s32 $0xFFFFF000  }
0x5d: {  	[spmem:s19] =	stream.linear.scatter [tilespmem:s9], [sflag:$0x3], $0x1000, $0x38;
	[tilespmem:$0x1F800] =	vst v63  }
0x5e: {  	_ =	swait.ge [sflag:s31], $0x1000  }
0x5f: {  	[sflag:s31] =	ssyncset.done $0x0  }
0x60: {  	s20 =	rddreg [dreg:$0x10];
	[sflag:s31] =	ssyncadd.s32 $0xFFFFF000  }
0x61: {  	[spmem:s20] =	stream.linear.scatter [tilespmem:s9], [sflag:$0x3], $0x1000, $0x38;
	[tilespmem:$0x1F800] =	vst v63  }
0x62: {  	_ =	swait.ge [sflag:s31], $0x1000  }
0x63: {  	[sflag:s31] =	ssyncset.done $0x0  }
0x64: {  	[sflag:s31] =	ssyncadd.s32 $0xFFFFF000  }
0x65: {  	[spmem:s21] =	stream.linear.scatter [tilespmem:s9], [sflag:$0x3], $0x1000, $0x38;
	[tilespmem:$0x1F800] =	vst v63  }
0x66: {  	_ =	swait.ge [sflag:s31], $0x1000  }
0x67: {  	[sflag:s31] =	ssyncset.done $0x0  }
0x68: {  	[sflag:s31] =	ssyncadd.s32 $0xFFFFF000  }
0x69: {  	[spmem:s22] =	stream.linear.scatter [tilespmem:s9], [sflag:$0x3], $0x1000, $0x38;
	[tilespmem:$0x1F800] =	vst v63  }
0x6a: {  	_ =	swait.ge [sflag:s31], $0x1000  }
0x6b: {  	[sflag:s31] =	ssyncset.done $0x0  }
0x6c: {  	[sflag:s31] =	ssyncadd.s32 $0xFFFFF000  }
0x6d: {  	[spmem:s23] =	stream.linear.scatter [tilespmem:s9], [sflag:$0x3], $0x1000, $0x38;
	[tilespmem:$0x1F800] =	vst v63  }
0x6e: {  	_ =	swait.ge [sflag:s31], $0x1000  }
0x6f: {  	[sflag:s31] =	ssyncset.done $0x0  }
0x70: {  	[sflag:s31] =	ssyncadd.s32 $0xFFFFF000  }
0x71: {  	[spmem:s25] =	stream.linear.scatter [tilespmem:s9], [sflag:$0x3], $0x1000, $0x38;
	[tilespmem:$0x1F800] =	vst v63  }
0x72: {  	_ =	swait.ge [sflag:s31], $0x1000  }
0x73: {  	[sflag:s31] =	ssyncset.done $0x0  }
0x74: {  	[sflag:s31] =	ssyncadd.s32 $0xFFFFF000  }
0x75: {  	[spmem:s26] =	stream.linear.scatter [tilespmem:s9], [sflag:$0x3], $0x1000, $0x38;
	[tilespmem:$0x1F800] =	vst v63  }
0x76: {  	_ =	swait.ge [sflag:s31], $0x1000  }
0x77: {  	[sflag:s31] =	ssyncset.done $0x0  }
0x78: {  	[sflag:s31] =	ssyncadd.s32 $0xFFFFF000  }
0x79: {  	[spmem:s28] =	stream.linear.scatter [tilespmem:s9], [sflag:$0x3], $0x1000, $0x38;
	[tilespmem:$0x1F800] =	vst v63  }
0x7a: {  	_ =	swait.ge [sflag:s31], $0x1000  }
0x7b: {  	[sflag:s31] =	ssyncset.done $0x0  }
0x7c: {  	[sflag:s31] =	ssyncadd.s32 $0xFFFFF000  }
0x7d: {  	[spmem:s29] =	stream.linear.scatter [tilespmem:s9], [sflag:$0x3], $0x1000, $0x38;
	[tilespmem:$0x1F800] =	vst v63  }
0x7e: {  	_ =	swait.ge [sflag:s31], $0x1000  }
0x7f: {  	[sflag:s31] =	ssyncset.done $0x0  }
0x80: {  	[sflag:s31] =	ssyncadd.s32 $0xFFFFF000  }
0x81: {  	[spmem:s30] =	stream.linear.scatter [tilespmem:s9], [sflag:$0x3], $0x1000, $0x38;
	[tilespmem:$0x1F800] =	vst v63  }
0x82: {  	_ =	swait.ge [sflag:s31], $0x1000  }
0x83: {  	[sflag:s31] =	ssyncset.done $0x0  }
0x84: {  	[sflag:s31] =	ssyncadd.s32 $0xFFFFF000  }
0x85: {  	s16 =	simm.s32 $0x80;
	[bflag:$0x0] =	sbarrier.arrive $0xFFFF  }
0x86: {  	[tilespmem:s11], [sflag:$0x2] =	stream.indirect.gather [hbm4b:s6+s1], $0x80, s16, s1, $0xb8;
	[tilespmem:$0x1F800] =	vst v63  }
0x87: {  	_ =	swait.ge [sflag:s12], $0x4000  }
0x88: {  	[sflag:s12] =	ssyncset.done $0x0  }
0x89: {  	s17 =	simm.s32 $0x1400;
	[sflag:s12] =	ssyncadd.s32 $0xFFFFC000  }
0x8a: {  	[spmem:s2] =	stream.indirect.scatter.add.f32 [tilespmem:s8], [sflag:$0x3], $0x80, s17, s1, $0xb8;
	[tilespmem:$0x1F800] =	vst v63  }
0x8b: {  	_ =	swait.ge [sflag:s31], $0x4000  }
0x8c: {  	[sflag:s31] =	ssyncset.done $0x0  }
0x8d: {  	s19 =	simm.s32 $0x100;
	[sflag:s31] =	ssyncadd.s32 $0xFFFFC000  }
0x8e: {  	[tilespmem:s8], [sflag:$0x1] =	stream.indirect.gather [hbm4b:s6+s1], $0x80, s19, s1, $0xb8;
	[tilespmem:$0x1F800] =	vst v63  }
0x8f: {  	_ =	swait.ge [sflag:s13], $0x4000  }
0x90: {  	[sflag:s13] =	ssyncset.done $0x0  }
0x91: {  	s20 =	simm.s32 $0x1480;
	[sflag:s13] =	ssyncadd.s32 $0xFFFFC000  }
0x92: {  	[spmem:s2] =	stream.indirect.scatter.add.f32 [tilespmem:s11], [sflag:$0x3], $0x80, s20, s1, $0xb8;
	[tilespmem:$0x1F800] =	vst v63  }
0x93: {  	_ =	swait.ge [sflag:s31], $0x4000  }
0x94: {  	s10 =	simm.s32 $0x800;
	s16 =	simm.s32 $0x100;
	[sflag:s31] =	ssyncset.done $0x0  }
.LBB2_4:
0x95: {  	s17 =	sadd.s32 $0x80, s16  }
0x96: {  	[sflag:s31] =	ssyncadd.s32 $0xFFFFC000;
	s19 =	smov.u32 s10;
	s20 =	sadd.s32 $0x400, s10  }
0x97: {  	[tilespmem:s11], [sflag:$0x2] =	stream.indirect.gather [hbm4b:s6+s1], $0x80, s17, s1, $0xb8;
	[tilespmem:$0x1F800] =	vst v63  }
0x98: {  	p0 =	sne.s32 s10, $0x4800;
	_ =	swait.ge [sflag:s12], $0x4000  }
0x99: {  	[sflag:s12] =	ssyncset.done $0x0  }
0x9a: {  	s10 =	sadd.s32 $0x1400, s16;
	[sflag:s12] =	ssyncadd.s32 $0xFFFFC000  }
0x9b: {  	[spmem:s2] =	stream.indirect.scatter.add.f32 [tilespmem:s8], [sflag:$0x3], $0x80, s10, s1, $0xb8;
	[tilespmem:$0x1F800] =	vst v63  }
0x9c: {  	_ =	swait.ge [sflag:s31], $0x4000  }
0x9d: {  	[sflag:s31] =	ssyncset.done $0x0  }
0x9e: {  	s10 =	sadd.s32 $0x100, s16;
	[sflag:s31] =	ssyncadd.s32 $0xFFFFC000  }
0x9f: {  	[tilespmem:s8], [sflag:$0x1] =	stream.indirect.gather [hbm4b:s6+s1], $0x80, s10, s1, $0xb8;
	[tilespmem:$0x1F800] =	vst v63  }
0xa0: {  	_ =	swait.ge [sflag:s13], $0x4000  }
.Ltmp1:
0xa1: {  	[sflag:s13] =	ssyncset.done $0x0;
	(pc) =	sbr.rel @p0 .LBB2_4-.Ltmp1, $4  }
0xa2: {  	s10 =	sadd.s32 $0x1480, s16;
	[sflag:s13] =	ssyncadd.s32 $0xFFFFC000  }
0xa3: {  	[spmem:s2] =	stream.indirect.scatter.add.f32 [tilespmem:s11], [sflag:$0x3], $0x80, s10, s1, $0xb8;
	[tilespmem:$0x1F800] =	vst v63  }
0xa4: {  	_ =	swait.ge [sflag:s31], $0x4000  }
0xa5: {  	s16 =	sshra.s32 s19, $0x2;
	s10 =	smov.u32 s20;
	[sflag:s31] =	ssyncset.done $0x0  }
0xa6: {  	s10 =	sadd.s32 $0x80, s16;
	[sflag:s31] =	ssyncadd.s32 $0xFFFFC000  }
0xa7: {  	[tilespmem:s11], [sflag:$0x2] =	stream.indirect.gather [hbm4b:s6+s1], $0x80, s10, s1, $0xb8;
	[tilespmem:$0x1F800] =	vst v63  }
0xa8: {  	_ =	swait.ge [sflag:s12], $0x4000  }
0xa9: {  	[sflag:s12] =	ssyncset.done $0x0  }
0xaa: {  	s19 =	sadd.s32 $0x1400, s16;
	[sflag:s12] =	ssyncadd.s32 $0xFFFFC000  }
0xab: {  	[spmem:s2] =	stream.indirect.scatter.add.f32 [tilespmem:s8], [sflag:$0x3], $0x80, s19, s1, $0xb8;
	[tilespmem:$0x1F800] =	vst v63  }
0xac: {  	_ =	swait.ge [sflag:s31], $0x4000  }
0xad: {  	[sflag:s31] =	ssyncset.done $0x0  }
0xae: {  	s20 =	sadd.s32 $0x100, s16;
	[sflag:s31] =	ssyncadd.s32 $0xFFFFC000  }
0xaf: {  	[tilespmem:s8], [sflag:$0x1] =	stream.indirect.gather [hbm4b:s6+s1], $0x80, s20, s1, $0xb8;
	[tilespmem:$0x1F800] =	vst v63  }
0xb0: {  	_ =	swait.ge [sflag:s13], $0x4000  }
0xb1: {  	[sflag:s13] =	ssyncset.done $0x0  }
0xb2: {  	s16 =	sadd.s32 $0x1480, s16;
	[sflag:s13] =	ssyncadd.s32 $0xFFFFC000  }
0xb3: {  	[spmem:s2] =	stream.indirect.scatter.add.f32 [tilespmem:s11], [sflag:$0x3], $0x80, s16, s1, $0xb8;
	[tilespmem:$0x1F800] =	vst v63  }
0xb4: {  	_ =	swait.ge [sflag:s31], $0x4000  }
0xb5: {  	[sflag:s31] =	ssyncset.done $0x0  }
0xb6: {  	[sflag:s31] =	ssyncadd.s32 $0xFFFFC000  }
0xb7: {  	[tilespmem:s11], [sflag:$0x2] =	stream.indirect.gather [hbm4b:s6+s1], $0x80, s14, s1, $0xb8;
	[tilespmem:$0x1F800] =	vst v63  }
0xb8: {  	_ =	swait.ge [sflag:s12], $0x4000  }
0xb9: {  	[sflag:s12] =	ssyncset.done $0x0  }
0xba: {  	[sflag:s12] =	ssyncadd.s32 $0xFFFFC000  }
0xbb: {  	[spmem:s2] =	stream.indirect.scatter.add.f32 [tilespmem:s8], [sflag:$0x3], $0x80, s4, s1, $0xb8;
	[tilespmem:$0x1F800] =	vst v63  }
0xbc: {  	_ =	swait.ge [sflag:s31], $0x4000  }
0xbd: {  	[sflag:s31] =	ssyncset.done $0x0  }
0xbe: {  	[sflag:s31] =	ssyncadd.s32 $0xFFFFC000  }
0xbf: {  	_ =	swait.ge [sflag:s13], $0x4000  }
0xc0: {  	[sflag:s13] =	ssyncset.done $0x0  }
0xc1: {  	[sflag:s13] =	ssyncadd.s32 $0xFFFFC000  }
0xc2: {  	[spmem:s2] =	stream.indirect.scatter.add.f32 [tilespmem:s11], [sflag:$0x3], $0x80, s15, s1, $0xb8;
	[tilespmem:$0x1F800] =	vst v63  }
0xc3: {  	_ =	swait.ge [sflag:s31], $0x4000  }
0xc4: {  	[sflag:s31] =	ssyncset.done $0x0  }
0xc5: {  	s17 =	simm.s32 $0x0;
	s19 =	rddreg [dreg:$0x5];
	[sflag:s31] =	ssyncadd.s32 $0xFFFFC000  }
0xc6: {  	[tilespmem:s17], [sflag:$0x3] =	stream.linear.gather [hbm4b:s19+s17], $0x1400, $0x38;
	[tilespmem:$0x1F800] =	vst v63  }
0xc7: {  	_ =	swait.ge [sflag:s31], $0x1400  }
0xc8: {  	[sflag:s31] =	ssyncset.done $0x0  }
0xc9: {  	s20 =	sadd.s32 $0x280, s5;
	[sflag:s31] =	ssyncadd.s32 $0xFFFFEC00  }
0xca: {  	[tilespmem:s0], [sflag:$0x3] =	stream.linear.gather [hbm4b:s20+s17], $0x1400, $0x38;
	[tilespmem:$0x1F800] =	vst v63  }
0xcb: {  	_ =	swait.ge [sflag:s31], $0x1400  }
0xcc: {  	[sflag:s31] =	ssyncset.done $0x0  }
0xcd: {  	[sflag:s31] =	ssyncadd.s32 $0xFFFFEC00  }
0xce: {  	[tilespmem:s8], [sflag:$0x1] =	stream.indirect.gather [hbm4b:s6+s1], $0x80, s17, s1, $0xb8;
	[tilespmem:$0x1F800] =	vst v63  }
0xcf: {  	s16 =	simm.s32 $0x80  }
0xd0: {  	[tilespmem:s11], [sflag:$0x2] =	stream.indirect.gather [hbm4b:s6+s1], $0x80, s16, s1, $0xb8;
	[tilespmem:$0x1F800] =	vst v63  }
0xd1: {  	_ =	swait.ge [sflag:s12], $0x4000  }
0xd2: {  	[sflag:s12] =	ssyncset.done $0x0  }
0xd3: {  	s17 =	simm.s32 $0x1400;
	[sflag:s12] =	ssyncadd.s32 $0xFFFFC000  }
0xd4: {  	[spmem:s2] =	stream.indirect.scatter.add.f32 [tilespmem:s8], [sflag:$0x3], $0x80, s17, s1, $0xb8;
	[tilespmem:$0x1F800] =	vst v63  }
0xd5: {  	_ =	swait.ge [sflag:s31], $0x4000  }
0xd6: {  	[sflag:s31] =	ssyncset.done $0x0  }
0xd7: {  	s19 =	simm.s32 $0x100;
	[sflag:s31] =	ssyncadd.s32 $0xFFFFC000  }
0xd8: {  	[tilespmem:s8], [sflag:$0x1] =	stream.indirect.gather [hbm4b:s6+s1], $0x80, s19, s1, $0xb8;
	[tilespmem:$0x1F800] =	vst v63  }
0xd9: {  	_ =	swait.ge [sflag:s13], $0x4000  }
0xda: {  	[sflag:s13] =	ssyncset.done $0x0  }
0xdb: {  	s20 =	simm.s32 $0x1480;
	[sflag:s13] =	ssyncadd.s32 $0xFFFFC000  }
0xdc: {  	[spmem:s2] =	stream.indirect.scatter.add.f32 [tilespmem:s11], [sflag:$0x3], $0x80, s20, s1, $0xb8;
	[tilespmem:$0x1F800] =	vst v63  }
0xdd: {  	_ =	swait.ge [sflag:s31], $0x4000  }
0xde: {  	s10 =	simm.s32 $0x800;
	s16 =	simm.s32 $0x100;
	[sflag:s31] =	ssyncset.done $0x0  }
.LBB2_6:
0xdf: {  	s17 =	sadd.s32 $0x80, s16  }
0xe0: {  	[sflag:s31] =	ssyncadd.s32 $0xFFFFC000;
	s19 =	smov.u32 s10;
	s20 =	sadd.s32 $0x400, s10  }
0xe1: {  	[tilespmem:s11], [sflag:$0x2] =	stream.indirect.gather [hbm4b:s6+s1], $0x80, s17, s1, $0xb8;
	[tilespmem:$0x1F800] =	vst v63  }
0xe2: {  	p0 =	sne.s32 s10, $0x4800;
	_ =	swait.ge [sflag:s12], $0x4000  }
0xe3: {  	[sflag:s12] =	ssyncset.done $0x0  }
0xe4: {  	s10 =	sadd.s32 $0x1400, s16;
	[sflag:s12] =	ssyncadd.s32 $0xFFFFC000  }
0xe5: {  	[spmem:s2] =	stream.indirect.scatter.add.f32 [tilespmem:s8], [sflag:$0x3], $0x80, s10, s1, $0xb8;
	[tilespmem:$0x1F800] =	vst v63  }
0xe6: {  	_ =	swait.ge [sflag:s31], $0x4000  }
0xe7: {  	[sflag:s31] =	ssyncset.done $0x0  }
0xe8: {  	s10 =	sadd.s32 $0x100, s16;
	[sflag:s31] =	ssyncadd.s32 $0xFFFFC000  }
0xe9: {  	[tilespmem:s8], [sflag:$0x1] =	stream.indirect.gather [hbm4b:s6+s1], $0x80, s10, s1, $0xb8;
	[tilespmem:$0x1F800] =	vst v63  }
0xea: {  	_ =	swait.ge [sflag:s13], $0x4000  }
.Ltmp2:
0xeb: {  	[sflag:s13] =	ssyncset.done $0x0;
	(pc) =	sbr.rel @p0 .LBB2_6-.Ltmp2, $4  }
0xec: {  	s10 =	sadd.s32 $0x1480, s16;
	[sflag:s13] =	ssyncadd.s32 $0xFFFFC000  }
0xed: {  	[spmem:s2] =	stream.indirect.scatter.add.f32 [tilespmem:s11], [sflag:$0x3], $0x80, s10, s1, $0xb8;
	[tilespmem:$0x1F800] =	vst v63  }
0xee: {  	_ =	swait.ge [sflag:s31], $0x4000  }
0xef: {  	s16 =	sshra.s32 s19, $0x2;
	s10 =	smov.u32 s20;
	[sflag:s31] =	ssyncset.done $0x0  }
0xf0: {  	s10 =	sadd.s32 $0x80, s16;
	[sflag:s31] =	ssyncadd.s32 $0xFFFFC000  }
0xf1: {  	[tilespmem:s11], [sflag:$0x2] =	stream.indirect.gather [hbm4b:s6+s1], $0x80, s10, s1, $0xb8;
	[tilespmem:$0x1F800] =	vst v63  }
0xf2: {  	_ =	swait.ge [sflag:s12], $0x4000  }
0xf3: {  	[sflag:s12] =	ssyncset.done $0x0  }
0xf4: {  	s19 =	sadd.s32 $0x1400, s16;
	[sflag:s12] =	ssyncadd.s32 $0xFFFFC000  }
0xf5: {  	[spmem:s2] =	stream.indirect.scatter.add.f32 [tilespmem:s8], [sflag:$0x3], $0x80, s19, s1, $0xb8;
	[tilespmem:$0x1F800] =	vst v63  }
0xf6: {  	_ =	swait.ge [sflag:s31], $0x4000  }
0xf7: {  	[sflag:s31] =	ssyncset.done $0x0  }
0xf8: {  	s20 =	sadd.s32 $0x100, s16;
	[sflag:s31] =	ssyncadd.s32 $0xFFFFC000  }
0xf9: {  	[tilespmem:s8], [sflag:$0x1] =	stream.indirect.gather [hbm4b:s6+s1], $0x80, s20, s1, $0xb8;
	[tilespmem:$0x1F800] =	vst v63  }
0xfa: {  	_ =	swait.ge [sflag:s13], $0x4000  }
0xfb: {  	[sflag:s13] =	ssyncset.done $0x0  }
0xfc: {  	s17 =	sadd.s32 $0x1480, s16;
	[sflag:s13] =	ssyncadd.s32 $0xFFFFC000  }
0xfd: {  	[spmem:s2] =	stream.indirect.scatter.add.f32 [tilespmem:s11], [sflag:$0x3], $0x80, s17, s1, $0xb8;
	[tilespmem:$0x1F800] =	vst v63  }
0xfe: {  	_ =	swait.ge [sflag:s31], $0x4000  }
0xff: {  	[sflag:s31] =	ssyncset.done $0x0  }
0x100: {  	[sflag:s31] =	ssyncadd.s32 $0xFFFFC000  }
0x101: {  	[tilespmem:s11], [sflag:$0x2] =	stream.indirect.gather [hbm4b:s6+s1], $0x80, s14, s1, $0xb8;
	[tilespmem:$0x1F800] =	vst v63  }
0x102: {  	_ =	swait.ge [sflag:s12], $0x4000  }
0x103: {  	[sflag:s12] =	ssyncset.done $0x0  }
0x104: {  	[sflag:s12] =	ssyncadd.s32 $0xFFFFC000  }
0x105: {  	[spmem:s2] =	stream.indirect.scatter.add.f32 [tilespmem:s8], [sflag:$0x3], $0x80, s4, s1, $0xb8;
	[tilespmem:$0x1F800] =	vst v63  }
0x106: {  	_ =	swait.ge [sflag:s31], $0x4000  }
0x107: {  	[sflag:s31] =	ssyncset.done $0x0  }
0x108: {  	[sflag:s31] =	ssyncadd.s32 $0xFFFFC000  }
0x109: {  	_ =	swait.ge [sflag:s13], $0x4000  }
0x10a: {  	[sflag:s13] =	ssyncset.done $0x0  }
0x10b: {  	[sflag:s13] =	ssyncadd.s32 $0xFFFFC000  }
0x10c: {  	[spmem:s2] =	stream.indirect.scatter.add.f32 [tilespmem:s11], [sflag:$0x3], $0x80, s15, s1, $0xb8;
	[tilespmem:$0x1F800] =	vst v63  }
0x10d: {  	s19 =	stileid.u32;
	_ =	swait.ge [sflag:s31], $0x4000  }
0x10e: {  	s10 =	sshll.u32 s19, $0x6;
	[sflag:s31] =	ssyncset.done $0x0  }
0x10f: {  	s16 =	sor.u32 $0x1C03, s10;
	[sflag:s31] =	ssyncadd.s32 $0xFFFFC000  }
0x110: {  	s20 =	sshrl.u32 s7, $0x3;
	s17 =	sadd.s32 $0x0, s24;
	[bflag:$0x0] =	sbarrier.arrive $0xFFFF  }
0x111: {  	[hbm:s17], [sflag:s16] =	dma.local [spmem:s20], $0x200  }
0x112: {  	s10 =	smov.u32 s18;
	s17 =	simm.s32 $0x200;
	_ =	swait.ge [sflag:s31], $0x200  }
.LBB2_8:
0x113: {  	s19 =	sadd.s32 s17, s24;
	[sflag:s31] =	ssyncset.done $0x0;
	p0 =	sne.s32 s17, $0x2600  }
.Ltmp3:
0x114: {  	s20 =	sshrl.u32 s10, $0x3;
	[sflag:s31] =	ssyncadd.s32 $0xFFFFFE00;
	(pc) =	sbr.rel @p0 .LBB2_8-.Ltmp3, $3  }
0x115: {  	[hbm:s19], [sflag:s16] =	dma.local [spmem:s20], $0x200  }
0x116: {  	s17 =	sadd.s32 $0x200, s17;
	_ =	sdelay $0x1  }
0x117: {  	s10 =	sadd.s32 $0x1000, s10;
	_ =	swait.ge [sflag:s31], $0x200  }
0x118: {  	s3 =	sadd.s32 $0x1, s3;
	s10 =	rddreg [dreg:$0x6]  }
0x119: {  	p0 =	sne.s32 s3, s10  }
.Ltmp4:
0x11a: {  	_ = 	snop;
	(pc) =	sbr.rel @p0 .LBB2_1-.Ltmp4, $3  }
0x11b: {  	_ =	sdelay $0x1  }
0x11c: {  	[sflag:s31] =	ssyncset.done $0x0  }
0x11d: {  	[sflag:s31] =	ssyncadd.s32 $0xFFFFFE00  }
0x11e: {  	_ =	sfence.sel $0x180000  }
0x11f: {  	[bflag:$0x0] =	sbarrier.arrive $0xFFFF  }
0x120: {  	_ =	strace $0x9000004D  }
0x121: {  	s0 =	stileid.u32;
	[bflag:$0x2] =	sbarrier.arrive $0xFFFF  }
0x122: {  	p0 =	sne.s32 s0, $0x0;
	s0 =	rddreg [dreg:$0x3]  }
0x123: {  	s0 =	sadd.s32 @!p0 $0x100000, s0  }
0x124: {  	[sflag:s0] =	ssyncadd.tile.s32 @!p0 $0x1;
	_ =	shalt  }
.Lfunc_end2:
_tile_overlayer_lowered:
.L_overlay_start_2:
0x125: {  	(tag) =	ssettag $0x2  }
0x126: {  	s0 =	rddreg [dreg:$0x0];
	s2 =	stileid.u32  }
0x127: {  	s1 =	rddreg [dreg:$0x1];
	p0 =	sne.s32 s2, $0x0  }
0x128: {  	s3 =	rddreg [dreg:$0x2];
	[bflag:$0x3] =	sbarrier.arrive $0xFFFF;
	s2 =	simm.s32 @!p0 $0x1C03  }
0x129: {  	[timem:s3], [sflag:s2] =	dma.local @!p0 [hbm:s0], s1  }
0x12a: {  	s0 =	simm.s32 @!p0 $0x3  }
0x12b: {  	_ =	swait.ge @!p0 [sflag:s0], s1  }
0x12c: {  	s1 =	ssub.s32 @!p0 $0x0, s1;
	[sflag:s0] =	ssyncset.done @!p0 $0x0  }
0x12d: {  	[sflag:s0] =	ssyncadd.s32 @!p0 s1  }
0x12e: {  	[bflag:$0x3] =	sbarrier.arrive $0xFFFF  }
0x12f: {  	_ =	shalt  }

// kernel: kernel.8.cloned.1.call-start
scs
__scs_entry_jumppad:
0x0: {  	(pc) =	sbr.rel $0x88, $3  }
0x1: {  	(tag) =	ssettag $0x0;
	lr =	simm.s32 $0x1  }
0x2: {  	[smem:$0x3F9B] =	sst lr;
	_ =	strace $0xD0000000  }
0x3: {  	_ = 	snop  }
0x4: {  	_ = 	snop  }
0x5: {  	_ = 	snop  }
0x6: {  	_ = 	snop  }
0x7: {  	_ = 	snop  }
__scs_overlays_trampoline_lowered:
0x8: {  	[smem:$0x3FAA] =	sst s0  }
0x9: {  	[smem:$0x3FAB] =	sst s1  }
0xa: {  	[smem:$0x3FAC] =	sst s2  }
0xb: {  	[smem:$0x3FAD] =	sst s3  }
0xc: {  	[smem:$0x3FAE] =	sst s4  }
0xd: {  	[smem:$0x3FAF] =	sst s5  }
0xe: {  	[smem:$0x3FB0] =	sst s6  }
0xf: {  	[smem:$0x3FB1] =	sst s7  }
0x10: {  	[smem:$0x3FB2] =	sst s8  }
0x11: {  	[smem:$0x3FB3] =	sst s9;
	s0 =	simm.s32 @!p0 $0x0  }
0x12: {  	s1 =	sld [smem:$0x3F99];
	s0 =	simm.s32 @p0 $0x1  }
0x13: {  	[smem:$0x3FB4] =	sst s0;
	s0 =	simm.s32 @!p1 $0x0  }
0x14: {  	s2 =	sld [smem:$0x3F98];
	s0 =	simm.s32 @p1 $0x1  }
0x15: {  	[smem:$0x3FB5] =	sst s0;
	s0 =	simm.s32 @!p2 $0x0  }
0x16: {  	s3 =	sld [smem:$0x3FDB];
	s0 =	simm.s32 @p2 $0x1  }
0x17: {  	s4 =	simm.s32 $0x1BF5;
	[smem:$0x3FB7] =	sst s0  }
0x18: {  	s0 =	sld [smem:$0x3F9A];
	_ =	swait.ge [sflag:s4], $0x0  }
0x19: {  	s7 =	sld [smem:$0x3F9B]  }
0x1a: {  	s8 =	sadd.s32 $0xFFFFE003, lr  }
0x1b: {  	s9 =	sadd.s32 $0xFFFFFEF7, lr;
	s5 =	simm.s32 $0xFFFFFFFF;
	p2 =	slt.u32 s8, $0xFFFFF086  }
0x1c: {  	p1 =	slt.u32 s9, $0xF7A;
	s5 =	simm.s32 @!p2 $0x0  }
0x1d: {  	s5 =	simm.s32 @p1 $0x1;
	p0 =	seq.s32 s7, s2  }
0x1e: {  	s7 =	smul.u32 @!p0 $0xF7A, s2;
	p2 =	seq.s32 @!p0 s5, $0x0  }
0x1f: {  	s9 =	smul.u32 $0xF7A, s1;
	s8 =	simm.s32 @!p0 $0x1BF5;
	p2 =	por !p2, p0  }
0x20: {  	[sflag:s8] =	ssyncset.s32 @!p0 $0xFFFFF086;
	s6 =	sadd.s32 @!p0 s3, s7;
	s7 =	simm.s32 @!p0 $0x108  }
0x21: {  	s3 =	sadd.s32 s3, s9;
	s6 =	sadd.s32 @!p0 $0x88, s6;
	s7 =	simm.s32 @p2 $0x1082  }
0x22: {  	[simem:s7], [sflag:s8] =	dma.local @!p0 [hbm:s6], $0xF7A  }
0x23: {  	s9 =	sor.u32 $0xD0000000, s2;
	s6 =	simm.s32 $0x108;
	_ =	swait.ge @!p0 [sflag:s8], $0x0  }
0x24: {  	s3 =	sadd.s32 $0x88, s3;
	s6 =	simm.s32 @!p1 $0x1082;
	[sflag:s4] =	ssyncset.s32 $0xFFFFF086  }
0x25: {  	[simem:s6], [sflag:s4] =	dma.local [hbm:s3], $0xF7A  }
0x26: {  	[smem:$0x3F9B] =	sst s1;
	(tag) =	ssettag s2;
	_ =	strace s9  }
0x27: {  	s1 =	sld [smem:$0x3FAB]  }
0x28: {  	s2 =	sld [smem:$0x3FAC]  }
0x29: {  	s4 =	sld [smem:$0x3FAE]  }
0x2a: {  	p0 =	seq.s32 s5, $0x0;
	s5 =	sld [smem:$0x3FAF]  }
0x2b: {  	s6 =	sld [smem:$0x3FB0]  }
0x2c: {  	s7 =	sld [smem:$0x3FB1]  }
0x2d: {  	s3 =	simm.s32 $0x108;
	s8 =	sld [smem:$0x3FB2]  }
0x2e: {  	s3 =	simm.s32 @!p0 $0x1082;
	s9 =	sld [smem:$0x3FB3]  }
0x2f: {  	lr =	sadd.s32 s0, s3;
	s0 =	sld [smem:$0x3FAA]  }
0x30: {  	s3 =	sld [smem:$0x3FAD]  }
0x31: {  	[smem:$0x3FB6] =	sst s10  }
0x32: {  	s10 =	sld [smem:$0x3FB4];
	_ =	sdelay $0x3  }
0x33: {  	p0 =	seq.s32 s10, $0x1;
	s10 =	sld [smem:$0x3FB6];
	_ =	sdelay $0x3  }
0x34: {  	[smem:$0x3FB6] =	sst s10  }
0x35: {  	s10 =	sld [smem:$0x3FB5];
	_ =	sdelay $0x3  }
0x36: {  	p1 =	seq.s32 s10, $0x1;
	s10 =	sld [smem:$0x3FB6];
	_ =	sdelay $0x3  }
0x37: {  	[smem:$0x3FB6] =	sst s10  }
0x38: {  	s10 =	sld [smem:$0x3FB7]  }
0x39: {  	_ = 	snop;
	(pc) =	sbr.ind lr, $3  }
0x3a: {  	_ = 	snop  }
0x3b: {  	_ = 	snop  }
0x3c: {  	p2 =	seq.s32 s10, $0x1;
	s10 =	sld [smem:$0x3FB6]  }
0x3d: {  	_ =	shalt  }
0x3e: {  	_ =	shalt  }
0x3f: {  	_ =	shalt  }
0x40: {  	_ =	shalt  }
0x41: {  	_ =	shalt  }
0x42: {  	_ =	shalt  }
0x43: {  	_ =	shalt  }
0x44: {  	_ =	shalt  }
0x45: {  	_ =	shalt  }
0x46: {  	_ =	shalt  }
0x47: {  	_ =	shalt  }
0x48: {  	_ =	shalt  }
0x49: {  	_ =	shalt  }
0x4a: {  	_ =	shalt  }
0x4b: {  	_ =	shalt  }
0x4c: {  	_ =	shalt  }
0x4d: {  	_ =	shalt  }
0x4e: {  	_ =	shalt  }
0x4f: {  	_ =	shalt  }
0x50: {  	_ =	shalt  }
0x51: {  	_ =	shalt  }
0x52: {  	_ =	shalt  }
0x53: {  	_ =	shalt  }
0x54: {  	_ =	shalt  }
0x55: {  	_ =	shalt  }
0x56: {  	_ =	shalt  }
0x57: {  	_ =	shalt  }
0x58: {  	_ =	shalt  }
0x59: {  	_ =	shalt  }
0x5a: {  	_ =	shalt  }
0x5b: {  	_ =	shalt  }
0x5c: {  	_ =	shalt  }
0x5d: {  	_ =	shalt  }
0x5e: {  	_ =	shalt  }
0x5f: {  	_ =	shalt  }
0x60: {  	_ =	shalt  }
0x61: {  	_ =	shalt  }
0x62: {  	_ =	shalt  }
0x63: {  	_ =	shalt  }
0x64: {  	_ =	shalt  }
0x65: {  	_ =	shalt  }
0x66: {  	_ =	shalt  }
0x67: {  	_ =	shalt  }
0x68: {  	_ =	shalt  }
0x69: {  	_ =	shalt  }
0x6a: {  	_ =	shalt  }
0x6b: {  	_ =	shalt  }
0x6c: {  	_ =	shalt  }
0x6d: {  	_ =	shalt  }
0x6e: {  	_ =	shalt  }
0x6f: {  	_ =	shalt  }
0x70: {  	_ =	shalt  }
0x71: {  	_ =	shalt  }
0x72: {  	_ =	shalt  }
0x73: {  	_ =	shalt  }
0x74: {  	_ =	shalt  }
0x75: {  	_ =	shalt  }
0x76: {  	_ =	shalt  }
0x77: {  	_ =	shalt  }
0x78: {  	_ =	shalt  }
0x79: {  	_ =	shalt  }
0x7a: {  	_ =	shalt  }
0x7b: {  	_ =	shalt  }
0x7c: {  	_ =	shalt  }
0x7d: {  	_ =	shalt  }
0x7e: {  	_ =	shalt  }
0x7f: {  	_ =	shalt  }
0x80: {  	_ =	shalt  }
0x81: {  	_ =	shalt  }
0x82: {  	_ =	shalt  }
0x83: {  	_ =	shalt  }
0x84: {  	_ =	shalt  }
0x85: {  	_ =	shalt  }
0x86: {  	_ =	shalt  }
0x87: {  	_ =	shalt  }
.Lfunc_end0:
.L_simem_size_0:
called_computation_lowered:
.L_overlay_start_0:
0x88: {  	s2 =	sld [smem:$0x3FD9]  }
0x89: {  	s3 =	sld [smem:$0x3FFE];
	_ =	sdelay $0x1  }
0x8a: {  	s1 =	srdreg.scid  }
0x8b: {  	s0 =	sand.u32 $0x1, s1  }
0x8c: {  	s16 =	sshll.u32 s0, $0xA;
	s2 =	sadd.s32 s3, s2  }
0x8d: {  	s2 =	sadd.s32 s2, s16  }
0x8e: {  	[smem:$0x3FC2] =	sst s2  }
0x8f: {  	_ = 	snop  }
0x90: {  	(tm) =	ssettm $0x1  }
0x91: {  	s17 =	sld [smem:$0x3FFB];
	_ =	sdelay $0x3  }
0x92: {  	_ =	strace s17  }
0x93: {  	s2 =	sld [smem:$0x3FFC];
	_ =	sdelay $0x3  }
0x94: {  	_ =	strace s2  }
0x95: {  	s2 =	sld [smem:$0x3FFD];
	_ =	sdelay $0x3  }
0x96: {  	_ =	strace s2  }
0x97: {  	_ =	strace $0x8FFFFFFF  }
0x98: {  	s18 =	sld [smem:$0x3FDB];
	_ =	sdelay $0x1  }
0x99: {  	s19 =	simm.s32 $_scs_section_size  }
0x9a: {  	s4 =	simm.s32 $_size__tile_overlayer_lowered;
	s5 =	simm.s32 $_tile_overlayer_lowered  }
0x9b: {  	s22 =	simm.s32 $0x1BFF;
	s21 =	sshll.u32 s5, $0x1;
	s2 =	sadd.s32 s19, s18  }
0x9c: {  	s6 =	simm.s32 $0x0;
	s20 =	sshll.u32 s4, $0x1;
	s4 =	sadd.s32 s21, s2  }
0x9d: {  	[timem:s6], [sflag:s22] =	dma.local [hbm:s4], s20  }
0x9e: {  	_ =	swait.ge [sflag:s22], s20  }
0x9f: {  	s3 =	ssub.s32 $0x0, s20;
	[sflag:s22] =	ssyncset.done $0x0  }
0xa0: {  	[sflag:s22] =	ssyncadd.s32 s3;
	_ =	sdelay $0x1  }
0xa1: {  	s23 =	simm.s32 $0x1B8B  }
0xa2: {  	_ =	swait.ge [sflag:s23], $0x1  }
0xa3: {  	[sflag:s23] =	ssyncset.done $0x0  }
0xa4: {  	s25 =	simm.s32 $0x1B8E;
	s24 =	sld [smem:$0x3FFE];
	[sflag:s23] =	ssyncadd.s32 $0xFFFFFFFF  }
0xa5: {  	s26 =	simm.s32 $execute0_lowered;
	[smem:$0x3FD2] =	sst s25  }
0xa6: {  	s4 =	sshll.u32 s26, $0x1;
	_ =	strace $0x80000046;
	[dreg:$0x1] =	wrdreg $0xFFFFFFFF  }
0xa7: {  	s28 =	simm.s32 $_size_execute0_lowered;
	s2 =	sadd.s32 s2, s4;
	[dreg:$0x0] =	wrdreg $0x0  }
0xa8: {  	s4 =	sshll.u32 s28, $0x1;
	[dreg:$0x2] =	wrdreg s2  }
0xa9: {  	[dreg:$0x3] =	wrdreg s4  }
0xaa: {  	[dreg:$0x4] =	wrdreg $0xC0  }
0xab: {  	_ =	task [dreg:s6], $0x5FFFF  }
0xac: {  	[dreg:$0x1] =	wrdreg $0xFFFFFFFF  }
0xad: {  	[dreg:$0x0] =	wrdreg $0x60  }
0xae: {  	[dreg:$0x2] =	wrdreg s24  }
0xaf: {  	[dreg:$0x3] =	wrdreg $0x41000  }
0xb0: {  	[dreg:$0x4] =	wrdreg $0x9  }
0xb1: {  	_ =	task.clear_ibuf [dreg:s6], $0x5FFFF;
	_ =	strace $0x90000046  }
0xb2: {  	s29 =	simm.s32 $0x9;
	_ =	strace $0x80000048  }
0xb3: {  	_ =	swait.ge [sflag:s29], $0x1  }
0xb4: {  	[sflag:s29] =	ssyncadd.s32 $0xFFFFFFFF  }
0xb5: {  	_ =	strace $0x90000048  }
0xb6: {  	_ =	sfence  }
0xb7: {  	s30 =	sld [smem:$0x0];
	_ =	sdelay $0x2  }
0xb8: {  	s31 =	sshll.u32 s1, $0xD;
	s1 =	sshrl.u32 s1, $0x2  }
0xb9: {  	s3 =	sand.u32 $0x4000, s31;
	s1 =	sadd.s32 s1, s30  }
0xba: {  	s0 =	sor.u32 s3, s0;
	s1 =	sshll.u32 s1, $0x11  }
0xbb: {  	s0 =	sor.u32 s1, s0  }
0xbc: {  	s0 =	sadd.s32 $0x8F2B, s0  }
0xbd: {  	[sflag:s0] =	ssyncadd.remote.s32 $0x1  }
0xbe: {  	_ =	sfence.sel $0xFFFF  }
0xbf: {  	[dreg:$0x0] =	wrdreg $0xFFFFFFFF;
	(pc) =	sbr.abs _section_cstart, $3  }
0xc0: {  	[dreg:$0x1] =	wrdreg $0xFFFFFFFF  }
0xc1: {  	_ =	task.clear_ibuf [dreg:s6], $0x2FFFF;
	_ =	strace $0x9FFFFFFF  }
0xc2: {  	(tm) =	ssettm $0x7FFFFFFF  }
0xc3: {  	_ =	shalt  }
tec
execute0_lowered:
.L_overlay_start_1:
0x0: {  	(tag) =	ssettag $0x1  }
0x1: {  	s0 =	rddreg [dreg:$0x0]  }
0x2: {  	s1 =	rddreg [dreg:$0x1]  }
0x3: {  	s2 =	srdreg.scid;
	s20 =	stileid.u32;
	s21 =	simm.s32 $0x0  }
0x4: {  	s28 =	simm.s32 $0x3C00;
	s29 =	simm.s32 $0x100;
	s30 =	simm.s32 $0x3E80  }
0x5: {  	s31 =	simm.s32 $0x0;
	s3 =	sand.u32 $0x1, s2;
	s19 =	sshrl.u32 s20, $0x2  }
0x6: {  	s4 =	sshll.u32 s20, $0x8;
	[smem:$0x7FF] =	sst s21;
	s8 =	smul.u32 $0x1400, s20  }
0x7: {  	s22 =	sshrl.u32 s20, $0x3;
	s7 =	sshll.u32 s20, $0x7;
	s26 =	smul.u32 $0xA0, s20  }
0x8: {  	s5 =	smul.u32 $0xA000, s19;
	s6 =	sshll.u32 s3, $0x7;
	s4 =	sand.u32 $0x300, s4  }
0x9: {  	_ =	strace $0x80000047;
	s23 =	sshll.u32 s3, $0x4;
	s3 =	ssub.s32 $0x2, s3  }
0xa: {  	s25 =	sand.u32 $0x380, s7;
	s4 =	sor.u32 s6, s4;
	s24 =	sshrl.u32 s3, $0x1  }
0xb: {  	s4 =	sor.u32 s5, s4;
	s5 =	smul.u32 $0x50000, s22;
	s21 =	ssub.s32 s3, s24  }
0xc: {  	s22 =	simm.s32 $0x80;
	s4 =	sshrl.u32 s4, $0x3;
	s21 =	smax.u32 s21, $0x1  }
0xd: {  	s4 =	sadd.s32 s4, s0;
	s0 =	sadd.s32 s23, s0;
	s5 =	sshrl.u32 s5, $0x2  }
0xe: {  	s23 =	simm.s32 $0x400;
	s5 =	sadd.s32 s5, s1;
	s3 =	sadd.s32 $0x6600, s4  }
0xf: {  	s0 =	sadd.s32 $0xB600, s0;
	s4 =	sadd.s32 s25, s5;
	s5 =	sadd.s32 s8, s1  }
0x10: {  	s24 =	sadd.s32 s26, s0;
	s25 =	simm.s32 $0x1;
	s26 =	simm.s32 $0x1400  }
0x11: {  	s6 =	sadd.s32 $0x80, s5;
	s7 =	sadd.s32 $0x100, s5;
	s8 =	sadd.s32 $0x180, s5  }
0x12: {  	s9 =	sadd.s32 $0x200, s5;
	s10 =	sadd.s32 $0x280, s5;
	s11 =	sadd.s32 $0x300, s5  }
0x13: {  	s12 =	sadd.s32 $0x380, s5;
	s13 =	sadd.s32 $0x14000, s5;
	s14 =	sadd.s32 $0x14080, s5  }
0x14: {  	s15 =	sadd.s32 $0x14100, s5;
	s16 =	sadd.s32 $0x14180, s5;
	s17 =	sadd.s32 $0x14200, s5  }
0x15: {  	v0 =	vimm.f32 $0.0e+00;
	v1 =	vimm.f32 $1.000000000e+00;
	s18 =	sadd.s32 $0x14280, s5;
	s19 =	sadd.s32 $0x14300, s5;
	s20 =	sadd.s32 $0x14380, s5  }
.LBB2_1:
0x16: {  	s0 =	simm.s32 $0x0  }
0x17: {  	[tilespmem:s0], [sflag:$0x1] =	stream.strided.gather [hbm4b:s3+s22], $0x1400, s23, s22, $0x38;
	[tilespmem:$0x6900] =	vst v63  }
0x18: {  	_ =	swait.ge [sflag:s25], $0x1400  }
0x19: {  	[sflag:s25] =	ssyncset.done $0x0  }
0x1a: {  	s0 =	simm.s32 $0x0;
	[sflag:s25] =	ssyncadd.s32 $0xFFFFEC00  }
.LBB2_2:
0x1b: {  	p0 =	sne.s32 s0, $0x9FC0  }
.Ltmp0:
0x1c: {  	_ = 	snop;
	(pc) =	sbr.rel @p0 .LBB2_2-.Ltmp0, $3  }
0x1d: {  	_ =	sdelay $0x1  }
0x1e: {  	s1 =	sshra.s32 s0, $0x2  }
0x1f: {  	s0 =	sadd.s32 $0x40, s0;
	[tilespmem:s1+$0x1400] =	vst v0  }
0x20: {  	s1 =	simm.s32 $0x0;
	s0 =	simm.s32 $0x40  }
.LBB2_4:
0x21: {  	p0 =	sne.s32 s0, $0x4FC0;
	v2 =	vld [tilespmem:s1+$0x0];
	_ =	sdelay $0x3  }
.Ltmp1:
0x22: {  	(pc) =	sbr.rel @p0 .LBB2_4-.Ltmp1, $2  }
0x23: {  	_ =	sdelay $0x2  }
0x24: {  	s1 =	sshra.s32 s0, $0x2;
	s0 =	sadd.s32 $0x40, s0;
	[tilespmem:v2+s26+$0x0] =	vst.idx.add.f32.msk $0xffff, v1  }
0x25: {  	v2 =	vld [tilespmem:s1+$0x0];
	_ =	sdelay $0x7  }
0x26: {  	[tilespmem:v2+s26+$0x0] =	vst.idx.add.f32.msk $0xffff, v1  }
0x27: {  	[spmem:s4] =	stream.strided.scatter [tilespmem:s26], [sflag:$0x1], $0x2800, s23, s22, $0x38;
	[tilespmem:$0x6900] =	vst v63  }
0x28: {  	_ =	swait.ge [sflag:s25], $0x2800  }
0x29: {  	[sflag:s25] =	ssyncset.done $0x0  }
0x2a: {  	[sflag:s25] =	ssyncadd.s32 $0xFFFFD800  }
0x2b: {  	[bflag:$0x0] =	sbarrier.arrive $0xFFFF  }
0x2c: {  	[tilespmem:$0x3E80] =	vst v0  }
0x2d: {  	[tilespmem:$0x3E90] =	vst v0  }
0x2e: {  	[tilespmem:$0x3EA0] =	vst v0  }
0x2f: {  	[tilespmem:$0x3EB0] =	vst v0  }
0x30: {  	[tilespmem:$0x3EC0] =	vst v0  }
0x31: {  	[tilespmem:$0x3ED0] =	vst v0  }
0x32: {  	[tilespmem:$0x3EE0] =	vst v0  }
0x33: {  	[tilespmem:$0x3EF0] =	vst v0  }
0x34: {  	[tilespmem:$0x3F00] =	vst v0  }
0x35: {  	[tilespmem:$0x3F10] =	vst v0  }
0x36: {  	[tilespmem:$0x3F20] =	vst v0  }
0x37: {  	[tilespmem:$0x3F30] =	vst v0  }
0x38: {  	[tilespmem:$0x3F40] =	vst v0  }
0x39: {  	[tilespmem:$0x3F50] =	vst v0  }
0x3a: {  	[tilespmem:$0x3F60] =	vst v0  }
0x3b: {  	[tilespmem:$0x3F70] =	vst v0  }
0x3c: {  	[tilespmem:$0x3F80] =	vst v0  }
0x3d: {  	[tilespmem:$0x3F90] =	vst v0  }
0x3e: {  	[tilespmem:$0x3FA0] =	vst v0  }
0x3f: {  	[tilespmem:$0x3FB0] =	vst v0  }
0x40: {  	[tilespmem:$0x3FC0] =	vst v0  }
0x41: {  	[tilespmem:$0x3FD0] =	vst v0  }
0x42: {  	[tilespmem:$0x3FE0] =	vst v0  }
0x43: {  	[tilespmem:$0x3FF0] =	vst v0  }
0x44: {  	[tilespmem:$0x4000] =	vst v0  }
0x45: {  	[tilespmem:$0x4010] =	vst v0  }
0x46: {  	[tilespmem:$0x4020] =	vst v0  }
0x47: {  	[tilespmem:$0x4030] =	vst v0  }
0x48: {  	[tilespmem:$0x4040] =	vst v0  }
0x49: {  	[tilespmem:$0x4050] =	vst v0  }
0x4a: {  	[tilespmem:$0x4060] =	vst v0  }
0x4b: {  	[tilespmem:$0x4070] =	vst v0  }
0x4c: {  	[tilespmem:$0x4080] =	vst v0  }
0x4d: {  	[tilespmem:$0x4090] =	vst v0  }
0x4e: {  	[tilespmem:$0x40A0] =	vst v0  }
0x4f: {  	[tilespmem:$0x40B0] =	vst v0  }
0x50: {  	[tilespmem:$0x40C0] =	vst v0  }
0x51: {  	[tilespmem:$0x40D0] =	vst v0  }
0x52: {  	[tilespmem:$0x40E0] =	vst v0  }
0x53: {  	[tilespmem:$0x40F0] =	vst v0  }
0x54: {  	[tilespmem:s28], [sflag:$0x1] =	stream.strided.gather [spmem:s5], $0x280, s23, s22, $0x38;
	[tilespmem:$0x6900] =	vst v63  }
0x55: {  	_ =	swait.ge [sflag:s25], $0x280  }
0x56: {  	[sflag:s25] =	ssyncset.done $0x0  }
0x57: {  	s1 =	simm.s32 $0x0;
	[sflag:s25] =	ssyncadd.s32 $0xFFFFFD80  }
0x58: {  	s0 =	simm.s32 $0x40;
	v2 =	vld [tilespmem:s1+$0x3C00]  }
.LBB2_6:
0x59: {  	p0 =	sne.s32 s0, $0x9C0;
	v3 =	vld [tilespmem:s1+$0x3E80];
	_ =	sdelay $0x2  }
.Ltmp2:
0x5a: {  	(pc) =	sbr.rel @p0 .LBB2_6-.Ltmp2, $4  }
0x5b: {  	_ = 	snop  }
0x5c: {  	v3 =	vadd.f32 v2, v3  }
0x5d: {  	s2 =	sshra.s32 s0, $0x2  }
0x5e: {  	s0 =	sadd.s32 $0x40, s0;
	v2 =	vld [tilespmem:s2+$0x3C00];
	[tilespmem:s1+$0x3E80] =	vst v3;
	s1 =	smov.u32 s2  }
0x5f: {  	v3 =	vld [tilespmem:s1+$0x3E80];
	_ =	sdelay $0x4  }
0x60: {  	v2 =	vadd.f32 v2, v3;
	_ =	sdelay $0x1  }
0x61: {  	[tilespmem:s1+$0x3E80] =	vst v2  }
0x62: {  	[tilespmem:s28], [sflag:$0x1] =	stream.strided.gather [spmem:s6], $0x280, s23, s22, $0x38;
	[tilespmem:$0x6900] =	vst v63  }
0x63: {  	_ =	swait.ge [sflag:s25], $0x280  }
0x64: {  	[sflag:s25] =	ssyncset.done $0x0  }
0x65: {  	s1 =	simm.s32 $0x0;
	[sflag:s25] =	ssyncadd.s32 $0xFFFFFD80  }
0x66: {  	s0 =	simm.s32 $0x40;
	v2 =	vld [tilespmem:s1+$0x3C00]  }
.LBB2_8:
0x67: {  	p0 =	sne.s32 s0, $0x9C0;
	v3 =	vld [tilespmem:s1+$0x3E80];
	_ =	sdelay $0x2  }
.Ltmp3:
0x68: {  	(pc) =	sbr.rel @p0 .LBB2_8-.Ltmp3, $4  }
0x69: {  	_ = 	snop  }
0x6a: {  	v3 =	vadd.f32 v2, v3  }
0x6b: {  	s2 =	sshra.s32 s0, $0x2  }
0x6c: {  	s0 =	sadd.s32 $0x40, s0;
	v2 =	vld [tilespmem:s2+$0x3C00];
	[tilespmem:s1+$0x3E80] =	vst v3;
	s1 =	smov.u32 s2  }
0x6d: {  	v3 =	vld [tilespmem:s1+$0x3E80];
	_ =	sdelay $0x4  }
0x6e: {  	v2 =	vadd.f32 v2, v3;
	_ =	sdelay $0x1  }
0x6f: {  	[tilespmem:s1+$0x3E80] =	vst v2  }
0x70: {  	[tilespmem:s28], [sflag:$0x1] =	stream.strided.gather [spmem:s7], $0x280, s23, s22, $0x38;
	[tilespmem:$0x6900] =	vst v63  }
0x71: {  	_ =	swait.ge [sflag:s25], $0x280  }
0x72: {  	[sflag:s25] =	ssyncset.done $0x0  }
0x73: {  	s1 =	simm.s32 $0x0;
	[sflag:s25] =	ssyncadd.s32 $0xFFFFFD80  }
0x74: {  	s0 =	simm.s32 $0x40;
	v2 =	vld [tilespmem:s1+$0x3C00]  }
.LBB2_10:
0x75: {  	p0 =	sne.s32 s0, $0x9C0;
	v3 =	vld [tilespmem:s1+$0x3E80];
	_ =	sdelay $0x2  }
.Ltmp4:
0x76: {  	(pc) =	sbr.rel @p0 .LBB2_10-.Ltmp4, $4  }
0x77: {  	_ = 	snop  }
0x78: {  	v3 =	vadd.f32 v2, v3  }
0x79: {  	s2 =	sshra.s32 s0, $0x2  }
0x7a: {  	s0 =	sadd.s32 $0x40, s0;
	v2 =	vld [tilespmem:s2+$0x3C00];
	[tilespmem:s1+$0x3E80] =	vst v3;
	s1 =	smov.u32 s2  }
0x7b: {  	v3 =	vld [tilespmem:s1+$0x3E80];
	_ =	sdelay $0x4  }
0x7c: {  	v2 =	vadd.f32 v2, v3;
	_ =	sdelay $0x1  }
0x7d: {  	[tilespmem:s1+$0x3E80] =	vst v2  }
0x7e: {  	[tilespmem:s28], [sflag:$0x1] =	stream.strided.gather [spmem:s8], $0x280, s23, s22, $0x38;
	[tilespmem:$0x6900] =	vst v63  }
0x7f: {  	_ =	swait.ge [sflag:s25], $0x280  }
0x80: {  	[sflag:s25] =	ssyncset.done $0x0  }
0x81: {  	s1 =	simm.s32 $0x0;
	[sflag:s25] =	ssyncadd.s32 $0xFFFFFD80  }
0x82: {  	s0 =	simm.s32 $0x40;
	v2 =	vld [tilespmem:s1+$0x3C00]  }
.LBB2_12:
0x83: {  	p0 =	sne.s32 s0, $0x9C0;
	v3 =	vld [tilespmem:s1+$0x3E80];
	_ =	sdelay $0x2  }
.Ltmp5:
0x84: {  	(pc) =	sbr.rel @p0 .LBB2_12-.Ltmp5, $4  }
0x85: {  	_ = 	snop  }
0x86: {  	v3 =	vadd.f32 v2, v3  }
0x87: {  	s2 =	sshra.s32 s0, $0x2  }
0x88: {  	s0 =	sadd.s32 $0x40, s0;
	v2 =	vld [tilespmem:s2+$0x3C00];
	[tilespmem:s1+$0x3E80] =	vst v3;
	s1 =	smov.u32 s2  }
0x89: {  	v3 =	vld [tilespmem:s1+$0x3E80];
	_ =	sdelay $0x4  }
0x8a: {  	v2 =	vadd.f32 v2, v3;
	_ =	sdelay $0x1  }
0x8b: {  	[tilespmem:s1+$0x3E80] =	vst v2  }
0x8c: {  	[tilespmem:s28], [sflag:$0x1] =	stream.strided.gather [spmem:s9], $0x280, s23, s22, $0x38;
	[tilespmem:$0x6900] =	vst v63  }
0x8d: {  	_ =	swait.ge [sflag:s25], $0x280  }
0x8e: {  	[sflag:s25] =	ssyncset.done $0x0  }
0x8f: {  	s1 =	simm.s32 $0x0;
	[sflag:s25] =	ssyncadd.s32 $0xFFFFFD80  }
0x90: {  	s0 =	simm.s32 $0x40;
	v2 =	vld [tilespmem:s1+$0x3C00]  }
.LBB2_14:
0x91: {  	p0 =	sne.s32 s0, $0x9C0;
	v3 =	vld [tilespmem:s1+$0x3E80];
	_ =	sdelay $0x2  }
.Ltmp6:
0x92: {  	(pc) =	sbr.rel @p0 .LBB2_14-.Ltmp6, $4  }
0x93: {  	_ = 	snop  }
0x94: {  	v3 =	vadd.f32 v2, v3  }
0x95: {  	s2 =	sshra.s32 s0, $0x2  }
0x96: {  	s0 =	sadd.s32 $0x40, s0;
	v2 =	vld [tilespmem:s2+$0x3C00];
	[tilespmem:s1+$0x3E80] =	vst v3;
	s1 =	smov.u32 s2  }
0x97: {  	v3 =	vld [tilespmem:s1+$0x3E80];
	_ =	sdelay $0x4  }
0x98: {  	v2 =	vadd.f32 v2, v3;
	_ =	sdelay $0x1  }
0x99: {  	[tilespmem:s1+$0x3E80] =	vst v2  }
0x9a: {  	[tilespmem:s28], [sflag:$0x1] =	stream.strided.gather [spmem:s10], $0x280, s23, s22, $0x38;
	[tilespmem:$0x6900] =	vst v63  }
0x9b: {  	_ =	swait.ge [sflag:s25], $0x280  }
0x9c: {  	[sflag:s25] =	ssyncset.done $0x0  }
0x9d: {  	s1 =	simm.s32 $0x0;
	[sflag:s25] =	ssyncadd.s32 $0xFFFFFD80  }
0x9e: {  	s0 =	simm.s32 $0x40;
	v2 =	vld [tilespmem:s1+$0x3C00]  }
.LBB2_16:
0x9f: {  	p0 =	sne.s32 s0, $0x9C0;
	v3 =	vld [tilespmem:s1+$0x3E80];
	_ =	sdelay $0x2  }
.Ltmp7:
0xa0: {  	(pc) =	sbr.rel @p0 .LBB2_16-.Ltmp7, $4  }
0xa1: {  	_ = 	snop  }
0xa2: {  	v3 =	vadd.f32 v2, v3  }
0xa3: {  	s2 =	sshra.s32 s0, $0x2  }
0xa4: {  	s0 =	sadd.s32 $0x40, s0;
	v2 =	vld [tilespmem:s2+$0x3C00];
	[tilespmem:s1+$0x3E80] =	vst v3;
	s1 =	smov.u32 s2  }
0xa5: {  	v3 =	vld [tilespmem:s1+$0x3E80];
	_ =	sdelay $0x4  }
0xa6: {  	v2 =	vadd.f32 v2, v3;
	_ =	sdelay $0x1  }
0xa7: {  	[tilespmem:s1+$0x3E80] =	vst v2  }
0xa8: {  	[tilespmem:s28], [sflag:$0x1] =	stream.strided.gather [spmem:s11], $0x280, s23, s22, $0x38;
	[tilespmem:$0x6900] =	vst v63  }
0xa9: {  	_ =	swait.ge [sflag:s25], $0x280  }
0xaa: {  	[sflag:s25] =	ssyncset.done $0x0  }
0xab: {  	s1 =	simm.s32 $0x0;
	[sflag:s25] =	ssyncadd.s32 $0xFFFFFD80  }
0xac: {  	s0 =	simm.s32 $0x40;
	v2 =	vld [tilespmem:s1+$0x3C00]  }
.LBB2_18:
0xad: {  	p0 =	sne.s32 s0, $0x9C0;
	v3 =	vld [tilespmem:s1+$0x3E80];
	_ =	sdelay $0x2  }
.Ltmp8:
0xae: {  	(pc) =	sbr.rel @p0 .LBB2_18-.Ltmp8, $4  }
0xaf: {  	_ = 	snop  }
0xb0: {  	v3 =	vadd.f32 v2, v3  }
0xb1: {  	s2 =	sshra.s32 s0, $0x2  }
0xb2: {  	s0 =	sadd.s32 $0x40, s0;
	v2 =	vld [tilespmem:s2+$0x3C00];
	[tilespmem:s1+$0x3E80] =	vst v3;
	s1 =	smov.u32 s2  }
0xb3: {  	v3 =	vld [tilespmem:s1+$0x3E80];
	_ =	sdelay $0x4  }
0xb4: {  	v2 =	vadd.f32 v2, v3;
	_ =	sdelay $0x1  }
0xb5: {  	[tilespmem:s1+$0x3E80] =	vst v2  }
0xb6: {  	[tilespmem:s28], [sflag:$0x1] =	stream.strided.gather [spmem:s12], $0x280, s23, s22, $0x38;
	[tilespmem:$0x6900] =	vst v63  }
0xb7: {  	_ =	swait.ge [sflag:s25], $0x280  }
0xb8: {  	[sflag:s25] =	ssyncset.done $0x0  }
0xb9: {  	s1 =	simm.s32 $0x0;
	[sflag:s25] =	ssyncadd.s32 $0xFFFFFD80  }
0xba: {  	s0 =	simm.s32 $0x40;
	v2 =	vld [tilespmem:s1+$0x3C00]  }
.LBB2_20:
0xbb: {  	p0 =	sne.s32 s0, $0x9C0;
	v3 =	vld [tilespmem:s1+$0x3E80];
	_ =	sdelay $0x2  }
.Ltmp9:
0xbc: {  	(pc) =	sbr.rel @p0 .LBB2_20-.Ltmp9, $4  }
0xbd: {  	_ = 	snop  }
0xbe: {  	v3 =	vadd.f32 v2, v3  }
0xbf: {  	s2 =	sshra.s32 s0, $0x2  }
0xc0: {  	s0 =	sadd.s32 $0x40, s0;
	v2 =	vld [tilespmem:s2+$0x3C00];
	[tilespmem:s1+$0x3E80] =	vst v3;
	s1 =	smov.u32 s2  }
0xc1: {  	v3 =	vld [tilespmem:s1+$0x3E80];
	_ =	sdelay $0x4  }
0xc2: {  	v2 =	vadd.f32 v2, v3;
	_ =	sdelay $0x1  }
0xc3: {  	[tilespmem:s1+$0x3E80] =	vst v2  }
0xc4: {  	[tilespmem:s28], [sflag:$0x1] =	stream.strided.gather [spmem:s13], $0x280, s23, s22, $0x38;
	[tilespmem:$0x6900] =	vst v63  }
0xc5: {  	_ =	swait.ge [sflag:s25], $0x280  }
0xc6: {  	[sflag:s25] =	ssyncset.done $0x0  }
0xc7: {  	s1 =	simm.s32 $0x0;
	[sflag:s25] =	ssyncadd.s32 $0xFFFFFD80  }
0xc8: {  	s0 =	simm.s32 $0x40;
	v2 =	vld [tilespmem:s1+$0x3C00]  }
.LBB2_22:
0xc9: {  	p0 =	sne.s32 s0, $0x9C0;
	v3 =	vld [tilespmem:s1+$0x3E80];
	_ =	sdelay $0x2  }
.Ltmp10:
0xca: {  	(pc) =	sbr.rel @p0 .LBB2_22-.Ltmp10, $4  }
0xcb: {  	_ = 	snop  }
0xcc: {  	v3 =	vadd.f32 v2, v3  }
0xcd: {  	s2 =	sshra.s32 s0, $0x2  }
0xce: {  	s0 =	sadd.s32 $0x40, s0;
	v2 =	vld [tilespmem:s2+$0x3C00];
	[tilespmem:s1+$0x3E80] =	vst v3;
	s1 =	smov.u32 s2  }
0xcf: {  	v3 =	vld [tilespmem:s1+$0x3E80];
	_ =	sdelay $0x4  }
0xd0: {  	v2 =	vadd.f32 v2, v3;
	_ =	sdelay $0x1  }
0xd1: {  	[tilespmem:s1+$0x3E80] =	vst v2  }
0xd2: {  	[tilespmem:s28], [sflag:$0x1] =	stream.strided.gather [spmem:s14], $0x280, s23, s22, $0x38;
	[tilespmem:$0x6900] =	vst v63  }
0xd3: {  	_ =	swait.ge [sflag:s25], $0x280  }
0xd4: {  	[sflag:s25] =	ssyncset.done $0x0  }
0xd5: {  	s1 =	simm.s32 $0x0;
	[sflag:s25] =	ssyncadd.s32 $0xFFFFFD80  }
0xd6: {  	s0 =	simm.s32 $0x40;
	v2 =	vld [tilespmem:s1+$0x3C00]  }
.LBB2_24:
0xd7: {  	p0 =	sne.s32 s0, $0x9C0;
	v3 =	vld [tilespmem:s1+$0x3E80];
	_ =	sdelay $0x2  }
.Ltmp11:
0xd8: {  	(pc) =	sbr.rel @p0 .LBB2_24-.Ltmp11, $4  }
0xd9: {  	_ = 	snop  }
0xda: {  	v3 =	vadd.f32 v2, v3  }
0xdb: {  	s2 =	sshra.s32 s0, $0x2  }
0xdc: {  	s0 =	sadd.s32 $0x40, s0;
	v2 =	vld [tilespmem:s2+$0x3C00];
	[tilespmem:s1+$0x3E80] =	vst v3;
	s1 =	smov.u32 s2  }
0xdd: {  	v3 =	vld [tilespmem:s1+$0x3E80];
	_ =	sdelay $0x4  }
0xde: {  	v2 =	vadd.f32 v2, v3;
	_ =	sdelay $0x1  }
0xdf: {  	[tilespmem:s1+$0x3E80] =	vst v2  }
0xe0: {  	[tilespmem:s28], [sflag:$0x1] =	stream.strided.gather [spmem:s15], $0x280, s23, s22, $0x38;
	[tilespmem:$0x6900] =	vst v63  }
0xe1: {  	_ =	swait.ge [sflag:s25], $0x280  }
0xe2: {  	[sflag:s25] =	ssyncset.done $0x0  }
0xe3: {  	s1 =	simm.s32 $0x0;
	[sflag:s25] =	ssyncadd.s32 $0xFFFFFD80  }
0xe4: {  	s0 =	simm.s32 $0x40;
	v2 =	vld [tilespmem:s1+$0x3C00]  }
.LBB2_26:
0xe5: {  	p0 =	sne.s32 s0, $0x9C0;
	v3 =	vld [tilespmem:s1+$0x3E80];
	_ =	sdelay $0x2  }
.Ltmp12:
0xe6: {  	(pc) =	sbr.rel @p0 .LBB2_26-.Ltmp12, $4  }
0xe7: {  	_ = 	snop  }
0xe8: {  	v3 =	vadd.f32 v2, v3  }
0xe9: {  	s2 =	sshra.s32 s0, $0x2  }
0xea: {  	s0 =	sadd.s32 $0x40, s0;
	v2 =	vld [tilespmem:s2+$0x3C00];
	[tilespmem:s1+$0x3E80] =	vst v3;
	s1 =	smov.u32 s2  }
0xeb: {  	v3 =	vld [tilespmem:s1+$0x3E80];
	_ =	sdelay $0x4  }
0xec: {  	v2 =	vadd.f32 v2, v3;
	_ =	sdelay $0x1  }
0xed: {  	[tilespmem:s1+$0x3E80] =	vst v2  }
0xee: {  	[tilespmem:s28], [sflag:$0x1] =	stream.strided.gather [spmem:s16], $0x280, s23, s22, $0x38;
	[tilespmem:$0x6900] =	vst v63  }
0xef: {  	_ =	swait.ge [sflag:s25], $0x280  }
0xf0: {  	[sflag:s25] =	ssyncset.done $0x0  }
0xf1: {  	s1 =	simm.s32 $0x0;
	[sflag:s25] =	ssyncadd.s32 $0xFFFFFD80  }
0xf2: {  	s0 =	simm.s32 $0x40;
	v2 =	vld [tilespmem:s1+$0x3C00]  }
.LBB2_28:
0xf3: {  	p0 =	sne.s32 s0, $0x9C0;
	v3 =	vld [tilespmem:s1+$0x3E80];
	_ =	sdelay $0x2  }
.Ltmp13:
0xf4: {  	(pc) =	sbr.rel @p0 .LBB2_28-.Ltmp13, $4  }
0xf5: {  	_ = 	snop  }
0xf6: {  	v3 =	vadd.f32 v2, v3  }
0xf7: {  	s2 =	sshra.s32 s0, $0x2  }
0xf8: {  	s0 =	sadd.s32 $0x40, s0;
	v2 =	vld [tilespmem:s2+$0x3C00];
	[tilespmem:s1+$0x3E80] =	vst v3;
	s1 =	smov.u32 s2  }
0xf9: {  	v3 =	vld [tilespmem:s1+$0x3E80];
	_ =	sdelay $0x4  }
0xfa: {  	v2 =	vadd.f32 v2, v3;
	_ =	sdelay $0x1  }
0xfb: {  	[tilespmem:s1+$0x3E80] =	vst v2  }
0xfc: {  	[tilespmem:s28], [sflag:$0x1] =	stream.strided.gather [spmem:s17], $0x280, s23, s22, $0x38;
	[tilespmem:$0x6900] =	vst v63  }
0xfd: {  	_ =	swait.ge [sflag:s25], $0x280  }
0xfe: {  	[sflag:s25] =	ssyncset.done $0x0  }
0xff: {  	s1 =	simm.s32 $0x0;
	[sflag:s25] =	ssyncadd.s32 $0xFFFFFD80  }
0x100: {  	s0 =	simm.s32 $0x40;
	v2 =	vld [tilespmem:s1+$0x3C00]  }
.LBB2_30:
0x101: {  	p0 =	sne.s32 s0, $0x9C0;
	v3 =	vld [tilespmem:s1+$0x3E80];
	_ =	sdelay $0x2  }
.Ltmp14:
0x102: {  	(pc) =	sbr.rel @p0 .LBB2_30-.Ltmp14, $4  }
0x103: {  	_ = 	snop  }
0x104: {  	v3 =	vadd.f32 v2, v3  }
0x105: {  	s2 =	sshra.s32 s0, $0x2  }
0x106: {  	s0 =	sadd.s32 $0x40, s0;
	v2 =	vld [tilespmem:s2+$0x3C00];
	[tilespmem:s1+$0x3E80] =	vst v3;
	s1 =	smov.u32 s2  }
0x107: {  	v3 =	vld [tilespmem:s1+$0x3E80];
	_ =	sdelay $0x4  }
0x108: {  	v2 =	vadd.f32 v2, v3;
	_ =	sdelay $0x1  }
0x109: {  	[tilespmem:s1+$0x3E80] =	vst v2  }
0x10a: {  	[tilespmem:s28], [sflag:$0x1] =	stream.strided.gather [spmem:s18], $0x280, s23, s22, $0x38;
	[tilespmem:$0x6900] =	vst v63  }
0x10b: {  	_ =	swait.ge [sflag:s25], $0x280  }
0x10c: {  	[sflag:s25] =	ssyncset.done $0x0  }
0x10d: {  	s1 =	simm.s32 $0x0;
	[sflag:s25] =	ssyncadd.s32 $0xFFFFFD80  }
0x10e: {  	s0 =	simm.s32 $0x40;
	v2 =	vld [tilespmem:s1+$0x3C00]  }
.LBB2_32:
0x10f: {  	p0 =	sne.s32 s0, $0x9C0;
	v3 =	vld [tilespmem:s1+$0x3E80];
	_ =	sdelay $0x2  }
.Ltmp15:
0x110: {  	(pc) =	sbr.rel @p0 .LBB2_32-.Ltmp15, $4  }
0x111: {  	_ = 	snop  }
0x112: {  	v3 =	vadd.f32 v2, v3  }
0x113: {  	s2 =	sshra.s32 s0, $0x2  }
0x114: {  	s0 =	sadd.s32 $0x40, s0;
	v2 =	vld [tilespmem:s2+$0x3C00];
	[tilespmem:s1+$0x3E80] =	vst v3;
	s1 =	smov.u32 s2  }
0x115: {  	v3 =	vld [tilespmem:s1+$0x3E80];
	_ =	sdelay $0x4  }
0x116: {  	v2 =	vadd.f32 v2, v3;
	_ =	sdelay $0x1  }
0x117: {  	[tilespmem:s1+$0x3E80] =	vst v2  }
0x118: {  	[tilespmem:s28], [sflag:$0x1] =	stream.strided.gather [spmem:s19], $0x280, s23, s22, $0x38;
	[tilespmem:$0x6900] =	vst v63  }
0x119: {  	_ =	swait.ge [sflag:s25], $0x280  }
0x11a: {  	[sflag:s25] =	ssyncset.done $0x0  }
0x11b: {  	s1 =	simm.s32 $0x0;
	[sflag:s25] =	ssyncadd.s32 $0xFFFFFD80  }
0x11c: {  	s0 =	simm.s32 $0x40;
	v2 =	vld [tilespmem:s1+$0x3C00]  }
.LBB2_34:
0x11d: {  	p0 =	sne.s32 s0, $0x9C0;
	v3 =	vld [tilespmem:s1+$0x3E80];
	_ =	sdelay $0x2  }
.Ltmp16:
0x11e: {  	(pc) =	sbr.rel @p0 .LBB2_34-.Ltmp16, $4  }
0x11f: {  	_ = 	snop  }
0x120: {  	v3 =	vadd.f32 v2, v3  }
0x121: {  	s2 =	sshra.s32 s0, $0x2  }
0x122: {  	s0 =	sadd.s32 $0x40, s0;
	v2 =	vld [tilespmem:s2+$0x3C00];
	[tilespmem:s1+$0x3E80] =	vst v3;
	s1 =	smov.u32 s2  }
0x123: {  	v3 =	vld [tilespmem:s1+$0x3E80];
	_ =	sdelay $0x4  }
0x124: {  	v2 =	vadd.f32 v2, v3;
	_ =	sdelay $0x1  }
0x125: {  	[tilespmem:s1+$0x3E80] =	vst v2  }
0x126: {  	[tilespmem:s28], [sflag:$0x1] =	stream.strided.gather [spmem:s20], $0x280, s23, s22, $0x38;
	[tilespmem:$0x6900] =	vst v63  }
0x127: {  	_ =	swait.ge [sflag:s25], $0x280  }
0x128: {  	[sflag:s25] =	ssyncset.done $0x0  }
0x129: {  	s1 =	simm.s32 $0x0;
	[sflag:s25] =	ssyncadd.s32 $0xFFFFFD80  }
0x12a: {  	s0 =	simm.s32 $0x40;
	v2 =	vld [tilespmem:s1+$0x3C00]  }
.LBB2_36:
0x12b: {  	p0 =	sne.s32 s0, $0x9C0;
	v3 =	vld [tilespmem:s1+$0x3E80];
	_ =	sdelay $0x2  }
.Ltmp17:
0x12c: {  	(pc) =	sbr.rel @p0 .LBB2_36-.Ltmp17, $4  }
0x12d: {  	_ = 	snop  }
0x12e: {  	v3 =	vadd.f32 v2, v3  }
0x12f: {  	s2 =	sshra.s32 s0, $0x2  }
0x130: {  	s0 =	sadd.s32 $0x40, s0;
	v2 =	vld [tilespmem:s2+$0x3C00];
	[tilespmem:s1+$0x3E80] =	vst v3;
	s1 =	smov.u32 s2  }
0x131: {  	v3 =	vld [tilespmem:s1+$0x3E80];
	_ =	sdelay $0x4  }
0x132: {  	s31 =	sadd.s32 $0x1, s31;
	v2 =	vadd.f32 v2, v3  }
0x133: {  	p0 =	sne.s32 s31, s21  }
.Ltmp18:
0x134: {  	[tilespmem:s1+$0x3E80] =	vst v2;
	(pc) =	sbr.rel @p0 .LBB2_1-.Ltmp18, $4  }
0x135: {  	[hbm4b:s24+s22] =	stream.strided.scatter [tilespmem:s30], [sflag:$0x1], $0x280, s29, s22, $0x38;
	[tilespmem:$0x6900] =	vst v63  }
0x136: {  	_ =	swait.ge [sflag:s25], $0x280  }
0x137: {  	[sflag:s25] =	ssyncset.done $0x0  }
0x138: {  	[sflag:s25] =	ssyncadd.s32 $0xFFFFFD80  }
0x139: {  	_ =	sfence.sel $0x180000  }
0x13a: {  	[bflag:$0x0] =	sbarrier.arrive $0xFFFF  }
0x13b: {  	_ =	strace $0x90000047  }
0x13c: {  	s0 =	stileid.u32;
	[bflag:$0x2] =	sbarrier.arrive $0xFFFF  }
0x13d: {  	p0 =	sne.s32 s0, $0x0;
	s0 =	rddreg [dreg:$0x2]  }
0x13e: {  	s0 =	sadd.s32 @!p0 $0x100000, s0  }
0x13f: {  	[sflag:s0] =	ssyncadd.tile.s32 @!p0 $0x1;
	_ =	shalt  }
.Lfunc_end2:
_tile_overlayer_lowered:
.L_overlay_start_2:
0x140: {  	(tag) =	ssettag $0x2  }
0x141: {  	s0 =	rddreg [dreg:$0x0];
	s2 =	stileid.u32  }
0x142: {  	s1 =	rddreg [dreg:$0x1];
	p0 =	sne.s32 s2, $0x0  }
0x143: {  	s3 =	rddreg [dreg:$0x2];
	[bflag:$0x3] =	sbarrier.arrive $0xFFFF;
	s2 =	simm.s32 @!p0 $0x1C01  }
0x144: {  	[timem:s3], [sflag:s2] =	dma.local @!p0 [hbm:s0], s1  }
0x145: {  	s0 =	simm.s32 @!p0 $0x1  }
0x146: {  	_ =	swait.ge @!p0 [sflag:s0], s1  }
0x147: {  	s1 =	ssub.s32 @!p0 $0x0, s1;
	[sflag:s0] =	ssyncset.done @!p0 $0x0  }
0x148: {  	[sflag:s0] =	ssyncadd.s32 @!p0 s1  }
0x149: {  	[bflag:$0x3] =	sbarrier.arrive $0xFFFF  }
0x14a: {  	_ =	shalt  }

</sc_bundles>
